<compile_context>
chip_gen: v7x
topology: tpu7x:2x2x1
jax: 0.10.2.dev20260603
libtpu: 0.0.44.dev20260713+nightly
codegen_flags: <defaults>
</compile_context>

<pallas_src>
import jax
import jax.numpy as jnp
from jax import lax
from jax.experimental import pallas as pl
from jax.experimental.pallas import tpu as pltpu
from jax.experimental.pallas import tpu_sc as plsc

NC = 2
NS = 16
NW = NC * NS
L = 16

B = 16384
HL = 50
D = 32
BPW = B // NW
NCH = D // L
LAG = 8


def _sc_body(x_hbm, table_hbm, out_hbm, idx_v, accg, acc, sidx, sem, shared):
    cid = lax.axis_index("c")
    sid = lax.axis_index("s")
    wid = sid * NC + cid
    base = wid * BPW

    pltpu.sync_copy(x_hbm.at[pl.ds(base, BPW)], idx_v)

    zero = jnp.zeros((L,), jnp.float32)
    for l in range(HL):
        for c in range(NCH):
            accg[l, pl.ds(c * L, L)] = zero
    for l in range(64):
        for c in range(NCH):
            acc[l, pl.ds(c * L, L)] = zero

    iota = lax.iota(jnp.int32, L)
    for c in range(4):
        v = iota + (c * L)
        sidx[pl.ds(c * L, L)] = jnp.where(v < HL, v, 0)

    @pl.when(sid == 0)
    def _():
        pltpu.sync_copy(acc.at[pl.ds(0, HL + 1)], shared)

    plsc.subcore_barrier()

    def step(i, _):
        pltpu.async_copy(table_hbm.at[idx_v.at[i]], accg, sem, add=True)

        @pl.when(i >= LAG)
        def _():
            pltpu.make_async_copy(table_hbm.at[idx_v.at[0]], accg, sem).wait()

        return 0

    lax.fori_loop(0, BPW, step, 0)
    for _ in range(LAG):
        pltpu.make_async_copy(table_hbm.at[idx_v.at[0]], accg, sem).wait()

    for l in range(HL):
        for c in range(NCH):
            sl = pl.ds(c * L, L)
            acc[l, sl] = accg[l, sl]

    pltpu.sync_copy(acc, shared.at[sidx], add=True)
    plsc.subcore_barrier()

    @pl.when(sid == 0)
    def _():
        pltpu.sync_copy(shared.at[pl.ds(0, HL)], accg)
        scale = jnp.full((L,), 1.0 / B, jnp.float32)
        for l in range(HL):
            for c in range(NCH):
                sl = pl.ds(c * L, L)
                accg[l, sl] = accg[l, sl] * scale
        pltpu.sync_copy(accg, out_hbm.at[cid])


@jax.jit
def kernel(x, table):
    mesh = plsc.VectorSubcoreMesh(core_axis_name="c", subcore_axis_name="s")
    partials = pl.kernel(
        _sc_body,
        out_type=jax.ShapeDtypeStruct((NC, HL, D), jnp.float32),
        mesh=mesh,
        compiler_params=pltpu.CompilerParams(use_tc_tiling_on_sc=False),
        scratch_types=[
            pltpu.VMEM((BPW, HL), jnp.int32),
            pltpu.VMEM((HL, D), jnp.float32),
            pltpu.VMEM((64, D), jnp.float32),
            pltpu.VMEM((64,), jnp.int32),
            pltpu.SemaphoreType.DMA,
            pltpu.VMEM_SHARED((HL + 1, D), jnp.float32),
        ],
    )(x, table)
    return partials[0] + partials[1]

# --- scband reference (transcript-rebuilt; emitter-appended) ---
"""Pipeline reference for scband-encoder-55980603736437 (READ-ONLY COPY).

The authoritative reference and input builder live on the scoring server;
editing this copy changes nothing except your own understanding.
"""

import jax, jax.numpy as jnp
import numpy as np

VOCAB_SIZE = 1000000
EMBEDDING_DIM = 32
BATCH = 16384
HIST_LEN = 50


def setup_inputs(seed: int = 0) -> dict:
    key = jax.random.key(seed)
    k_idx, k_tab = jax.random.split(key)
    x = jax.random.randint(k_idx, (BATCH, HIST_LEN), 0, VOCAB_SIZE, dtype=jnp.int64 if jax.config.jax_enable_x64 else jnp.int32)
    table = jax.random.normal(k_tab, (VOCAB_SIZE, EMBEDDING_DIM), dtype=jnp.float32)
    return {"x": x, "table": table}


def reference(x, table):
    # nn.Embedding lookup: gather rows from table
    emb = jnp.take(table, x, axis=0)          # [B, L, D]
    # x = x.mean(dim=0) -> mean over batch dim
    out = emb.mean(axis=0)                    # [L, D]
    return out

if __name__ == "__main__":
    import jax
    _d = setup_inputs()
    print(jax.jit(kernel)(*tuple(_d.values())))

</pallas_src>

<mosaic_0001>
#map = affine_map<(d0, d1) -> (0, 0)>
#map1 = affine_map<(d0, d1) -> (0, 0, 0)>
module attributes {stable_mosaic.version = 14 : i64} {
  func.func @_sc_body(%arg0: i32, %arg1: i32, %arg2: memref<16384x50xi32, #tpu.memory_space<hbm>>, %arg3: memref<1000000x32xf32, #tpu.memory_space<hbm>>, %arg4: memref<2x50x32xf32, #tpu.memory_space<hbm>>, %arg5: memref<512x50xi32, #tpu.memory_space<vmem>>, %arg6: memref<50x32xf32, #tpu.memory_space<vmem>>, %arg7: memref<64x32xf32, #tpu.memory_space<vmem>>, %arg8: memref<64xi32, #tpu.memory_space<vmem>>, %arg9: memref<!tpu.dma_semaphore, #tpu.memory_space<semaphore_mem>>, %arg10: memref<51x32xf32, #tpu.memory_space<vmem_shared>>) attributes {dimension_semantics = [#tpu.dimension_semantics<core_parallel>, #tpu.dimension_semantics<subcore_parallel>], iteration_bounds = array<i64: 2, 16>, scalar_prefetch = 0 : i64, scratch_operands = 6 : i64, tpu.core_type = #tpu.core_type<sc_vector_subcore>, window_params = [{transform_indices = #map}, {transform_indices = #map}, {transform_indices = #map1}]} {
    %mul3A = arith.constant 2 : i32
    %mul3A_0 = arith.muli %arg1, %mul3A : i32
    %add3A = arith.addi %mul3A_0, %arg0 : i32
    %mul3A_1 = arith.constant 512 : i32
    %mul3A_2 = arith.muli %add3A, %mul3A_1 : i32
    "tpu.region"() ({
      %run_scoped3A = tpu.sem_alloc : memref<!tpu.dma_semaphore, #tpu.memory_space<semaphore_mem>>
      %dma_start3A = arith.constant 0 : i32
      %dma_start3A_2588 = tpu.memref_slice %arg2[%mul3A_2, %dma_start3A] : memref<16384x50xi32, #tpu.memory_space<hbm>> -> memref<512x50xi32, #tpu.memory_space<hbm>>
      %dma_start3A_2589 = arith.constant 0 : i32
      %dma_start3A_2590 = tpu.memref_slice %arg2[%mul3A_2, %dma_start3A_2589] : memref<16384x50xi32, #tpu.memory_space<hbm>> -> memref<512x50xi32, #tpu.memory_space<hbm>>
      tpu.enqueue_dma source(%dma_start3A_2590 : memref<512x50xi32, #tpu.memory_space<hbm>>) target(%arg5 : memref<512x50xi32, #tpu.memory_space<vmem>>) target_semaphore(%run_scoped3A : memref<!tpu.dma_semaphore, #tpu.memory_space<semaphore_mem>>)
      %dma_wait3A_2591 = arith.constant 0 : i32
      %dma_wait3A_2592 = tpu.memref_slice %arg2[%mul3A_2, %dma_wait3A_2591] : memref<16384x50xi32, #tpu.memory_space<hbm>> -> memref<512x50xi32, #tpu.memory_space<hbm>>
      %dma_wait3A_2593 = arith.constant 0 : i32
      %dma_wait3A_2594 = tpu.memref_slice %arg2[%mul3A_2, %dma_wait3A_2593] : memref<16384x50xi32, #tpu.memory_space<hbm>> -> memref<512x50xi32, #tpu.memory_space<hbm>>
      tpu.wait_dma2 semaphore(%run_scoped3A : memref<!tpu.dma_semaphore, #tpu.memory_space<semaphore_mem>>) src(%dma_wait3A_2594 : memref<512x50xi32, #tpu.memory_space<hbm>>) dst(%arg5 : memref<512x50xi32, #tpu.memory_space<vmem>>)
      tpu.yield
    }) : () -> ()
    %broadcast_in_dim3A = arith.constant 0.000000e+00 : f32
    %broadcast_in_dim3A_3 = vector.broadcast %broadcast_in_dim3A : f32 to vector<16xf32>
    %swap3A = arith.constant 0 : i32
    %swap3A_4 = arith.index_cast %swap3A : i32 to index
    %swap3A_5 = arith.constant 0 : index
    %swap3A_6 = tpu.vector_load %arg6[%swap3A_4, %swap3A_5] {strides = array<i32>} : memref<50x32xf32, #tpu.memory_space<vmem>>, vector<1x16xf32>,
    %swap3A_7 = vector.shape_cast %swap3A_6 : vector<1x16xf32> to vector<16xf32>
    %swap3A_8 = vector.shape_cast %broadcast_in_dim3A_3 : vector<16xf32> to vector<1x16xf32>
    tpu.vector_store %arg6[%swap3A_4, %swap3A_5], %swap3A_8 {strides = array<i32>} : memref<50x32xf32, #tpu.memory_space<vmem>>, vector<1x16xf32>,
    %swap3A_9 = arith.constant 0 : i32
    %swap3A_10 = arith.index_cast %swap3A_9 : i32 to index
    %swap3A_11 = arith.constant 16 : index
    %swap3A_12 = tpu.vector_load %arg6[%swap3A_10, %swap3A_11] {strides = array<i32>} : memref<50x32xf32, #tpu.memory_space<vmem>>, vector<1x16xf32>,
    %swap3A_13 = vector.shape_cast %swap3A_12 : vector<1x16xf32> to vector<16xf32>
    %swap3A_14 = vector.shape_cast %broadcast_in_dim3A_3 : vector<16xf32> to vector<1x16xf32>
    tpu.vector_store %arg6[%swap3A_10, %swap3A_11], %swap3A_14 {strides = array<i32>} : memref<50x32xf32, #tpu.memory_space<vmem>>, vector<1x16xf32>,
    %swap3A_15 = arith.constant 1 : i32
    %swap3A_16 = arith.index_cast %swap3A_15 : i32 to index
    %swap3A_17 = arith.constant 0 : index
    %swap3A_18 = tpu.vector_load %arg6[%swap3A_16, %swap3A_17] {strides = array<i32>} : memref<50x32xf32, #tpu.memory_space<vmem>>, vector<1x16xf32>,
    %swap3A_19 = vector.shape_cast %swap3A_18 : vector<1x16xf32> to vector<16xf32>
    %swap3A_20 = vector.shape_cast %broadcast_in_dim3A_3 : vector<16xf32> to vector<1x16xf32>
    tpu.vector_store %arg6[%swap3A_16, %swap3A_17], %swap3A_20 {strides = array<i32>} : memref<50x32xf32, #tpu.memory_space<vmem>>, vector<1x16xf32>,
    %swap3A_21 = arith.constant 1 : i32
    %swap3A_22 = arith.index_cast %swap3A_21 : i32 to index
    %swap3A_23 = arith.constant 16 : index
    %swap3A_24 = tpu.vector_load %arg6[%swap3A_22, %swap3A_23] {strides = array<i32>} : memref<50x32xf32, #tpu.memory_space<vmem>>, vector<1x16xf32>,
    %swap3A_25 = vector.shape_cast %swap3A_24 : vector<1x16xf32> to vector<16xf32>
    %swap3A_26 = vector.shape_cast %broadcast_in_dim3A_3 : vector<16xf32> to vector<1x16xf32>
    tpu.vector_store %arg6[%swap3A_22, %swap3A_23], %swap3A_26 {strides = array<i32>} : memref<50x32xf32, #tpu.memory_space<vmem>>, vector<1x16xf32>,
    %swap3A_27 = arith.constant 2 : i32
    %swap3A_28 = arith.index_cast %swap3A_27 : i32 to index
    %swap3A_29 = arith.constant 0 : index
    %swap3A_30 = tpu.vector_load %arg6[%swap3A_28, %swap3A_29] {strides = array<i32>} : memref<50x32xf32, #tpu.memory_space<vmem>>, vector<1x16xf32>,
    %swap3A_31 = vector.shape_cast %swap3A_30 : vector<1x16xf32> to vector<16xf32>
    %swap3A_32 = vector.shape_cast %broadcast_in_dim3A_3 : vector<16xf32> to vector<1x16xf32>
    tpu.vector_store %arg6[%swap3A_28, %swap3A_29], %swap3A_32 {strides = array<i32>} : memref<50x32xf32, #tpu.memory_space<vmem>>, vector<1x16xf32>,
    %swap3A_33 = arith.constant 2 : i32
    %swap3A_34 = arith.index_cast %swap3A_33 : i32 to index
    %swap3A_35 = arith.constant 16 : index
    %swap3A_36 = tpu.vector_load %arg6[%swap3A_34, %swap3A_35] {strides = array<i32>} : memref<50x32xf32, #tpu.memory_space<vmem>>, vector<1x16xf32>,
    %swap3A_37 = vector.shape_cast %swap3A_36 : vector<1x16xf32> to vector<16xf32>
    %swap3A_38 = vector.shape_cast %broadcast_in_dim3A_3 : vector<16xf32> to vector<1x16xf32>
    tpu.vector_store %arg6[%swap3A_34, %swap3A_35], %swap3A_38 {strides = array<i32>} : memref<50x32xf32, #tpu.memory_space<vmem>>, vector<1x16xf32>,
    %swap3A_39 = arith.constant 3 : i32
    %swap3A_40 = arith.index_cast %swap3A_39 : i32 to index
    %swap3A_41 = arith.constant 0 : index
    %swap3A_42 = tpu.vector_load %arg6[%swap3A_40, %swap3A_41] {strides = array<i32>} : memref<50x32xf32, #tpu.memory_space<vmem>>, vector<1x16xf32>,
    %swap3A_43 = vector.shape_cast %swap3A_42 : vector<1x16xf32> to vector<16xf32>
    %swap3A_44 = vector.shape_cast %broadcast_in_dim3A_3 : vector<16xf32> to vector<1x16xf32>
    tpu.vector_store %arg6[%swap3A_40, %swap3A_41], %swap3A_44 {strides = array<i32>} : memref<50x32xf32, #tpu.memory_space<vmem>>, vector<1x16xf32>,
    %swap3A_45 = arith.constant 3 : i32
    %swap3A_46 = arith.index_cast %swap3A_45 : i32 to index
    %swap3A_47 = arith.constant 16 : index
    %swap3A_48 = tpu.vector_load %arg6[%swap3A_46, %swap3A_47] {strides = array<i32>} : memref<50x32xf32, #tpu.memory_space<vmem>>, vector<1x16xf32>,
    %swap3A_49 = vector.shape_cast %swap3A_48 : vector<1x16xf32> to vector<16xf32>
    %swap3A_50 = vector.shape_cast %broadcast_in_dim3A_3 : vector<16xf32> to vector<1x16xf32>
    tpu.vector_store %arg6[%swap3A_46, %swap3A_47], %swap3A_50 {strides = array<i32>} : memref<50x32xf32, #tpu.memory_space<vmem>>, vector<1x16xf32>,
    %swap3A_51 = arith.constant 4 : i32
    %swap3A_52 = arith.index_cast %swap3A_51 : i32 to index
    %swap3A_53 = arith.constant 0 : index
    %swap3A_54 = tpu.vector_load %arg6[%swap3A_52, %swap3A_53] {strides = array<i32>} : memref<50x32xf32, #tpu.memory_space<vmem>>, vector<1x16xf32>,
    %swap3A_55 = vector.shape_cast %swap3A_54 : vector<1x16xf32> to vector<16xf32>
    %swap3A_56 = vector.shape_cast %broadcast_in_dim3A_3 : vector<16xf32> to vector<1x16xf32>
    tpu.vector_store %arg6[%swap3A_52, %swap3A_53], %swap3A_56 {strides = array<i32>} : memref<50x32xf32, #tpu.memory_space<vmem>>, vector<1x16xf32>,
    %swap3A_57 = arith.constant 4 : i32
    %swap3A_58 = arith.index_cast %swap3A_57 : i32 to index
    %swap3A_59 = arith.constant 16 : index
    %swap3A_60 = tpu.vector_load %arg6[%swap3A_58, %swap3A_59] {strides = array<i32>} : memref<50x32xf32, #tpu.memory_space<vmem>>, vector<1x16xf32>,
    %swap3A_61 = vector.shape_cast %swap3A_60 : vector<1x16xf32> to vector<16xf32>
    %swap3A_62 = vector.shape_cast %broadcast_in_dim3A_3 : vector<16xf32> to vector<1x16xf32>
    tpu.vector_store %arg6[%swap3A_58, %swap3A_59], %swap3A_62 {strides = array<i32>} : memref<50x32xf32, #tpu.memory_space<vmem>>, vector<1x16xf32>,
    %swap3A_63 = arith.constant 5 : i32
    %swap3A_64 = arith.index_cast %swap3A_63 : i32 to index
    %swap3A_65 = arith.constant 0 : index
    %swap3A_66 = tpu.vector_load %arg6[%swap3A_64, %swap3A_65] {strides = array<i32>} : memref<50x32xf32, #tpu.memory_space<vmem>>, vector<1x16xf32>,
    %swap3A_67 = vector.shape_cast %swap3A_66 : vector<1x16xf32> to vector<16xf32>
    %swap3A_68 = vector.shape_cast %broadcast_in_dim3A_3 : vector<16xf32> to vector<1x16xf32>
    tpu.vector_store %arg6[%swap3A_64, %swap3A_65], %swap3A_68 {strides = array<i32>} : memref<50x32xf32, #tpu.memory_space<vmem>>, vector<1x16xf32>,
    %swap3A_69 = arith.constant 5 : i32
    %swap3A_70 = arith.index_cast %swap3A_69 : i32 to index
    %swap3A_71 = arith.constant 16 : index
    %swap3A_72 = tpu.vector_load %arg6[%swap3A_70, %swap3A_71] {strides = array<i32>} : memref<50x32xf32, #tpu.memory_space<vmem>>, vector<1x16xf32>,
    %swap3A_73 = vector.shape_cast %swap3A_72 : vector<1x16xf32> to vector<16xf32>
    %swap3A_74 = vector.shape_cast %broadcast_in_dim3A_3 : vector<16xf32> to vector<1x16xf32>
    tpu.vector_store %arg6[%swap3A_70, %swap3A_71], %swap3A_74 {strides = array<i32>} : memref<50x32xf32, #tpu.memory_space<vmem>>, vector<1x16xf32>,
    %swap3A_75 = arith.constant 6 : i32
    %swap3A_76 = arith.index_cast %swap3A_75 : i32 to index
    %swap3A_77 = arith.constant 0 : index
    %swap3A_78 = tpu.vector_load %arg6[%swap3A_76, %swap3A_77] {strides = array<i32>} : memref<50x32xf32, #tpu.memory_space<vmem>>, vector<1x16xf32>,
    %swap3A_79 = vector.shape_cast %swap3A_78 : vector<1x16xf32> to vector<16xf32>
    %swap3A_80 = vector.shape_cast %broadcast_in_dim3A_3 : vector<16xf32> to vector<1x16xf32>
    tpu.vector_store %arg6[%swap3A_76, %swap3A_77], %swap3A_80 {strides = array<i32>} : memref<50x32xf32, #tpu.memory_space<vmem>>, vector<1x16xf32>,
    %swap3A_81 = arith.constant 6 : i32
    %swap3A_82 = arith.index_cast %swap3A_81 : i32 to index
    %swap3A_83 = arith.constant 16 : index
    %swap3A_84 = tpu.vector_load %arg6[%swap3A_82, %swap3A_83] {strides = array<i32>} : memref<50x32xf32, #tpu.memory_space<vmem>>, vector<1x16xf32>,
    %swap3A_85 = vector.shape_cast %swap3A_84 : vector<1x16xf32> to vector<16xf32>
    %swap3A_86 = vector.shape_cast %broadcast_in_dim3A_3 : vector<16xf32> to vector<1x16xf32>
    tpu.vector_store %arg6[%swap3A_82, %swap3A_83], %swap3A_86 {strides = array<i32>} : memref<50x32xf32, #tpu.memory_space<vmem>>, vector<1x16xf32>,
    %swap3A_87 = arith.constant 7 : i32
    %swap3A_88 = arith.index_cast %swap3A_87 : i32 to index
    %swap3A_89 = arith.constant 0 : index
    %swap3A_90 = tpu.vector_load %arg6[%swap3A_88, %swap3A_89] {strides = array<i32>} : memref<50x32xf32, #tpu.memory_space<vmem>>, vector<1x16xf32>,
    %swap3A_91 = vector.shape_cast %swap3A_90 : vector<1x16xf32> to vector<16xf32>
    %swap3A_92 = vector.shape_cast %broadcast_in_dim3A_3 : vector<16xf32> to vector<1x16xf32>
    tpu.vector_store %arg6[%swap3A_88, %swap3A_89], %swap3A_92 {strides = array<i32>} : memref<50x32xf32, #tpu.memory_space<vmem>>, vector<1x16xf32>,
    %swap3A_93 = arith.constant 7 : i32
    %swap3A_94 = arith.index_cast %swap3A_93 : i32 to index
    %swap3A_95 = arith.constant 16 : index
    %swap3A_96 = tpu.vector_load %arg6[%swap3A_94, %swap3A_95] {strides = array<i32>} : memref<50x32xf32, #tpu.memory_space<vmem>>, vector<1x16xf32>,
    %swap3A_97 = vector.shape_cast %swap3A_96 : vector<1x16xf32> to vector<16xf32>
    %swap3A_98 = vector.shape_cast %broadcast_in_dim3A_3 : vector<16xf32> to vector<1x16xf32>
    tpu.vector_store %arg6[%swap3A_94, %swap3A_95], %swap3A_98 {strides = array<i32>} : memref<50x32xf32, #tpu.memory_space<vmem>>, vector<1x16xf32>,
    %swap3A_99 = arith.constant 8 : i32
    %swap3A_100 = arith.index_cast %swap3A_99 : i32 to index
    %swap3A_101 = arith.constant 0 : index
    %swap3A_102 = tpu.vector_load %arg6[%swap3A_100, %swap3A_101] {strides = array<i32>} : memref<50x32xf32, #tpu.memory_space<vmem>>, vector<1x16xf32>,
    %swap3A_103 = vector.shape_cast %swap3A_102 : vector<1x16xf32> to vector<16xf32>
    %swap3A_104 = vector.shape_cast %broadcast_in_dim3A_3 : vector<16xf32> to vector<1x16xf32>
    tpu.vector_store %arg6[%swap3A_100, %swap3A_101], %swap3A_104 {strides = array<i32>} : memref<50x32xf32, #tpu.memory_space<vmem>>, vector<1x16xf32>,
    %swap3A_105 = arith.constant 8 : i32
    %swap3A_106 = arith.index_cast %swap3A_105 : i32 to index
    %swap3A_107 = arith.constant 16 : index
    %swap3A_108 = tpu.vector_load %arg6[%swap3A_106, %swap3A_107] {strides = array<i32>} : memref<50x32xf32, #tpu.memory_space<vmem>>, vector<1x16xf32>,
    %swap3A_109 = vector.shape_cast %swap3A_108 : vector<1x16xf32> to vector<16xf32>
    %swap3A_110 = vector.shape_cast %broadcast_in_dim3A_3 : vector<16xf32> to vector<1x16xf32>
    tpu.vector_store %arg6[%swap3A_106, %swap3A_107], %swap3A_110 {strides = array<i32>} : memref<50x32xf32, #tpu.memory_space<vmem>>, vector<1x16xf32>,
    %swap3A_111 = arith.constant 9 : i32
    %swap3A_112 = arith.index_cast %swap3A_111 : i32 to index
    %swap3A_113 = arith.constant 0 : index
    %swap3A_114 = tpu.vector_load %arg6[%swap3A_112, %swap3A_113] {strides = array<i32>} : memref<50x32xf32, #tpu.memory_space<vmem>>, vector<1x16xf32>,
    %swap3A_115 = vector.shape_cast %swap3A_114 : vector<1x16xf32> to vector<16xf32>
    %swap3A_116 = vector.shape_cast %broadcast_in_dim3A_3 : vector<16xf32> to vector<1x16xf32>
    tpu.vector_store %arg6[%swap3A_112, %swap3A_113], %swap3A_116 {strides = array<i32>} : memref<50x32xf32, #tpu.memory_space<vmem>>, vector<1x16xf32>,
    %swap3A_117 = arith.constant 9 : i32
    %swap3A_118 = arith.index_cast %swap3A_117 : i32 to index
    %swap3A_119 = arith.constant 16 : index
    %swap3A_120 = tpu.vector_load %arg6[%swap3A_118, %swap3A_119] {strides = array<i32>} : memref<50x32xf32, #tpu.memory_space<vmem>>, vector<1x16xf32>,
    %swap3A_121 = vector.shape_cast %swap3A_120 : vector<1x16xf32> to vector<16xf32>
    %swap3A_122 = vector.shape_cast %broadcast_in_dim3A_3 : vector<16xf32> to vector<1x16xf32>
    tpu.vector_store %arg6[%swap3A_118, %swap3A_119], %swap3A_122 {strides = array<i32>} : memref<50x32xf32, #tpu.memory_space<vmem>>, vector<1x16xf32>,
    %swap3A_123 = arith.constant 10 : i32
    %swap3A_124 = arith.index_cast %swap3A_123 : i32 to index
    %swap3A_125 = arith.constant 0 : index
    %swap3A_126 = tpu.vector_load %arg6[%swap3A_124, %swap3A_125] {strides = array<i32>} : memref<50x32xf32, #tpu.memory_space<vmem>>, vector<1x16xf32>,
    %swap3A_127 = vector.shape_cast %swap3A_126 : vector<1x16xf32> to vector<16xf32>
    %swap3A_128 = vector.shape_cast %broadcast_in_dim3A_3 : vector<16xf32> to vector<1x16xf32>
    tpu.vector_store %arg6[%swap3A_124, %swap3A_125], %swap3A_128 {strides = array<i32>} : memref<50x32xf32, #tpu.memory_space<vmem>>, vector<1x16xf32>,
    %swap3A_129 = arith.constant 10 : i32
    %swap3A_130 = arith.index_cast %swap3A_129 : i32 to index
    %swap3A_131 = arith.constant 16 : index
    %swap3A_132 = tpu.vector_load %arg6[%swap3A_130, %swap3A_131] {strides = array<i32>} : memref<50x32xf32, #tpu.memory_space<vmem>>, vector<1x16xf32>,
    %swap3A_133 = vector.shape_cast %swap3A_132 : vector<1x16xf32> to vector<16xf32>
    %swap3A_134 = vector.shape_cast %broadcast_in_dim3A_3 : vector<16xf32> to vector<1x16xf32>
    tpu.vector_store %arg6[%swap3A_130, %swap3A_131], %swap3A_134 {strides = array<i32>} : memref<50x32xf32, #tpu.memory_space<vmem>>, vector<1x16xf32>,
    %swap3A_135 = arith.constant 11 : i32
    %swap3A_136 = arith.index_cast %swap3A_135 : i32 to index
    %swap3A_137 = arith.constant 0 : index
    %swap3A_138 = tpu.vector_load %arg6[%swap3A_136, %swap3A_137] {strides = array<i32>} : memref<50x32xf32, #tpu.memory_space<vmem>>, vector<1x16xf32>,
    %swap3A_139 = vector.shape_cast %swap3A_138 : vector<1x16xf32> to vector<16xf32>
    %swap3A_140 = vector.shape_cast %broadcast_in_dim3A_3 : vector<16xf32> to vector<1x16xf32>
    tpu.vector_store %arg6[%swap3A_136, %swap3A_137], %swap3A_140 {strides = array<i32>} : memref<50x32xf32, #tpu.memory_space<vmem>>, vector<1x16xf32>,
    %swap3A_141 = arith.constant 11 : i32
    %swap3A_142 = arith.index_cast %swap3A_141 : i32 to index
    %swap3A_143 = arith.constant 16 : index
    %swap3A_144 = tpu.vector_load %arg6[%swap3A_142, %swap3A_143] {strides = array<i32>} : memref<50x32xf32, #tpu.memory_space<vmem>>, vector<1x16xf32>,
    %swap3A_145 = vector.shape_cast %swap3A_144 : vector<1x16xf32> to vector<16xf32>
    %swap3A_146 = vector.shape_cast %broadcast_in_dim3A_3 : vector<16xf32> to vector<1x16xf32>
    tpu.vector_store %arg6[%swap3A_142, %swap3A_143], %swap3A_146 {strides = array<i32>} : memref<50x32xf32, #tpu.memory_space<vmem>>, vector<1x16xf32>,
    %swap3A_147 = arith.constant 12 : i32
    %swap3A_148 = arith.index_cast %swap3A_147 : i32 to index
    %swap3A_149 = arith.constant 0 : index
    %swap3A_150 = tpu.vector_load %arg6[%swap3A_148, %swap3A_149] {strides = array<i32>} : memref<50x32xf32, #tpu.memory_space<vmem>>, vector<1x16xf32>,
    %swap3A_151 = vector.shape_cast %swap3A_150 : vector<1x16xf32> to vector<16xf32>
    %swap3A_152 = vector.shape_cast %broadcast_in_dim3A_3 : vector<16xf32> to vector<1x16xf32>
    tpu.vector_store %arg6[%swap3A_148, %swap3A_149], %swap3A_152 {strides = array<i32>} : memref<50x32xf32, #tpu.memory_space<vmem>>, vector<1x16xf32>,
    %swap3A_153 = arith.constant 12 : i32
    %swap3A_154 = arith.index_cast %swap3A_153 : i32 to index
    %swap3A_155 = arith.constant 16 : index
    %swap3A_156 = tpu.vector_load %arg6[%swap3A_154, %swap3A_155] {strides = array<i32>} : memref<50x32xf32, #tpu.memory_space<vmem>>, vector<1x16xf32>,
    %swap3A_157 = vector.shape_cast %swap3A_156 : vector<1x16xf32> to vector<16xf32>
    %swap3A_158 = vector.shape_cast %broadcast_in_dim3A_3 : vector<16xf32> to vector<1x16xf32>
    tpu.vector_store %arg6[%swap3A_154, %swap3A_155], %swap3A_158 {strides = array<i32>} : memref<50x32xf32, #tpu.memory_space<vmem>>, vector<1x16xf32>,
    %swap3A_159 = arith.constant 13 : i32
    %swap3A_160 = arith.index_cast %swap3A_159 : i32 to index
    %swap3A_161 = arith.constant 0 : index
    %swap3A_162 = tpu.vector_load %arg6[%swap3A_160, %swap3A_161] {strides = array<i32>} : memref<50x32xf32, #tpu.memory_space<vmem>>, vector<1x16xf32>,
    %swap3A_163 = vector.shape_cast %swap3A_162 : vector<1x16xf32> to vector<16xf32>
    %swap3A_164 = vector.shape_cast %broadcast_in_dim3A_3 : vector<16xf32> to vector<1x16xf32>
    tpu.vector_store %arg6[%swap3A_160, %swap3A_161], %swap3A_164 {strides = array<i32>} : memref<50x32xf32, #tpu.memory_space<vmem>>, vector<1x16xf32>,
    %swap3A_165 = arith.constant 13 : i32
    %swap3A_166 = arith.index_cast %swap3A_165 : i32 to index
    %swap3A_167 = arith.constant 16 : index
    %swap3A_168 = tpu.vector_load %arg6[%swap3A_166, %swap3A_167] {strides = array<i32>} : memref<50x32xf32, #tpu.memory_space<vmem>>, vector<1x16xf32>,
    %swap3A_169 = vector.shape_cast %swap3A_168 : vector<1x16xf32> to vector<16xf32>
    %swap3A_170 = vector.shape_cast %broadcast_in_dim3A_3 : vector<16xf32> to vector<1x16xf32>
    tpu.vector_store %arg6[%swap3A_166, %swap3A_167], %swap3A_170 {strides = array<i32>} : memref<50x32xf32, #tpu.memory_space<vmem>>, vector<1x16xf32>,
    %swap3A_171 = arith.constant 14 : i32
    %swap3A_172 = arith.index_cast %swap3A_171 : i32 to index
    %swap3A_173 = arith.constant 0 : index
    %swap3A_174 = tpu.vector_load %arg6[%swap3A_172, %swap3A_173] {strides = array<i32>} : memref<50x32xf32, #tpu.memory_space<vmem>>, vector<1x16xf32>,
    %swap3A_175 = vector.shape_cast %swap3A_174 : vector<1x16xf32> to vector<16xf32>
    %swap3A_176 = vector.shape_cast %broadcast_in_dim3A_3 : vector<16xf32> to vector<1x16xf32>
    tpu.vector_store %arg6[%swap3A_172, %swap3A_173], %swap3A_176 {strides = array<i32>} : memref<50x32xf32, #tpu.memory_space<vmem>>, vector<1x16xf32>,
    %swap3A_177 = arith.constant 14 : i32
    %swap3A_178 = arith.index_cast %swap3A_177 : i32 to index
    %swap3A_179 = arith.constant 16 : index
    %swap3A_180 = tpu.vector_load %arg6[%swap3A_178, %swap3A_179] {strides = array<i32>} : memref<50x32xf32, #tpu.memory_space<vmem>>, vector<1x16xf32>,
    %swap3A_181 = vector.shape_cast %swap3A_180 : vector<1x16xf32> to vector<16xf32>
    %swap3A_182 = vector.shape_cast %broadcast_in_dim3A_3 : vector<16xf32> to vector<1x16xf32>
    tpu.vector_store %arg6[%swap3A_178, %swap3A_179], %swap3A_182 {strides = array<i32>} : memref<50x32xf32, #tpu.memory_space<vmem>>, vector<1x16xf32>,
    %swap3A_183 = arith.constant 15 : i32
    %swap3A_184 = arith.index_cast %swap3A_183 : i32 to index
    %swap3A_185 = arith.constant 0 : index
    %swap3A_186 = tpu.vector_load %arg6[%swap3A_184, %swap3A_185] {strides = array<i32>} : memref<50x32xf32, #tpu.memory_space<vmem>>, vector<1x16xf32>,
    %swap3A_187 = vector.shape_cast %swap3A_186 : vector<1x16xf32> to vector<16xf32>
    %swap3A_188 = vector.shape_cast %broadcast_in_dim3A_3 : vector<16xf32> to vector<1x16xf32>
    tpu.vector_store %arg6[%swap3A_184, %swap3A_185], %swap3A_188 {strides = array<i32>} : memref<50x32xf32, #tpu.memory_space<vmem>>, vector<1x16xf32>,
    %swap3A_189 = arith.constant 15 : i32
    %swap3A_190 = arith.index_cast %swap3A_189 : i32 to index
    %swap3A_191 = arith.constant 16 : index
    %swap3A_192 = tpu.vector_load %arg6[%swap3A_190, %swap3A_191] {strides = array<i32>} : memref<50x32xf32, #tpu.memory_space<vmem>>, vector<1x16xf32>,
    %swap3A_193 = vector.shape_cast %swap3A_192 : vector<1x16xf32> to vector<16xf32>
    %swap3A_194 = vector.shape_cast %broadcast_in_dim3A_3 : vector<16xf32> to vector<1x16xf32>
    tpu.vector_store %arg6[%swap3A_190, %swap3A_191], %swap3A_194 {strides = array<i32>} : memref<50x32xf32, #tpu.memory_space<vmem>>, vector<1x16xf32>,
    %swap3A_195 = arith.constant 16 : i32
    %swap3A_196 = arith.index_cast %swap3A_195 : i32 to index
    %swap3A_197 = arith.constant 0 : index
    %swap3A_198 = tpu.vector_load %arg6[%swap3A_196, %swap3A_197] {strides = array<i32>} : memref<50x32xf32, #tpu.memory_space<vmem>>, vector<1x16xf32>,
    %swap3A_199 = vector.shape_cast %swap3A_198 : vector<1x16xf32> to vector<16xf32>
    %swap3A_200 = vector.shape_cast %broadcast_in_dim3A_3 : vector<16xf32> to vector<1x16xf32>
    tpu.vector_store %arg6[%swap3A_196, %swap3A_197], %swap3A_200 {strides = array<i32>} : memref<50x32xf32, #tpu.memory_space<vmem>>, vector<1x16xf32>,
    %swap3A_201 = arith.constant 16 : i32
    %swap3A_202 = arith.index_cast %swap3A_201 : i32 to index
    %swap3A_203 = arith.constant 16 : index
    %swap3A_204 = tpu.vector_load %arg6[%swap3A_202, %swap3A_203] {strides = array<i32>} : memref<50x32xf32, #tpu.memory_space<vmem>>, vector<1x16xf32>,
    %swap3A_205 = vector.shape_cast %swap3A_204 : vector<1x16xf32> to vector<16xf32>
    %swap3A_206 = vector.shape_cast %broadcast_in_dim3A_3 : vector<16xf32> to vector<1x16xf32>
    tpu.vector_store %arg6[%swap3A_202, %swap3A_203], %swap3A_206 {strides = array<i32>} : memref<50x32xf32, #tpu.memory_space<vmem>>, vector<1x16xf32>,
    %swap3A_207 = arith.constant 17 : i32
    %swap3A_208 = arith.index_cast %swap3A_207 : i32 to index
    %swap3A_209 = arith.constant 0 : index
    %swap3A_210 = tpu.vector_load %arg6[%swap3A_208, %swap3A_209] {strides = array<i32>} : memref<50x32xf32, #tpu.memory_space<vmem>>, vector<1x16xf32>,
    %swap3A_211 = vector.shape_cast %swap3A_210 : vector<1x16xf32> to vector<16xf32>
    %swap3A_212 = vector.shape_cast %broadcast_in_dim3A_3 : vector<16xf32> to vector<1x16xf32>
    tpu.vector_store %arg6[%swap3A_208, %swap3A_209], %swap3A_212 {strides = array<i32>} : memref<50x32xf32, #tpu.memory_space<vmem>>, vector<1x16xf32>,
    %swap3A_213 = arith.constant 17 : i32
    %swap3A_214 = arith.index_cast %swap3A_213 : i32 to index
    %swap3A_215 = arith.constant 16 : index
    %swap3A_216 = tpu.vector_load %arg6[%swap3A_214, %swap3A_215] {strides = array<i32>} : memref<50x32xf32, #tpu.memory_space<vmem>>, vector<1x16xf32>,
    %swap3A_217 = vector.shape_cast %swap3A_216 : vector<1x16xf32> to vector<16xf32>
    %swap3A_218 = vector.shape_cast %broadcast_in_dim3A_3 : vector<16xf32> to vector<1x16xf32>
    tpu.vector_store %arg6[%swap3A_214, %swap3A_215], %swap3A_218 {strides = array<i32>} : memref<50x32xf32, #tpu.memory_space<vmem>>, vector<1x16xf32>,
    %swap3A_219 = arith.constant 18 : i32
    %swap3A_220 = arith.index_cast %swap3A_219 : i32 to index
    %swap3A_221 = arith.constant 0 : index
    %swap3A_222 = tpu.vector_load %arg6[%swap3A_220, %swap3A_221] {strides = array<i32>} : memref<50x32xf32, #tpu.memory_space<vmem>>, vector<1x16xf32>,
    %swap3A_223 = vector.shape_cast %swap3A_222 : vector<1x16xf32> to vector<16xf32>
    %swap3A_224 = vector.shape_cast %broadcast_in_dim3A_3 : vector<16xf32> to vector<1x16xf32>
    tpu.vector_store %arg6[%swap3A_220, %swap3A_221], %swap3A_224 {strides = array<i32>} : memref<50x32xf32, #tpu.memory_space<vmem>>, vector<1x16xf32>,
    %swap3A_225 = arith.constant 18 : i32
    %swap3A_226 = arith.index_cast %swap3A_225 : i32 to index
    %swap3A_227 = arith.constant 16 : index
    %swap3A_228 = tpu.vector_load %arg6[%swap3A_226, %swap3A_227] {strides = array<i32>} : memref<50x32xf32, #tpu.memory_space<vmem>>, vector<1x16xf32>,
    %swap3A_229 = vector.shape_cast %swap3A_228 : vector<1x16xf32> to vector<16xf32>
    %swap3A_230 = vector.shape_cast %broadcast_in_dim3A_3 : vector<16xf32> to vector<1x16xf32>
    tpu.vector_store %arg6[%swap3A_226, %swap3A_227], %swap3A_230 {strides = array<i32>} : memref<50x32xf32, #tpu.memory_space<vmem>>, vector<1x16xf32>,
    %swap3A_231 = arith.constant 19 : i32
    %swap3A_232 = arith.index_cast %swap3A_231 : i32 to index
    %swap3A_233 = arith.constant 0 : index
    %swap3A_234 = tpu.vector_load %arg6[%swap3A_232, %swap3A_233] {strides = array<i32>} : memref<50x32xf32, #tpu.memory_space<vmem>>, vector<1x16xf32>,
    %swap3A_235 = vector.shape_cast %swap3A_234 : vector<1x16xf32> to vector<16xf32>
    %swap3A_236 = vector.shape_cast %broadcast_in_dim3A_3 : vector<16xf32> to vector<1x16xf32>
    tpu.vector_store %arg6[%swap3A_232, %swap3A_233], %swap3A_236 {strides = array<i32>} : memref<50x32xf32, #tpu.memory_space<vmem>>, vector<1x16xf32>,
    %swap3A_237 = arith.constant 19 : i32
    %swap3A_238 = arith.index_cast %swap3A_237 : i32 to index
    %swap3A_239 = arith.constant 16 : index
    %swap3A_240 = tpu.vector_load %arg6[%swap3A_238, %swap3A_239] {strides = array<i32>} : memref<50x32xf32, #tpu.memory_space<vmem>>, vector<1x16xf32>,
    %swap3A_241 = vector.shape_cast %swap3A_240 : vector<1x16xf32> to vector<16xf32>
    %swap3A_242 = vector.shape_cast %broadcast_in_dim3A_3 : vector<16xf32> to vector<1x16xf32>
    tpu.vector_store %arg6[%swap3A_238, %swap3A_239], %swap3A_242 {strides = array<i32>} : memref<50x32xf32, #tpu.memory_space<vmem>>, vector<1x16xf32>,
    %swap3A_243 = arith.constant 20 : i32
    %swap3A_244 = arith.index_cast %swap3A_243 : i32 to index
    %swap3A_245 = arith.constant 0 : index
    %swap3A_246 = tpu.vector_load %arg6[%swap3A_244, %swap3A_245] {strides = array<i32>} : memref<50x32xf32, #tpu.memory_space<vmem>>, vector<1x16xf32>,
    %swap3A_247 = vector.shape_cast %swap3A_246 : vector<1x16xf32> to vector<16xf32>
    %swap3A_248 = vector.shape_cast %broadcast_in_dim3A_3 : vector<16xf32> to vector<1x16xf32>
    tpu.vector_store %arg6[%swap3A_244, %swap3A_245], %swap3A_248 {strides = array<i32>} : memref<50x32xf32, #tpu.memory_space<vmem>>, vector<1x16xf32>,
    %swap3A_249 = arith.constant 20 : i32
    %swap3A_250 = arith.index_cast %swap3A_249 : i32 to index
    %swap3A_251 = arith.constant 16 : index
    %swap3A_252 = tpu.vector_load %arg6[%swap3A_250, %swap3A_251] {strides = array<i32>} : memref<50x32xf32, #tpu.memory_space<vmem>>, vector<1x16xf32>,
    %swap3A_253 = vector.shape_cast %swap3A_252 : vector<1x16xf32> to vector<16xf32>
    %swap3A_254 = vector.shape_cast %broadcast_in_dim3A_3 : vector<16xf32> to vector<1x16xf32>
    tpu.vector_store %arg6[%swap3A_250, %swap3A_251], %swap3A_254 {strides = array<i32>} : memref<50x32xf32, #tpu.memory_space<vmem>>, vector<1x16xf32>,
    %swap3A_255 = arith.constant 21 : i32
    %swap3A_256 = arith.index_cast %swap3A_255 : i32 to index
    %swap3A_257 = arith.constant 0 : index
    %swap3A_258 = tpu.vector_load %arg6[%swap3A_256, %swap3A_257] {strides = array<i32>} : memref<50x32xf32, #tpu.memory_space<vmem>>, vector<1x16xf32>,
    %swap3A_259 = vector.shape_cast %swap3A_258 : vector<1x16xf32> to vector<16xf32>
    %swap3A_260 = vector.shape_cast %broadcast_in_dim3A_3 : vector<16xf32> to vector<1x16xf32>
    tpu.vector_store %arg6[%swap3A_256, %swap3A_257], %swap3A_260 {strides = array<i32>} : memref<50x32xf32, #tpu.memory_space<vmem>>, vector<1x16xf32>,
    %swap3A_261 = arith.constant 21 : i32
    %swap3A_262 = arith.index_cast %swap3A_261 : i32 to index
    %swap3A_263 = arith.constant 16 : index
    %swap3A_264 = tpu.vector_load %arg6[%swap3A_262, %swap3A_263] {strides = array<i32>} : memref<50x32xf32, #tpu.memory_space<vmem>>, vector<1x16xf32>,
    %swap3A_265 = vector.shape_cast %swap3A_264 : vector<1x16xf32> to vector<16xf32>
    %swap3A_266 = vector.shape_cast %broadcast_in_dim3A_3 : vector<16xf32> to vector<1x16xf32>
    tpu.vector_store %arg6[%swap3A_262, %swap3A_263], %swap3A_266 {strides = array<i32>} : memref<50x32xf32, #tpu.memory_space<vmem>>, vector<1x16xf32>,
    %swap3A_267 = arith.constant 22 : i32
    %swap3A_268 = arith.index_cast %swap3A_267 : i32 to index
    %swap3A_269 = arith.constant 0 : index
    %swap3A_270 = tpu.vector_load %arg6[%swap3A_268, %swap3A_269] {strides = array<i32>} : memref<50x32xf32, #tpu.memory_space<vmem>>, vector<1x16xf32>,
    %swap3A_271 = vector.shape_cast %swap3A_270 : vector<1x16xf32> to vector<16xf32>
    %swap3A_272 = vector.shape_cast %broadcast_in_dim3A_3 : vector<16xf32> to vector<1x16xf32>
    tpu.vector_store %arg6[%swap3A_268, %swap3A_269], %swap3A_272 {strides = array<i32>} : memref<50x32xf32, #tpu.memory_space<vmem>>, vector<1x16xf32>,
    %swap3A_273 = arith.constant 22 : i32
    %swap3A_274 = arith.index_cast %swap3A_273 : i32 to index
    %swap3A_275 = arith.constant 16 : index
    %swap3A_276 = tpu.vector_load %arg6[%swap3A_274, %swap3A_275] {strides = array<i32>} : memref<50x32xf32, #tpu.memory_space<vmem>>, vector<1x16xf32>,
    %swap3A_277 = vector.shape_cast %swap3A_276 : vector<1x16xf32> to vector<16xf32>
    %swap3A_278 = vector.shape_cast %broadcast_in_dim3A_3 : vector<16xf32> to vector<1x16xf32>
    tpu.vector_store %arg6[%swap3A_274, %swap3A_275], %swap3A_278 {strides = array<i32>} : memref<50x32xf32, #tpu.memory_space<vmem>>, vector<1x16xf32>,
    %swap3A_279 = arith.constant 23 : i32
    %swap3A_280 = arith.index_cast %swap3A_279 : i32 to index
    %swap3A_281 = arith.constant 0 : index
    %swap3A_282 = tpu.vector_load %arg6[%swap3A_280, %swap3A_281] {strides = array<i32>} : memref<50x32xf32, #tpu.memory_space<vmem>>, vector<1x16xf32>,
    %swap3A_283 = vector.shape_cast %swap3A_282 : vector<1x16xf32> to vector<16xf32>
    %swap3A_284 = vector.shape_cast %broadcast_in_dim3A_3 : vector<16xf32> to vector<1x16xf32>
    tpu.vector_store %arg6[%swap3A_280, %swap3A_281], %swap3A_284 {strides = array<i32>} : memref<50x32xf32, #tpu.memory_space<vmem>>, vector<1x16xf32>,
    %swap3A_285 = arith.constant 23 : i32
    %swap3A_286 = arith.index_cast %swap3A_285 : i32 to index
    %swap3A_287 = arith.constant 16 : index
    %swap3A_288 = tpu.vector_load %arg6[%swap3A_286, %swap3A_287] {strides = array<i32>} : memref<50x32xf32, #tpu.memory_space<vmem>>, vector<1x16xf32>,
    %swap3A_289 = vector.shape_cast %swap3A_288 : vector<1x16xf32> to vector<16xf32>
    %swap3A_290 = vector.shape_cast %broadcast_in_dim3A_3 : vector<16xf32> to vector<1x16xf32>
    tpu.vector_store %arg6[%swap3A_286, %swap3A_287], %swap3A_290 {strides = array<i32>} : memref<50x32xf32, #tpu.memory_space<vmem>>, vector<1x16xf32>,
    %swap3A_291 = arith.constant 24 : i32
    %swap3A_292 = arith.index_cast %swap3A_291 : i32 to index
    %swap3A_293 = arith.constant 0 : index
    %swap3A_294 = tpu.vector_load %arg6[%swap3A_292, %swap3A_293] {strides = array<i32>} : memref<50x32xf32, #tpu.memory_space<vmem>>, vector<1x16xf32>,
    %swap3A_295 = vector.shape_cast %swap3A_294 : vector<1x16xf32> to vector<16xf32>
    %swap3A_296 = vector.shape_cast %broadcast_in_dim3A_3 : vector<16xf32> to vector<1x16xf32>
    tpu.vector_store %arg6[%swap3A_292, %swap3A_293], %swap3A_296 {strides = array<i32>} : memref<50x32xf32, #tpu.memory_space<vmem>>, vector<1x16xf32>,
    %swap3A_297 = arith.constant 24 : i32
    %swap3A_298 = arith.index_cast %swap3A_297 : i32 to index
    %swap3A_299 = arith.constant 16 : index
    %swap3A_300 = tpu.vector_load %arg6[%swap3A_298, %swap3A_299] {strides = array<i32>} : memref<50x32xf32, #tpu.memory_space<vmem>>, vector<1x16xf32>,
    %swap3A_301 = vector.shape_cast %swap3A_300 : vector<1x16xf32> to vector<16xf32>
    %swap3A_302 = vector.shape_cast %broadcast_in_dim3A_3 : vector<16xf32> to vector<1x16xf32>
    tpu.vector_store %arg6[%swap3A_298, %swap3A_299], %swap3A_302 {strides = array<i32>} : memref<50x32xf32, #tpu.memory_space<vmem>>, vector<1x16xf32>,
    %swap3A_303 = arith.constant 25 : i32
    %swap3A_304 = arith.index_cast %swap3A_303 : i32 to index
    %swap3A_305 = arith.constant 0 : index
    %swap3A_306 = tpu.vector_load %arg6[%swap3A_304, %swap3A_305] {strides = array<i32>} : memref<50x32xf32, #tpu.memory_space<vmem>>, vector<1x16xf32>,
    %swap3A_307 = vector.shape_cast %swap3A_306 : vector<1x16xf32> to vector<16xf32>
    %swap3A_308 = vector.shape_cast %broadcast_in_dim3A_3 : vector<16xf32> to vector<1x16xf32>
    tpu.vector_store %arg6[%swap3A_304, %swap3A_305], %swap3A_308 {strides = array<i32>} : memref<50x32xf32, #tpu.memory_space<vmem>>, vector<1x16xf32>,
    %swap3A_309 = arith.constant 25 : i32
    %swap3A_310 = arith.index_cast %swap3A_309 : i32 to index
    %swap3A_311 = arith.constant 16 : index
    %swap3A_312 = tpu.vector_load %arg6[%swap3A_310, %swap3A_311] {strides = array<i32>} : memref<50x32xf32, #tpu.memory_space<vmem>>, vector<1x16xf32>,
    %swap3A_313 = vector.shape_cast %swap3A_312 : vector<1x16xf32> to vector<16xf32>
    %swap3A_314 = vector.shape_cast %broadcast_in_dim3A_3 : vector<16xf32> to vector<1x16xf32>
    tpu.vector_store %arg6[%swap3A_310, %swap3A_311], %swap3A_314 {strides = array<i32>} : memref<50x32xf32, #tpu.memory_space<vmem>>, vector<1x16xf32>,
    %swap3A_315 = arith.constant 26 : i32
    %swap3A_316 = arith.index_cast %swap3A_315 : i32 to index
    %swap3A_317 = arith.constant 0 : index
    %swap3A_318 = tpu.vector_load %arg6[%swap3A_316, %swap3A_317] {strides = array<i32>} : memref<50x32xf32, #tpu.memory_space<vmem>>, vector<1x16xf32>,
    %swap3A_319 = vector.shape_cast %swap3A_318 : vector<1x16xf32> to vector<16xf32>
    %swap3A_320 = vector.shape_cast %broadcast_in_dim3A_3 : vector<16xf32> to vector<1x16xf32>
    tpu.vector_store %arg6[%swap3A_316, %swap3A_317], %swap3A_320 {strides = array<i32>} : memref<50x32xf32, #tpu.memory_space<vmem>>, vector<1x16xf32>,
    %swap3A_321 = arith.constant 26 : i32
    %swap3A_322 = arith.index_cast %swap3A_321 : i32 to index
    %swap3A_323 = arith.constant 16 : index
    %swap3A_324 = tpu.vector_load %arg6[%swap3A_322, %swap3A_323] {strides = array<i32>} : memref<50x32xf32, #tpu.memory_space<vmem>>, vector<1x16xf32>,
    %swap3A_325 = vector.shape_cast %swap3A_324 : vector<1x16xf32> to vector<16xf32>
    %swap3A_326 = vector.shape_cast %broadcast_in_dim3A_3 : vector<16xf32> to vector<1x16xf32>
    tpu.vector_store %arg6[%swap3A_322, %swap3A_323], %swap3A_326 {strides = array<i32>} : memref<50x32xf32, #tpu.memory_space<vmem>>, vector<1x16xf32>,
    %swap3A_327 = arith.constant 27 : i32
    %swap3A_328 = arith.index_cast %swap3A_327 : i32 to index
    %swap3A_329 = arith.constant 0 : index
    %swap3A_330 = tpu.vector_load %arg6[%swap3A_328, %swap3A_329] {strides = array<i32>} : memref<50x32xf32, #tpu.memory_space<vmem>>, vector<1x16xf32>,
    %swap3A_331 = vector.shape_cast %swap3A_330 : vector<1x16xf32> to vector<16xf32>
    %swap3A_332 = vector.shape_cast %broadcast_in_dim3A_3 : vector<16xf32> to vector<1x16xf32>
    tpu.vector_store %arg6[%swap3A_328, %swap3A_329], %swap3A_332 {strides = array<i32>} : memref<50x32xf32, #tpu.memory_space<vmem>>, vector<1x16xf32>,
    %swap3A_333 = arith.constant 27 : i32
    %swap3A_334 = arith.index_cast %swap3A_333 : i32 to index
    %swap3A_335 = arith.constant 16 : index
    %swap3A_336 = tpu.vector_load %arg6[%swap3A_334, %swap3A_335] {strides = array<i32>} : memref<50x32xf32, #tpu.memory_space<vmem>>, vector<1x16xf32>,
    %swap3A_337 = vector.shape_cast %swap3A_336 : vector<1x16xf32> to vector<16xf32>
    %swap3A_338 = vector.shape_cast %broadcast_in_dim3A_3 : vector<16xf32> to vector<1x16xf32>
    tpu.vector_store %arg6[%swap3A_334, %swap3A_335], %swap3A_338 {strides = array<i32>} : memref<50x32xf32, #tpu.memory_space<vmem>>, vector<1x16xf32>,
    %swap3A_339 = arith.constant 28 : i32
    %swap3A_340 = arith.index_cast %swap3A_339 : i32 to index
    %swap3A_341 = arith.constant 0 : index
    %swap3A_342 = tpu.vector_load %arg6[%swap3A_340, %swap3A_341] {strides = array<i32>} : memref<50x32xf32, #tpu.memory_space<vmem>>, vector<1x16xf32>,
    %swap3A_343 = vector.shape_cast %swap3A_342 : vector<1x16xf32> to vector<16xf32>
    %swap3A_344 = vector.shape_cast %broadcast_in_dim3A_3 : vector<16xf32> to vector<1x16xf32>
    tpu.vector_store %arg6[%swap3A_340, %swap3A_341], %swap3A_344 {strides = array<i32>} : memref<50x32xf32, #tpu.memory_space<vmem>>, vector<1x16xf32>,
    %swap3A_345 = arith.constant 28 : i32
    %swap3A_346 = arith.index_cast %swap3A_345 : i32 to index
    %swap3A_347 = arith.constant 16 : index
    %swap3A_348 = tpu.vector_load %arg6[%swap3A_346, %swap3A_347] {strides = array<i32>} : memref<50x32xf32, #tpu.memory_space<vmem>>, vector<1x16xf32>,
    %swap3A_349 = vector.shape_cast %swap3A_348 : vector<1x16xf32> to vector<16xf32>
    %swap3A_350 = vector.shape_cast %broadcast_in_dim3A_3 : vector<16xf32> to vector<1x16xf32>
    tpu.vector_store %arg6[%swap3A_346, %swap3A_347], %swap3A_350 {strides = array<i32>} : memref<50x32xf32, #tpu.memory_space<vmem>>, vector<1x16xf32>,
    %swap3A_351 = arith.constant 29 : i32
    %swap3A_352 = arith.index_cast %swap3A_351 : i32 to index
    %swap3A_353 = arith.constant 0 : index
    %swap3A_354 = tpu.vector_load %arg6[%swap3A_352, %swap3A_353] {strides = array<i32>} : memref<50x32xf32, #tpu.memory_space<vmem>>, vector<1x16xf32>,
    %swap3A_355 = vector.shape_cast %swap3A_354 : vector<1x16xf32> to vector<16xf32>
    %swap3A_356 = vector.shape_cast %broadcast_in_dim3A_3 : vector<16xf32> to vector<1x16xf32>
    tpu.vector_store %arg6[%swap3A_352, %swap3A_353], %swap3A_356 {strides = array<i32>} : memref<50x32xf32, #tpu.memory_space<vmem>>, vector<1x16xf32>,
    %swap3A_357 = arith.constant 29 : i32
    %swap3A_358 = arith.index_cast %swap3A_357 : i32 to index
    %swap3A_359 = arith.constant 16 : index
    %swap3A_360 = tpu.vector_load %arg6[%swap3A_358, %swap3A_359] {strides = array<i32>} : memref<50x32xf32, #tpu.memory_space<vmem>>, vector<1x16xf32>,
    %swap3A_361 = vector.shape_cast %swap3A_360 : vector<1x16xf32> to vector<16xf32>
    %swap3A_362 = vector.shape_cast %broadcast_in_dim3A_3 : vector<16xf32> to vector<1x16xf32>
    tpu.vector_store %arg6[%swap3A_358, %swap3A_359], %swap3A_362 {strides = array<i32>} : memref<50x32xf32, #tpu.memory_space<vmem>>, vector<1x16xf32>,
    %swap3A_363 = arith.constant 30 : i32
    %swap3A_364 = arith.index_cast %swap3A_363 : i32 to index
    %swap3A_365 = arith.constant 0 : index
    %swap3A_366 = tpu.vector_load %arg6[%swap3A_364, %swap3A_365] {strides = array<i32>} : memref<50x32xf32, #tpu.memory_space<vmem>>, vector<1x16xf32>,
    %swap3A_367 = vector.shape_cast %swap3A_366 : vector<1x16xf32> to vector<16xf32>
    %swap3A_368 = vector.shape_cast %broadcast_in_dim3A_3 : vector<16xf32> to vector<1x16xf32>
    tpu.vector_store %arg6[%swap3A_364, %swap3A_365], %swap3A_368 {strides = array<i32>} : memref<50x32xf32, #tpu.memory_space<vmem>>, vector<1x16xf32>,
    %swap3A_369 = arith.constant 30 : i32
    %swap3A_370 = arith.index_cast %swap3A_369 : i32 to index
    %swap3A_371 = arith.constant 16 : index
    %swap3A_372 = tpu.vector_load %arg6[%swap3A_370, %swap3A_371] {strides = array<i32>} : memref<50x32xf32, #tpu.memory_space<vmem>>, vector<1x16xf32>,
    %swap3A_373 = vector.shape_cast %swap3A_372 : vector<1x16xf32> to vector<16xf32>
    %swap3A_374 = vector.shape_cast %broadcast_in_dim3A_3 : vector<16xf32> to vector<1x16xf32>
    tpu.vector_store %arg6[%swap3A_370, %swap3A_371], %swap3A_374 {strides = array<i32>} : memref<50x32xf32, #tpu.memory_space<vmem>>, vector<1x16xf32>,
    %swap3A_375 = arith.constant 31 : i32
    %swap3A_376 = arith.index_cast %swap3A_375 : i32 to index
    %swap3A_377 = arith.constant 0 : index
    %swap3A_378 = tpu.vector_load %arg6[%swap3A_376, %swap3A_377] {strides = array<i32>} : memref<50x32xf32, #tpu.memory_space<vmem>>, vector<1x16xf32>,
    %swap3A_379 = vector.shape_cast %swap3A_378 : vector<1x16xf32> to vector<16xf32>
    %swap3A_380 = vector.shape_cast %broadcast_in_dim3A_3 : vector<16xf32> to vector<1x16xf32>
    tpu.vector_store %arg6[%swap3A_376, %swap3A_377], %swap3A_380 {strides = array<i32>} : memref<50x32xf32, #tpu.memory_space<vmem>>, vector<1x16xf32>,
    %swap3A_381 = arith.constant 31 : i32
    %swap3A_382 = arith.index_cast %swap3A_381 : i32 to index
    %swap3A_383 = arith.constant 16 : index
    %swap3A_384 = tpu.vector_load %arg6[%swap3A_382, %swap3A_383] {strides = array<i32>} : memref<50x32xf32, #tpu.memory_space<vmem>>, vector<1x16xf32>,
    %swap3A_385 = vector.shape_cast %swap3A_384 : vector<1x16xf32> to vector<16xf32>
    %swap3A_386 = vector.shape_cast %broadcast_in_dim3A_3 : vector<16xf32> to vector<1x16xf32>
    tpu.vector_store %arg6[%swap3A_382, %swap3A_383], %swap3A_386 {strides = array<i32>} : memref<50x32xf32, #tpu.memory_space<vmem>>, vector<1x16xf32>,
    %swap3A_387 = arith.constant 32 : i32
    %swap3A_388 = arith.index_cast %swap3A_387 : i32 to index
    %swap3A_389 = arith.constant 0 : index
    %swap3A_390 = tpu.vector_load %arg6[%swap3A_388, %swap3A_389] {strides = array<i32>} : memref<50x32xf32, #tpu.memory_space<vmem>>, vector<1x16xf32>,
    %swap3A_391 = vector.shape_cast %swap3A_390 : vector<1x16xf32> to vector<16xf32>
    %swap3A_392 = vector.shape_cast %broadcast_in_dim3A_3 : vector<16xf32> to vector<1x16xf32>
    tpu.vector_store %arg6[%swap3A_388, %swap3A_389], %swap3A_392 {strides = array<i32>} : memref<50x32xf32, #tpu.memory_space<vmem>>, vector<1x16xf32>,
    %swap3A_393 = arith.constant 32 : i32
    %swap3A_394 = arith.index_cast %swap3A_393 : i32 to index
    %swap3A_395 = arith.constant 16 : index
    %swap3A_396 = tpu.vector_load %arg6[%swap3A_394, %swap3A_395] {strides = array<i32>} : memref<50x32xf32, #tpu.memory_space<vmem>>, vector<1x16xf32>,
    %swap3A_397 = vector.shape_cast %swap3A_396 : vector<1x16xf32> to vector<16xf32>
    %swap3A_398 = vector.shape_cast %broadcast_in_dim3A_3 : vector<16xf32> to vector<1x16xf32>
    tpu.vector_store %arg6[%swap3A_394, %swap3A_395], %swap3A_398 {strides = array<i32>} : memref<50x32xf32, #tpu.memory_space<vmem>>, vector<1x16xf32>,
    %swap3A_399 = arith.constant 33 : i32
    %swap3A_400 = arith.index_cast %swap3A_399 : i32 to index
    %swap3A_401 = arith.constant 0 : index
    %swap3A_402 = tpu.vector_load %arg6[%swap3A_400, %swap3A_401] {strides = array<i32>} : memref<50x32xf32, #tpu.memory_space<vmem>>, vector<1x16xf32>,
    %swap3A_403 = vector.shape_cast %swap3A_402 : vector<1x16xf32> to vector<16xf32>
    %swap3A_404 = vector.shape_cast %broadcast_in_dim3A_3 : vector<16xf32> to vector<1x16xf32>
    tpu.vector_store %arg6[%swap3A_400, %swap3A_401], %swap3A_404 {strides = array<i32>} : memref<50x32xf32, #tpu.memory_space<vmem>>, vector<1x16xf32>,
    %swap3A_405 = arith.constant 33 : i32
    %swap3A_406 = arith.index_cast %swap3A_405 : i32 to index
    %swap3A_407 = arith.constant 16 : index
    %swap3A_408 = tpu.vector_load %arg6[%swap3A_406, %swap3A_407] {strides = array<i32>} : memref<50x32xf32, #tpu.memory_space<vmem>>, vector<1x16xf32>,
    %swap3A_409 = vector.shape_cast %swap3A_408 : vector<1x16xf32> to vector<16xf32>
    %swap3A_410 = vector.shape_cast %broadcast_in_dim3A_3 : vector<16xf32> to vector<1x16xf32>
    tpu.vector_store %arg6[%swap3A_406, %swap3A_407], %swap3A_410 {strides = array<i32>} : memref<50x32xf32, #tpu.memory_space<vmem>>, vector<1x16xf32>,
    %swap3A_411 = arith.constant 34 : i32
    %swap3A_412 = arith.index_cast %swap3A_411 : i32 to index
    %swap3A_413 = arith.constant 0 : index
    %swap3A_414 = tpu.vector_load %arg6[%swap3A_412, %swap3A_413] {strides = array<i32>} : memref<50x32xf32, #tpu.memory_space<vmem>>, vector<1x16xf32>,
    %swap3A_415 = vector.shape_cast %swap3A_414 : vector<1x16xf32> to vector<16xf32>
    %swap3A_416 = vector.shape_cast %broadcast_in_dim3A_3 : vector<16xf32> to vector<1x16xf32>
    tpu.vector_store %arg6[%swap3A_412, %swap3A_413], %swap3A_416 {strides = array<i32>} : memref<50x32xf32, #tpu.memory_space<vmem>>, vector<1x16xf32>,
    %swap3A_417 = arith.constant 34 : i32
    %swap3A_418 = arith.index_cast %swap3A_417 : i32 to index
    %swap3A_419 = arith.constant 16 : index
    %swap3A_420 = tpu.vector_load %arg6[%swap3A_418, %swap3A_419] {strides = array<i32>} : memref<50x32xf32, #tpu.memory_space<vmem>>, vector<1x16xf32>,
    %swap3A_421 = vector.shape_cast %swap3A_420 : vector<1x16xf32> to vector<16xf32>
    %swap3A_422 = vector.shape_cast %broadcast_in_dim3A_3 : vector<16xf32> to vector<1x16xf32>
    tpu.vector_store %arg6[%swap3A_418, %swap3A_419], %swap3A_422 {strides = array<i32>} : memref<50x32xf32, #tpu.memory_space<vmem>>, vector<1x16xf32>,
    %swap3A_423 = arith.constant 35 : i32
    %swap3A_424 = arith.index_cast %swap3A_423 : i32 to index
    %swap3A_425 = arith.constant 0 : index
    %swap3A_426 = tpu.vector_load %arg6[%swap3A_424, %swap3A_425] {strides = array<i32>} : memref<50x32xf32, #tpu.memory_space<vmem>>, vector<1x16xf32>,
    %swap3A_427 = vector.shape_cast %swap3A_426 : vector<1x16xf32> to vector<16xf32>
    %swap3A_428 = vector.shape_cast %broadcast_in_dim3A_3 : vector<16xf32> to vector<1x16xf32>
    tpu.vector_store %arg6[%swap3A_424, %swap3A_425], %swap3A_428 {strides = array<i32>} : memref<50x32xf32, #tpu.memory_space<vmem>>, vector<1x16xf32>,
    %swap3A_429 = arith.constant 35 : i32
    %swap3A_430 = arith.index_cast %swap3A_429 : i32 to index
    %swap3A_431 = arith.constant 16 : index
    %swap3A_432 = tpu.vector_load %arg6[%swap3A_430, %swap3A_431] {strides = array<i32>} : memref<50x32xf32, #tpu.memory_space<vmem>>, vector<1x16xf32>,
    %swap3A_433 = vector.shape_cast %swap3A_432 : vector<1x16xf32> to vector<16xf32>
    %swap3A_434 = vector.shape_cast %broadcast_in_dim3A_3 : vector<16xf32> to vector<1x16xf32>
    tpu.vector_store %arg6[%swap3A_430, %swap3A_431], %swap3A_434 {strides = array<i32>} : memref<50x32xf32, #tpu.memory_space<vmem>>, vector<1x16xf32>,
    %swap3A_435 = arith.constant 36 : i32
    %swap3A_436 = arith.index_cast %swap3A_435 : i32 to index
    %swap3A_437 = arith.constant 0 : index
    %swap3A_438 = tpu.vector_load %arg6[%swap3A_436, %swap3A_437] {strides = array<i32>} : memref<50x32xf32, #tpu.memory_space<vmem>>, vector<1x16xf32>,
    %swap3A_439 = vector.shape_cast %swap3A_438 : vector<1x16xf32> to vector<16xf32>
    %swap3A_440 = vector.shape_cast %broadcast_in_dim3A_3 : vector<16xf32> to vector<1x16xf32>
    tpu.vector_store %arg6[%swap3A_436, %swap3A_437], %swap3A_440 {strides = array<i32>} : memref<50x32xf32, #tpu.memory_space<vmem>>, vector<1x16xf32>,
    %swap3A_441 = arith.constant 36 : i32
    %swap3A_442 = arith.index_cast %swap3A_441 : i32 to index
    %swap3A_443 = arith.constant 16 : index
    %swap3A_444 = tpu.vector_load %arg6[%swap3A_442, %swap3A_443] {strides = array<i32>} : memref<50x32xf32, #tpu.memory_space<vmem>>, vector<1x16xf32>,
    %swap3A_445 = vector.shape_cast %swap3A_444 : vector<1x16xf32> to vector<16xf32>
    %swap3A_446 = vector.shape_cast %broadcast_in_dim3A_3 : vector<16xf32> to vector<1x16xf32>
    tpu.vector_store %arg6[%swap3A_442, %swap3A_443], %swap3A_446 {strides = array<i32>} : memref<50x32xf32, #tpu.memory_space<vmem>>, vector<1x16xf32>,
    %swap3A_447 = arith.constant 37 : i32
    %swap3A_448 = arith.index_cast %swap3A_447 : i32 to index
    %swap3A_449 = arith.constant 0 : index
    %swap3A_450 = tpu.vector_load %arg6[%swap3A_448, %swap3A_449] {strides = array<i32>} : memref<50x32xf32, #tpu.memory_space<vmem>>, vector<1x16xf32>,
    %swap3A_451 = vector.shape_cast %swap3A_450 : vector<1x16xf32> to vector<16xf32>
    %swap3A_452 = vector.shape_cast %broadcast_in_dim3A_3 : vector<16xf32> to vector<1x16xf32>
    tpu.vector_store %arg6[%swap3A_448, %swap3A_449], %swap3A_452 {strides = array<i32>} : memref<50x32xf32, #tpu.memory_space<vmem>>, vector<1x16xf32>,
    %swap3A_453 = arith.constant 37 : i32
    %swap3A_454 = arith.index_cast %swap3A_453 : i32 to index
    %swap3A_455 = arith.constant 16 : index
    %swap3A_456 = tpu.vector_load %arg6[%swap3A_454, %swap3A_455] {strides = array<i32>} : memref<50x32xf32, #tpu.memory_space<vmem>>, vector<1x16xf32>,
    %swap3A_457 = vector.shape_cast %swap3A_456 : vector<1x16xf32> to vector<16xf32>
    %swap3A_458 = vector.shape_cast %broadcast_in_dim3A_3 : vector<16xf32> to vector<1x16xf32>
    tpu.vector_store %arg6[%swap3A_454, %swap3A_455], %swap3A_458 {strides = array<i32>} : memref<50x32xf32, #tpu.memory_space<vmem>>, vector<1x16xf32>,
    %swap3A_459 = arith.constant 38 : i32
    %swap3A_460 = arith.index_cast %swap3A_459 : i32 to index
    %swap3A_461 = arith.constant 0 : index
    %swap3A_462 = tpu.vector_load %arg6[%swap3A_460, %swap3A_461] {strides = array<i32>} : memref<50x32xf32, #tpu.memory_space<vmem>>, vector<1x16xf32>,
    %swap3A_463 = vector.shape_cast %swap3A_462 : vector<1x16xf32> to vector<16xf32>
    %swap3A_464 = vector.shape_cast %broadcast_in_dim3A_3 : vector<16xf32> to vector<1x16xf32>
    tpu.vector_store %arg6[%swap3A_460, %swap3A_461], %swap3A_464 {strides = array<i32>} : memref<50x32xf32, #tpu.memory_space<vmem>>, vector<1x16xf32>,
    %swap3A_465 = arith.constant 38 : i32
    %swap3A_466 = arith.index_cast %swap3A_465 : i32 to index
    %swap3A_467 = arith.constant 16 : index
    %swap3A_468 = tpu.vector_load %arg6[%swap3A_466, %swap3A_467] {strides = array<i32>} : memref<50x32xf32, #tpu.memory_space<vmem>>, vector<1x16xf32>,
    %swap3A_469 = vector.shape_cast %swap3A_468 : vector<1x16xf32> to vector<16xf32>
    %swap3A_470 = vector.shape_cast %broadcast_in_dim3A_3 : vector<16xf32> to vector<1x16xf32>
    tpu.vector_store %arg6[%swap3A_466, %swap3A_467], %swap3A_470 {strides = array<i32>} : memref<50x32xf32, #tpu.memory_space<vmem>>, vector<1x16xf32>,
    %swap3A_471 = arith.constant 39 : i32
    %swap3A_472 = arith.index_cast %swap3A_471 : i32 to index
    %swap3A_473 = arith.constant 0 : index
    %swap3A_474 = tpu.vector_load %arg6[%swap3A_472, %swap3A_473] {strides = array<i32>} : memref<50x32xf32, #tpu.memory_space<vmem>>, vector<1x16xf32>,
    %swap3A_475 = vector.shape_cast %swap3A_474 : vector<1x16xf32> to vector<16xf32>
    %swap3A_476 = vector.shape_cast %broadcast_in_dim3A_3 : vector<16xf32> to vector<1x16xf32>
    tpu.vector_store %arg6[%swap3A_472, %swap3A_473], %swap3A_476 {strides = array<i32>} : memref<50x32xf32, #tpu.memory_space<vmem>>, vector<1x16xf32>,
    %swap3A_477 = arith.constant 39 : i32
    %swap3A_478 = arith.index_cast %swap3A_477 : i32 to index
    %swap3A_479 = arith.constant 16 : index
    %swap3A_480 = tpu.vector_load %arg6[%swap3A_478, %swap3A_479] {strides = array<i32>} : memref<50x32xf32, #tpu.memory_space<vmem>>, vector<1x16xf32>,
    %swap3A_481 = vector.shape_cast %swap3A_480 : vector<1x16xf32> to vector<16xf32>
    %swap3A_482 = vector.shape_cast %broadcast_in_dim3A_3 : vector<16xf32> to vector<1x16xf32>
    tpu.vector_store %arg6[%swap3A_478, %swap3A_479], %swap3A_482 {strides = array<i32>} : memref<50x32xf32, #tpu.memory_space<vmem>>, vector<1x16xf32>,
    %swap3A_483 = arith.constant 40 : i32
    %swap3A_484 = arith.index_cast %swap3A_483 : i32 to index
    %swap3A_485 = arith.constant 0 : index
    %swap3A_486 = tpu.vector_load %arg6[%swap3A_484, %swap3A_485] {strides = array<i32>} : memref<50x32xf32, #tpu.memory_space<vmem>>, vector<1x16xf32>,
    %swap3A_487 = vector.shape_cast %swap3A_486 : vector<1x16xf32> to vector<16xf32>
    %swap3A_488 = vector.shape_cast %broadcast_in_dim3A_3 : vector<16xf32> to vector<1x16xf32>
    tpu.vector_store %arg6[%swap3A_484, %swap3A_485], %swap3A_488 {strides = array<i32>} : memref<50x32xf32, #tpu.memory_space<vmem>>, vector<1x16xf32>,
    %swap3A_489 = arith.constant 40 : i32
    %swap3A_490 = arith.index_cast %swap3A_489 : i32 to index
    %swap3A_491 = arith.constant 16 : index
    %swap3A_492 = tpu.vector_load %arg6[%swap3A_490, %swap3A_491] {strides = array<i32>} : memref<50x32xf32, #tpu.memory_space<vmem>>, vector<1x16xf32>,
    %swap3A_493 = vector.shape_cast %swap3A_492 : vector<1x16xf32> to vector<16xf32>
    %swap3A_494 = vector.shape_cast %broadcast_in_dim3A_3 : vector<16xf32> to vector<1x16xf32>
    tpu.vector_store %arg6[%swap3A_490, %swap3A_491], %swap3A_494 {strides = array<i32>} : memref<50x32xf32, #tpu.memory_space<vmem>>, vector<1x16xf32>,
    %swap3A_495 = arith.constant 41 : i32
    %swap3A_496 = arith.index_cast %swap3A_495 : i32 to index
    %swap3A_497 = arith.constant 0 : index
    %swap3A_498 = tpu.vector_load %arg6[%swap3A_496, %swap3A_497] {strides = array<i32>} : memref<50x32xf32, #tpu.memory_space<vmem>>, vector<1x16xf32>,
    %swap3A_499 = vector.shape_cast %swap3A_498 : vector<1x16xf32> to vector<16xf32>
    %swap3A_500 = vector.shape_cast %broadcast_in_dim3A_3 : vector<16xf32> to vector<1x16xf32>
    tpu.vector_store %arg6[%swap3A_496, %swap3A_497], %swap3A_500 {strides = array<i32>} : memref<50x32xf32, #tpu.memory_space<vmem>>, vector<1x16xf32>,
    %swap3A_501 = arith.constant 41 : i32
    %swap3A_502 = arith.index_cast %swap3A_501 : i32 to index
    %swap3A_503 = arith.constant 16 : index
    %swap3A_504 = tpu.vector_load %arg6[%swap3A_502, %swap3A_503] {strides = array<i32>} : memref<50x32xf32, #tpu.memory_space<vmem>>, vector<1x16xf32>,
    %swap3A_505 = vector.shape_cast %swap3A_504 : vector<1x16xf32> to vector<16xf32>
    %swap3A_506 = vector.shape_cast %broadcast_in_dim3A_3 : vector<16xf32> to vector<1x16xf32>
    tpu.vector_store %arg6[%swap3A_502, %swap3A_503], %swap3A_506 {strides = array<i32>} : memref<50x32xf32, #tpu.memory_space<vmem>>, vector<1x16xf32>,
    %swap3A_507 = arith.constant 42 : i32
    %swap3A_508 = arith.index_cast %swap3A_507 : i32 to index
    %swap3A_509 = arith.constant 0 : index
    %swap3A_510 = tpu.vector_load %arg6[%swap3A_508, %swap3A_509] {strides = array<i32>} : memref<50x32xf32, #tpu.memory_space<vmem>>, vector<1x16xf32>,
    %swap3A_511 = vector.shape_cast %swap3A_510 : vector<1x16xf32> to vector<16xf32>
    %swap3A_512 = vector.shape_cast %broadcast_in_dim3A_3 : vector<16xf32> to vector<1x16xf32>
    tpu.vector_store %arg6[%swap3A_508, %swap3A_509], %swap3A_512 {strides = array<i32>} : memref<50x32xf32, #tpu.memory_space<vmem>>, vector<1x16xf32>,
    %swap3A_513 = arith.constant 42 : i32
    %swap3A_514 = arith.index_cast %swap3A_513 : i32 to index
    %swap3A_515 = arith.constant 16 : index
    %swap3A_516 = tpu.vector_load %arg6[%swap3A_514, %swap3A_515] {strides = array<i32>} : memref<50x32xf32, #tpu.memory_space<vmem>>, vector<1x16xf32>,
    %swap3A_517 = vector.shape_cast %swap3A_516 : vector<1x16xf32> to vector<16xf32>
    %swap3A_518 = vector.shape_cast %broadcast_in_dim3A_3 : vector<16xf32> to vector<1x16xf32>
    tpu.vector_store %arg6[%swap3A_514, %swap3A_515], %swap3A_518 {strides = array<i32>} : memref<50x32xf32, #tpu.memory_space<vmem>>, vector<1x16xf32>,
    %swap3A_519 = arith.constant 43 : i32
    %swap3A_520 = arith.index_cast %swap3A_519 : i32 to index
    %swap3A_521 = arith.constant 0 : index
    %swap3A_522 = tpu.vector_load %arg6[%swap3A_520, %swap3A_521] {strides = array<i32>} : memref<50x32xf32, #tpu.memory_space<vmem>>, vector<1x16xf32>,
    %swap3A_523 = vector.shape_cast %swap3A_522 : vector<1x16xf32> to vector<16xf32>
    %swap3A_524 = vector.shape_cast %broadcast_in_dim3A_3 : vector<16xf32> to vector<1x16xf32>
    tpu.vector_store %arg6[%swap3A_520, %swap3A_521], %swap3A_524 {strides = array<i32>} : memref<50x32xf32, #tpu.memory_space<vmem>>, vector<1x16xf32>,
    %swap3A_525 = arith.constant 43 : i32
    %swap3A_526 = arith.index_cast %swap3A_525 : i32 to index
    %swap3A_527 = arith.constant 16 : index
    %swap3A_528 = tpu.vector_load %arg6[%swap3A_526, %swap3A_527] {strides = array<i32>} : memref<50x32xf32, #tpu.memory_space<vmem>>, vector<1x16xf32>,
    %swap3A_529 = vector.shape_cast %swap3A_528 : vector<1x16xf32> to vector<16xf32>
    %swap3A_530 = vector.shape_cast %broadcast_in_dim3A_3 : vector<16xf32> to vector<1x16xf32>
    tpu.vector_store %arg6[%swap3A_526, %swap3A_527], %swap3A_530 {strides = array<i32>} : memref<50x32xf32, #tpu.memory_space<vmem>>, vector<1x16xf32>,
    %swap3A_531 = arith.constant 44 : i32
    %swap3A_532 = arith.index_cast %swap3A_531 : i32 to index
    %swap3A_533 = arith.constant 0 : index
    %swap3A_534 = tpu.vector_load %arg6[%swap3A_532, %swap3A_533] {strides = array<i32>} : memref<50x32xf32, #tpu.memory_space<vmem>>, vector<1x16xf32>,
    %swap3A_535 = vector.shape_cast %swap3A_534 : vector<1x16xf32> to vector<16xf32>
    %swap3A_536 = vector.shape_cast %broadcast_in_dim3A_3 : vector<16xf32> to vector<1x16xf32>
    tpu.vector_store %arg6[%swap3A_532, %swap3A_533], %swap3A_536 {strides = array<i32>} : memref<50x32xf32, #tpu.memory_space<vmem>>, vector<1x16xf32>,
    %swap3A_537 = arith.constant 44 : i32
    %swap3A_538 = arith.index_cast %swap3A_537 : i32 to index
    %swap3A_539 = arith.constant 16 : index
    %swap3A_540 = tpu.vector_load %arg6[%swap3A_538, %swap3A_539] {strides = array<i32>} : memref<50x32xf32, #tpu.memory_space<vmem>>, vector<1x16xf32>,
    %swap3A_541 = vector.shape_cast %swap3A_540 : vector<1x16xf32> to vector<16xf32>
    %swap3A_542 = vector.shape_cast %broadcast_in_dim3A_3 : vector<16xf32> to vector<1x16xf32>
    tpu.vector_store %arg6[%swap3A_538, %swap3A_539], %swap3A_542 {strides = array<i32>} : memref<50x32xf32, #tpu.memory_space<vmem>>, vector<1x16xf32>,
    %swap3A_543 = arith.constant 45 : i32
    %swap3A_544 = arith.index_cast %swap3A_543 : i32 to index
    %swap3A_545 = arith.constant 0 : index
    %swap3A_546 = tpu.vector_load %arg6[%swap3A_544, %swap3A_545] {strides = array<i32>} : memref<50x32xf32, #tpu.memory_space<vmem>>, vector<1x16xf32>,
    %swap3A_547 = vector.shape_cast %swap3A_546 : vector<1x16xf32> to vector<16xf32>
    %swap3A_548 = vector.shape_cast %broadcast_in_dim3A_3 : vector<16xf32> to vector<1x16xf32>
    tpu.vector_store %arg6[%swap3A_544, %swap3A_545], %swap3A_548 {strides = array<i32>} : memref<50x32xf32, #tpu.memory_space<vmem>>, vector<1x16xf32>,
    %swap3A_549 = arith.constant 45 : i32
    %swap3A_550 = arith.index_cast %swap3A_549 : i32 to index
    %swap3A_551 = arith.constant 16 : index
    %swap3A_552 = tpu.vector_load %arg6[%swap3A_550, %swap3A_551] {strides = array<i32>} : memref<50x32xf32, #tpu.memory_space<vmem>>, vector<1x16xf32>,
    %swap3A_553 = vector.shape_cast %swap3A_552 : vector<1x16xf32> to vector<16xf32>
    %swap3A_554 = vector.shape_cast %broadcast_in_dim3A_3 : vector<16xf32> to vector<1x16xf32>
    tpu.vector_store %arg6[%swap3A_550, %swap3A_551], %swap3A_554 {strides = array<i32>} : memref<50x32xf32, #tpu.memory_space<vmem>>, vector<1x16xf32>,
    %swap3A_555 = arith.constant 46 : i32
    %swap3A_556 = arith.index_cast %swap3A_555 : i32 to index
    %swap3A_557 = arith.constant 0 : index
    %swap3A_558 = tpu.vector_load %arg6[%swap3A_556, %swap3A_557] {strides = array<i32>} : memref<50x32xf32, #tpu.memory_space<vmem>>, vector<1x16xf32>,
    %swap3A_559 = vector.shape_cast %swap3A_558 : vector<1x16xf32> to vector<16xf32>
    %swap3A_560 = vector.shape_cast %broadcast_in_dim3A_3 : vector<16xf32> to vector<1x16xf32>
    tpu.vector_store %arg6[%swap3A_556, %swap3A_557], %swap3A_560 {strides = array<i32>} : memref<50x32xf32, #tpu.memory_space<vmem>>, vector<1x16xf32>,
    %swap3A_561 = arith.constant 46 : i32
    %swap3A_562 = arith.index_cast %swap3A_561 : i32 to index
    %swap3A_563 = arith.constant 16 : index
    %swap3A_564 = tpu.vector_load %arg6[%swap3A_562, %swap3A_563] {strides = array<i32>} : memref<50x32xf32, #tpu.memory_space<vmem>>, vector<1x16xf32>,
    %swap3A_565 = vector.shape_cast %swap3A_564 : vector<1x16xf32> to vector<16xf32>
    %swap3A_566 = vector.shape_cast %broadcast_in_dim3A_3 : vector<16xf32> to vector<1x16xf32>
    tpu.vector_store %arg6[%swap3A_562, %swap3A_563], %swap3A_566 {strides = array<i32>} : memref<50x32xf32, #tpu.memory_space<vmem>>, vector<1x16xf32>,
    %swap3A_567 = arith.constant 47 : i32
    %swap3A_568 = arith.index_cast %swap3A_567 : i32 to index
    %swap3A_569 = arith.constant 0 : index
    %swap3A_570 = tpu.vector_load %arg6[%swap3A_568, %swap3A_569] {strides = array<i32>} : memref<50x32xf32, #tpu.memory_space<vmem>>, vector<1x16xf32>,
    %swap3A_571 = vector.shape_cast %swap3A_570 : vector<1x16xf32> to vector<16xf32>
    %swap3A_572 = vector.shape_cast %broadcast_in_dim3A_3 : vector<16xf32> to vector<1x16xf32>
    tpu.vector_store %arg6[%swap3A_568, %swap3A_569], %swap3A_572 {strides = array<i32>} : memref<50x32xf32, #tpu.memory_space<vmem>>, vector<1x16xf32>,
    %swap3A_573 = arith.constant 47 : i32
    %swap3A_574 = arith.index_cast %swap3A_573 : i32 to index
    %swap3A_575 = arith.constant 16 : index
    %swap3A_576 = tpu.vector_load %arg6[%swap3A_574, %swap3A_575] {strides = array<i32>} : memref<50x32xf32, #tpu.memory_space<vmem>>, vector<1x16xf32>,
    %swap3A_577 = vector.shape_cast %swap3A_576 : vector<1x16xf32> to vector<16xf32>
    %swap3A_578 = vector.shape_cast %broadcast_in_dim3A_3 : vector<16xf32> to vector<1x16xf32>
    tpu.vector_store %arg6[%swap3A_574, %swap3A_575], %swap3A_578 {strides = array<i32>} : memref<50x32xf32, #tpu.memory_space<vmem>>, vector<1x16xf32>,
    %swap3A_579 = arith.constant 48 : i32
    %swap3A_580 = arith.index_cast %swap3A_579 : i32 to index
    %swap3A_581 = arith.constant 0 : index
    %swap3A_582 = tpu.vector_load %arg6[%swap3A_580, %swap3A_581] {strides = array<i32>} : memref<50x32xf32, #tpu.memory_space<vmem>>, vector<1x16xf32>,
    %swap3A_583 = vector.shape_cast %swap3A_582 : vector<1x16xf32> to vector<16xf32>
    %swap3A_584 = vector.shape_cast %broadcast_in_dim3A_3 : vector<16xf32> to vector<1x16xf32>
    tpu.vector_store %arg6[%swap3A_580, %swap3A_581], %swap3A_584 {strides = array<i32>} : memref<50x32xf32, #tpu.memory_space<vmem>>, vector<1x16xf32>,
    %swap3A_585 = arith.constant 48 : i32
    %swap3A_586 = arith.index_cast %swap3A_585 : i32 to index
    %swap3A_587 = arith.constant 16 : index
    %swap3A_588 = tpu.vector_load %arg6[%swap3A_586, %swap3A_587] {strides = array<i32>} : memref<50x32xf32, #tpu.memory_space<vmem>>, vector<1x16xf32>,
    %swap3A_589 = vector.shape_cast %swap3A_588 : vector<1x16xf32> to vector<16xf32>
    %swap3A_590 = vector.shape_cast %broadcast_in_dim3A_3 : vector<16xf32> to vector<1x16xf32>
    tpu.vector_store %arg6[%swap3A_586, %swap3A_587], %swap3A_590 {strides = array<i32>} : memref<50x32xf32, #tpu.memory_space<vmem>>, vector<1x16xf32>,
    %swap3A_591 = arith.constant 49 : i32
    %swap3A_592 = arith.index_cast %swap3A_591 : i32 to index
    %swap3A_593 = arith.constant 0 : index
    %swap3A_594 = tpu.vector_load %arg6[%swap3A_592, %swap3A_593] {strides = array<i32>} : memref<50x32xf32, #tpu.memory_space<vmem>>, vector<1x16xf32>,
    %swap3A_595 = vector.shape_cast %swap3A_594 : vector<1x16xf32> to vector<16xf32>
    %swap3A_596 = vector.shape_cast %broadcast_in_dim3A_3 : vector<16xf32> to vector<1x16xf32>
    tpu.vector_store %arg6[%swap3A_592, %swap3A_593], %swap3A_596 {strides = array<i32>} : memref<50x32xf32, #tpu.memory_space<vmem>>, vector<1x16xf32>,
    %swap3A_597 = arith.constant 49 : i32
    %swap3A_598 = arith.index_cast %swap3A_597 : i32 to index
    %swap3A_599 = arith.constant 16 : index
    %swap3A_600 = tpu.vector_load %arg6[%swap3A_598, %swap3A_599] {strides = array<i32>} : memref<50x32xf32, #tpu.memory_space<vmem>>, vector<1x16xf32>,
    %swap3A_601 = vector.shape_cast %swap3A_600 : vector<1x16xf32> to vector<16xf32>
    %swap3A_602 = vector.shape_cast %broadcast_in_dim3A_3 : vector<16xf32> to vector<1x16xf32>
    tpu.vector_store %arg6[%swap3A_598, %swap3A_599], %swap3A_602 {strides = array<i32>} : memref<50x32xf32, #tpu.memory_space<vmem>>, vector<1x16xf32>,
    %swap3A_603 = arith.constant 0 : i32
    %swap3A_604 = arith.index_cast %swap3A_603 : i32 to index
    %swap3A_605 = arith.constant 0 : index
    %swap3A_606 = tpu.vector_load %arg7[%swap3A_604, %swap3A_605] {strides = array<i32>} : memref<64x32xf32, #tpu.memory_space<vmem>>, vector<1x16xf32>,
    %swap3A_607 = vector.shape_cast %swap3A_606 : vector<1x16xf32> to vector<16xf32>
    %swap3A_608 = vector.shape_cast %broadcast_in_dim3A_3 : vector<16xf32> to vector<1x16xf32>
    tpu.vector_store %arg7[%swap3A_604, %swap3A_605], %swap3A_608 {strides = array<i32>} : memref<64x32xf32, #tpu.memory_space<vmem>>, vector<1x16xf32>,
    %swap3A_609 = arith.constant 0 : i32
    %swap3A_610 = arith.index_cast %swap3A_609 : i32 to index
    %swap3A_611 = arith.constant 16 : index
    %swap3A_612 = tpu.vector_load %arg7[%swap3A_610, %swap3A_611] {strides = array<i32>} : memref<64x32xf32, #tpu.memory_space<vmem>>, vector<1x16xf32>,
    %swap3A_613 = vector.shape_cast %swap3A_612 : vector<1x16xf32> to vector<16xf32>
    %swap3A_614 = vector.shape_cast %broadcast_in_dim3A_3 : vector<16xf32> to vector<1x16xf32>
    tpu.vector_store %arg7[%swap3A_610, %swap3A_611], %swap3A_614 {strides = array<i32>} : memref<64x32xf32, #tpu.memory_space<vmem>>, vector<1x16xf32>,
    %swap3A_615 = arith.constant 1 : i32
    %swap3A_616 = arith.index_cast %swap3A_615 : i32 to index
    %swap3A_617 = arith.constant 0 : index
    %swap3A_618 = tpu.vector_load %arg7[%swap3A_616, %swap3A_617] {strides = array<i32>} : memref<64x32xf32, #tpu.memory_space<vmem>>, vector<1x16xf32>,
    %swap3A_619 = vector.shape_cast %swap3A_618 : vector<1x16xf32> to vector<16xf32>
    %swap3A_620 = vector.shape_cast %broadcast_in_dim3A_3 : vector<16xf32> to vector<1x16xf32>
    tpu.vector_store %arg7[%swap3A_616, %swap3A_617], %swap3A_620 {strides = array<i32>} : memref<64x32xf32, #tpu.memory_space<vmem>>, vector<1x16xf32>,
    %swap3A_621 = arith.constant 1 : i32
    %swap3A_622 = arith.index_cast %swap3A_621 : i32 to index
    %swap3A_623 = arith.constant 16 : index
    %swap3A_624 = tpu.vector_load %arg7[%swap3A_622, %swap3A_623] {strides = array<i32>} : memref<64x32xf32, #tpu.memory_space<vmem>>, vector<1x16xf32>,
    %swap3A_625 = vector.shape_cast %swap3A_624 : vector<1x16xf32> to vector<16xf32>
    %swap3A_626 = vector.shape_cast %broadcast_in_dim3A_3 : vector<16xf32> to vector<1x16xf32>
    tpu.vector_store %arg7[%swap3A_622, %swap3A_623], %swap3A_626 {strides = array<i32>} : memref<64x32xf32, #tpu.memory_space<vmem>>, vector<1x16xf32>,
    %swap3A_627 = arith.constant 2 : i32
    %swap3A_628 = arith.index_cast %swap3A_627 : i32 to index
    %swap3A_629 = arith.constant 0 : index
    %swap3A_630 = tpu.vector_load %arg7[%swap3A_628, %swap3A_629] {strides = array<i32>} : memref<64x32xf32, #tpu.memory_space<vmem>>, vector<1x16xf32>,
    %swap3A_631 = vector.shape_cast %swap3A_630 : vector<1x16xf32> to vector<16xf32>
    %swap3A_632 = vector.shape_cast %broadcast_in_dim3A_3 : vector<16xf32> to vector<1x16xf32>
    tpu.vector_store %arg7[%swap3A_628, %swap3A_629], %swap3A_632 {strides = array<i32>} : memref<64x32xf32, #tpu.memory_space<vmem>>, vector<1x16xf32>,
    %swap3A_633 = arith.constant 2 : i32
    %swap3A_634 = arith.index_cast %swap3A_633 : i32 to index
    %swap3A_635 = arith.constant 16 : index
    %swap3A_636 = tpu.vector_load %arg7[%swap3A_634, %swap3A_635] {strides = array<i32>} : memref<64x32xf32, #tpu.memory_space<vmem>>, vector<1x16xf32>,
    %swap3A_637 = vector.shape_cast %swap3A_636 : vector<1x16xf32> to vector<16xf32>
    %swap3A_638 = vector.shape_cast %broadcast_in_dim3A_3 : vector<16xf32> to vector<1x16xf32>
    tpu.vector_store %arg7[%swap3A_634, %swap3A_635], %swap3A_638 {strides = array<i32>} : memref<64x32xf32, #tpu.memory_space<vmem>>, vector<1x16xf32>,
    %swap3A_639 = arith.constant 3 : i32
    %swap3A_640 = arith.index_cast %swap3A_639 : i32 to index
    %swap3A_641 = arith.constant 0 : index
    %swap3A_642 = tpu.vector_load %arg7[%swap3A_640, %swap3A_641] {strides = array<i32>} : memref<64x32xf32, #tpu.memory_space<vmem>>, vector<1x16xf32>,
    %swap3A_643 = vector.shape_cast %swap3A_642 : vector<1x16xf32> to vector<16xf32>
    %swap3A_644 = vector.shape_cast %broadcast_in_dim3A_3 : vector<16xf32> to vector<1x16xf32>
    tpu.vector_store %arg7[%swap3A_640, %swap3A_641], %swap3A_644 {strides = array<i32>} : memref<64x32xf32, #tpu.memory_space<vmem>>, vector<1x16xf32>,
    %swap3A_645 = arith.constant 3 : i32
    %swap3A_646 = arith.index_cast %swap3A_645 : i32 to index
    %swap3A_647 = arith.constant 16 : index
    %swap3A_648 = tpu.vector_load %arg7[%swap3A_646, %swap3A_647] {strides = array<i32>} : memref<64x32xf32, #tpu.memory_space<vmem>>, vector<1x16xf32>,
    %swap3A_649 = vector.shape_cast %swap3A_648 : vector<1x16xf32> to vector<16xf32>
    %swap3A_650 = vector.shape_cast %broadcast_in_dim3A_3 : vector<16xf32> to vector<1x16xf32>
    tpu.vector_store %arg7[%swap3A_646, %swap3A_647], %swap3A_650 {strides = array<i32>} : memref<64x32xf32, #tpu.memory_space<vmem>>, vector<1x16xf32>,
    %swap3A_651 = arith.constant 4 : i32
    %swap3A_652 = arith.index_cast %swap3A_651 : i32 to index
    %swap3A_653 = arith.constant 0 : index
    %swap3A_654 = tpu.vector_load %arg7[%swap3A_652, %swap3A_653] {strides = array<i32>} : memref<64x32xf32, #tpu.memory_space<vmem>>, vector<1x16xf32>,
    %swap3A_655 = vector.shape_cast %swap3A_654 : vector<1x16xf32> to vector<16xf32>
    %swap3A_656 = vector.shape_cast %broadcast_in_dim3A_3 : vector<16xf32> to vector<1x16xf32>
    tpu.vector_store %arg7[%swap3A_652, %swap3A_653], %swap3A_656 {strides = array<i32>} : memref<64x32xf32, #tpu.memory_space<vmem>>, vector<1x16xf32>,
    %swap3A_657 = arith.constant 4 : i32
    %swap3A_658 = arith.index_cast %swap3A_657 : i32 to index
    %swap3A_659 = arith.constant 16 : index
    %swap3A_660 = tpu.vector_load %arg7[%swap3A_658, %swap3A_659] {strides = array<i32>} : memref<64x32xf32, #tpu.memory_space<vmem>>, vector<1x16xf32>,
    %swap3A_661 = vector.shape_cast %swap3A_660 : vector<1x16xf32> to vector<16xf32>
    %swap3A_662 = vector.shape_cast %broadcast_in_dim3A_3 : vector<16xf32> to vector<1x16xf32>
    tpu.vector_store %arg7[%swap3A_658, %swap3A_659], %swap3A_662 {strides = array<i32>} : memref<64x32xf32, #tpu.memory_space<vmem>>, vector<1x16xf32>,
    %swap3A_663 = arith.constant 5 : i32
    %swap3A_664 = arith.index_cast %swap3A_663 : i32 to index
    %swap3A_665 = arith.constant 0 : index
    %swap3A_666 = tpu.vector_load %arg7[%swap3A_664, %swap3A_665] {strides = array<i32>} : memref<64x32xf32, #tpu.memory_space<vmem>>, vector<1x16xf32>,
    %swap3A_667 = vector.shape_cast %swap3A_666 : vector<1x16xf32> to vector<16xf32>
    %swap3A_668 = vector.shape_cast %broadcast_in_dim3A_3 : vector<16xf32> to vector<1x16xf32>
    tpu.vector_store %arg7[%swap3A_664, %swap3A_665], %swap3A_668 {strides = array<i32>} : memref<64x32xf32, #tpu.memory_space<vmem>>, vector<1x16xf32>,
    %swap3A_669 = arith.constant 5 : i32
    %swap3A_670 = arith.index_cast %swap3A_669 : i32 to index
    %swap3A_671 = arith.constant 16 : index
    %swap3A_672 = tpu.vector_load %arg7[%swap3A_670, %swap3A_671] {strides = array<i32>} : memref<64x32xf32, #tpu.memory_space<vmem>>, vector<1x16xf32>,
    %swap3A_673 = vector.shape_cast %swap3A_672 : vector<1x16xf32> to vector<16xf32>
    %swap3A_674 = vector.shape_cast %broadcast_in_dim3A_3 : vector<16xf32> to vector<1x16xf32>
    tpu.vector_store %arg7[%swap3A_670, %swap3A_671], %swap3A_674 {strides = array<i32>} : memref<64x32xf32, #tpu.memory_space<vmem>>, vector<1x16xf32>,
    %swap3A_675 = arith.constant 6 : i32
    %swap3A_676 = arith.index_cast %swap3A_675 : i32 to index
    %swap3A_677 = arith.constant 0 : index
    %swap3A_678 = tpu.vector_load %arg7[%swap3A_676, %swap3A_677] {strides = array<i32>} : memref<64x32xf32, #tpu.memory_space<vmem>>, vector<1x16xf32>,
    %swap3A_679 = vector.shape_cast %swap3A_678 : vector<1x16xf32> to vector<16xf32>
    %swap3A_680 = vector.shape_cast %broadcast_in_dim3A_3 : vector<16xf32> to vector<1x16xf32>
    tpu.vector_store %arg7[%swap3A_676, %swap3A_677], %swap3A_680 {strides = array<i32>} : memref<64x32xf32, #tpu.memory_space<vmem>>, vector<1x16xf32>,
    %swap3A_681 = arith.constant 6 : i32
    %swap3A_682 = arith.index_cast %swap3A_681 : i32 to index
    %swap3A_683 = arith.constant 16 : index
    %swap3A_684 = tpu.vector_load %arg7[%swap3A_682, %swap3A_683] {strides = array<i32>} : memref<64x32xf32, #tpu.memory_space<vmem>>, vector<1x16xf32>,
    %swap3A_685 = vector.shape_cast %swap3A_684 : vector<1x16xf32> to vector<16xf32>
    %swap3A_686 = vector.shape_cast %broadcast_in_dim3A_3 : vector<16xf32> to vector<1x16xf32>
    tpu.vector_store %arg7[%swap3A_682, %swap3A_683], %swap3A_686 {strides = array<i32>} : memref<64x32xf32, #tpu.memory_space<vmem>>, vector<1x16xf32>,
    %swap3A_687 = arith.constant 7 : i32
    %swap3A_688 = arith.index_cast %swap3A_687 : i32 to index
    %swap3A_689 = arith.constant 0 : index
    %swap3A_690 = tpu.vector_load %arg7[%swap3A_688, %swap3A_689] {strides = array<i32>} : memref<64x32xf32, #tpu.memory_space<vmem>>, vector<1x16xf32>,
    %swap3A_691 = vector.shape_cast %swap3A_690 : vector<1x16xf32> to vector<16xf32>
    %swap3A_692 = vector.shape_cast %broadcast_in_dim3A_3 : vector<16xf32> to vector<1x16xf32>
    tpu.vector_store %arg7[%swap3A_688, %swap3A_689], %swap3A_692 {strides = array<i32>} : memref<64x32xf32, #tpu.memory_space<vmem>>, vector<1x16xf32>,
    %swap3A_693 = arith.constant 7 : i32
    %swap3A_694 = arith.index_cast %swap3A_693 : i32 to index
    %swap3A_695 = arith.constant 16 : index
    %swap3A_696 = tpu.vector_load %arg7[%swap3A_694, %swap3A_695] {strides = array<i32>} : memref<64x32xf32, #tpu.memory_space<vmem>>, vector<1x16xf32>,
    %swap3A_697 = vector.shape_cast %swap3A_696 : vector<1x16xf32> to vector<16xf32>
    %swap3A_698 = vector.shape_cast %broadcast_in_dim3A_3 : vector<16xf32> to vector<1x16xf32>
    tpu.vector_store %arg7[%swap3A_694, %swap3A_695], %swap3A_698 {strides = array<i32>} : memref<64x32xf32, #tpu.memory_space<vmem>>, vector<1x16xf32>,
    %swap3A_699 = arith.constant 8 : i32
    %swap3A_700 = arith.index_cast %swap3A_699 : i32 to index
    %swap3A_701 = arith.constant 0 : index
    %swap3A_702 = tpu.vector_load %arg7[%swap3A_700, %swap3A_701] {strides = array<i32>} : memref<64x32xf32, #tpu.memory_space<vmem>>, vector<1x16xf32>,
    %swap3A_703 = vector.shape_cast %swap3A_702 : vector<1x16xf32> to vector<16xf32>
    %swap3A_704 = vector.shape_cast %broadcast_in_dim3A_3 : vector<16xf32> to vector<1x16xf32>
    tpu.vector_store %arg7[%swap3A_700, %swap3A_701], %swap3A_704 {strides = array<i32>} : memref<64x32xf32, #tpu.memory_space<vmem>>, vector<1x16xf32>,
    %swap3A_705 = arith.constant 8 : i32
    %swap3A_706 = arith.index_cast %swap3A_705 : i32 to index
    %swap3A_707 = arith.constant 16 : index
    %swap3A_708 = tpu.vector_load %arg7[%swap3A_706, %swap3A_707] {strides = array<i32>} : memref<64x32xf32, #tpu.memory_space<vmem>>, vector<1x16xf32>,
    %swap3A_709 = vector.shape_cast %swap3A_708 : vector<1x16xf32> to vector<16xf32>
    %swap3A_710 = vector.shape_cast %broadcast_in_dim3A_3 : vector<16xf32> to vector<1x16xf32>
    tpu.vector_store %arg7[%swap3A_706, %swap3A_707], %swap3A_710 {strides = array<i32>} : memref<64x32xf32, #tpu.memory_space<vmem>>, vector<1x16xf32>,
    %swap3A_711 = arith.constant 9 : i32
    %swap3A_712 = arith.index_cast %swap3A_711 : i32 to index
    %swap3A_713 = arith.constant 0 : index
    %swap3A_714 = tpu.vector_load %arg7[%swap3A_712, %swap3A_713] {strides = array<i32>} : memref<64x32xf32, #tpu.memory_space<vmem>>, vector<1x16xf32>,
    %swap3A_715 = vector.shape_cast %swap3A_714 : vector<1x16xf32> to vector<16xf32>
    %swap3A_716 = vector.shape_cast %broadcast_in_dim3A_3 : vector<16xf32> to vector<1x16xf32>
    tpu.vector_store %arg7[%swap3A_712, %swap3A_713], %swap3A_716 {strides = array<i32>} : memref<64x32xf32, #tpu.memory_space<vmem>>, vector<1x16xf32>,
    %swap3A_717 = arith.constant 9 : i32
    %swap3A_718 = arith.index_cast %swap3A_717 : i32 to index
    %swap3A_719 = arith.constant 16 : index
    %swap3A_720 = tpu.vector_load %arg7[%swap3A_718, %swap3A_719] {strides = array<i32>} : memref<64x32xf32, #tpu.memory_space<vmem>>, vector<1x16xf32>,
    %swap3A_721 = vector.shape_cast %swap3A_720 : vector<1x16xf32> to vector<16xf32>
    %swap3A_722 = vector.shape_cast %broadcast_in_dim3A_3 : vector<16xf32> to vector<1x16xf32>
    tpu.vector_store %arg7[%swap3A_718, %swap3A_719], %swap3A_722 {strides = array<i32>} : memref<64x32xf32, #tpu.memory_space<vmem>>, vector<1x16xf32>,
    %swap3A_723 = arith.constant 10 : i32
    %swap3A_724 = arith.index_cast %swap3A_723 : i32 to index
    %swap3A_725 = arith.constant 0 : index
    %swap3A_726 = tpu.vector_load %arg7[%swap3A_724, %swap3A_725] {strides = array<i32>} : memref<64x32xf32, #tpu.memory_space<vmem>>, vector<1x16xf32>,
    %swap3A_727 = vector.shape_cast %swap3A_726 : vector<1x16xf32> to vector<16xf32>
    %swap3A_728 = vector.shape_cast %broadcast_in_dim3A_3 : vector<16xf32> to vector<1x16xf32>
    tpu.vector_store %arg7[%swap3A_724, %swap3A_725], %swap3A_728 {strides = array<i32>} : memref<64x32xf32, #tpu.memory_space<vmem>>, vector<1x16xf32>,
    %swap3A_729 = arith.constant 10 : i32
    %swap3A_730 = arith.index_cast %swap3A_729 : i32 to index
    %swap3A_731 = arith.constant 16 : index
    %swap3A_732 = tpu.vector_load %arg7[%swap3A_730, %swap3A_731] {strides = array<i32>} : memref<64x32xf32, #tpu.memory_space<vmem>>, vector<1x16xf32>,
    %swap3A_733 = vector.shape_cast %swap3A_732 : vector<1x16xf32> to vector<16xf32>
    %swap3A_734 = vector.shape_cast %broadcast_in_dim3A_3 : vector<16xf32> to vector<1x16xf32>
    tpu.vector_store %arg7[%swap3A_730, %swap3A_731], %swap3A_734 {strides = array<i32>} : memref<64x32xf32, #tpu.memory_space<vmem>>, vector<1x16xf32>,
    %swap3A_735 = arith.constant 11 : i32
    %swap3A_736 = arith.index_cast %swap3A_735 : i32 to index
    %swap3A_737 = arith.constant 0 : index
    %swap3A_738 = tpu.vector_load %arg7[%swap3A_736, %swap3A_737] {strides = array<i32>} : memref<64x32xf32, #tpu.memory_space<vmem>>, vector<1x16xf32>,
    %swap3A_739 = vector.shape_cast %swap3A_738 : vector<1x16xf32> to vector<16xf32>
    %swap3A_740 = vector.shape_cast %broadcast_in_dim3A_3 : vector<16xf32> to vector<1x16xf32>
    tpu.vector_store %arg7[%swap3A_736, %swap3A_737], %swap3A_740 {strides = array<i32>} : memref<64x32xf32, #tpu.memory_space<vmem>>, vector<1x16xf32>,
    %swap3A_741 = arith.constant 11 : i32
    %swap3A_742 = arith.index_cast %swap3A_741 : i32 to index
    %swap3A_743 = arith.constant 16 : index
    %swap3A_744 = tpu.vector_load %arg7[%swap3A_742, %swap3A_743] {strides = array<i32>} : memref<64x32xf32, #tpu.memory_space<vmem>>, vector<1x16xf32>,
    %swap3A_745 = vector.shape_cast %swap3A_744 : vector<1x16xf32> to vector<16xf32>
    %swap3A_746 = vector.shape_cast %broadcast_in_dim3A_3 : vector<16xf32> to vector<1x16xf32>
    tpu.vector_store %arg7[%swap3A_742, %swap3A_743], %swap3A_746 {strides = array<i32>} : memref<64x32xf32, #tpu.memory_space<vmem>>, vector<1x16xf32>,
    %swap3A_747 = arith.constant 12 : i32
    %swap3A_748 = arith.index_cast %swap3A_747 : i32 to index
    %swap3A_749 = arith.constant 0 : index
    %swap3A_750 = tpu.vector_load %arg7[%swap3A_748, %swap3A_749] {strides = array<i32>} : memref<64x32xf32, #tpu.memory_space<vmem>>, vector<1x16xf32>,
    %swap3A_751 = vector.shape_cast %swap3A_750 : vector<1x16xf32> to vector<16xf32>
    %swap3A_752 = vector.shape_cast %broadcast_in_dim3A_3 : vector<16xf32> to vector<1x16xf32>
    tpu.vector_store %arg7[%swap3A_748, %swap3A_749], %swap3A_752 {strides = array<i32>} : memref<64x32xf32, #tpu.memory_space<vmem>>, vector<1x16xf32>,
    %swap3A_753 = arith.constant 12 : i32
    %swap3A_754 = arith.index_cast %swap3A_753 : i32 to index
    %swap3A_755 = arith.constant 16 : index
    %swap3A_756 = tpu.vector_load %arg7[%swap3A_754, %swap3A_755] {strides = array<i32>} : memref<64x32xf32, #tpu.memory_space<vmem>>, vector<1x16xf32>,
    %swap3A_757 = vector.shape_cast %swap3A_756 : vector<1x16xf32> to vector<16xf32>
    %swap3A_758 = vector.shape_cast %broadcast_in_dim3A_3 : vector<16xf32> to vector<1x16xf32>
    tpu.vector_store %arg7[%swap3A_754, %swap3A_755], %swap3A_758 {strides = array<i32>} : memref<64x32xf32, #tpu.memory_space<vmem>>, vector<1x16xf32>,
    %swap3A_759 = arith.constant 13 : i32
    %swap3A_760 = arith.index_cast %swap3A_759 : i32 to index
    %swap3A_761 = arith.constant 0 : index
    %swap3A_762 = tpu.vector_load %arg7[%swap3A_760, %swap3A_761] {strides = array<i32>} : memref<64x32xf32, #tpu.memory_space<vmem>>, vector<1x16xf32>,
    %swap3A_763 = vector.shape_cast %swap3A_762 : vector<1x16xf32> to vector<16xf32>
    %swap3A_764 = vector.shape_cast %broadcast_in_dim3A_3 : vector<16xf32> to vector<1x16xf32>
    tpu.vector_store %arg7[%swap3A_760, %swap3A_761], %swap3A_764 {strides = array<i32>} : memref<64x32xf32, #tpu.memory_space<vmem>>, vector<1x16xf32>,
    %swap3A_765 = arith.constant 13 : i32
    %swap3A_766 = arith.index_cast %swap3A_765 : i32 to index
    %swap3A_767 = arith.constant 16 : index
    %swap3A_768 = tpu.vector_load %arg7[%swap3A_766, %swap3A_767] {strides = array<i32>} : memref<64x32xf32, #tpu.memory_space<vmem>>, vector<1x16xf32>,
    %swap3A_769 = vector.shape_cast %swap3A_768 : vector<1x16xf32> to vector<16xf32>
    %swap3A_770 = vector.shape_cast %broadcast_in_dim3A_3 : vector<16xf32> to vector<1x16xf32>
    tpu.vector_store %arg7[%swap3A_766, %swap3A_767], %swap3A_770 {strides = array<i32>} : memref<64x32xf32, #tpu.memory_space<vmem>>, vector<1x16xf32>,
    %swap3A_771 = arith.constant 14 : i32
    %swap3A_772 = arith.index_cast %swap3A_771 : i32 to index
    %swap3A_773 = arith.constant 0 : index
    %swap3A_774 = tpu.vector_load %arg7[%swap3A_772, %swap3A_773] {strides = array<i32>} : memref<64x32xf32, #tpu.memory_space<vmem>>, vector<1x16xf32>,
    %swap3A_775 = vector.shape_cast %swap3A_774 : vector<1x16xf32> to vector<16xf32>
    %swap3A_776 = vector.shape_cast %broadcast_in_dim3A_3 : vector<16xf32> to vector<1x16xf32>
    tpu.vector_store %arg7[%swap3A_772, %swap3A_773], %swap3A_776 {strides = array<i32>} : memref<64x32xf32, #tpu.memory_space<vmem>>, vector<1x16xf32>,
    %swap3A_777 = arith.constant 14 : i32
    %swap3A_778 = arith.index_cast %swap3A_777 : i32 to index
    %swap3A_779 = arith.constant 16 : index
    %swap3A_780 = tpu.vector_load %arg7[%swap3A_778, %swap3A_779] {strides = array<i32>} : memref<64x32xf32, #tpu.memory_space<vmem>>, vector<1x16xf32>,
    %swap3A_781 = vector.shape_cast %swap3A_780 : vector<1x16xf32> to vector<16xf32>
    %swap3A_782 = vector.shape_cast %broadcast_in_dim3A_3 : vector<16xf32> to vector<1x16xf32>
    tpu.vector_store %arg7[%swap3A_778, %swap3A_779], %swap3A_782 {strides = array<i32>} : memref<64x32xf32, #tpu.memory_space<vmem>>, vector<1x16xf32>,
    %swap3A_783 = arith.constant 15 : i32
    %swap3A_784 = arith.index_cast %swap3A_783 : i32 to index
    %swap3A_785 = arith.constant 0 : index
    %swap3A_786 = tpu.vector_load %arg7[%swap3A_784, %swap3A_785] {strides = array<i32>} : memref<64x32xf32, #tpu.memory_space<vmem>>, vector<1x16xf32>,
    %swap3A_787 = vector.shape_cast %swap3A_786 : vector<1x16xf32> to vector<16xf32>
    %swap3A_788 = vector.shape_cast %broadcast_in_dim3A_3 : vector<16xf32> to vector<1x16xf32>
    tpu.vector_store %arg7[%swap3A_784, %swap3A_785], %swap3A_788 {strides = array<i32>} : memref<64x32xf32, #tpu.memory_space<vmem>>, vector<1x16xf32>,
    %swap3A_789 = arith.constant 15 : i32
    %swap3A_790 = arith.index_cast %swap3A_789 : i32 to index
    %swap3A_791 = arith.constant 16 : index
    %swap3A_792 = tpu.vector_load %arg7[%swap3A_790, %swap3A_791] {strides = array<i32>} : memref<64x32xf32, #tpu.memory_space<vmem>>, vector<1x16xf32>,
    %swap3A_793 = vector.shape_cast %swap3A_792 : vector<1x16xf32> to vector<16xf32>
    %swap3A_794 = vector.shape_cast %broadcast_in_dim3A_3 : vector<16xf32> to vector<1x16xf32>
    tpu.vector_store %arg7[%swap3A_790, %swap3A_791], %swap3A_794 {strides = array<i32>} : memref<64x32xf32, #tpu.memory_space<vmem>>, vector<1x16xf32>,
    %swap3A_795 = arith.constant 16 : i32
    %swap3A_796 = arith.index_cast %swap3A_795 : i32 to index
    %swap3A_797 = arith.constant 0 : index
    %swap3A_798 = tpu.vector_load %arg7[%swap3A_796, %swap3A_797] {strides = array<i32>} : memref<64x32xf32, #tpu.memory_space<vmem>>, vector<1x16xf32>,
    %swap3A_799 = vector.shape_cast %swap3A_798 : vector<1x16xf32> to vector<16xf32>
    %swap3A_800 = vector.shape_cast %broadcast_in_dim3A_3 : vector<16xf32> to vector<1x16xf32>
    tpu.vector_store %arg7[%swap3A_796, %swap3A_797], %swap3A_800 {strides = array<i32>} : memref<64x32xf32, #tpu.memory_space<vmem>>, vector<1x16xf32>,
    %swap3A_801 = arith.constant 16 : i32
    %swap3A_802 = arith.index_cast %swap3A_801 : i32 to index
    %swap3A_803 = arith.constant 16 : index
    %swap3A_804 = tpu.vector_load %arg7[%swap3A_802, %swap3A_803] {strides = array<i32>} : memref<64x32xf32, #tpu.memory_space<vmem>>, vector<1x16xf32>,
    %swap3A_805 = vector.shape_cast %swap3A_804 : vector<1x16xf32> to vector<16xf32>
    %swap3A_806 = vector.shape_cast %broadcast_in_dim3A_3 : vector<16xf32> to vector<1x16xf32>
    tpu.vector_store %arg7[%swap3A_802, %swap3A_803], %swap3A_806 {strides = array<i32>} : memref<64x32xf32, #tpu.memory_space<vmem>>, vector<1x16xf32>,
    %swap3A_807 = arith.constant 17 : i32
    %swap3A_808 = arith.index_cast %swap3A_807 : i32 to index
    %swap3A_809 = arith.constant 0 : index
    %swap3A_810 = tpu.vector_load %arg7[%swap3A_808, %swap3A_809] {strides = array<i32>} : memref<64x32xf32, #tpu.memory_space<vmem>>, vector<1x16xf32>,
    %swap3A_811 = vector.shape_cast %swap3A_810 : vector<1x16xf32> to vector<16xf32>
    %swap3A_812 = vector.shape_cast %broadcast_in_dim3A_3 : vector<16xf32> to vector<1x16xf32>
    tpu.vector_store %arg7[%swap3A_808, %swap3A_809], %swap3A_812 {strides = array<i32>} : memref<64x32xf32, #tpu.memory_space<vmem>>, vector<1x16xf32>,
    %swap3A_813 = arith.constant 17 : i32
    %swap3A_814 = arith.index_cast %swap3A_813 : i32 to index
    %swap3A_815 = arith.constant 16 : index
    %swap3A_816 = tpu.vector_load %arg7[%swap3A_814, %swap3A_815] {strides = array<i32>} : memref<64x32xf32, #tpu.memory_space<vmem>>, vector<1x16xf32>,
    %swap3A_817 = vector.shape_cast %swap3A_816 : vector<1x16xf32> to vector<16xf32>
    %swap3A_818 = vector.shape_cast %broadcast_in_dim3A_3 : vector<16xf32> to vector<1x16xf32>
    tpu.vector_store %arg7[%swap3A_814, %swap3A_815], %swap3A_818 {strides = array<i32>} : memref<64x32xf32, #tpu.memory_space<vmem>>, vector<1x16xf32>,
    %swap3A_819 = arith.constant 18 : i32
    %swap3A_820 = arith.index_cast %swap3A_819 : i32 to index
    %swap3A_821 = arith.constant 0 : index
    %swap3A_822 = tpu.vector_load %arg7[%swap3A_820, %swap3A_821] {strides = array<i32>} : memref<64x32xf32, #tpu.memory_space<vmem>>, vector<1x16xf32>,
    %swap3A_823 = vector.shape_cast %swap3A_822 : vector<1x16xf32> to vector<16xf32>
    %swap3A_824 = vector.shape_cast %broadcast_in_dim3A_3 : vector<16xf32> to vector<1x16xf32>
    tpu.vector_store %arg7[%swap3A_820, %swap3A_821], %swap3A_824 {strides = array<i32>} : memref<64x32xf32, #tpu.memory_space<vmem>>, vector<1x16xf32>,
    %swap3A_825 = arith.constant 18 : i32
    %swap3A_826 = arith.index_cast %swap3A_825 : i32 to index
    %swap3A_827 = arith.constant 16 : index
    %swap3A_828 = tpu.vector_load %arg7[%swap3A_826, %swap3A_827] {strides = array<i32>} : memref<64x32xf32, #tpu.memory_space<vmem>>, vector<1x16xf32>,
    %swap3A_829 = vector.shape_cast %swap3A_828 : vector<1x16xf32> to vector<16xf32>
    %swap3A_830 = vector.shape_cast %broadcast_in_dim3A_3 : vector<16xf32> to vector<1x16xf32>
    tpu.vector_store %arg7[%swap3A_826, %swap3A_827], %swap3A_830 {strides = array<i32>} : memref<64x32xf32, #tpu.memory_space<vmem>>, vector<1x16xf32>,
    %swap3A_831 = arith.constant 19 : i32
    %swap3A_832 = arith.index_cast %swap3A_831 : i32 to index
    %swap3A_833 = arith.constant 0 : index
    %swap3A_834 = tpu.vector_load %arg7[%swap3A_832, %swap3A_833] {strides = array<i32>} : memref<64x32xf32, #tpu.memory_space<vmem>>, vector<1x16xf32>,
    %swap3A_835 = vector.shape_cast %swap3A_834 : vector<1x16xf32> to vector<16xf32>
    %swap3A_836 = vector.shape_cast %broadcast_in_dim3A_3 : vector<16xf32> to vector<1x16xf32>
    tpu.vector_store %arg7[%swap3A_832, %swap3A_833], %swap3A_836 {strides = array<i32>} : memref<64x32xf32, #tpu.memory_space<vmem>>, vector<1x16xf32>,
    %swap3A_837 = arith.constant 19 : i32
    %swap3A_838 = arith.index_cast %swap3A_837 : i32 to index
    %swap3A_839 = arith.constant 16 : index
    %swap3A_840 = tpu.vector_load %arg7[%swap3A_838, %swap3A_839] {strides = array<i32>} : memref<64x32xf32, #tpu.memory_space<vmem>>, vector<1x16xf32>,
    %swap3A_841 = vector.shape_cast %swap3A_840 : vector<1x16xf32> to vector<16xf32>
    %swap3A_842 = vector.shape_cast %broadcast_in_dim3A_3 : vector<16xf32> to vector<1x16xf32>
    tpu.vector_store %arg7[%swap3A_838, %swap3A_839], %swap3A_842 {strides = array<i32>} : memref<64x32xf32, #tpu.memory_space<vmem>>, vector<1x16xf32>,
    %swap3A_843 = arith.constant 20 : i32
    %swap3A_844 = arith.index_cast %swap3A_843 : i32 to index
    %swap3A_845 = arith.constant 0 : index
    %swap3A_846 = tpu.vector_load %arg7[%swap3A_844, %swap3A_845] {strides = array<i32>} : memref<64x32xf32, #tpu.memory_space<vmem>>, vector<1x16xf32>,
    %swap3A_847 = vector.shape_cast %swap3A_846 : vector<1x16xf32> to vector<16xf32>
    %swap3A_848 = vector.shape_cast %broadcast_in_dim3A_3 : vector<16xf32> to vector<1x16xf32>
    tpu.vector_store %arg7[%swap3A_844, %swap3A_845], %swap3A_848 {strides = array<i32>} : memref<64x32xf32, #tpu.memory_space<vmem>>, vector<1x16xf32>,
    %swap3A_849 = arith.constant 20 : i32
    %swap3A_850 = arith.index_cast %swap3A_849 : i32 to index
    %swap3A_851 = arith.constant 16 : index
    %swap3A_852 = tpu.vector_load %arg7[%swap3A_850, %swap3A_851] {strides = array<i32>} : memref<64x32xf32, #tpu.memory_space<vmem>>, vector<1x16xf32>,
    %swap3A_853 = vector.shape_cast %swap3A_852 : vector<1x16xf32> to vector<16xf32>
    %swap3A_854 = vector.shape_cast %broadcast_in_dim3A_3 : vector<16xf32> to vector<1x16xf32>
    tpu.vector_store %arg7[%swap3A_850, %swap3A_851], %swap3A_854 {strides = array<i32>} : memref<64x32xf32, #tpu.memory_space<vmem>>, vector<1x16xf32>,
    %swap3A_855 = arith.constant 21 : i32
    %swap3A_856 = arith.index_cast %swap3A_855 : i32 to index
    %swap3A_857 = arith.constant 0 : index
    %swap3A_858 = tpu.vector_load %arg7[%swap3A_856, %swap3A_857] {strides = array<i32>} : memref<64x32xf32, #tpu.memory_space<vmem>>, vector<1x16xf32>,
    %swap3A_859 = vector.shape_cast %swap3A_858 : vector<1x16xf32> to vector<16xf32>
    %swap3A_860 = vector.shape_cast %broadcast_in_dim3A_3 : vector<16xf32> to vector<1x16xf32>
    tpu.vector_store %arg7[%swap3A_856, %swap3A_857], %swap3A_860 {strides = array<i32>} : memref<64x32xf32, #tpu.memory_space<vmem>>, vector<1x16xf32>,
    %swap3A_861 = arith.constant 21 : i32
    %swap3A_862 = arith.index_cast %swap3A_861 : i32 to index
    %swap3A_863 = arith.constant 16 : index
    %swap3A_864 = tpu.vector_load %arg7[%swap3A_862, %swap3A_863] {strides = array<i32>} : memref<64x32xf32, #tpu.memory_space<vmem>>, vector<1x16xf32>,
    %swap3A_865 = vector.shape_cast %swap3A_864 : vector<1x16xf32> to vector<16xf32>
    %swap3A_866 = vector.shape_cast %broadcast_in_dim3A_3 : vector<16xf32> to vector<1x16xf32>
    tpu.vector_store %arg7[%swap3A_862, %swap3A_863], %swap3A_866 {strides = array<i32>} : memref<64x32xf32, #tpu.memory_space<vmem>>, vector<1x16xf32>,
    %swap3A_867 = arith.constant 22 : i32
    %swap3A_868 = arith.index_cast %swap3A_867 : i32 to index
    %swap3A_869 = arith.constant 0 : index
    %swap3A_870 = tpu.vector_load %arg7[%swap3A_868, %swap3A_869] {strides = array<i32>} : memref<64x32xf32, #tpu.memory_space<vmem>>, vector<1x16xf32>,
    %swap3A_871 = vector.shape_cast %swap3A_870 : vector<1x16xf32> to vector<16xf32>
    %swap3A_872 = vector.shape_cast %broadcast_in_dim3A_3 : vector<16xf32> to vector<1x16xf32>
    tpu.vector_store %arg7[%swap3A_868, %swap3A_869], %swap3A_872 {strides = array<i32>} : memref<64x32xf32, #tpu.memory_space<vmem>>, vector<1x16xf32>,
    %swap3A_873 = arith.constant 22 : i32
    %swap3A_874 = arith.index_cast %swap3A_873 : i32 to index
    %swap3A_875 = arith.constant 16 : index
    %swap3A_876 = tpu.vector_load %arg7[%swap3A_874, %swap3A_875] {strides = array<i32>} : memref<64x32xf32, #tpu.memory_space<vmem>>, vector<1x16xf32>,
    %swap3A_877 = vector.shape_cast %swap3A_876 : vector<1x16xf32> to vector<16xf32>
    %swap3A_878 = vector.shape_cast %broadcast_in_dim3A_3 : vector<16xf32> to vector<1x16xf32>
    tpu.vector_store %arg7[%swap3A_874, %swap3A_875], %swap3A_878 {strides = array<i32>} : memref<64x32xf32, #tpu.memory_space<vmem>>, vector<1x16xf32>,
    %swap3A_879 = arith.constant 23 : i32
    %swap3A_880 = arith.index_cast %swap3A_879 : i32 to index
    %swap3A_881 = arith.constant 0 : index
    %swap3A_882 = tpu.vector_load %arg7[%swap3A_880, %swap3A_881] {strides = array<i32>} : memref<64x32xf32, #tpu.memory_space<vmem>>, vector<1x16xf32>,
    %swap3A_883 = vector.shape_cast %swap3A_882 : vector<1x16xf32> to vector<16xf32>
    %swap3A_884 = vector.shape_cast %broadcast_in_dim3A_3 : vector<16xf32> to vector<1x16xf32>
    tpu.vector_store %arg7[%swap3A_880, %swap3A_881], %swap3A_884 {strides = array<i32>} : memref<64x32xf32, #tpu.memory_space<vmem>>, vector<1x16xf32>,
    %swap3A_885 = arith.constant 23 : i32
    %swap3A_886 = arith.index_cast %swap3A_885 : i32 to index
    %swap3A_887 = arith.constant 16 : index
    %swap3A_888 = tpu.vector_load %arg7[%swap3A_886, %swap3A_887] {strides = array<i32>} : memref<64x32xf32, #tpu.memory_space<vmem>>, vector<1x16xf32>,
    %swap3A_889 = vector.shape_cast %swap3A_888 : vector<1x16xf32> to vector<16xf32>
    %swap3A_890 = vector.shape_cast %broadcast_in_dim3A_3 : vector<16xf32> to vector<1x16xf32>
    tpu.vector_store %arg7[%swap3A_886, %swap3A_887], %swap3A_890 {strides = array<i32>} : memref<64x32xf32, #tpu.memory_space<vmem>>, vector<1x16xf32>,
    %swap3A_891 = arith.constant 24 : i32
    %swap3A_892 = arith.index_cast %swap3A_891 : i32 to index
    %swap3A_893 = arith.constant 0 : index
    %swap3A_894 = tpu.vector_load %arg7[%swap3A_892, %swap3A_893] {strides = array<i32>} : memref<64x32xf32, #tpu.memory_space<vmem>>, vector<1x16xf32>,
    %swap3A_895 = vector.shape_cast %swap3A_894 : vector<1x16xf32> to vector<16xf32>
    %swap3A_896 = vector.shape_cast %broadcast_in_dim3A_3 : vector<16xf32> to vector<1x16xf32>
    tpu.vector_store %arg7[%swap3A_892, %swap3A_893], %swap3A_896 {strides = array<i32>} : memref<64x32xf32, #tpu.memory_space<vmem>>, vector<1x16xf32>,
    %swap3A_897 = arith.constant 24 : i32
    %swap3A_898 = arith.index_cast %swap3A_897 : i32 to index
    %swap3A_899 = arith.constant 16 : index
    %swap3A_900 = tpu.vector_load %arg7[%swap3A_898, %swap3A_899] {strides = array<i32>} : memref<64x32xf32, #tpu.memory_space<vmem>>, vector<1x16xf32>,
    %swap3A_901 = vector.shape_cast %swap3A_900 : vector<1x16xf32> to vector<16xf32>
    %swap3A_902 = vector.shape_cast %broadcast_in_dim3A_3 : vector<16xf32> to vector<1x16xf32>
    tpu.vector_store %arg7[%swap3A_898, %swap3A_899], %swap3A_902 {strides = array<i32>} : memref<64x32xf32, #tpu.memory_space<vmem>>, vector<1x16xf32>,
    %swap3A_903 = arith.constant 25 : i32
    %swap3A_904 = arith.index_cast %swap3A_903 : i32 to index
    %swap3A_905 = arith.constant 0 : index
    %swap3A_906 = tpu.vector_load %arg7[%swap3A_904, %swap3A_905] {strides = array<i32>} : memref<64x32xf32, #tpu.memory_space<vmem>>, vector<1x16xf32>,
    %swap3A_907 = vector.shape_cast %swap3A_906 : vector<1x16xf32> to vector<16xf32>
    %swap3A_908 = vector.shape_cast %broadcast_in_dim3A_3 : vector<16xf32> to vector<1x16xf32>
    tpu.vector_store %arg7[%swap3A_904, %swap3A_905], %swap3A_908 {strides = array<i32>} : memref<64x32xf32, #tpu.memory_space<vmem>>, vector<1x16xf32>,
    %swap3A_909 = arith.constant 25 : i32
    %swap3A_910 = arith.index_cast %swap3A_909 : i32 to index
    %swap3A_911 = arith.constant 16 : index
    %swap3A_912 = tpu.vector_load %arg7[%swap3A_910, %swap3A_911] {strides = array<i32>} : memref<64x32xf32, #tpu.memory_space<vmem>>, vector<1x16xf32>,
    %swap3A_913 = vector.shape_cast %swap3A_912 : vector<1x16xf32> to vector<16xf32>
    %swap3A_914 = vector.shape_cast %broadcast_in_dim3A_3 : vector<16xf32> to vector<1x16xf32>
    tpu.vector_store %arg7[%swap3A_910, %swap3A_911], %swap3A_914 {strides = array<i32>} : memref<64x32xf32, #tpu.memory_space<vmem>>, vector<1x16xf32>,
    %swap3A_915 = arith.constant 26 : i32
    %swap3A_916 = arith.index_cast %swap3A_915 : i32 to index
    %swap3A_917 = arith.constant 0 : index
    %swap3A_918 = tpu.vector_load %arg7[%swap3A_916, %swap3A_917] {strides = array<i32>} : memref<64x32xf32, #tpu.memory_space<vmem>>, vector<1x16xf32>,
    %swap3A_919 = vector.shape_cast %swap3A_918 : vector<1x16xf32> to vector<16xf32>
    %swap3A_920 = vector.shape_cast %broadcast_in_dim3A_3 : vector<16xf32> to vector<1x16xf32>
    tpu.vector_store %arg7[%swap3A_916, %swap3A_917], %swap3A_920 {strides = array<i32>} : memref<64x32xf32, #tpu.memory_space<vmem>>, vector<1x16xf32>,
    %swap3A_921 = arith.constant 26 : i32
    %swap3A_922 = arith.index_cast %swap3A_921 : i32 to index
    %swap3A_923 = arith.constant 16 : index
    %swap3A_924 = tpu.vector_load %arg7[%swap3A_922, %swap3A_923] {strides = array<i32>} : memref<64x32xf32, #tpu.memory_space<vmem>>, vector<1x16xf32>,
    %swap3A_925 = vector.shape_cast %swap3A_924 : vector<1x16xf32> to vector<16xf32>
    %swap3A_926 = vector.shape_cast %broadcast_in_dim3A_3 : vector<16xf32> to vector<1x16xf32>
    tpu.vector_store %arg7[%swap3A_922, %swap3A_923], %swap3A_926 {strides = array<i32>} : memref<64x32xf32, #tpu.memory_space<vmem>>, vector<1x16xf32>,
    %swap3A_927 = arith.constant 27 : i32
    %swap3A_928 = arith.index_cast %swap3A_927 : i32 to index
    %swap3A_929 = arith.constant 0 : index
    %swap3A_930 = tpu.vector_load %arg7[%swap3A_928, %swap3A_929] {strides = array<i32>} : memref<64x32xf32, #tpu.memory_space<vmem>>, vector<1x16xf32>,
    %swap3A_931 = vector.shape_cast %swap3A_930 : vector<1x16xf32> to vector<16xf32>
    %swap3A_932 = vector.shape_cast %broadcast_in_dim3A_3 : vector<16xf32> to vector<1x16xf32>
    tpu.vector_store %arg7[%swap3A_928, %swap3A_929], %swap3A_932 {strides = array<i32>} : memref<64x32xf32, #tpu.memory_space<vmem>>, vector<1x16xf32>,
    %swap3A_933 = arith.constant 27 : i32
    %swap3A_934 = arith.index_cast %swap3A_933 : i32 to index
    %swap3A_935 = arith.constant 16 : index
    %swap3A_936 = tpu.vector_load %arg7[%swap3A_934, %swap3A_935] {strides = array<i32>} : memref<64x32xf32, #tpu.memory_space<vmem>>, vector<1x16xf32>,
    %swap3A_937 = vector.shape_cast %swap3A_936 : vector<1x16xf32> to vector<16xf32>
    %swap3A_938 = vector.shape_cast %broadcast_in_dim3A_3 : vector<16xf32> to vector<1x16xf32>
    tpu.vector_store %arg7[%swap3A_934, %swap3A_935], %swap3A_938 {strides = array<i32>} : memref<64x32xf32, #tpu.memory_space<vmem>>, vector<1x16xf32>,
    %swap3A_939 = arith.constant 28 : i32
    %swap3A_940 = arith.index_cast %swap3A_939 : i32 to index
    %swap3A_941 = arith.constant 0 : index
    %swap3A_942 = tpu.vector_load %arg7[%swap3A_940, %swap3A_941] {strides = array<i32>} : memref<64x32xf32, #tpu.memory_space<vmem>>, vector<1x16xf32>,
    %swap3A_943 = vector.shape_cast %swap3A_942 : vector<1x16xf32> to vector<16xf32>
    %swap3A_944 = vector.shape_cast %broadcast_in_dim3A_3 : vector<16xf32> to vector<1x16xf32>
    tpu.vector_store %arg7[%swap3A_940, %swap3A_941], %swap3A_944 {strides = array<i32>} : memref<64x32xf32, #tpu.memory_space<vmem>>, vector<1x16xf32>,
    %swap3A_945 = arith.constant 28 : i32
    %swap3A_946 = arith.index_cast %swap3A_945 : i32 to index
    %swap3A_947 = arith.constant 16 : index
    %swap3A_948 = tpu.vector_load %arg7[%swap3A_946, %swap3A_947] {strides = array<i32>} : memref<64x32xf32, #tpu.memory_space<vmem>>, vector<1x16xf32>,
    %swap3A_949 = vector.shape_cast %swap3A_948 : vector<1x16xf32> to vector<16xf32>
    %swap3A_950 = vector.shape_cast %broadcast_in_dim3A_3 : vector<16xf32> to vector<1x16xf32>
    tpu.vector_store %arg7[%swap3A_946, %swap3A_947], %swap3A_950 {strides = array<i32>} : memref<64x32xf32, #tpu.memory_space<vmem>>, vector<1x16xf32>,
    %swap3A_951 = arith.constant 29 : i32
    %swap3A_952 = arith.index_cast %swap3A_951 : i32 to index
    %swap3A_953 = arith.constant 0 : index
    %swap3A_954 = tpu.vector_load %arg7[%swap3A_952, %swap3A_953] {strides = array<i32>} : memref<64x32xf32, #tpu.memory_space<vmem>>, vector<1x16xf32>,
    %swap3A_955 = vector.shape_cast %swap3A_954 : vector<1x16xf32> to vector<16xf32>
    %swap3A_956 = vector.shape_cast %broadcast_in_dim3A_3 : vector<16xf32> to vector<1x16xf32>
    tpu.vector_store %arg7[%swap3A_952, %swap3A_953], %swap3A_956 {strides = array<i32>} : memref<64x32xf32, #tpu.memory_space<vmem>>, vector<1x16xf32>,
    %swap3A_957 = arith.constant 29 : i32
    %swap3A_958 = arith.index_cast %swap3A_957 : i32 to index
    %swap3A_959 = arith.constant 16 : index
    %swap3A_960 = tpu.vector_load %arg7[%swap3A_958, %swap3A_959] {strides = array<i32>} : memref<64x32xf32, #tpu.memory_space<vmem>>, vector<1x16xf32>,
    %swap3A_961 = vector.shape_cast %swap3A_960 : vector<1x16xf32> to vector<16xf32>
    %swap3A_962 = vector.shape_cast %broadcast_in_dim3A_3 : vector<16xf32> to vector<1x16xf32>
    tpu.vector_store %arg7[%swap3A_958, %swap3A_959], %swap3A_962 {strides = array<i32>} : memref<64x32xf32, #tpu.memory_space<vmem>>, vector<1x16xf32>,
    %swap3A_963 = arith.constant 30 : i32
    %swap3A_964 = arith.index_cast %swap3A_963 : i32 to index
    %swap3A_965 = arith.constant 0 : index
    %swap3A_966 = tpu.vector_load %arg7[%swap3A_964, %swap3A_965] {strides = array<i32>} : memref<64x32xf32, #tpu.memory_space<vmem>>, vector<1x16xf32>,
    %swap3A_967 = vector.shape_cast %swap3A_966 : vector<1x16xf32> to vector<16xf32>
    %swap3A_968 = vector.shape_cast %broadcast_in_dim3A_3 : vector<16xf32> to vector<1x16xf32>
    tpu.vector_store %arg7[%swap3A_964, %swap3A_965], %swap3A_968 {strides = array<i32>} : memref<64x32xf32, #tpu.memory_space<vmem>>, vector<1x16xf32>,
    %swap3A_969 = arith.constant 30 : i32
    %swap3A_970 = arith.index_cast %swap3A_969 : i32 to index
    %swap3A_971 = arith.constant 16 : index
    %swap3A_972 = tpu.vector_load %arg7[%swap3A_970, %swap3A_971] {strides = array<i32>} : memref<64x32xf32, #tpu.memory_space<vmem>>, vector<1x16xf32>,
    %swap3A_973 = vector.shape_cast %swap3A_972 : vector<1x16xf32> to vector<16xf32>
    %swap3A_974 = vector.shape_cast %broadcast_in_dim3A_3 : vector<16xf32> to vector<1x16xf32>
    tpu.vector_store %arg7[%swap3A_970, %swap3A_971], %swap3A_974 {strides = array<i32>} : memref<64x32xf32, #tpu.memory_space<vmem>>, vector<1x16xf32>,
    %swap3A_975 = arith.constant 31 : i32
    %swap3A_976 = arith.index_cast %swap3A_975 : i32 to index
    %swap3A_977 = arith.constant 0 : index
    %swap3A_978 = tpu.vector_load %arg7[%swap3A_976, %swap3A_977] {strides = array<i32>} : memref<64x32xf32, #tpu.memory_space<vmem>>, vector<1x16xf32>,
    %swap3A_979 = vector.shape_cast %swap3A_978 : vector<1x16xf32> to vector<16xf32>
    %swap3A_980 = vector.shape_cast %broadcast_in_dim3A_3 : vector<16xf32> to vector<1x16xf32>
    tpu.vector_store %arg7[%swap3A_976, %swap3A_977], %swap3A_980 {strides = array<i32>} : memref<64x32xf32, #tpu.memory_space<vmem>>, vector<1x16xf32>,
    %swap3A_981 = arith.constant 31 : i32
    %swap3A_982 = arith.index_cast %swap3A_981 : i32 to index
    %swap3A_983 = arith.constant 16 : index
    %swap3A_984 = tpu.vector_load %arg7[%swap3A_982, %swap3A_983] {strides = array<i32>} : memref<64x32xf32, #tpu.memory_space<vmem>>, vector<1x16xf32>,
    %swap3A_985 = vector.shape_cast %swap3A_984 : vector<1x16xf32> to vector<16xf32>
    %swap3A_986 = vector.shape_cast %broadcast_in_dim3A_3 : vector<16xf32> to vector<1x16xf32>
    tpu.vector_store %arg7[%swap3A_982, %swap3A_983], %swap3A_986 {strides = array<i32>} : memref<64x32xf32, #tpu.memory_space<vmem>>, vector<1x16xf32>,
    %swap3A_987 = arith.constant 32 : i32
    %swap3A_988 = arith.index_cast %swap3A_987 : i32 to index
    %swap3A_989 = arith.constant 0 : index
    %swap3A_990 = tpu.vector_load %arg7[%swap3A_988, %swap3A_989] {strides = array<i32>} : memref<64x32xf32, #tpu.memory_space<vmem>>, vector<1x16xf32>,
    %swap3A_991 = vector.shape_cast %swap3A_990 : vector<1x16xf32> to vector<16xf32>
    %swap3A_992 = vector.shape_cast %broadcast_in_dim3A_3 : vector<16xf32> to vector<1x16xf32>
    tpu.vector_store %arg7[%swap3A_988, %swap3A_989], %swap3A_992 {strides = array<i32>} : memref<64x32xf32, #tpu.memory_space<vmem>>, vector<1x16xf32>,
    %swap3A_993 = arith.constant 32 : i32
    %swap3A_994 = arith.index_cast %swap3A_993 : i32 to index
    %swap3A_995 = arith.constant 16 : index
    %swap3A_996 = tpu.vector_load %arg7[%swap3A_994, %swap3A_995] {strides = array<i32>} : memref<64x32xf32, #tpu.memory_space<vmem>>, vector<1x16xf32>,
    %swap3A_997 = vector.shape_cast %swap3A_996 : vector<1x16xf32> to vector<16xf32>
    %swap3A_998 = vector.shape_cast %broadcast_in_dim3A_3 : vector<16xf32> to vector<1x16xf32>
    tpu.vector_store %arg7[%swap3A_994, %swap3A_995], %swap3A_998 {strides = array<i32>} : memref<64x32xf32, #tpu.memory_space<vmem>>, vector<1x16xf32>,
    %swap3A_999 = arith.constant 33 : i32
    %swap3A_1000 = arith.index_cast %swap3A_999 : i32 to index
    %swap3A_1001 = arith.constant 0 : index
    %swap3A_1002 = tpu.vector_load %arg7[%swap3A_1000, %swap3A_1001] {strides = array<i32>} : memref<64x32xf32, #tpu.memory_space<vmem>>, vector<1x16xf32>,
    %swap3A_1003 = vector.shape_cast %swap3A_1002 : vector<1x16xf32> to vector<16xf32>
    %swap3A_1004 = vector.shape_cast %broadcast_in_dim3A_3 : vector<16xf32> to vector<1x16xf32>
    tpu.vector_store %arg7[%swap3A_1000, %swap3A_1001], %swap3A_1004 {strides = array<i32>} : memref<64x32xf32, #tpu.memory_space<vmem>>, vector<1x16xf32>,
    %swap3A_1005 = arith.constant 33 : i32
    %swap3A_1006 = arith.index_cast %swap3A_1005 : i32 to index
    %swap3A_1007 = arith.constant 16 : index
    %swap3A_1008 = tpu.vector_load %arg7[%swap3A_1006, %swap3A_1007] {strides = array<i32>} : memref<64x32xf32, #tpu.memory_space<vmem>>, vector<1x16xf32>,
    %swap3A_1009 = vector.shape_cast %swap3A_1008 : vector<1x16xf32> to vector<16xf32>
    %swap3A_1010 = vector.shape_cast %broadcast_in_dim3A_3 : vector<16xf32> to vector<1x16xf32>
    tpu.vector_store %arg7[%swap3A_1006, %swap3A_1007], %swap3A_1010 {strides = array<i32>} : memref<64x32xf32, #tpu.memory_space<vmem>>, vector<1x16xf32>,
    %swap3A_1011 = arith.constant 34 : i32
    %swap3A_1012 = arith.index_cast %swap3A_1011 : i32 to index
    %swap3A_1013 = arith.constant 0 : index
    %swap3A_1014 = tpu.vector_load %arg7[%swap3A_1012, %swap3A_1013] {strides = array<i32>} : memref<64x32xf32, #tpu.memory_space<vmem>>, vector<1x16xf32>,
    %swap3A_1015 = vector.shape_cast %swap3A_1014 : vector<1x16xf32> to vector<16xf32>
    %swap3A_1016 = vector.shape_cast %broadcast_in_dim3A_3 : vector<16xf32> to vector<1x16xf32>
    tpu.vector_store %arg7[%swap3A_1012, %swap3A_1013], %swap3A_1016 {strides = array<i32>} : memref<64x32xf32, #tpu.memory_space<vmem>>, vector<1x16xf32>,
    %swap3A_1017 = arith.constant 34 : i32
    %swap3A_1018 = arith.index_cast %swap3A_1017 : i32 to index
    %swap3A_1019 = arith.constant 16 : index
    %swap3A_1020 = tpu.vector_load %arg7[%swap3A_1018, %swap3A_1019] {strides = array<i32>} : memref<64x32xf32, #tpu.memory_space<vmem>>, vector<1x16xf32>,
    %swap3A_1021 = vector.shape_cast %swap3A_1020 : vector<1x16xf32> to vector<16xf32>
    %swap3A_1022 = vector.shape_cast %broadcast_in_dim3A_3 : vector<16xf32> to vector<1x16xf32>
    tpu.vector_store %arg7[%swap3A_1018, %swap3A_1019], %swap3A_1022 {strides = array<i32>} : memref<64x32xf32, #tpu.memory_space<vmem>>, vector<1x16xf32>,
    %swap3A_1023 = arith.constant 35 : i32
    %swap3A_1024 = arith.index_cast %swap3A_1023 : i32 to index
    %swap3A_1025 = arith.constant 0 : index
    %swap3A_1026 = tpu.vector_load %arg7[%swap3A_1024, %swap3A_1025] {strides = array<i32>} : memref<64x32xf32, #tpu.memory_space<vmem>>, vector<1x16xf32>,
    %swap3A_1027 = vector.shape_cast %swap3A_1026 : vector<1x16xf32> to vector<16xf32>
    %swap3A_1028 = vector.shape_cast %broadcast_in_dim3A_3 : vector<16xf32> to vector<1x16xf32>
    tpu.vector_store %arg7[%swap3A_1024, %swap3A_1025], %swap3A_1028 {strides = array<i32>} : memref<64x32xf32, #tpu.memory_space<vmem>>, vector<1x16xf32>,
    %swap3A_1029 = arith.constant 35 : i32
    %swap3A_1030 = arith.index_cast %swap3A_1029 : i32 to index
    %swap3A_1031 = arith.constant 16 : index
    %swap3A_1032 = tpu.vector_load %arg7[%swap3A_1030, %swap3A_1031] {strides = array<i32>} : memref<64x32xf32, #tpu.memory_space<vmem>>, vector<1x16xf32>,
    %swap3A_1033 = vector.shape_cast %swap3A_1032 : vector<1x16xf32> to vector<16xf32>
    %swap3A_1034 = vector.shape_cast %broadcast_in_dim3A_3 : vector<16xf32> to vector<1x16xf32>
    tpu.vector_store %arg7[%swap3A_1030, %swap3A_1031], %swap3A_1034 {strides = array<i32>} : memref<64x32xf32, #tpu.memory_space<vmem>>, vector<1x16xf32>,
    %swap3A_1035 = arith.constant 36 : i32
    %swap3A_1036 = arith.index_cast %swap3A_1035 : i32 to index
    %swap3A_1037 = arith.constant 0 : index
    %swap3A_1038 = tpu.vector_load %arg7[%swap3A_1036, %swap3A_1037] {strides = array<i32>} : memref<64x32xf32, #tpu.memory_space<vmem>>, vector<1x16xf32>,
    %swap3A_1039 = vector.shape_cast %swap3A_1038 : vector<1x16xf32> to vector<16xf32>
    %swap3A_1040 = vector.shape_cast %broadcast_in_dim3A_3 : vector<16xf32> to vector<1x16xf32>
    tpu.vector_store %arg7[%swap3A_1036, %swap3A_1037], %swap3A_1040 {strides = array<i32>} : memref<64x32xf32, #tpu.memory_space<vmem>>, vector<1x16xf32>,
    %swap3A_1041 = arith.constant 36 : i32
    %swap3A_1042 = arith.index_cast %swap3A_1041 : i32 to index
    %swap3A_1043 = arith.constant 16 : index
    %swap3A_1044 = tpu.vector_load %arg7[%swap3A_1042, %swap3A_1043] {strides = array<i32>} : memref<64x32xf32, #tpu.memory_space<vmem>>, vector<1x16xf32>,
    %swap3A_1045 = vector.shape_cast %swap3A_1044 : vector<1x16xf32> to vector<16xf32>
    %swap3A_1046 = vector.shape_cast %broadcast_in_dim3A_3 : vector<16xf32> to vector<1x16xf32>
    tpu.vector_store %arg7[%swap3A_1042, %swap3A_1043], %swap3A_1046 {strides = array<i32>} : memref<64x32xf32, #tpu.memory_space<vmem>>, vector<1x16xf32>,
    %swap3A_1047 = arith.constant 37 : i32
    %swap3A_1048 = arith.index_cast %swap3A_1047 : i32 to index
    %swap3A_1049 = arith.constant 0 : index
    %swap3A_1050 = tpu.vector_load %arg7[%swap3A_1048, %swap3A_1049] {strides = array<i32>} : memref<64x32xf32, #tpu.memory_space<vmem>>, vector<1x16xf32>,
    %swap3A_1051 = vector.shape_cast %swap3A_1050 : vector<1x16xf32> to vector<16xf32>
    %swap3A_1052 = vector.shape_cast %broadcast_in_dim3A_3 : vector<16xf32> to vector<1x16xf32>
    tpu.vector_store %arg7[%swap3A_1048, %swap3A_1049], %swap3A_1052 {strides = array<i32>} : memref<64x32xf32, #tpu.memory_space<vmem>>, vector<1x16xf32>,
    %swap3A_1053 = arith.constant 37 : i32
    %swap3A_1054 = arith.index_cast %swap3A_1053 : i32 to index
    %swap3A_1055 = arith.constant 16 : index
    %swap3A_1056 = tpu.vector_load %arg7[%swap3A_1054, %swap3A_1055] {strides = array<i32>} : memref<64x32xf32, #tpu.memory_space<vmem>>, vector<1x16xf32>,
    %swap3A_1057 = vector.shape_cast %swap3A_1056 : vector<1x16xf32> to vector<16xf32>
    %swap3A_1058 = vector.shape_cast %broadcast_in_dim3A_3 : vector<16xf32> to vector<1x16xf32>
    tpu.vector_store %arg7[%swap3A_1054, %swap3A_1055], %swap3A_1058 {strides = array<i32>} : memref<64x32xf32, #tpu.memory_space<vmem>>, vector<1x16xf32>,
    %swap3A_1059 = arith.constant 38 : i32
    %swap3A_1060 = arith.index_cast %swap3A_1059 : i32 to index
    %swap3A_1061 = arith.constant 0 : index
    %swap3A_1062 = tpu.vector_load %arg7[%swap3A_1060, %swap3A_1061] {strides = array<i32>} : memref<64x32xf32, #tpu.memory_space<vmem>>, vector<1x16xf32>,
    %swap3A_1063 = vector.shape_cast %swap3A_1062 : vector<1x16xf32> to vector<16xf32>
    %swap3A_1064 = vector.shape_cast %broadcast_in_dim3A_3 : vector<16xf32> to vector<1x16xf32>
    tpu.vector_store %arg7[%swap3A_1060, %swap3A_1061], %swap3A_1064 {strides = array<i32>} : memref<64x32xf32, #tpu.memory_space<vmem>>, vector<1x16xf32>,
    %swap3A_1065 = arith.constant 38 : i32
    %swap3A_1066 = arith.index_cast %swap3A_1065 : i32 to index
    %swap3A_1067 = arith.constant 16 : index
    %swap3A_1068 = tpu.vector_load %arg7[%swap3A_1066, %swap3A_1067] {strides = array<i32>} : memref<64x32xf32, #tpu.memory_space<vmem>>, vector<1x16xf32>,
    %swap3A_1069 = vector.shape_cast %swap3A_1068 : vector<1x16xf32> to vector<16xf32>
    %swap3A_1070 = vector.shape_cast %broadcast_in_dim3A_3 : vector<16xf32> to vector<1x16xf32>
    tpu.vector_store %arg7[%swap3A_1066, %swap3A_1067], %swap3A_1070 {strides = array<i32>} : memref<64x32xf32, #tpu.memory_space<vmem>>, vector<1x16xf32>,
    %swap3A_1071 = arith.constant 39 : i32
    %swap3A_1072 = arith.index_cast %swap3A_1071 : i32 to index
    %swap3A_1073 = arith.constant 0 : index
    %swap3A_1074 = tpu.vector_load %arg7[%swap3A_1072, %swap3A_1073] {strides = array<i32>} : memref<64x32xf32, #tpu.memory_space<vmem>>, vector<1x16xf32>,
    %swap3A_1075 = vector.shape_cast %swap3A_1074 : vector<1x16xf32> to vector<16xf32>
    %swap3A_1076 = vector.shape_cast %broadcast_in_dim3A_3 : vector<16xf32> to vector<1x16xf32>
    tpu.vector_store %arg7[%swap3A_1072, %swap3A_1073], %swap3A_1076 {strides = array<i32>} : memref<64x32xf32, #tpu.memory_space<vmem>>, vector<1x16xf32>,
    %swap3A_1077 = arith.constant 39 : i32
    %swap3A_1078 = arith.index_cast %swap3A_1077 : i32 to index
    %swap3A_1079 = arith.constant 16 : index
    %swap3A_1080 = tpu.vector_load %arg7[%swap3A_1078, %swap3A_1079] {strides = array<i32>} : memref<64x32xf32, #tpu.memory_space<vmem>>, vector<1x16xf32>,
    %swap3A_1081 = vector.shape_cast %swap3A_1080 : vector<1x16xf32> to vector<16xf32>
    %swap3A_1082 = vector.shape_cast %broadcast_in_dim3A_3 : vector<16xf32> to vector<1x16xf32>
    tpu.vector_store %arg7[%swap3A_1078, %swap3A_1079], %swap3A_1082 {strides = array<i32>} : memref<64x32xf32, #tpu.memory_space<vmem>>, vector<1x16xf32>,
    %swap3A_1083 = arith.constant 40 : i32
    %swap3A_1084 = arith.index_cast %swap3A_1083 : i32 to index
    %swap3A_1085 = arith.constant 0 : index
    %swap3A_1086 = tpu.vector_load %arg7[%swap3A_1084, %swap3A_1085] {strides = array<i32>} : memref<64x32xf32, #tpu.memory_space<vmem>>, vector<1x16xf32>,
    %swap3A_1087 = vector.shape_cast %swap3A_1086 : vector<1x16xf32> to vector<16xf32>
    %swap3A_1088 = vector.shape_cast %broadcast_in_dim3A_3 : vector<16xf32> to vector<1x16xf32>
    tpu.vector_store %arg7[%swap3A_1084, %swap3A_1085], %swap3A_1088 {strides = array<i32>} : memref<64x32xf32, #tpu.memory_space<vmem>>, vector<1x16xf32>,
    %swap3A_1089 = arith.constant 40 : i32
    %swap3A_1090 = arith.index_cast %swap3A_1089 : i32 to index
    %swap3A_1091 = arith.constant 16 : index
    %swap3A_1092 = tpu.vector_load %arg7[%swap3A_1090, %swap3A_1091] {strides = array<i32>} : memref<64x32xf32, #tpu.memory_space<vmem>>, vector<1x16xf32>,
    %swap3A_1093 = vector.shape_cast %swap3A_1092 : vector<1x16xf32> to vector<16xf32>
    %swap3A_1094 = vector.shape_cast %broadcast_in_dim3A_3 : vector<16xf32> to vector<1x16xf32>
    tpu.vector_store %arg7[%swap3A_1090, %swap3A_1091], %swap3A_1094 {strides = array<i32>} : memref<64x32xf32, #tpu.memory_space<vmem>>, vector<1x16xf32>,
    %swap3A_1095 = arith.constant 41 : i32
    %swap3A_1096 = arith.index_cast %swap3A_1095 : i32 to index
    %swap3A_1097 = arith.constant 0 : index
    %swap3A_1098 = tpu.vector_load %arg7[%swap3A_1096, %swap3A_1097] {strides = array<i32>} : memref<64x32xf32, #tpu.memory_space<vmem>>, vector<1x16xf32>,
    %swap3A_1099 = vector.shape_cast %swap3A_1098 : vector<1x16xf32> to vector<16xf32>
    %swap3A_1100 = vector.shape_cast %broadcast_in_dim3A_3 : vector<16xf32> to vector<1x16xf32>
    tpu.vector_store %arg7[%swap3A_1096, %swap3A_1097], %swap3A_1100 {strides = array<i32>} : memref<64x32xf32, #tpu.memory_space<vmem>>, vector<1x16xf32>,
    %swap3A_1101 = arith.constant 41 : i32
    %swap3A_1102 = arith.index_cast %swap3A_1101 : i32 to index
    %swap3A_1103 = arith.constant 16 : index
    %swap3A_1104 = tpu.vector_load %arg7[%swap3A_1102, %swap3A_1103] {strides = array<i32>} : memref<64x32xf32, #tpu.memory_space<vmem>>, vector<1x16xf32>,
    %swap3A_1105 = vector.shape_cast %swap3A_1104 : vector<1x16xf32> to vector<16xf32>
    %swap3A_1106 = vector.shape_cast %broadcast_in_dim3A_3 : vector<16xf32> to vector<1x16xf32>
    tpu.vector_store %arg7[%swap3A_1102, %swap3A_1103], %swap3A_1106 {strides = array<i32>} : memref<64x32xf32, #tpu.memory_space<vmem>>, vector<1x16xf32>,
    %swap3A_1107 = arith.constant 42 : i32
    %swap3A_1108 = arith.index_cast %swap3A_1107 : i32 to index
    %swap3A_1109 = arith.constant 0 : index
    %swap3A_1110 = tpu.vector_load %arg7[%swap3A_1108, %swap3A_1109] {strides = array<i32>} : memref<64x32xf32, #tpu.memory_space<vmem>>, vector<1x16xf32>,
    %swap3A_1111 = vector.shape_cast %swap3A_1110 : vector<1x16xf32> to vector<16xf32>
    %swap3A_1112 = vector.shape_cast %broadcast_in_dim3A_3 : vector<16xf32> to vector<1x16xf32>
    tpu.vector_store %arg7[%swap3A_1108, %swap3A_1109], %swap3A_1112 {strides = array<i32>} : memref<64x32xf32, #tpu.memory_space<vmem>>, vector<1x16xf32>,
    %swap3A_1113 = arith.constant 42 : i32
    %swap3A_1114 = arith.index_cast %swap3A_1113 : i32 to index
    %swap3A_1115 = arith.constant 16 : index
    %swap3A_1116 = tpu.vector_load %arg7[%swap3A_1114, %swap3A_1115] {strides = array<i32>} : memref<64x32xf32, #tpu.memory_space<vmem>>, vector<1x16xf32>,
    %swap3A_1117 = vector.shape_cast %swap3A_1116 : vector<1x16xf32> to vector<16xf32>
    %swap3A_1118 = vector.shape_cast %broadcast_in_dim3A_3 : vector<16xf32> to vector<1x16xf32>
    tpu.vector_store %arg7[%swap3A_1114, %swap3A_1115], %swap3A_1118 {strides = array<i32>} : memref<64x32xf32, #tpu.memory_space<vmem>>, vector<1x16xf32>,
    %swap3A_1119 = arith.constant 43 : i32
    %swap3A_1120 = arith.index_cast %swap3A_1119 : i32 to index
    %swap3A_1121 = arith.constant 0 : index
    %swap3A_1122 = tpu.vector_load %arg7[%swap3A_1120, %swap3A_1121] {strides = array<i32>} : memref<64x32xf32, #tpu.memory_space<vmem>>, vector<1x16xf32>,
    %swap3A_1123 = vector.shape_cast %swap3A_1122 : vector<1x16xf32> to vector<16xf32>
    %swap3A_1124 = vector.shape_cast %broadcast_in_dim3A_3 : vector<16xf32> to vector<1x16xf32>
    tpu.vector_store %arg7[%swap3A_1120, %swap3A_1121], %swap3A_1124 {strides = array<i32>} : memref<64x32xf32, #tpu.memory_space<vmem>>, vector<1x16xf32>,
    %swap3A_1125 = arith.constant 43 : i32
    %swap3A_1126 = arith.index_cast %swap3A_1125 : i32 to index
    %swap3A_1127 = arith.constant 16 : index
    %swap3A_1128 = tpu.vector_load %arg7[%swap3A_1126, %swap3A_1127] {strides = array<i32>} : memref<64x32xf32, #tpu.memory_space<vmem>>, vector<1x16xf32>,
    %swap3A_1129 = vector.shape_cast %swap3A_1128 : vector<1x16xf32> to vector<16xf32>
    %swap3A_1130 = vector.shape_cast %broadcast_in_dim3A_3 : vector<16xf32> to vector<1x16xf32>
    tpu.vector_store %arg7[%swap3A_1126, %swap3A_1127], %swap3A_1130 {strides = array<i32>} : memref<64x32xf32, #tpu.memory_space<vmem>>, vector<1x16xf32>,
    %swap3A_1131 = arith.constant 44 : i32
    %swap3A_1132 = arith.index_cast %swap3A_1131 : i32 to index
    %swap3A_1133 = arith.constant 0 : index
    %swap3A_1134 = tpu.vector_load %arg7[%swap3A_1132, %swap3A_1133] {strides = array<i32>} : memref<64x32xf32, #tpu.memory_space<vmem>>, vector<1x16xf32>,
    %swap3A_1135 = vector.shape_cast %swap3A_1134 : vector<1x16xf32> to vector<16xf32>
    %swap3A_1136 = vector.shape_cast %broadcast_in_dim3A_3 : vector<16xf32> to vector<1x16xf32>
    tpu.vector_store %arg7[%swap3A_1132, %swap3A_1133], %swap3A_1136 {strides = array<i32>} : memref<64x32xf32, #tpu.memory_space<vmem>>, vector<1x16xf32>,
    %swap3A_1137 = arith.constant 44 : i32
    %swap3A_1138 = arith.index_cast %swap3A_1137 : i32 to index
    %swap3A_1139 = arith.constant 16 : index
    %swap3A_1140 = tpu.vector_load %arg7[%swap3A_1138, %swap3A_1139] {strides = array<i32>} : memref<64x32xf32, #tpu.memory_space<vmem>>, vector<1x16xf32>,
    %swap3A_1141 = vector.shape_cast %swap3A_1140 : vector<1x16xf32> to vector<16xf32>
    %swap3A_1142 = vector.shape_cast %broadcast_in_dim3A_3 : vector<16xf32> to vector<1x16xf32>
    tpu.vector_store %arg7[%swap3A_1138, %swap3A_1139], %swap3A_1142 {strides = array<i32>} : memref<64x32xf32, #tpu.memory_space<vmem>>, vector<1x16xf32>,
    %swap3A_1143 = arith.constant 45 : i32
    %swap3A_1144 = arith.index_cast %swap3A_1143 : i32 to index
    %swap3A_1145 = arith.constant 0 : index
    %swap3A_1146 = tpu.vector_load %arg7[%swap3A_1144, %swap3A_1145] {strides = array<i32>} : memref<64x32xf32, #tpu.memory_space<vmem>>, vector<1x16xf32>,
    %swap3A_1147 = vector.shape_cast %swap3A_1146 : vector<1x16xf32> to vector<16xf32>
    %swap3A_1148 = vector.shape_cast %broadcast_in_dim3A_3 : vector<16xf32> to vector<1x16xf32>
    tpu.vector_store %arg7[%swap3A_1144, %swap3A_1145], %swap3A_1148 {strides = array<i32>} : memref<64x32xf32, #tpu.memory_space<vmem>>, vector<1x16xf32>,
    %swap3A_1149 = arith.constant 45 : i32
    %swap3A_1150 = arith.index_cast %swap3A_1149 : i32 to index
    %swap3A_1151 = arith.constant 16 : index
    %swap3A_1152 = tpu.vector_load %arg7[%swap3A_1150, %swap3A_1151] {strides = array<i32>} : memref<64x32xf32, #tpu.memory_space<vmem>>, vector<1x16xf32>,
    %swap3A_1153 = vector.shape_cast %swap3A_1152 : vector<1x16xf32> to vector<16xf32>
    %swap3A_1154 = vector.shape_cast %broadcast_in_dim3A_3 : vector<16xf32> to vector<1x16xf32>
    tpu.vector_store %arg7[%swap3A_1150, %swap3A_1151], %swap3A_1154 {strides = array<i32>} : memref<64x32xf32, #tpu.memory_space<vmem>>, vector<1x16xf32>,
    %swap3A_1155 = arith.constant 46 : i32
    %swap3A_1156 = arith.index_cast %swap3A_1155 : i32 to index
    %swap3A_1157 = arith.constant 0 : index
    %swap3A_1158 = tpu.vector_load %arg7[%swap3A_1156, %swap3A_1157] {strides = array<i32>} : memref<64x32xf32, #tpu.memory_space<vmem>>, vector<1x16xf32>,
    %swap3A_1159 = vector.shape_cast %swap3A_1158 : vector<1x16xf32> to vector<16xf32>
    %swap3A_1160 = vector.shape_cast %broadcast_in_dim3A_3 : vector<16xf32> to vector<1x16xf32>
    tpu.vector_store %arg7[%swap3A_1156, %swap3A_1157], %swap3A_1160 {strides = array<i32>} : memref<64x32xf32, #tpu.memory_space<vmem>>, vector<1x16xf32>,
    %swap3A_1161 = arith.constant 46 : i32
    %swap3A_1162 = arith.index_cast %swap3A_1161 : i32 to index
    %swap3A_1163 = arith.constant 16 : index
    %swap3A_1164 = tpu.vector_load %arg7[%swap3A_1162, %swap3A_1163] {strides = array<i32>} : memref<64x32xf32, #tpu.memory_space<vmem>>, vector<1x16xf32>,
    %swap3A_1165 = vector.shape_cast %swap3A_1164 : vector<1x16xf32> to vector<16xf32>
    %swap3A_1166 = vector.shape_cast %broadcast_in_dim3A_3 : vector<16xf32> to vector<1x16xf32>
    tpu.vector_store %arg7[%swap3A_1162, %swap3A_1163], %swap3A_1166 {strides = array<i32>} : memref<64x32xf32, #tpu.memory_space<vmem>>, vector<1x16xf32>,
    %swap3A_1167 = arith.constant 47 : i32
    %swap3A_1168 = arith.index_cast %swap3A_1167 : i32 to index
    %swap3A_1169 = arith.constant 0 : index
    %swap3A_1170 = tpu.vector_load %arg7[%swap3A_1168, %swap3A_1169] {strides = array<i32>} : memref<64x32xf32, #tpu.memory_space<vmem>>, vector<1x16xf32>,
    %swap3A_1171 = vector.shape_cast %swap3A_1170 : vector<1x16xf32> to vector<16xf32>
    %swap3A_1172 = vector.shape_cast %broadcast_in_dim3A_3 : vector<16xf32> to vector<1x16xf32>
    tpu.vector_store %arg7[%swap3A_1168, %swap3A_1169], %swap3A_1172 {strides = array<i32>} : memref<64x32xf32, #tpu.memory_space<vmem>>, vector<1x16xf32>,
    %swap3A_1173 = arith.constant 47 : i32
    %swap3A_1174 = arith.index_cast %swap3A_1173 : i32 to index
    %swap3A_1175 = arith.constant 16 : index
    %swap3A_1176 = tpu.vector_load %arg7[%swap3A_1174, %swap3A_1175] {strides = array<i32>} : memref<64x32xf32, #tpu.memory_space<vmem>>, vector<1x16xf32>,
    %swap3A_1177 = vector.shape_cast %swap3A_1176 : vector<1x16xf32> to vector<16xf32>
    %swap3A_1178 = vector.shape_cast %broadcast_in_dim3A_3 : vector<16xf32> to vector<1x16xf32>
    tpu.vector_store %arg7[%swap3A_1174, %swap3A_1175], %swap3A_1178 {strides = array<i32>} : memref<64x32xf32, #tpu.memory_space<vmem>>, vector<1x16xf32>,
    %swap3A_1179 = arith.constant 48 : i32
    %swap3A_1180 = arith.index_cast %swap3A_1179 : i32 to index
    %swap3A_1181 = arith.constant 0 : index
    %swap3A_1182 = tpu.vector_load %arg7[%swap3A_1180, %swap3A_1181] {strides = array<i32>} : memref<64x32xf32, #tpu.memory_space<vmem>>, vector<1x16xf32>,
    %swap3A_1183 = vector.shape_cast %swap3A_1182 : vector<1x16xf32> to vector<16xf32>
    %swap3A_1184 = vector.shape_cast %broadcast_in_dim3A_3 : vector<16xf32> to vector<1x16xf32>
    tpu.vector_store %arg7[%swap3A_1180, %swap3A_1181], %swap3A_1184 {strides = array<i32>} : memref<64x32xf32, #tpu.memory_space<vmem>>, vector<1x16xf32>,
    %swap3A_1185 = arith.constant 48 : i32
    %swap3A_1186 = arith.index_cast %swap3A_1185 : i32 to index
    %swap3A_1187 = arith.constant 16 : index
    %swap3A_1188 = tpu.vector_load %arg7[%swap3A_1186, %swap3A_1187] {strides = array<i32>} : memref<64x32xf32, #tpu.memory_space<vmem>>, vector<1x16xf32>,
    %swap3A_1189 = vector.shape_cast %swap3A_1188 : vector<1x16xf32> to vector<16xf32>
    %swap3A_1190 = vector.shape_cast %broadcast_in_dim3A_3 : vector<16xf32> to vector<1x16xf32>
    tpu.vector_store %arg7[%swap3A_1186, %swap3A_1187], %swap3A_1190 {strides = array<i32>} : memref<64x32xf32, #tpu.memory_space<vmem>>, vector<1x16xf32>,
    %swap3A_1191 = arith.constant 49 : i32
    %swap3A_1192 = arith.index_cast %swap3A_1191 : i32 to index
    %swap3A_1193 = arith.constant 0 : index
    %swap3A_1194 = tpu.vector_load %arg7[%swap3A_1192, %swap3A_1193] {strides = array<i32>} : memref<64x32xf32, #tpu.memory_space<vmem>>, vector<1x16xf32>,
    %swap3A_1195 = vector.shape_cast %swap3A_1194 : vector<1x16xf32> to vector<16xf32>
    %swap3A_1196 = vector.shape_cast %broadcast_in_dim3A_3 : vector<16xf32> to vector<1x16xf32>
    tpu.vector_store %arg7[%swap3A_1192, %swap3A_1193], %swap3A_1196 {strides = array<i32>} : memref<64x32xf32, #tpu.memory_space<vmem>>, vector<1x16xf32>,
    %swap3A_1197 = arith.constant 49 : i32
    %swap3A_1198 = arith.index_cast %swap3A_1197 : i32 to index
    %swap3A_1199 = arith.constant 16 : index
    %swap3A_1200 = tpu.vector_load %arg7[%swap3A_1198, %swap3A_1199] {strides = array<i32>} : memref<64x32xf32, #tpu.memory_space<vmem>>, vector<1x16xf32>,
    %swap3A_1201 = vector.shape_cast %swap3A_1200 : vector<1x16xf32> to vector<16xf32>
    %swap3A_1202 = vector.shape_cast %broadcast_in_dim3A_3 : vector<16xf32> to vector<1x16xf32>
    tpu.vector_store %arg7[%swap3A_1198, %swap3A_1199], %swap3A_1202 {strides = array<i32>} : memref<64x32xf32, #tpu.memory_space<vmem>>, vector<1x16xf32>,
    %swap3A_1203 = arith.constant 50 : i32
    %swap3A_1204 = arith.index_cast %swap3A_1203 : i32 to index
    %swap3A_1205 = arith.constant 0 : index
    %swap3A_1206 = tpu.vector_load %arg7[%swap3A_1204, %swap3A_1205] {strides = array<i32>} : memref<64x32xf32, #tpu.memory_space<vmem>>, vector<1x16xf32>,
    %swap3A_1207 = vector.shape_cast %swap3A_1206 : vector<1x16xf32> to vector<16xf32>
    %swap3A_1208 = vector.shape_cast %broadcast_in_dim3A_3 : vector<16xf32> to vector<1x16xf32>
    tpu.vector_store %arg7[%swap3A_1204, %swap3A_1205], %swap3A_1208 {strides = array<i32>} : memref<64x32xf32, #tpu.memory_space<vmem>>, vector<1x16xf32>,
    %swap3A_1209 = arith.constant 50 : i32
    %swap3A_1210 = arith.index_cast %swap3A_1209 : i32 to index
    %swap3A_1211 = arith.constant 16 : index
    %swap3A_1212 = tpu.vector_load %arg7[%swap3A_1210, %swap3A_1211] {strides = array<i32>} : memref<64x32xf32, #tpu.memory_space<vmem>>, vector<1x16xf32>,
    %swap3A_1213 = vector.shape_cast %swap3A_1212 : vector<1x16xf32> to vector<16xf32>
    %swap3A_1214 = vector.shape_cast %broadcast_in_dim3A_3 : vector<16xf32> to vector<1x16xf32>
    tpu.vector_store %arg7[%swap3A_1210, %swap3A_1211], %swap3A_1214 {strides = array<i32>} : memref<64x32xf32, #tpu.memory_space<vmem>>, vector<1x16xf32>,
    %swap3A_1215 = arith.constant 51 : i32
    %swap3A_1216 = arith.index_cast %swap3A_1215 : i32 to index
    %swap3A_1217 = arith.constant 0 : index
    %swap3A_1218 = tpu.vector_load %arg7[%swap3A_1216, %swap3A_1217] {strides = array<i32>} : memref<64x32xf32, #tpu.memory_space<vmem>>, vector<1x16xf32>,
    %swap3A_1219 = vector.shape_cast %swap3A_1218 : vector<1x16xf32> to vector<16xf32>
    %swap3A_1220 = vector.shape_cast %broadcast_in_dim3A_3 : vector<16xf32> to vector<1x16xf32>
    tpu.vector_store %arg7[%swap3A_1216, %swap3A_1217], %swap3A_1220 {strides = array<i32>} : memref<64x32xf32, #tpu.memory_space<vmem>>, vector<1x16xf32>,
    %swap3A_1221 = arith.constant 51 : i32
    %swap3A_1222 = arith.index_cast %swap3A_1221 : i32 to index
    %swap3A_1223 = arith.constant 16 : index
    %swap3A_1224 = tpu.vector_load %arg7[%swap3A_1222, %swap3A_1223] {strides = array<i32>} : memref<64x32xf32, #tpu.memory_space<vmem>>, vector<1x16xf32>,
    %swap3A_1225 = vector.shape_cast %swap3A_1224 : vector<1x16xf32> to vector<16xf32>
    %swap3A_1226 = vector.shape_cast %broadcast_in_dim3A_3 : vector<16xf32> to vector<1x16xf32>
    tpu.vector_store %arg7[%swap3A_1222, %swap3A_1223], %swap3A_1226 {strides = array<i32>} : memref<64x32xf32, #tpu.memory_space<vmem>>, vector<1x16xf32>,
    %swap3A_1227 = arith.constant 52 : i32
    %swap3A_1228 = arith.index_cast %swap3A_1227 : i32 to index
    %swap3A_1229 = arith.constant 0 : index
    %swap3A_1230 = tpu.vector_load %arg7[%swap3A_1228, %swap3A_1229] {strides = array<i32>} : memref<64x32xf32, #tpu.memory_space<vmem>>, vector<1x16xf32>,
    %swap3A_1231 = vector.shape_cast %swap3A_1230 : vector<1x16xf32> to vector<16xf32>
    %swap3A_1232 = vector.shape_cast %broadcast_in_dim3A_3 : vector<16xf32> to vector<1x16xf32>
    tpu.vector_store %arg7[%swap3A_1228, %swap3A_1229], %swap3A_1232 {strides = array<i32>} : memref<64x32xf32, #tpu.memory_space<vmem>>, vector<1x16xf32>,
    %swap3A_1233 = arith.constant 52 : i32
    %swap3A_1234 = arith.index_cast %swap3A_1233 : i32 to index
    %swap3A_1235 = arith.constant 16 : index
    %swap3A_1236 = tpu.vector_load %arg7[%swap3A_1234, %swap3A_1235] {strides = array<i32>} : memref<64x32xf32, #tpu.memory_space<vmem>>, vector<1x16xf32>,
    %swap3A_1237 = vector.shape_cast %swap3A_1236 : vector<1x16xf32> to vector<16xf32>
    %swap3A_1238 = vector.shape_cast %broadcast_in_dim3A_3 : vector<16xf32> to vector<1x16xf32>
    tpu.vector_store %arg7[%swap3A_1234, %swap3A_1235], %swap3A_1238 {strides = array<i32>} : memref<64x32xf32, #tpu.memory_space<vmem>>, vector<1x16xf32>,
    %swap3A_1239 = arith.constant 53 : i32
    %swap3A_1240 = arith.index_cast %swap3A_1239 : i32 to index
    %swap3A_1241 = arith.constant 0 : index
    %swap3A_1242 = tpu.vector_load %arg7[%swap3A_1240, %swap3A_1241] {strides = array<i32>} : memref<64x32xf32, #tpu.memory_space<vmem>>, vector<1x16xf32>,
    %swap3A_1243 = vector.shape_cast %swap3A_1242 : vector<1x16xf32> to vector<16xf32>
    %swap3A_1244 = vector.shape_cast %broadcast_in_dim3A_3 : vector<16xf32> to vector<1x16xf32>
    tpu.vector_store %arg7[%swap3A_1240, %swap3A_1241], %swap3A_1244 {strides = array<i32>} : memref<64x32xf32, #tpu.memory_space<vmem>>, vector<1x16xf32>,
    %swap3A_1245 = arith.constant 53 : i32
    %swap3A_1246 = arith.index_cast %swap3A_1245 : i32 to index
    %swap3A_1247 = arith.constant 16 : index
    %swap3A_1248 = tpu.vector_load %arg7[%swap3A_1246, %swap3A_1247] {strides = array<i32>} : memref<64x32xf32, #tpu.memory_space<vmem>>, vector<1x16xf32>,
    %swap3A_1249 = vector.shape_cast %swap3A_1248 : vector<1x16xf32> to vector<16xf32>
    %swap3A_1250 = vector.shape_cast %broadcast_in_dim3A_3 : vector<16xf32> to vector<1x16xf32>
    tpu.vector_store %arg7[%swap3A_1246, %swap3A_1247], %swap3A_1250 {strides = array<i32>} : memref<64x32xf32, #tpu.memory_space<vmem>>, vector<1x16xf32>,
    %swap3A_1251 = arith.constant 54 : i32
    %swap3A_1252 = arith.index_cast %swap3A_1251 : i32 to index
    %swap3A_1253 = arith.constant 0 : index
    %swap3A_1254 = tpu.vector_load %arg7[%swap3A_1252, %swap3A_1253] {strides = array<i32>} : memref<64x32xf32, #tpu.memory_space<vmem>>, vector<1x16xf32>,
    %swap3A_1255 = vector.shape_cast %swap3A_1254 : vector<1x16xf32> to vector<16xf32>
    %swap3A_1256 = vector.shape_cast %broadcast_in_dim3A_3 : vector<16xf32> to vector<1x16xf32>
    tpu.vector_store %arg7[%swap3A_1252, %swap3A_1253], %swap3A_1256 {strides = array<i32>} : memref<64x32xf32, #tpu.memory_space<vmem>>, vector<1x16xf32>,
    %swap3A_1257 = arith.constant 54 : i32
    %swap3A_1258 = arith.index_cast %swap3A_1257 : i32 to index
    %swap3A_1259 = arith.constant 16 : index
    %swap3A_1260 = tpu.vector_load %arg7[%swap3A_1258, %swap3A_1259] {strides = array<i32>} : memref<64x32xf32, #tpu.memory_space<vmem>>, vector<1x16xf32>,
    %swap3A_1261 = vector.shape_cast %swap3A_1260 : vector<1x16xf32> to vector<16xf32>
    %swap3A_1262 = vector.shape_cast %broadcast_in_dim3A_3 : vector<16xf32> to vector<1x16xf32>
    tpu.vector_store %arg7[%swap3A_1258, %swap3A_1259], %swap3A_1262 {strides = array<i32>} : memref<64x32xf32, #tpu.memory_space<vmem>>, vector<1x16xf32>,
    %swap3A_1263 = arith.constant 55 : i32
    %swap3A_1264 = arith.index_cast %swap3A_1263 : i32 to index
    %swap3A_1265 = arith.constant 0 : index
    %swap3A_1266 = tpu.vector_load %arg7[%swap3A_1264, %swap3A_1265] {strides = array<i32>} : memref<64x32xf32, #tpu.memory_space<vmem>>, vector<1x16xf32>,
    %swap3A_1267 = vector.shape_cast %swap3A_1266 : vector<1x16xf32> to vector<16xf32>
    %swap3A_1268 = vector.shape_cast %broadcast_in_dim3A_3 : vector<16xf32> to vector<1x16xf32>
    tpu.vector_store %arg7[%swap3A_1264, %swap3A_1265], %swap3A_1268 {strides = array<i32>} : memref<64x32xf32, #tpu.memory_space<vmem>>, vector<1x16xf32>,
    %swap3A_1269 = arith.constant 55 : i32
    %swap3A_1270 = arith.index_cast %swap3A_1269 : i32 to index
    %swap3A_1271 = arith.constant 16 : index
    %swap3A_1272 = tpu.vector_load %arg7[%swap3A_1270, %swap3A_1271] {strides = array<i32>} : memref<64x32xf32, #tpu.memory_space<vmem>>, vector<1x16xf32>,
    %swap3A_1273 = vector.shape_cast %swap3A_1272 : vector<1x16xf32> to vector<16xf32>
    %swap3A_1274 = vector.shape_cast %broadcast_in_dim3A_3 : vector<16xf32> to vector<1x16xf32>
    tpu.vector_store %arg7[%swap3A_1270, %swap3A_1271], %swap3A_1274 {strides = array<i32>} : memref<64x32xf32, #tpu.memory_space<vmem>>, vector<1x16xf32>,
    %swap3A_1275 = arith.constant 56 : i32
    %swap3A_1276 = arith.index_cast %swap3A_1275 : i32 to index
    %swap3A_1277 = arith.constant 0 : index
    %swap3A_1278 = tpu.vector_load %arg7[%swap3A_1276, %swap3A_1277] {strides = array<i32>} : memref<64x32xf32, #tpu.memory_space<vmem>>, vector<1x16xf32>,
    %swap3A_1279 = vector.shape_cast %swap3A_1278 : vector<1x16xf32> to vector<16xf32>
    %swap3A_1280 = vector.shape_cast %broadcast_in_dim3A_3 : vector<16xf32> to vector<1x16xf32>
    tpu.vector_store %arg7[%swap3A_1276, %swap3A_1277], %swap3A_1280 {strides = array<i32>} : memref<64x32xf32, #tpu.memory_space<vmem>>, vector<1x16xf32>,
    %swap3A_1281 = arith.constant 56 : i32
    %swap3A_1282 = arith.index_cast %swap3A_1281 : i32 to index
    %swap3A_1283 = arith.constant 16 : index
    %swap3A_1284 = tpu.vector_load %arg7[%swap3A_1282, %swap3A_1283] {strides = array<i32>} : memref<64x32xf32, #tpu.memory_space<vmem>>, vector<1x16xf32>,
    %swap3A_1285 = vector.shape_cast %swap3A_1284 : vector<1x16xf32> to vector<16xf32>
    %swap3A_1286 = vector.shape_cast %broadcast_in_dim3A_3 : vector<16xf32> to vector<1x16xf32>
    tpu.vector_store %arg7[%swap3A_1282, %swap3A_1283], %swap3A_1286 {strides = array<i32>} : memref<64x32xf32, #tpu.memory_space<vmem>>, vector<1x16xf32>,
    %swap3A_1287 = arith.constant 57 : i32
    %swap3A_1288 = arith.index_cast %swap3A_1287 : i32 to index
    %swap3A_1289 = arith.constant 0 : index
    %swap3A_1290 = tpu.vector_load %arg7[%swap3A_1288, %swap3A_1289] {strides = array<i32>} : memref<64x32xf32, #tpu.memory_space<vmem>>, vector<1x16xf32>,
    %swap3A_1291 = vector.shape_cast %swap3A_1290 : vector<1x16xf32> to vector<16xf32>
    %swap3A_1292 = vector.shape_cast %broadcast_in_dim3A_3 : vector<16xf32> to vector<1x16xf32>
    tpu.vector_store %arg7[%swap3A_1288, %swap3A_1289], %swap3A_1292 {strides = array<i32>} : memref<64x32xf32, #tpu.memory_space<vmem>>, vector<1x16xf32>,
    %swap3A_1293 = arith.constant 57 : i32
    %swap3A_1294 = arith.index_cast %swap3A_1293 : i32 to index
    %swap3A_1295 = arith.constant 16 : index
    %swap3A_1296 = tpu.vector_load %arg7[%swap3A_1294, %swap3A_1295] {strides = array<i32>} : memref<64x32xf32, #tpu.memory_space<vmem>>, vector<1x16xf32>,
    %swap3A_1297 = vector.shape_cast %swap3A_1296 : vector<1x16xf32> to vector<16xf32>
    %swap3A_1298 = vector.shape_cast %broadcast_in_dim3A_3 : vector<16xf32> to vector<1x16xf32>
    tpu.vector_store %arg7[%swap3A_1294, %swap3A_1295], %swap3A_1298 {strides = array<i32>} : memref<64x32xf32, #tpu.memory_space<vmem>>, vector<1x16xf32>,
    %swap3A_1299 = arith.constant 58 : i32
    %swap3A_1300 = arith.index_cast %swap3A_1299 : i32 to index
    %swap3A_1301 = arith.constant 0 : index
    %swap3A_1302 = tpu.vector_load %arg7[%swap3A_1300, %swap3A_1301] {strides = array<i32>} : memref<64x32xf32, #tpu.memory_space<vmem>>, vector<1x16xf32>,
    %swap3A_1303 = vector.shape_cast %swap3A_1302 : vector<1x16xf32> to vector<16xf32>
    %swap3A_1304 = vector.shape_cast %broadcast_in_dim3A_3 : vector<16xf32> to vector<1x16xf32>
    tpu.vector_store %arg7[%swap3A_1300, %swap3A_1301], %swap3A_1304 {strides = array<i32>} : memref<64x32xf32, #tpu.memory_space<vmem>>, vector<1x16xf32>,
    %swap3A_1305 = arith.constant 58 : i32
    %swap3A_1306 = arith.index_cast %swap3A_1305 : i32 to index
    %swap3A_1307 = arith.constant 16 : index
    %swap3A_1308 = tpu.vector_load %arg7[%swap3A_1306, %swap3A_1307] {strides = array<i32>} : memref<64x32xf32, #tpu.memory_space<vmem>>, vector<1x16xf32>,
    %swap3A_1309 = vector.shape_cast %swap3A_1308 : vector<1x16xf32> to vector<16xf32>
    %swap3A_1310 = vector.shape_cast %broadcast_in_dim3A_3 : vector<16xf32> to vector<1x16xf32>
    tpu.vector_store %arg7[%swap3A_1306, %swap3A_1307], %swap3A_1310 {strides = array<i32>} : memref<64x32xf32, #tpu.memory_space<vmem>>, vector<1x16xf32>,
    %swap3A_1311 = arith.constant 59 : i32
    %swap3A_1312 = arith.index_cast %swap3A_1311 : i32 to index
    %swap3A_1313 = arith.constant 0 : index
    %swap3A_1314 = tpu.vector_load %arg7[%swap3A_1312, %swap3A_1313] {strides = array<i32>} : memref<64x32xf32, #tpu.memory_space<vmem>>, vector<1x16xf32>,
    %swap3A_1315 = vector.shape_cast %swap3A_1314 : vector<1x16xf32> to vector<16xf32>
    %swap3A_1316 = vector.shape_cast %broadcast_in_dim3A_3 : vector<16xf32> to vector<1x16xf32>
    tpu.vector_store %arg7[%swap3A_1312, %swap3A_1313], %swap3A_1316 {strides = array<i32>} : memref<64x32xf32, #tpu.memory_space<vmem>>, vector<1x16xf32>,
    %swap3A_1317 = arith.constant 59 : i32
    %swap3A_1318 = arith.index_cast %swap3A_1317 : i32 to index
    %swap3A_1319 = arith.constant 16 : index
    %swap3A_1320 = tpu.vector_load %arg7[%swap3A_1318, %swap3A_1319] {strides = array<i32>} : memref<64x32xf32, #tpu.memory_space<vmem>>, vector<1x16xf32>,
    %swap3A_1321 = vector.shape_cast %swap3A_1320 : vector<1x16xf32> to vector<16xf32>
    %swap3A_1322 = vector.shape_cast %broadcast_in_dim3A_3 : vector<16xf32> to vector<1x16xf32>
    tpu.vector_store %arg7[%swap3A_1318, %swap3A_1319], %swap3A_1322 {strides = array<i32>} : memref<64x32xf32, #tpu.memory_space<vmem>>, vector<1x16xf32>,
    %swap3A_1323 = arith.constant 60 : i32
    %swap3A_1324 = arith.index_cast %swap3A_1323 : i32 to index
    %swap3A_1325 = arith.constant 0 : index
    %swap3A_1326 = tpu.vector_load %arg7[%swap3A_1324, %swap3A_1325] {strides = array<i32>} : memref<64x32xf32, #tpu.memory_space<vmem>>, vector<1x16xf32>,
    %swap3A_1327 = vector.shape_cast %swap3A_1326 : vector<1x16xf32> to vector<16xf32>
    %swap3A_1328 = vector.shape_cast %broadcast_in_dim3A_3 : vector<16xf32> to vector<1x16xf32>
    tpu.vector_store %arg7[%swap3A_1324, %swap3A_1325], %swap3A_1328 {strides = array<i32>} : memref<64x32xf32, #tpu.memory_space<vmem>>, vector<1x16xf32>,
    %swap3A_1329 = arith.constant 60 : i32
    %swap3A_1330 = arith.index_cast %swap3A_1329 : i32 to index
    %swap3A_1331 = arith.constant 16 : index
    %swap3A_1332 = tpu.vector_load %arg7[%swap3A_1330, %swap3A_1331] {strides = array<i32>} : memref<64x32xf32, #tpu.memory_space<vmem>>, vector<1x16xf32>,
    %swap3A_1333 = vector.shape_cast %swap3A_1332 : vector<1x16xf32> to vector<16xf32>
    %swap3A_1334 = vector.shape_cast %broadcast_in_dim3A_3 : vector<16xf32> to vector<1x16xf32>
    tpu.vector_store %arg7[%swap3A_1330, %swap3A_1331], %swap3A_1334 {strides = array<i32>} : memref<64x32xf32, #tpu.memory_space<vmem>>, vector<1x16xf32>,
    %swap3A_1335 = arith.constant 61 : i32
    %swap3A_1336 = arith.index_cast %swap3A_1335 : i32 to index
    %swap3A_1337 = arith.constant 0 : index
    %swap3A_1338 = tpu.vector_load %arg7[%swap3A_1336, %swap3A_1337] {strides = array<i32>} : memref<64x32xf32, #tpu.memory_space<vmem>>, vector<1x16xf32>,
    %swap3A_1339 = vector.shape_cast %swap3A_1338 : vector<1x16xf32> to vector<16xf32>
    %swap3A_1340 = vector.shape_cast %broadcast_in_dim3A_3 : vector<16xf32> to vector<1x16xf32>
    tpu.vector_store %arg7[%swap3A_1336, %swap3A_1337], %swap3A_1340 {strides = array<i32>} : memref<64x32xf32, #tpu.memory_space<vmem>>, vector<1x16xf32>,
    %swap3A_1341 = arith.constant 61 : i32
    %swap3A_1342 = arith.index_cast %swap3A_1341 : i32 to index
    %swap3A_1343 = arith.constant 16 : index
    %swap3A_1344 = tpu.vector_load %arg7[%swap3A_1342, %swap3A_1343] {strides = array<i32>} : memref<64x32xf32, #tpu.memory_space<vmem>>, vector<1x16xf32>,
    %swap3A_1345 = vector.shape_cast %swap3A_1344 : vector<1x16xf32> to vector<16xf32>
    %swap3A_1346 = vector.shape_cast %broadcast_in_dim3A_3 : vector<16xf32> to vector<1x16xf32>
    tpu.vector_store %arg7[%swap3A_1342, %swap3A_1343], %swap3A_1346 {strides = array<i32>} : memref<64x32xf32, #tpu.memory_space<vmem>>, vector<1x16xf32>,
    %swap3A_1347 = arith.constant 62 : i32
    %swap3A_1348 = arith.index_cast %swap3A_1347 : i32 to index
    %swap3A_1349 = arith.constant 0 : index
    %swap3A_1350 = tpu.vector_load %arg7[%swap3A_1348, %swap3A_1349] {strides = array<i32>} : memref<64x32xf32, #tpu.memory_space<vmem>>, vector<1x16xf32>,
    %swap3A_1351 = vector.shape_cast %swap3A_1350 : vector<1x16xf32> to vector<16xf32>
    %swap3A_1352 = vector.shape_cast %broadcast_in_dim3A_3 : vector<16xf32> to vector<1x16xf32>
    tpu.vector_store %arg7[%swap3A_1348, %swap3A_1349], %swap3A_1352 {strides = array<i32>} : memref<64x32xf32, #tpu.memory_space<vmem>>, vector<1x16xf32>,
    %swap3A_1353 = arith.constant 62 : i32
    %swap3A_1354 = arith.index_cast %swap3A_1353 : i32 to index
    %swap3A_1355 = arith.constant 16 : index
    %swap3A_1356 = tpu.vector_load %arg7[%swap3A_1354, %swap3A_1355] {strides = array<i32>} : memref<64x32xf32, #tpu.memory_space<vmem>>, vector<1x16xf32>,
    %swap3A_1357 = vector.shape_cast %swap3A_1356 : vector<1x16xf32> to vector<16xf32>
    %swap3A_1358 = vector.shape_cast %broadcast_in_dim3A_3 : vector<16xf32> to vector<1x16xf32>
    tpu.vector_store %arg7[%swap3A_1354, %swap3A_1355], %swap3A_1358 {strides = array<i32>} : memref<64x32xf32, #tpu.memory_space<vmem>>, vector<1x16xf32>,
    %swap3A_1359 = arith.constant 63 : i32
    %swap3A_1360 = arith.index_cast %swap3A_1359 : i32 to index
    %swap3A_1361 = arith.constant 0 : index
    %swap3A_1362 = tpu.vector_load %arg7[%swap3A_1360, %swap3A_1361] {strides = array<i32>} : memref<64x32xf32, #tpu.memory_space<vmem>>, vector<1x16xf32>,
    %swap3A_1363 = vector.shape_cast %swap3A_1362 : vector<1x16xf32> to vector<16xf32>
    %swap3A_1364 = vector.shape_cast %broadcast_in_dim3A_3 : vector<16xf32> to vector<1x16xf32>
    tpu.vector_store %arg7[%swap3A_1360, %swap3A_1361], %swap3A_1364 {strides = array<i32>} : memref<64x32xf32, #tpu.memory_space<vmem>>, vector<1x16xf32>,
    %swap3A_1365 = arith.constant 63 : i32
    %swap3A_1366 = arith.index_cast %swap3A_1365 : i32 to index
    %swap3A_1367 = arith.constant 16 : index
    %swap3A_1368 = tpu.vector_load %arg7[%swap3A_1366, %swap3A_1367] {strides = array<i32>} : memref<64x32xf32, #tpu.memory_space<vmem>>, vector<1x16xf32>,
    %swap3A_1369 = vector.shape_cast %swap3A_1368 : vector<1x16xf32> to vector<16xf32>
    %swap3A_1370 = vector.shape_cast %broadcast_in_dim3A_3 : vector<16xf32> to vector<1x16xf32>
    tpu.vector_store %arg7[%swap3A_1366, %swap3A_1367], %swap3A_1370 {strides = array<i32>} : memref<64x32xf32, #tpu.memory_space<vmem>>, vector<1x16xf32>,
    %iota3A = tpu.iota {dimensions = array<i32: 0>} : vector<16xi32>
    %add3A_1371 = arith.constant 0 : i32
    %add3A_1372 = vector.broadcast %add3A_1371 : i32 to vector<16xi32>
    %add3A_1373 = arith.addi %iota3A, %add3A_1372 : vector<16xi32>
    %lt3A = arith.constant 50 : i32
    %lt3A_1374 = vector.broadcast %lt3A : i32 to vector<16xi32>
    %lt3A_1375 = arith.cmpi slt, %add3A_1373, %lt3A_1374 : vector<16xi32>
    %jit3A = arith.constant 0 : i32
    %broadcast_in_dim3A_1376 = vector.broadcast %jit3A : i32 to vector<16xi32>
    %select_n3A = arith.select %lt3A_1375, %add3A_1373, %broadcast_in_dim3A_1376 : vector<16xi1>, vector<16xi32>
    %swap3A_1377 = arith.constant 0 : index
    %swap3A_1378 = tpu.vector_load %arg8[%swap3A_1377] {strides = array<i32>} : memref<64xi32, #tpu.memory_space<vmem>>, vector<16xi32>,
    %swap3A_1379 = vector.shape_cast %swap3A_1378 : vector<16xi32> to vector<16xi32>
    %swap3A_1380 = vector.shape_cast %select_n3A : vector<16xi32> to vector<16xi32>
    tpu.vector_store %arg8[%swap3A_1377], %swap3A_1380 {strides = array<i32>} : memref<64xi32, #tpu.memory_space<vmem>>, vector<16xi32>,
    %add3A_1381 = arith.constant 16 : i32
    %add3A_1382 = vector.broadcast %add3A_1381 : i32 to vector<16xi32>
    %add3A_1383 = arith.addi %iota3A, %add3A_1382 : vector<16xi32>
    %lt3A_1384 = arith.constant 50 : i32
    %lt3A_1385 = vector.broadcast %lt3A_1384 : i32 to vector<16xi32>
    %lt3A_1386 = arith.cmpi slt, %add3A_1383, %lt3A_1385 : vector<16xi32>
    %jit3A_1387 = arith.constant 0 : i32
    %broadcast_in_dim3A_1388 = vector.broadcast %jit3A_1387 : i32 to vector<16xi32>
    %select_n3A_1389 = arith.select %lt3A_1386, %add3A_1383, %broadcast_in_dim3A_1388 : vector<16xi1>, vector<16xi32>
    %swap3A_1390 = arith.constant 16 : index
    %swap3A_1391 = tpu.vector_load %arg8[%swap3A_1390] {strides = array<i32>} : memref<64xi32, #tpu.memory_space<vmem>>, vector<16xi32>,
    %swap3A_1392 = vector.shape_cast %swap3A_1391 : vector<16xi32> to vector<16xi32>
    %swap3A_1393 = vector.shape_cast %select_n3A_1389 : vector<16xi32> to vector<16xi32>
    tpu.vector_store %arg8[%swap3A_1390], %swap3A_1393 {strides = array<i32>} : memref<64xi32, #tpu.memory_space<vmem>>, vector<16xi32>,
    %add3A_1394 = arith.constant 32 : i32
    %add3A_1395 = vector.broadcast %add3A_1394 : i32 to vector<16xi32>
    %add3A_1396 = arith.addi %iota3A, %add3A_1395 : vector<16xi32>
    %lt3A_1397 = arith.constant 50 : i32
    %lt3A_1398 = vector.broadcast %lt3A_1397 : i32 to vector<16xi32>
    %lt3A_1399 = arith.cmpi slt, %add3A_1396, %lt3A_1398 : vector<16xi32>
    %jit3A_1400 = arith.constant 0 : i32
    %broadcast_in_dim3A_1401 = vector.broadcast %jit3A_1400 : i32 to vector<16xi32>
    %select_n3A_1402 = arith.select %lt3A_1399, %add3A_1396, %broadcast_in_dim3A_1401 : vector<16xi1>, vector<16xi32>
    %swap3A_1403 = arith.constant 32 : index
    %swap3A_1404 = tpu.vector_load %arg8[%swap3A_1403] {strides = array<i32>} : memref<64xi32, #tpu.memory_space<vmem>>, vector<16xi32>,
    %swap3A_1405 = vector.shape_cast %swap3A_1404 : vector<16xi32> to vector<16xi32>
    %swap3A_1406 = vector.shape_cast %select_n3A_1402 : vector<16xi32> to vector<16xi32>
    tpu.vector_store %arg8[%swap3A_1403], %swap3A_1406 {strides = array<i32>} : memref<64xi32, #tpu.memory_space<vmem>>, vector<16xi32>,
    %add3A_1407 = arith.constant 48 : i32
    %add3A_1408 = vector.broadcast %add3A_1407 : i32 to vector<16xi32>
    %add3A_1409 = arith.addi %iota3A, %add3A_1408 : vector<16xi32>
    %lt3A_1410 = arith.constant 50 : i32
    %lt3A_1411 = vector.broadcast %lt3A_1410 : i32 to vector<16xi32>
    %lt3A_1412 = arith.cmpi slt, %add3A_1409, %lt3A_1411 : vector<16xi32>
    %jit3A_1413 = arith.constant 0 : i32
    %broadcast_in_dim3A_1414 = vector.broadcast %jit3A_1413 : i32 to vector<16xi32>
    %select_n3A_1415 = arith.select %lt3A_1412, %add3A_1409, %broadcast_in_dim3A_1414 : vector<16xi1>, vector<16xi32>
    %swap3A_1416 = arith.constant 48 : index
    %swap3A_1417 = tpu.vector_load %arg8[%swap3A_1416] {strides = array<i32>} : memref<64xi32, #tpu.memory_space<vmem>>, vector<16xi32>,
    %swap3A_1418 = vector.shape_cast %swap3A_1417 : vector<16xi32> to vector<16xi32>
    %swap3A_1419 = vector.shape_cast %select_n3A_1415 : vector<16xi32> to vector<16xi32>
    tpu.vector_store %arg8[%swap3A_1416], %swap3A_1419 {strides = array<i32>} : memref<64xi32, #tpu.memory_space<vmem>>, vector<16xi32>,
    %eq3A = arith.constant 0 : i32
    %eq3A_1420 = arith.cmpi eq, %arg1, %eq3A : i32
    %convert_element_type3A = arith.extui %eq3A_1420 : i1 to i32
    %cond3A = arith.constant 0 : i32
    %cond3A_1421 = arith.cmpi ne, %convert_element_type3A, %cond3A : i32
    scf.if %cond3A_1421 {
      "tpu.region"() ({
        %run_scoped3A = tpu.sem_alloc : memref<!tpu.dma_semaphore, #tpu.memory_space<semaphore_mem>>
        %dma_start3A = arith.constant 0 : i32
        %dma_start3A_2588 = arith.constant 0 : i32
        %dma_start3A_2589 = tpu.memref_slice %arg7[%dma_start3A, %dma_start3A_2588] : memref<64x32xf32, #tpu.memory_space<vmem>> -> memref<51x32xf32, #tpu.memory_space<vmem>>
        %dma_start3A_2590 = arith.constant 0 : i32
        %dma_start3A_2591 = arith.constant 0 : i32
        %dma_start3A_2592 = tpu.memref_slice %arg7[%dma_start3A_2590, %dma_start3A_2591] : memref<64x32xf32, #tpu.memory_space<vmem>> -> memref<51x32xf32, #tpu.memory_space<vmem>>
        tpu.enqueue_dma source(%dma_start3A_2592 : memref<51x32xf32, #tpu.memory_space<vmem>>) target(%arg10 : memref<51x32xf32, #tpu.memory_space<vmem_shared>>) target_semaphore(%run_scoped3A : memref<!tpu.dma_semaphore, #tpu.memory_space<semaphore_mem>>)
        %dma_wait3A_2593 = arith.constant 0 : i32
        %dma_wait3A_2594 = arith.constant 0 : i32
        %dma_wait3A_2595 = tpu.memref_slice %arg7[%dma_wait3A_2593, %dma_wait3A_2594] : memref<64x32xf32, #tpu.memory_space<vmem>> -> memref<51x32xf32, #tpu.memory_space<vmem>>
        %dma_wait3A_2596 = arith.constant 0 : i32
        %dma_wait3A_2597 = arith.constant 0 : i32
        %dma_wait3A_2598 = tpu.memref_slice %arg7[%dma_wait3A_2596, %dma_wait3A_2597] : memref<64x32xf32, #tpu.memory_space<vmem>> -> memref<51x32xf32, #tpu.memory_space<vmem>>
        tpu.wait_dma2 semaphore(%run_scoped3A : memref<!tpu.dma_semaphore, #tpu.memory_space<semaphore_mem>>) src(%dma_wait3A_2598 : memref<51x32xf32, #tpu.memory_space<vmem>>) dst(%arg10 : memref<51x32xf32, #tpu.memory_space<vmem_shared>>)
        tpu.yield
      }) : () -> ()
    } else {
    }
    %barrier3A = arith.constant 0 : index
    tpu.barrier barrier_id(%barrier3A)
    %scan3A = arith.constant 0 : i32
    %scan3A_1422 = arith.constant 0 : i32
    %scan3A_1423 = arith.constant 512 : i32
    %scan3A_1424 = arith.addi %scan3A_1422, %scan3A_1423 : i32
    %scan3A_1425 = arith.constant 1 : i32
    %scan3A_1426 = scf.for %scan3A_2588 = %scan3A_1422 to %scan3A_1424 step %scan3A_1425 iter_args(%scan3A_2589 = %scan3A) -> (i32)  : i32 {
      %dma_start3A = arith.constant 0 : i32
      %dma_start3A_2590 = tpu.memref_slice %arg5[%scan3A_2588, %dma_start3A] : memref<512x50xi32, #tpu.memory_space<vmem>> -> memref<1x50xi32, #tpu.memory_space<vmem>>
      %dma_start3A_2591 = tpu.memref_squeeze %dma_start3A_2590 : memref<1x50xi32, #tpu.memory_space<vmem>> -> memref<50xi32, #tpu.memory_space<vmem>>
      %dma_start3A_2592 = arith.constant 0 : i32
      %dma_start3A_2593 = arith.constant 0 : i32
      %dma_start3A_2594 = tpu.memref_slice %arg3[%dma_start3A_2592, %dma_start3A_2593] : memref<1000000x32xf32, #tpu.memory_space<hbm>> -> memref<1000000x32xf32, #tpu.memory_space<hbm>>
      tpu.enqueue_indirect_dma source(%dma_start3A_2594 : memref<1000000x32xf32, #tpu.memory_space<hbm>>) target(%arg6 : memref<50x32xf32, #tpu.memory_space<vmem>>) offsets(%dma_start3A_2591 : memref<50xi32, #tpu.memory_space<vmem>>) semaphore(%arg9 : memref<!tpu.dma_semaphore, #tpu.memory_space<semaphore_mem>>) {add = true}
      %ge3A = arith.constant 8 : i32
      %ge3A_2595 = arith.cmpi sge, %scan3A_2588, %ge3A : i32
      %convert_element_type3A_2596 = arith.extui %ge3A_2595 : i1 to i32
      %cond3A_2597 = arith.constant 0 : i32
      %cond3A_2598 = arith.cmpi ne, %convert_element_type3A_2596, %cond3A_2597 : i32
      scf.if %cond3A_2598 {
        %dma_wait3A_2600 = arith.constant 0 : i32
        %dma_wait3A_2601 = arith.constant 0 : i32
        %dma_wait3A_2602 = tpu.memref_slice %arg5[%dma_wait3A_2600, %dma_wait3A_2601] : memref<512x50xi32, #tpu.memory_space<vmem>> -> memref<1x50xi32, #tpu.memory_space<vmem>>
        %dma_wait3A_2603 = tpu.memref_squeeze %dma_wait3A_2602 : memref<1x50xi32, #tpu.memory_space<vmem>> -> memref<50xi32, #tpu.memory_space<vmem>>
        %dma_wait3A_2604 = arith.constant 0 : i32
        %dma_wait3A_2605 = arith.constant 0 : i32
        %dma_wait3A_2606 = tpu.memref_slice %arg3[%dma_wait3A_2604, %dma_wait3A_2605] : memref<1000000x32xf32, #tpu.memory_space<hbm>> -> memref<1000000x32xf32, #tpu.memory_space<hbm>>
        tpu.wait_indirect_dma semaphore(%arg9 : memref<!tpu.dma_semaphore, #tpu.memory_space<semaphore_mem>>) src(%dma_wait3A_2606 : memref<1000000x32xf32, #tpu.memory_space<hbm>>) dst(%arg6 : memref<50x32xf32, #tpu.memory_space<vmem>>)
      } else {
      }
      %scan3A_2599 = arith.constant 0 : i32
      scf.yield %scan3A_2599 : i32
    }
    %scan3A_1427 = arith.constant 512 : i32
    %dma_wait3A = arith.constant 0 : i32
    %dma_wait3A_1428 = arith.constant 0 : i32
    %dma_wait3A_1429 = tpu.memref_slice %arg5[%dma_wait3A, %dma_wait3A_1428] : memref<512x50xi32, #tpu.memory_space<vmem>> -> memref<1x50xi32, #tpu.memory_space<vmem>>
    %dma_wait3A_1430 = tpu.memref_squeeze %dma_wait3A_1429 : memref<1x50xi32, #tpu.memory_space<vmem>> -> memref<50xi32, #tpu.memory_space<vmem>>
    %dma_wait3A_1431 = arith.constant 0 : i32
    %dma_wait3A_1432 = arith.constant 0 : i32
    %dma_wait3A_1433 = tpu.memref_slice %arg3[%dma_wait3A_1431, %dma_wait3A_1432] : memref<1000000x32xf32, #tpu.memory_space<hbm>> -> memref<1000000x32xf32, #tpu.memory_space<hbm>>
    tpu.wait_indirect_dma semaphore(%arg9 : memref<!tpu.dma_semaphore, #tpu.memory_space<semaphore_mem>>) src(%dma_wait3A_1433 : memref<1000000x32xf32, #tpu.memory_space<hbm>>) dst(%arg6 : memref<50x32xf32, #tpu.memory_space<vmem>>)
    %dma_wait3A_1434 = arith.constant 0 : i32
    %dma_wait3A_1435 = arith.constant 0 : i32
    %dma_wait3A_1436 = tpu.memref_slice %arg5[%dma_wait3A_1434, %dma_wait3A_1435] : memref<512x50xi32, #tpu.memory_space<vmem>> -> memref<1x50xi32, #tpu.memory_space<vmem>>
    %dma_wait3A_1437 = tpu.memref_squeeze %dma_wait3A_1436 : memref<1x50xi32, #tpu.memory_space<vmem>> -> memref<50xi32, #tpu.memory_space<vmem>>
    %dma_wait3A_1438 = arith.constant 0 : i32
    %dma_wait3A_1439 = arith.constant 0 : i32
    %dma_wait3A_1440 = tpu.memref_slice %arg3[%dma_wait3A_1438, %dma_wait3A_1439] : memref<1000000x32xf32, #tpu.memory_space<hbm>> -> memref<1000000x32xf32, #tpu.memory_space<hbm>>
    tpu.wait_indirect_dma semaphore(%arg9 : memref<!tpu.dma_semaphore, #tpu.memory_space<semaphore_mem>>) src(%dma_wait3A_1440 : memref<1000000x32xf32, #tpu.memory_space<hbm>>) dst(%arg6 : memref<50x32xf32, #tpu.memory_space<vmem>>)
    %dma_wait3A_1441 = arith.constant 0 : i32
    %dma_wait3A_1442 = arith.constant 0 : i32
    %dma_wait3A_1443 = tpu.memref_slice %arg5[%dma_wait3A_1441, %dma_wait3A_1442] : memref<512x50xi32, #tpu.memory_space<vmem>> -> memref<1x50xi32, #tpu.memory_space<vmem>>
    %dma_wait3A_1444 = tpu.memref_squeeze %dma_wait3A_1443 : memref<1x50xi32, #tpu.memory_space<vmem>> -> memref<50xi32, #tpu.memory_space<vmem>>
    %dma_wait3A_1445 = arith.constant 0 : i32
    %dma_wait3A_1446 = arith.constant 0 : i32
    %dma_wait3A_1447 = tpu.memref_slice %arg3[%dma_wait3A_1445, %dma_wait3A_1446] : memref<1000000x32xf32, #tpu.memory_space<hbm>> -> memref<1000000x32xf32, #tpu.memory_space<hbm>>
    tpu.wait_indirect_dma semaphore(%arg9 : memref<!tpu.dma_semaphore, #tpu.memory_space<semaphore_mem>>) src(%dma_wait3A_1447 : memref<1000000x32xf32, #tpu.memory_space<hbm>>) dst(%arg6 : memref<50x32xf32, #tpu.memory_space<vmem>>)
    %dma_wait3A_1448 = arith.constant 0 : i32
    %dma_wait3A_1449 = arith.constant 0 : i32
    %dma_wait3A_1450 = tpu.memref_slice %arg5[%dma_wait3A_1448, %dma_wait3A_1449] : memref<512x50xi32, #tpu.memory_space<vmem>> -> memref<1x50xi32, #tpu.memory_space<vmem>>
    %dma_wait3A_1451 = tpu.memref_squeeze %dma_wait3A_1450 : memref<1x50xi32, #tpu.memory_space<vmem>> -> memref<50xi32, #tpu.memory_space<vmem>>
    %dma_wait3A_1452 = arith.constant 0 : i32
    %dma_wait3A_1453 = arith.constant 0 : i32
    %dma_wait3A_1454 = tpu.memref_slice %arg3[%dma_wait3A_1452, %dma_wait3A_1453] : memref<1000000x32xf32, #tpu.memory_space<hbm>> -> memref<1000000x32xf32, #tpu.memory_space<hbm>>
    tpu.wait_indirect_dma semaphore(%arg9 : memref<!tpu.dma_semaphore, #tpu.memory_space<semaphore_mem>>) src(%dma_wait3A_1454 : memref<1000000x32xf32, #tpu.memory_space<hbm>>) dst(%arg6 : memref<50x32xf32, #tpu.memory_space<vmem>>)
    %dma_wait3A_1455 = arith.constant 0 : i32
    %dma_wait3A_1456 = arith.constant 0 : i32
    %dma_wait3A_1457 = tpu.memref_slice %arg5[%dma_wait3A_1455, %dma_wait3A_1456] : memref<512x50xi32, #tpu.memory_space<vmem>> -> memref<1x50xi32, #tpu.memory_space<vmem>>
    %dma_wait3A_1458 = tpu.memref_squeeze %dma_wait3A_1457 : memref<1x50xi32, #tpu.memory_space<vmem>> -> memref<50xi32, #tpu.memory_space<vmem>>
    %dma_wait3A_1459 = arith.constant 0 : i32
    %dma_wait3A_1460 = arith.constant 0 : i32
    %dma_wait3A_1461 = tpu.memref_slice %arg3[%dma_wait3A_1459, %dma_wait3A_1460] : memref<1000000x32xf32, #tpu.memory_space<hbm>> -> memref<1000000x32xf32, #tpu.memory_space<hbm>>
    tpu.wait_indirect_dma semaphore(%arg9 : memref<!tpu.dma_semaphore, #tpu.memory_space<semaphore_mem>>) src(%dma_wait3A_1461 : memref<1000000x32xf32, #tpu.memory_space<hbm>>) dst(%arg6 : memref<50x32xf32, #tpu.memory_space<vmem>>)
    %dma_wait3A_1462 = arith.constant 0 : i32
    %dma_wait3A_1463 = arith.constant 0 : i32
    %dma_wait3A_1464 = tpu.memref_slice %arg5[%dma_wait3A_1462, %dma_wait3A_1463] : memref<512x50xi32, #tpu.memory_space<vmem>> -> memref<1x50xi32, #tpu.memory_space<vmem>>
    %dma_wait3A_1465 = tpu.memref_squeeze %dma_wait3A_1464 : memref<1x50xi32, #tpu.memory_space<vmem>> -> memref<50xi32, #tpu.memory_space<vmem>>
    %dma_wait3A_1466 = arith.constant 0 : i32
    %dma_wait3A_1467 = arith.constant 0 : i32
    %dma_wait3A_1468 = tpu.memref_slice %arg3[%dma_wait3A_1466, %dma_wait3A_1467] : memref<1000000x32xf32, #tpu.memory_space<hbm>> -> memref<1000000x32xf32, #tpu.memory_space<hbm>>
    tpu.wait_indirect_dma semaphore(%arg9 : memref<!tpu.dma_semaphore, #tpu.memory_space<semaphore_mem>>) src(%dma_wait3A_1468 : memref<1000000x32xf32, #tpu.memory_space<hbm>>) dst(%arg6 : memref<50x32xf32, #tpu.memory_space<vmem>>)
    %dma_wait3A_1469 = arith.constant 0 : i32
    %dma_wait3A_1470 = arith.constant 0 : i32
    %dma_wait3A_1471 = tpu.memref_slice %arg5[%dma_wait3A_1469, %dma_wait3A_1470] : memref<512x50xi32, #tpu.memory_space<vmem>> -> memref<1x50xi32, #tpu.memory_space<vmem>>
    %dma_wait3A_1472 = tpu.memref_squeeze %dma_wait3A_1471 : memref<1x50xi32, #tpu.memory_space<vmem>> -> memref<50xi32, #tpu.memory_space<vmem>>
    %dma_wait3A_1473 = arith.constant 0 : i32
    %dma_wait3A_1474 = arith.constant 0 : i32
    %dma_wait3A_1475 = tpu.memref_slice %arg3[%dma_wait3A_1473, %dma_wait3A_1474] : memref<1000000x32xf32, #tpu.memory_space<hbm>> -> memref<1000000x32xf32, #tpu.memory_space<hbm>>
    tpu.wait_indirect_dma semaphore(%arg9 : memref<!tpu.dma_semaphore, #tpu.memory_space<semaphore_mem>>) src(%dma_wait3A_1475 : memref<1000000x32xf32, #tpu.memory_space<hbm>>) dst(%arg6 : memref<50x32xf32, #tpu.memory_space<vmem>>)
    %dma_wait3A_1476 = arith.constant 0 : i32
    %dma_wait3A_1477 = arith.constant 0 : i32
    %dma_wait3A_1478 = tpu.memref_slice %arg5[%dma_wait3A_1476, %dma_wait3A_1477] : memref<512x50xi32, #tpu.memory_space<vmem>> -> memref<1x50xi32, #tpu.memory_space<vmem>>
    %dma_wait3A_1479 = tpu.memref_squeeze %dma_wait3A_1478 : memref<1x50xi32, #tpu.memory_space<vmem>> -> memref<50xi32, #tpu.memory_space<vmem>>
    %dma_wait3A_1480 = arith.constant 0 : i32
    %dma_wait3A_1481 = arith.constant 0 : i32
    %dma_wait3A_1482 = tpu.memref_slice %arg3[%dma_wait3A_1480, %dma_wait3A_1481] : memref<1000000x32xf32, #tpu.memory_space<hbm>> -> memref<1000000x32xf32, #tpu.memory_space<hbm>>
    tpu.wait_indirect_dma semaphore(%arg9 : memref<!tpu.dma_semaphore, #tpu.memory_space<semaphore_mem>>) src(%dma_wait3A_1482 : memref<1000000x32xf32, #tpu.memory_space<hbm>>) dst(%arg6 : memref<50x32xf32, #tpu.memory_space<vmem>>)
    %get3A = arith.constant 0 : i32
    %get3A_1483 = arith.index_cast %get3A : i32 to index
    %get3A_1484 = arith.constant 0 : index
    %get3A_1485 = tpu.vector_load %arg6[%get3A_1483, %get3A_1484] {strides = array<i32>} : memref<50x32xf32, #tpu.memory_space<vmem>>, vector<1x16xf32>,
    %get3A_1486 = vector.shape_cast %get3A_1485 : vector<1x16xf32> to vector<16xf32>
    %swap3A_1487 = arith.constant 0 : i32
    %swap3A_1488 = arith.index_cast %swap3A_1487 : i32 to index
    %swap3A_1489 = arith.constant 0 : index
    %swap3A_1490 = tpu.vector_load %arg7[%swap3A_1488, %swap3A_1489] {strides = array<i32>} : memref<64x32xf32, #tpu.memory_space<vmem>>, vector<1x16xf32>,
    %swap3A_1491 = vector.shape_cast %swap3A_1490 : vector<1x16xf32> to vector<16xf32>
    %swap3A_1492 = vector.shape_cast %get3A_1486 : vector<16xf32> to vector<1x16xf32>
    tpu.vector_store %arg7[%swap3A_1488, %swap3A_1489], %swap3A_1492 {strides = array<i32>} : memref<64x32xf32, #tpu.memory_space<vmem>>, vector<1x16xf32>,
    %get3A_1493 = arith.constant 0 : i32
    %get3A_1494 = arith.index_cast %get3A_1493 : i32 to index
    %get3A_1495 = arith.constant 16 : index
    %get3A_1496 = tpu.vector_load %arg6[%get3A_1494, %get3A_1495] {strides = array<i32>} : memref<50x32xf32, #tpu.memory_space<vmem>>, vector<1x16xf32>,
    %get3A_1497 = vector.shape_cast %get3A_1496 : vector<1x16xf32> to vector<16xf32>
    %swap3A_1498 = arith.constant 0 : i32
    %swap3A_1499 = arith.index_cast %swap3A_1498 : i32 to index
    %swap3A_1500 = arith.constant 16 : index
    %swap3A_1501 = tpu.vector_load %arg7[%swap3A_1499, %swap3A_1500] {strides = array<i32>} : memref<64x32xf32, #tpu.memory_space<vmem>>, vector<1x16xf32>,
    %swap3A_1502 = vector.shape_cast %swap3A_1501 : vector<1x16xf32> to vector<16xf32>
    %swap3A_1503 = vector.shape_cast %get3A_1497 : vector<16xf32> to vector<1x16xf32>
    tpu.vector_store %arg7[%swap3A_1499, %swap3A_1500], %swap3A_1503 {strides = array<i32>} : memref<64x32xf32, #tpu.memory_space<vmem>>, vector<1x16xf32>,
    %get3A_1504 = arith.constant 1 : i32
    %get3A_1505 = arith.index_cast %get3A_1504 : i32 to index
    %get3A_1506 = arith.constant 0 : index
    %get3A_1507 = tpu.vector_load %arg6[%get3A_1505, %get3A_1506] {strides = array<i32>} : memref<50x32xf32, #tpu.memory_space<vmem>>, vector<1x16xf32>,
    %get3A_1508 = vector.shape_cast %get3A_1507 : vector<1x16xf32> to vector<16xf32>
    %swap3A_1509 = arith.constant 1 : i32
    %swap3A_1510 = arith.index_cast %swap3A_1509 : i32 to index
    %swap3A_1511 = arith.constant 0 : index
    %swap3A_1512 = tpu.vector_load %arg7[%swap3A_1510, %swap3A_1511] {strides = array<i32>} : memref<64x32xf32, #tpu.memory_space<vmem>>, vector<1x16xf32>,
    %swap3A_1513 = vector.shape_cast %swap3A_1512 : vector<1x16xf32> to vector<16xf32>
    %swap3A_1514 = vector.shape_cast %get3A_1508 : vector<16xf32> to vector<1x16xf32>
    tpu.vector_store %arg7[%swap3A_1510, %swap3A_1511], %swap3A_1514 {strides = array<i32>} : memref<64x32xf32, #tpu.memory_space<vmem>>, vector<1x16xf32>,
    %get3A_1515 = arith.constant 1 : i32
    %get3A_1516 = arith.index_cast %get3A_1515 : i32 to index
    %get3A_1517 = arith.constant 16 : index
    %get3A_1518 = tpu.vector_load %arg6[%get3A_1516, %get3A_1517] {strides = array<i32>} : memref<50x32xf32, #tpu.memory_space<vmem>>, vector<1x16xf32>,
    %get3A_1519 = vector.shape_cast %get3A_1518 : vector<1x16xf32> to vector<16xf32>
    %swap3A_1520 = arith.constant 1 : i32
    %swap3A_1521 = arith.index_cast %swap3A_1520 : i32 to index
    %swap3A_1522 = arith.constant 16 : index
    %swap3A_1523 = tpu.vector_load %arg7[%swap3A_1521, %swap3A_1522] {strides = array<i32>} : memref<64x32xf32, #tpu.memory_space<vmem>>, vector<1x16xf32>,
    %swap3A_1524 = vector.shape_cast %swap3A_1523 : vector<1x16xf32> to vector<16xf32>
    %swap3A_1525 = vector.shape_cast %get3A_1519 : vector<16xf32> to vector<1x16xf32>
    tpu.vector_store %arg7[%swap3A_1521, %swap3A_1522], %swap3A_1525 {strides = array<i32>} : memref<64x32xf32, #tpu.memory_space<vmem>>, vector<1x16xf32>,
    %get3A_1526 = arith.constant 2 : i32
    %get3A_1527 = arith.index_cast %get3A_1526 : i32 to index
    %get3A_1528 = arith.constant 0 : index
    %get3A_1529 = tpu.vector_load %arg6[%get3A_1527, %get3A_1528] {strides = array<i32>} : memref<50x32xf32, #tpu.memory_space<vmem>>, vector<1x16xf32>,
    %get3A_1530 = vector.shape_cast %get3A_1529 : vector<1x16xf32> to vector<16xf32>
    %swap3A_1531 = arith.constant 2 : i32
    %swap3A_1532 = arith.index_cast %swap3A_1531 : i32 to index
    %swap3A_1533 = arith.constant 0 : index
    %swap3A_1534 = tpu.vector_load %arg7[%swap3A_1532, %swap3A_1533] {strides = array<i32>} : memref<64x32xf32, #tpu.memory_space<vmem>>, vector<1x16xf32>,
    %swap3A_1535 = vector.shape_cast %swap3A_1534 : vector<1x16xf32> to vector<16xf32>
    %swap3A_1536 = vector.shape_cast %get3A_1530 : vector<16xf32> to vector<1x16xf32>
    tpu.vector_store %arg7[%swap3A_1532, %swap3A_1533], %swap3A_1536 {strides = array<i32>} : memref<64x32xf32, #tpu.memory_space<vmem>>, vector<1x16xf32>,
    %get3A_1537 = arith.constant 2 : i32
    %get3A_1538 = arith.index_cast %get3A_1537 : i32 to index
    %get3A_1539 = arith.constant 16 : index
    %get3A_1540 = tpu.vector_load %arg6[%get3A_1538, %get3A_1539] {strides = array<i32>} : memref<50x32xf32, #tpu.memory_space<vmem>>, vector<1x16xf32>,
    %get3A_1541 = vector.shape_cast %get3A_1540 : vector<1x16xf32> to vector<16xf32>
    %swap3A_1542 = arith.constant 2 : i32
    %swap3A_1543 = arith.index_cast %swap3A_1542 : i32 to index
    %swap3A_1544 = arith.constant 16 : index
    %swap3A_1545 = tpu.vector_load %arg7[%swap3A_1543, %swap3A_1544] {strides = array<i32>} : memref<64x32xf32, #tpu.memory_space<vmem>>, vector<1x16xf32>,
    %swap3A_1546 = vector.shape_cast %swap3A_1545 : vector<1x16xf32> to vector<16xf32>
    %swap3A_1547 = vector.shape_cast %get3A_1541 : vector<16xf32> to vector<1x16xf32>
    tpu.vector_store %arg7[%swap3A_1543, %swap3A_1544], %swap3A_1547 {strides = array<i32>} : memref<64x32xf32, #tpu.memory_space<vmem>>, vector<1x16xf32>,
    %get3A_1548 = arith.constant 3 : i32
    %get3A_1549 = arith.index_cast %get3A_1548 : i32 to index
    %get3A_1550 = arith.constant 0 : index
    %get3A_1551 = tpu.vector_load %arg6[%get3A_1549, %get3A_1550] {strides = array<i32>} : memref<50x32xf32, #tpu.memory_space<vmem>>, vector<1x16xf32>,
    %get3A_1552 = vector.shape_cast %get3A_1551 : vector<1x16xf32> to vector<16xf32>
    %swap3A_1553 = arith.constant 3 : i32
    %swap3A_1554 = arith.index_cast %swap3A_1553 : i32 to index
    %swap3A_1555 = arith.constant 0 : index
    %swap3A_1556 = tpu.vector_load %arg7[%swap3A_1554, %swap3A_1555] {strides = array<i32>} : memref<64x32xf32, #tpu.memory_space<vmem>>, vector<1x16xf32>,
    %swap3A_1557 = vector.shape_cast %swap3A_1556 : vector<1x16xf32> to vector<16xf32>
    %swap3A_1558 = vector.shape_cast %get3A_1552 : vector<16xf32> to vector<1x16xf32>
    tpu.vector_store %arg7[%swap3A_1554, %swap3A_1555], %swap3A_1558 {strides = array<i32>} : memref<64x32xf32, #tpu.memory_space<vmem>>, vector<1x16xf32>,
    %get3A_1559 = arith.constant 3 : i32
    %get3A_1560 = arith.index_cast %get3A_1559 : i32 to index
    %get3A_1561 = arith.constant 16 : index
    %get3A_1562 = tpu.vector_load %arg6[%get3A_1560, %get3A_1561] {strides = array<i32>} : memref<50x32xf32, #tpu.memory_space<vmem>>, vector<1x16xf32>,
    %get3A_1563 = vector.shape_cast %get3A_1562 : vector<1x16xf32> to vector<16xf32>
    %swap3A_1564 = arith.constant 3 : i32
    %swap3A_1565 = arith.index_cast %swap3A_1564 : i32 to index
    %swap3A_1566 = arith.constant 16 : index
    %swap3A_1567 = tpu.vector_load %arg7[%swap3A_1565, %swap3A_1566] {strides = array<i32>} : memref<64x32xf32, #tpu.memory_space<vmem>>, vector<1x16xf32>,
    %swap3A_1568 = vector.shape_cast %swap3A_1567 : vector<1x16xf32> to vector<16xf32>
    %swap3A_1569 = vector.shape_cast %get3A_1563 : vector<16xf32> to vector<1x16xf32>
    tpu.vector_store %arg7[%swap3A_1565, %swap3A_1566], %swap3A_1569 {strides = array<i32>} : memref<64x32xf32, #tpu.memory_space<vmem>>, vector<1x16xf32>,
    %get3A_1570 = arith.constant 4 : i32
    %get3A_1571 = arith.index_cast %get3A_1570 : i32 to index
    %get3A_1572 = arith.constant 0 : index
    %get3A_1573 = tpu.vector_load %arg6[%get3A_1571, %get3A_1572] {strides = array<i32>} : memref<50x32xf32, #tpu.memory_space<vmem>>, vector<1x16xf32>,
    %get3A_1574 = vector.shape_cast %get3A_1573 : vector<1x16xf32> to vector<16xf32>
    %swap3A_1575 = arith.constant 4 : i32
    %swap3A_1576 = arith.index_cast %swap3A_1575 : i32 to index
    %swap3A_1577 = arith.constant 0 : index
    %swap3A_1578 = tpu.vector_load %arg7[%swap3A_1576, %swap3A_1577] {strides = array<i32>} : memref<64x32xf32, #tpu.memory_space<vmem>>, vector<1x16xf32>,
    %swap3A_1579 = vector.shape_cast %swap3A_1578 : vector<1x16xf32> to vector<16xf32>
    %swap3A_1580 = vector.shape_cast %get3A_1574 : vector<16xf32> to vector<1x16xf32>
    tpu.vector_store %arg7[%swap3A_1576, %swap3A_1577], %swap3A_1580 {strides = array<i32>} : memref<64x32xf32, #tpu.memory_space<vmem>>, vector<1x16xf32>,
    %get3A_1581 = arith.constant 4 : i32
    %get3A_1582 = arith.index_cast %get3A_1581 : i32 to index
    %get3A_1583 = arith.constant 16 : index
    %get3A_1584 = tpu.vector_load %arg6[%get3A_1582, %get3A_1583] {strides = array<i32>} : memref<50x32xf32, #tpu.memory_space<vmem>>, vector<1x16xf32>,
    %get3A_1585 = vector.shape_cast %get3A_1584 : vector<1x16xf32> to vector<16xf32>
    %swap3A_1586 = arith.constant 4 : i32
    %swap3A_1587 = arith.index_cast %swap3A_1586 : i32 to index
    %swap3A_1588 = arith.constant 16 : index
    %swap3A_1589 = tpu.vector_load %arg7[%swap3A_1587, %swap3A_1588] {strides = array<i32>} : memref<64x32xf32, #tpu.memory_space<vmem>>, vector<1x16xf32>,
    %swap3A_1590 = vector.shape_cast %swap3A_1589 : vector<1x16xf32> to vector<16xf32>
    %swap3A_1591 = vector.shape_cast %get3A_1585 : vector<16xf32> to vector<1x16xf32>
    tpu.vector_store %arg7[%swap3A_1587, %swap3A_1588], %swap3A_1591 {strides = array<i32>} : memref<64x32xf32, #tpu.memory_space<vmem>>, vector<1x16xf32>,
    %get3A_1592 = arith.constant 5 : i32
    %get3A_1593 = arith.index_cast %get3A_1592 : i32 to index
    %get3A_1594 = arith.constant 0 : index
    %get3A_1595 = tpu.vector_load %arg6[%get3A_1593, %get3A_1594] {strides = array<i32>} : memref<50x32xf32, #tpu.memory_space<vmem>>, vector<1x16xf32>,
    %get3A_1596 = vector.shape_cast %get3A_1595 : vector<1x16xf32> to vector<16xf32>
    %swap3A_1597 = arith.constant 5 : i32
    %swap3A_1598 = arith.index_cast %swap3A_1597 : i32 to index
    %swap3A_1599 = arith.constant 0 : index
    %swap3A_1600 = tpu.vector_load %arg7[%swap3A_1598, %swap3A_1599] {strides = array<i32>} : memref<64x32xf32, #tpu.memory_space<vmem>>, vector<1x16xf32>,
    %swap3A_1601 = vector.shape_cast %swap3A_1600 : vector<1x16xf32> to vector<16xf32>
    %swap3A_1602 = vector.shape_cast %get3A_1596 : vector<16xf32> to vector<1x16xf32>
    tpu.vector_store %arg7[%swap3A_1598, %swap3A_1599], %swap3A_1602 {strides = array<i32>} : memref<64x32xf32, #tpu.memory_space<vmem>>, vector<1x16xf32>,
    %get3A_1603 = arith.constant 5 : i32
    %get3A_1604 = arith.index_cast %get3A_1603 : i32 to index
    %get3A_1605 = arith.constant 16 : index
    %get3A_1606 = tpu.vector_load %arg6[%get3A_1604, %get3A_1605] {strides = array<i32>} : memref<50x32xf32, #tpu.memory_space<vmem>>, vector<1x16xf32>,
    %get3A_1607 = vector.shape_cast %get3A_1606 : vector<1x16xf32> to vector<16xf32>
    %swap3A_1608 = arith.constant 5 : i32
    %swap3A_1609 = arith.index_cast %swap3A_1608 : i32 to index
    %swap3A_1610 = arith.constant 16 : index
    %swap3A_1611 = tpu.vector_load %arg7[%swap3A_1609, %swap3A_1610] {strides = array<i32>} : memref<64x32xf32, #tpu.memory_space<vmem>>, vector<1x16xf32>,
    %swap3A_1612 = vector.shape_cast %swap3A_1611 : vector<1x16xf32> to vector<16xf32>
    %swap3A_1613 = vector.shape_cast %get3A_1607 : vector<16xf32> to vector<1x16xf32>
    tpu.vector_store %arg7[%swap3A_1609, %swap3A_1610], %swap3A_1613 {strides = array<i32>} : memref<64x32xf32, #tpu.memory_space<vmem>>, vector<1x16xf32>,
    %get3A_1614 = arith.constant 6 : i32
    %get3A_1615 = arith.index_cast %get3A_1614 : i32 to index
    %get3A_1616 = arith.constant 0 : index
    %get3A_1617 = tpu.vector_load %arg6[%get3A_1615, %get3A_1616] {strides = array<i32>} : memref<50x32xf32, #tpu.memory_space<vmem>>, vector<1x16xf32>,
    %get3A_1618 = vector.shape_cast %get3A_1617 : vector<1x16xf32> to vector<16xf32>
    %swap3A_1619 = arith.constant 6 : i32
    %swap3A_1620 = arith.index_cast %swap3A_1619 : i32 to index
    %swap3A_1621 = arith.constant 0 : index
    %swap3A_1622 = tpu.vector_load %arg7[%swap3A_1620, %swap3A_1621] {strides = array<i32>} : memref<64x32xf32, #tpu.memory_space<vmem>>, vector<1x16xf32>,
    %swap3A_1623 = vector.shape_cast %swap3A_1622 : vector<1x16xf32> to vector<16xf32>
    %swap3A_1624 = vector.shape_cast %get3A_1618 : vector<16xf32> to vector<1x16xf32>
    tpu.vector_store %arg7[%swap3A_1620, %swap3A_1621], %swap3A_1624 {strides = array<i32>} : memref<64x32xf32, #tpu.memory_space<vmem>>, vector<1x16xf32>,
    %get3A_1625 = arith.constant 6 : i32
    %get3A_1626 = arith.index_cast %get3A_1625 : i32 to index
    %get3A_1627 = arith.constant 16 : index
    %get3A_1628 = tpu.vector_load %arg6[%get3A_1626, %get3A_1627] {strides = array<i32>} : memref<50x32xf32, #tpu.memory_space<vmem>>, vector<1x16xf32>,
    %get3A_1629 = vector.shape_cast %get3A_1628 : vector<1x16xf32> to vector<16xf32>
    %swap3A_1630 = arith.constant 6 : i32
    %swap3A_1631 = arith.index_cast %swap3A_1630 : i32 to index
    %swap3A_1632 = arith.constant 16 : index
    %swap3A_1633 = tpu.vector_load %arg7[%swap3A_1631, %swap3A_1632] {strides = array<i32>} : memref<64x32xf32, #tpu.memory_space<vmem>>, vector<1x16xf32>,
    %swap3A_1634 = vector.shape_cast %swap3A_1633 : vector<1x16xf32> to vector<16xf32>
    %swap3A_1635 = vector.shape_cast %get3A_1629 : vector<16xf32> to vector<1x16xf32>
    tpu.vector_store %arg7[%swap3A_1631, %swap3A_1632], %swap3A_1635 {strides = array<i32>} : memref<64x32xf32, #tpu.memory_space<vmem>>, vector<1x16xf32>,
    %get3A_1636 = arith.constant 7 : i32
    %get3A_1637 = arith.index_cast %get3A_1636 : i32 to index
    %get3A_1638 = arith.constant 0 : index
    %get3A_1639 = tpu.vector_load %arg6[%get3A_1637, %get3A_1638] {strides = array<i32>} : memref<50x32xf32, #tpu.memory_space<vmem>>, vector<1x16xf32>,
    %get3A_1640 = vector.shape_cast %get3A_1639 : vector<1x16xf32> to vector<16xf32>
    %swap3A_1641 = arith.constant 7 : i32
    %swap3A_1642 = arith.index_cast %swap3A_1641 : i32 to index
    %swap3A_1643 = arith.constant 0 : index
    %swap3A_1644 = tpu.vector_load %arg7[%swap3A_1642, %swap3A_1643] {strides = array<i32>} : memref<64x32xf32, #tpu.memory_space<vmem>>, vector<1x16xf32>,
    %swap3A_1645 = vector.shape_cast %swap3A_1644 : vector<1x16xf32> to vector<16xf32>
    %swap3A_1646 = vector.shape_cast %get3A_1640 : vector<16xf32> to vector<1x16xf32>
    tpu.vector_store %arg7[%swap3A_1642, %swap3A_1643], %swap3A_1646 {strides = array<i32>} : memref<64x32xf32, #tpu.memory_space<vmem>>, vector<1x16xf32>,
    %get3A_1647 = arith.constant 7 : i32
    %get3A_1648 = arith.index_cast %get3A_1647 : i32 to index
    %get3A_1649 = arith.constant 16 : index
    %get3A_1650 = tpu.vector_load %arg6[%get3A_1648, %get3A_1649] {strides = array<i32>} : memref<50x32xf32, #tpu.memory_space<vmem>>, vector<1x16xf32>,
    %get3A_1651 = vector.shape_cast %get3A_1650 : vector<1x16xf32> to vector<16xf32>
    %swap3A_1652 = arith.constant 7 : i32
    %swap3A_1653 = arith.index_cast %swap3A_1652 : i32 to index
    %swap3A_1654 = arith.constant 16 : index
    %swap3A_1655 = tpu.vector_load %arg7[%swap3A_1653, %swap3A_1654] {strides = array<i32>} : memref<64x32xf32, #tpu.memory_space<vmem>>, vector<1x16xf32>,
    %swap3A_1656 = vector.shape_cast %swap3A_1655 : vector<1x16xf32> to vector<16xf32>
    %swap3A_1657 = vector.shape_cast %get3A_1651 : vector<16xf32> to vector<1x16xf32>
    tpu.vector_store %arg7[%swap3A_1653, %swap3A_1654], %swap3A_1657 {strides = array<i32>} : memref<64x32xf32, #tpu.memory_space<vmem>>, vector<1x16xf32>,
    %get3A_1658 = arith.constant 8 : i32
    %get3A_1659 = arith.index_cast %get3A_1658 : i32 to index
    %get3A_1660 = arith.constant 0 : index
    %get3A_1661 = tpu.vector_load %arg6[%get3A_1659, %get3A_1660] {strides = array<i32>} : memref<50x32xf32, #tpu.memory_space<vmem>>, vector<1x16xf32>,
    %get3A_1662 = vector.shape_cast %get3A_1661 : vector<1x16xf32> to vector<16xf32>
    %swap3A_1663 = arith.constant 8 : i32
    %swap3A_1664 = arith.index_cast %swap3A_1663 : i32 to index
    %swap3A_1665 = arith.constant 0 : index
    %swap3A_1666 = tpu.vector_load %arg7[%swap3A_1664, %swap3A_1665] {strides = array<i32>} : memref<64x32xf32, #tpu.memory_space<vmem>>, vector<1x16xf32>,
    %swap3A_1667 = vector.shape_cast %swap3A_1666 : vector<1x16xf32> to vector<16xf32>
    %swap3A_1668 = vector.shape_cast %get3A_1662 : vector<16xf32> to vector<1x16xf32>
    tpu.vector_store %arg7[%swap3A_1664, %swap3A_1665], %swap3A_1668 {strides = array<i32>} : memref<64x32xf32, #tpu.memory_space<vmem>>, vector<1x16xf32>,
    %get3A_1669 = arith.constant 8 : i32
    %get3A_1670 = arith.index_cast %get3A_1669 : i32 to index
    %get3A_1671 = arith.constant 16 : index
    %get3A_1672 = tpu.vector_load %arg6[%get3A_1670, %get3A_1671] {strides = array<i32>} : memref<50x32xf32, #tpu.memory_space<vmem>>, vector<1x16xf32>,
    %get3A_1673 = vector.shape_cast %get3A_1672 : vector<1x16xf32> to vector<16xf32>
    %swap3A_1674 = arith.constant 8 : i32
    %swap3A_1675 = arith.index_cast %swap3A_1674 : i32 to index
    %swap3A_1676 = arith.constant 16 : index
    %swap3A_1677 = tpu.vector_load %arg7[%swap3A_1675, %swap3A_1676] {strides = array<i32>} : memref<64x32xf32, #tpu.memory_space<vmem>>, vector<1x16xf32>,
    %swap3A_1678 = vector.shape_cast %swap3A_1677 : vector<1x16xf32> to vector<16xf32>
    %swap3A_1679 = vector.shape_cast %get3A_1673 : vector<16xf32> to vector<1x16xf32>
    tpu.vector_store %arg7[%swap3A_1675, %swap3A_1676], %swap3A_1679 {strides = array<i32>} : memref<64x32xf32, #tpu.memory_space<vmem>>, vector<1x16xf32>,
    %get3A_1680 = arith.constant 9 : i32
    %get3A_1681 = arith.index_cast %get3A_1680 : i32 to index
    %get3A_1682 = arith.constant 0 : index
    %get3A_1683 = tpu.vector_load %arg6[%get3A_1681, %get3A_1682] {strides = array<i32>} : memref<50x32xf32, #tpu.memory_space<vmem>>, vector<1x16xf32>,
    %get3A_1684 = vector.shape_cast %get3A_1683 : vector<1x16xf32> to vector<16xf32>
    %swap3A_1685 = arith.constant 9 : i32
    %swap3A_1686 = arith.index_cast %swap3A_1685 : i32 to index
    %swap3A_1687 = arith.constant 0 : index
    %swap3A_1688 = tpu.vector_load %arg7[%swap3A_1686, %swap3A_1687] {strides = array<i32>} : memref<64x32xf32, #tpu.memory_space<vmem>>, vector<1x16xf32>,
    %swap3A_1689 = vector.shape_cast %swap3A_1688 : vector<1x16xf32> to vector<16xf32>
    %swap3A_1690 = vector.shape_cast %get3A_1684 : vector<16xf32> to vector<1x16xf32>
    tpu.vector_store %arg7[%swap3A_1686, %swap3A_1687], %swap3A_1690 {strides = array<i32>} : memref<64x32xf32, #tpu.memory_space<vmem>>, vector<1x16xf32>,
    %get3A_1691 = arith.constant 9 : i32
    %get3A_1692 = arith.index_cast %get3A_1691 : i32 to index
    %get3A_1693 = arith.constant 16 : index
    %get3A_1694 = tpu.vector_load %arg6[%get3A_1692, %get3A_1693] {strides = array<i32>} : memref<50x32xf32, #tpu.memory_space<vmem>>, vector<1x16xf32>,
    %get3A_1695 = vector.shape_cast %get3A_1694 : vector<1x16xf32> to vector<16xf32>
    %swap3A_1696 = arith.constant 9 : i32
    %swap3A_1697 = arith.index_cast %swap3A_1696 : i32 to index
    %swap3A_1698 = arith.constant 16 : index
    %swap3A_1699 = tpu.vector_load %arg7[%swap3A_1697, %swap3A_1698] {strides = array<i32>} : memref<64x32xf32, #tpu.memory_space<vmem>>, vector<1x16xf32>,
    %swap3A_1700 = vector.shape_cast %swap3A_1699 : vector<1x16xf32> to vector<16xf32>
    %swap3A_1701 = vector.shape_cast %get3A_1695 : vector<16xf32> to vector<1x16xf32>
    tpu.vector_store %arg7[%swap3A_1697, %swap3A_1698], %swap3A_1701 {strides = array<i32>} : memref<64x32xf32, #tpu.memory_space<vmem>>, vector<1x16xf32>,
    %get3A_1702 = arith.constant 10 : i32
    %get3A_1703 = arith.index_cast %get3A_1702 : i32 to index
    %get3A_1704 = arith.constant 0 : index
    %get3A_1705 = tpu.vector_load %arg6[%get3A_1703, %get3A_1704] {strides = array<i32>} : memref<50x32xf32, #tpu.memory_space<vmem>>, vector<1x16xf32>,
    %get3A_1706 = vector.shape_cast %get3A_1705 : vector<1x16xf32> to vector<16xf32>
    %swap3A_1707 = arith.constant 10 : i32
    %swap3A_1708 = arith.index_cast %swap3A_1707 : i32 to index
    %swap3A_1709 = arith.constant 0 : index
    %swap3A_1710 = tpu.vector_load %arg7[%swap3A_1708, %swap3A_1709] {strides = array<i32>} : memref<64x32xf32, #tpu.memory_space<vmem>>, vector<1x16xf32>,
    %swap3A_1711 = vector.shape_cast %swap3A_1710 : vector<1x16xf32> to vector<16xf32>
    %swap3A_1712 = vector.shape_cast %get3A_1706 : vector<16xf32> to vector<1x16xf32>
    tpu.vector_store %arg7[%swap3A_1708, %swap3A_1709], %swap3A_1712 {strides = array<i32>} : memref<64x32xf32, #tpu.memory_space<vmem>>, vector<1x16xf32>,
    %get3A_1713 = arith.constant 10 : i32
    %get3A_1714 = arith.index_cast %get3A_1713 : i32 to index
    %get3A_1715 = arith.constant 16 : index
    %get3A_1716 = tpu.vector_load %arg6[%get3A_1714, %get3A_1715] {strides = array<i32>} : memref<50x32xf32, #tpu.memory_space<vmem>>, vector<1x16xf32>,
    %get3A_1717 = vector.shape_cast %get3A_1716 : vector<1x16xf32> to vector<16xf32>
    %swap3A_1718 = arith.constant 10 : i32
    %swap3A_1719 = arith.index_cast %swap3A_1718 : i32 to index
    %swap3A_1720 = arith.constant 16 : index
    %swap3A_1721 = tpu.vector_load %arg7[%swap3A_1719, %swap3A_1720] {strides = array<i32>} : memref<64x32xf32, #tpu.memory_space<vmem>>, vector<1x16xf32>,
    %swap3A_1722 = vector.shape_cast %swap3A_1721 : vector<1x16xf32> to vector<16xf32>
    %swap3A_1723 = vector.shape_cast %get3A_1717 : vector<16xf32> to vector<1x16xf32>
    tpu.vector_store %arg7[%swap3A_1719, %swap3A_1720], %swap3A_1723 {strides = array<i32>} : memref<64x32xf32, #tpu.memory_space<vmem>>, vector<1x16xf32>,
    %get3A_1724 = arith.constant 11 : i32
    %get3A_1725 = arith.index_cast %get3A_1724 : i32 to index
    %get3A_1726 = arith.constant 0 : index
    %get3A_1727 = tpu.vector_load %arg6[%get3A_1725, %get3A_1726] {strides = array<i32>} : memref<50x32xf32, #tpu.memory_space<vmem>>, vector<1x16xf32>,
    %get3A_1728 = vector.shape_cast %get3A_1727 : vector<1x16xf32> to vector<16xf32>
    %swap3A_1729 = arith.constant 11 : i32
    %swap3A_1730 = arith.index_cast %swap3A_1729 : i32 to index
    %swap3A_1731 = arith.constant 0 : index
    %swap3A_1732 = tpu.vector_load %arg7[%swap3A_1730, %swap3A_1731] {strides = array<i32>} : memref<64x32xf32, #tpu.memory_space<vmem>>, vector<1x16xf32>,
    %swap3A_1733 = vector.shape_cast %swap3A_1732 : vector<1x16xf32> to vector<16xf32>
    %swap3A_1734 = vector.shape_cast %get3A_1728 : vector<16xf32> to vector<1x16xf32>
    tpu.vector_store %arg7[%swap3A_1730, %swap3A_1731], %swap3A_1734 {strides = array<i32>} : memref<64x32xf32, #tpu.memory_space<vmem>>, vector<1x16xf32>,
    %get3A_1735 = arith.constant 11 : i32
    %get3A_1736 = arith.index_cast %get3A_1735 : i32 to index
    %get3A_1737 = arith.constant 16 : index
    %get3A_1738 = tpu.vector_load %arg6[%get3A_1736, %get3A_1737] {strides = array<i32>} : memref<50x32xf32, #tpu.memory_space<vmem>>, vector<1x16xf32>,
    %get3A_1739 = vector.shape_cast %get3A_1738 : vector<1x16xf32> to vector<16xf32>
    %swap3A_1740 = arith.constant 11 : i32
    %swap3A_1741 = arith.index_cast %swap3A_1740 : i32 to index
    %swap3A_1742 = arith.constant 16 : index
    %swap3A_1743 = tpu.vector_load %arg7[%swap3A_1741, %swap3A_1742] {strides = array<i32>} : memref<64x32xf32, #tpu.memory_space<vmem>>, vector<1x16xf32>,
    %swap3A_1744 = vector.shape_cast %swap3A_1743 : vector<1x16xf32> to vector<16xf32>
    %swap3A_1745 = vector.shape_cast %get3A_1739 : vector<16xf32> to vector<1x16xf32>
    tpu.vector_store %arg7[%swap3A_1741, %swap3A_1742], %swap3A_1745 {strides = array<i32>} : memref<64x32xf32, #tpu.memory_space<vmem>>, vector<1x16xf32>,
    %get3A_1746 = arith.constant 12 : i32
    %get3A_1747 = arith.index_cast %get3A_1746 : i32 to index
    %get3A_1748 = arith.constant 0 : index
    %get3A_1749 = tpu.vector_load %arg6[%get3A_1747, %get3A_1748] {strides = array<i32>} : memref<50x32xf32, #tpu.memory_space<vmem>>, vector<1x16xf32>,
    %get3A_1750 = vector.shape_cast %get3A_1749 : vector<1x16xf32> to vector<16xf32>
    %swap3A_1751 = arith.constant 12 : i32
    %swap3A_1752 = arith.index_cast %swap3A_1751 : i32 to index
    %swap3A_1753 = arith.constant 0 : index
    %swap3A_1754 = tpu.vector_load %arg7[%swap3A_1752, %swap3A_1753] {strides = array<i32>} : memref<64x32xf32, #tpu.memory_space<vmem>>, vector<1x16xf32>,
    %swap3A_1755 = vector.shape_cast %swap3A_1754 : vector<1x16xf32> to vector<16xf32>
    %swap3A_1756 = vector.shape_cast %get3A_1750 : vector<16xf32> to vector<1x16xf32>
    tpu.vector_store %arg7[%swap3A_1752, %swap3A_1753], %swap3A_1756 {strides = array<i32>} : memref<64x32xf32, #tpu.memory_space<vmem>>, vector<1x16xf32>,
    %get3A_1757 = arith.constant 12 : i32
    %get3A_1758 = arith.index_cast %get3A_1757 : i32 to index
    %get3A_1759 = arith.constant 16 : index
    %get3A_1760 = tpu.vector_load %arg6[%get3A_1758, %get3A_1759] {strides = array<i32>} : memref<50x32xf32, #tpu.memory_space<vmem>>, vector<1x16xf32>,
    %get3A_1761 = vector.shape_cast %get3A_1760 : vector<1x16xf32> to vector<16xf32>
    %swap3A_1762 = arith.constant 12 : i32
    %swap3A_1763 = arith.index_cast %swap3A_1762 : i32 to index
    %swap3A_1764 = arith.constant 16 : index
    %swap3A_1765 = tpu.vector_load %arg7[%swap3A_1763, %swap3A_1764] {strides = array<i32>} : memref<64x32xf32, #tpu.memory_space<vmem>>, vector<1x16xf32>,
    %swap3A_1766 = vector.shape_cast %swap3A_1765 : vector<1x16xf32> to vector<16xf32>
    %swap3A_1767 = vector.shape_cast %get3A_1761 : vector<16xf32> to vector<1x16xf32>
    tpu.vector_store %arg7[%swap3A_1763, %swap3A_1764], %swap3A_1767 {strides = array<i32>} : memref<64x32xf32, #tpu.memory_space<vmem>>, vector<1x16xf32>,
    %get3A_1768 = arith.constant 13 : i32
    %get3A_1769 = arith.index_cast %get3A_1768 : i32 to index
    %get3A_1770 = arith.constant 0 : index
    %get3A_1771 = tpu.vector_load %arg6[%get3A_1769, %get3A_1770] {strides = array<i32>} : memref<50x32xf32, #tpu.memory_space<vmem>>, vector<1x16xf32>,
    %get3A_1772 = vector.shape_cast %get3A_1771 : vector<1x16xf32> to vector<16xf32>
    %swap3A_1773 = arith.constant 13 : i32
    %swap3A_1774 = arith.index_cast %swap3A_1773 : i32 to index
    %swap3A_1775 = arith.constant 0 : index
    %swap3A_1776 = tpu.vector_load %arg7[%swap3A_1774, %swap3A_1775] {strides = array<i32>} : memref<64x32xf32, #tpu.memory_space<vmem>>, vector<1x16xf32>,
    %swap3A_1777 = vector.shape_cast %swap3A_1776 : vector<1x16xf32> to vector<16xf32>
    %swap3A_1778 = vector.shape_cast %get3A_1772 : vector<16xf32> to vector<1x16xf32>
    tpu.vector_store %arg7[%swap3A_1774, %swap3A_1775], %swap3A_1778 {strides = array<i32>} : memref<64x32xf32, #tpu.memory_space<vmem>>, vector<1x16xf32>,
    %get3A_1779 = arith.constant 13 : i32
    %get3A_1780 = arith.index_cast %get3A_1779 : i32 to index
    %get3A_1781 = arith.constant 16 : index
    %get3A_1782 = tpu.vector_load %arg6[%get3A_1780, %get3A_1781] {strides = array<i32>} : memref<50x32xf32, #tpu.memory_space<vmem>>, vector<1x16xf32>,
    %get3A_1783 = vector.shape_cast %get3A_1782 : vector<1x16xf32> to vector<16xf32>
    %swap3A_1784 = arith.constant 13 : i32
    %swap3A_1785 = arith.index_cast %swap3A_1784 : i32 to index
    %swap3A_1786 = arith.constant 16 : index
    %swap3A_1787 = tpu.vector_load %arg7[%swap3A_1785, %swap3A_1786] {strides = array<i32>} : memref<64x32xf32, #tpu.memory_space<vmem>>, vector<1x16xf32>,
    %swap3A_1788 = vector.shape_cast %swap3A_1787 : vector<1x16xf32> to vector<16xf32>
    %swap3A_1789 = vector.shape_cast %get3A_1783 : vector<16xf32> to vector<1x16xf32>
    tpu.vector_store %arg7[%swap3A_1785, %swap3A_1786], %swap3A_1789 {strides = array<i32>} : memref<64x32xf32, #tpu.memory_space<vmem>>, vector<1x16xf32>,
    %get3A_1790 = arith.constant 14 : i32
    %get3A_1791 = arith.index_cast %get3A_1790 : i32 to index
    %get3A_1792 = arith.constant 0 : index
    %get3A_1793 = tpu.vector_load %arg6[%get3A_1791, %get3A_1792] {strides = array<i32>} : memref<50x32xf32, #tpu.memory_space<vmem>>, vector<1x16xf32>,
    %get3A_1794 = vector.shape_cast %get3A_1793 : vector<1x16xf32> to vector<16xf32>
    %swap3A_1795 = arith.constant 14 : i32
    %swap3A_1796 = arith.index_cast %swap3A_1795 : i32 to index
    %swap3A_1797 = arith.constant 0 : index
    %swap3A_1798 = tpu.vector_load %arg7[%swap3A_1796, %swap3A_1797] {strides = array<i32>} : memref<64x32xf32, #tpu.memory_space<vmem>>, vector<1x16xf32>,
    %swap3A_1799 = vector.shape_cast %swap3A_1798 : vector<1x16xf32> to vector<16xf32>
    %swap3A_1800 = vector.shape_cast %get3A_1794 : vector<16xf32> to vector<1x16xf32>
    tpu.vector_store %arg7[%swap3A_1796, %swap3A_1797], %swap3A_1800 {strides = array<i32>} : memref<64x32xf32, #tpu.memory_space<vmem>>, vector<1x16xf32>,
    %get3A_1801 = arith.constant 14 : i32
    %get3A_1802 = arith.index_cast %get3A_1801 : i32 to index
    %get3A_1803 = arith.constant 16 : index
    %get3A_1804 = tpu.vector_load %arg6[%get3A_1802, %get3A_1803] {strides = array<i32>} : memref<50x32xf32, #tpu.memory_space<vmem>>, vector<1x16xf32>,
    %get3A_1805 = vector.shape_cast %get3A_1804 : vector<1x16xf32> to vector<16xf32>
    %swap3A_1806 = arith.constant 14 : i32
    %swap3A_1807 = arith.index_cast %swap3A_1806 : i32 to index
    %swap3A_1808 = arith.constant 16 : index
    %swap3A_1809 = tpu.vector_load %arg7[%swap3A_1807, %swap3A_1808] {strides = array<i32>} : memref<64x32xf32, #tpu.memory_space<vmem>>, vector<1x16xf32>,
    %swap3A_1810 = vector.shape_cast %swap3A_1809 : vector<1x16xf32> to vector<16xf32>
    %swap3A_1811 = vector.shape_cast %get3A_1805 : vector<16xf32> to vector<1x16xf32>
    tpu.vector_store %arg7[%swap3A_1807, %swap3A_1808], %swap3A_1811 {strides = array<i32>} : memref<64x32xf32, #tpu.memory_space<vmem>>, vector<1x16xf32>,
    %get3A_1812 = arith.constant 15 : i32
    %get3A_1813 = arith.index_cast %get3A_1812 : i32 to index
    %get3A_1814 = arith.constant 0 : index
    %get3A_1815 = tpu.vector_load %arg6[%get3A_1813, %get3A_1814] {strides = array<i32>} : memref<50x32xf32, #tpu.memory_space<vmem>>, vector<1x16xf32>,
    %get3A_1816 = vector.shape_cast %get3A_1815 : vector<1x16xf32> to vector<16xf32>
    %swap3A_1817 = arith.constant 15 : i32
    %swap3A_1818 = arith.index_cast %swap3A_1817 : i32 to index
    %swap3A_1819 = arith.constant 0 : index
    %swap3A_1820 = tpu.vector_load %arg7[%swap3A_1818, %swap3A_1819] {strides = array<i32>} : memref<64x32xf32, #tpu.memory_space<vmem>>, vector<1x16xf32>,
    %swap3A_1821 = vector.shape_cast %swap3A_1820 : vector<1x16xf32> to vector<16xf32>
    %swap3A_1822 = vector.shape_cast %get3A_1816 : vector<16xf32> to vector<1x16xf32>
    tpu.vector_store %arg7[%swap3A_1818, %swap3A_1819], %swap3A_1822 {strides = array<i32>} : memref<64x32xf32, #tpu.memory_space<vmem>>, vector<1x16xf32>,
    %get3A_1823 = arith.constant 15 : i32
    %get3A_1824 = arith.index_cast %get3A_1823 : i32 to index
    %get3A_1825 = arith.constant 16 : index
    %get3A_1826 = tpu.vector_load %arg6[%get3A_1824, %get3A_1825] {strides = array<i32>} : memref<50x32xf32, #tpu.memory_space<vmem>>, vector<1x16xf32>,
    %get3A_1827 = vector.shape_cast %get3A_1826 : vector<1x16xf32> to vector<16xf32>
    %swap3A_1828 = arith.constant 15 : i32
    %swap3A_1829 = arith.index_cast %swap3A_1828 : i32 to index
    %swap3A_1830 = arith.constant 16 : index
    %swap3A_1831 = tpu.vector_load %arg7[%swap3A_1829, %swap3A_1830] {strides = array<i32>} : memref<64x32xf32, #tpu.memory_space<vmem>>, vector<1x16xf32>,
    %swap3A_1832 = vector.shape_cast %swap3A_1831 : vector<1x16xf32> to vector<16xf32>
    %swap3A_1833 = vector.shape_cast %get3A_1827 : vector<16xf32> to vector<1x16xf32>
    tpu.vector_store %arg7[%swap3A_1829, %swap3A_1830], %swap3A_1833 {strides = array<i32>} : memref<64x32xf32, #tpu.memory_space<vmem>>, vector<1x16xf32>,
    %get3A_1834 = arith.constant 16 : i32
    %get3A_1835 = arith.index_cast %get3A_1834 : i32 to index
    %get3A_1836 = arith.constant 0 : index
    %get3A_1837 = tpu.vector_load %arg6[%get3A_1835, %get3A_1836] {strides = array<i32>} : memref<50x32xf32, #tpu.memory_space<vmem>>, vector<1x16xf32>,
    %get3A_1838 = vector.shape_cast %get3A_1837 : vector<1x16xf32> to vector<16xf32>
    %swap3A_1839 = arith.constant 16 : i32
    %swap3A_1840 = arith.index_cast %swap3A_1839 : i32 to index
    %swap3A_1841 = arith.constant 0 : index
    %swap3A_1842 = tpu.vector_load %arg7[%swap3A_1840, %swap3A_1841] {strides = array<i32>} : memref<64x32xf32, #tpu.memory_space<vmem>>, vector<1x16xf32>,
    %swap3A_1843 = vector.shape_cast %swap3A_1842 : vector<1x16xf32> to vector<16xf32>
    %swap3A_1844 = vector.shape_cast %get3A_1838 : vector<16xf32> to vector<1x16xf32>
    tpu.vector_store %arg7[%swap3A_1840, %swap3A_1841], %swap3A_1844 {strides = array<i32>} : memref<64x32xf32, #tpu.memory_space<vmem>>, vector<1x16xf32>,
    %get3A_1845 = arith.constant 16 : i32
    %get3A_1846 = arith.index_cast %get3A_1845 : i32 to index
    %get3A_1847 = arith.constant 16 : index
    %get3A_1848 = tpu.vector_load %arg6[%get3A_1846, %get3A_1847] {strides = array<i32>} : memref<50x32xf32, #tpu.memory_space<vmem>>, vector<1x16xf32>,
    %get3A_1849 = vector.shape_cast %get3A_1848 : vector<1x16xf32> to vector<16xf32>
    %swap3A_1850 = arith.constant 16 : i32
    %swap3A_1851 = arith.index_cast %swap3A_1850 : i32 to index
    %swap3A_1852 = arith.constant 16 : index
    %swap3A_1853 = tpu.vector_load %arg7[%swap3A_1851, %swap3A_1852] {strides = array<i32>} : memref<64x32xf32, #tpu.memory_space<vmem>>, vector<1x16xf32>,
    %swap3A_1854 = vector.shape_cast %swap3A_1853 : vector<1x16xf32> to vector<16xf32>
    %swap3A_1855 = vector.shape_cast %get3A_1849 : vector<16xf32> to vector<1x16xf32>
    tpu.vector_store %arg7[%swap3A_1851, %swap3A_1852], %swap3A_1855 {strides = array<i32>} : memref<64x32xf32, #tpu.memory_space<vmem>>, vector<1x16xf32>,
    %get3A_1856 = arith.constant 17 : i32
    %get3A_1857 = arith.index_cast %get3A_1856 : i32 to index
    %get3A_1858 = arith.constant 0 : index
    %get3A_1859 = tpu.vector_load %arg6[%get3A_1857, %get3A_1858] {strides = array<i32>} : memref<50x32xf32, #tpu.memory_space<vmem>>, vector<1x16xf32>,
    %get3A_1860 = vector.shape_cast %get3A_1859 : vector<1x16xf32> to vector<16xf32>
    %swap3A_1861 = arith.constant 17 : i32
    %swap3A_1862 = arith.index_cast %swap3A_1861 : i32 to index
    %swap3A_1863 = arith.constant 0 : index
    %swap3A_1864 = tpu.vector_load %arg7[%swap3A_1862, %swap3A_1863] {strides = array<i32>} : memref<64x32xf32, #tpu.memory_space<vmem>>, vector<1x16xf32>,
    %swap3A_1865 = vector.shape_cast %swap3A_1864 : vector<1x16xf32> to vector<16xf32>
    %swap3A_1866 = vector.shape_cast %get3A_1860 : vector<16xf32> to vector<1x16xf32>
    tpu.vector_store %arg7[%swap3A_1862, %swap3A_1863], %swap3A_1866 {strides = array<i32>} : memref<64x32xf32, #tpu.memory_space<vmem>>, vector<1x16xf32>,
    %get3A_1867 = arith.constant 17 : i32
    %get3A_1868 = arith.index_cast %get3A_1867 : i32 to index
    %get3A_1869 = arith.constant 16 : index
    %get3A_1870 = tpu.vector_load %arg6[%get3A_1868, %get3A_1869] {strides = array<i32>} : memref<50x32xf32, #tpu.memory_space<vmem>>, vector<1x16xf32>,
    %get3A_1871 = vector.shape_cast %get3A_1870 : vector<1x16xf32> to vector<16xf32>
    %swap3A_1872 = arith.constant 17 : i32
    %swap3A_1873 = arith.index_cast %swap3A_1872 : i32 to index
    %swap3A_1874 = arith.constant 16 : index
    %swap3A_1875 = tpu.vector_load %arg7[%swap3A_1873, %swap3A_1874] {strides = array<i32>} : memref<64x32xf32, #tpu.memory_space<vmem>>, vector<1x16xf32>,
    %swap3A_1876 = vector.shape_cast %swap3A_1875 : vector<1x16xf32> to vector<16xf32>
    %swap3A_1877 = vector.shape_cast %get3A_1871 : vector<16xf32> to vector<1x16xf32>
    tpu.vector_store %arg7[%swap3A_1873, %swap3A_1874], %swap3A_1877 {strides = array<i32>} : memref<64x32xf32, #tpu.memory_space<vmem>>, vector<1x16xf32>,
    %get3A_1878 = arith.constant 18 : i32
    %get3A_1879 = arith.index_cast %get3A_1878 : i32 to index
    %get3A_1880 = arith.constant 0 : index
    %get3A_1881 = tpu.vector_load %arg6[%get3A_1879, %get3A_1880] {strides = array<i32>} : memref<50x32xf32, #tpu.memory_space<vmem>>, vector<1x16xf32>,
    %get3A_1882 = vector.shape_cast %get3A_1881 : vector<1x16xf32> to vector<16xf32>
    %swap3A_1883 = arith.constant 18 : i32
    %swap3A_1884 = arith.index_cast %swap3A_1883 : i32 to index
    %swap3A_1885 = arith.constant 0 : index
    %swap3A_1886 = tpu.vector_load %arg7[%swap3A_1884, %swap3A_1885] {strides = array<i32>} : memref<64x32xf32, #tpu.memory_space<vmem>>, vector<1x16xf32>,
    %swap3A_1887 = vector.shape_cast %swap3A_1886 : vector<1x16xf32> to vector<16xf32>
    %swap3A_1888 = vector.shape_cast %get3A_1882 : vector<16xf32> to vector<1x16xf32>
    tpu.vector_store %arg7[%swap3A_1884, %swap3A_1885], %swap3A_1888 {strides = array<i32>} : memref<64x32xf32, #tpu.memory_space<vmem>>, vector<1x16xf32>,
    %get3A_1889 = arith.constant 18 : i32
    %get3A_1890 = arith.index_cast %get3A_1889 : i32 to index
    %get3A_1891 = arith.constant 16 : index
    %get3A_1892 = tpu.vector_load %arg6[%get3A_1890, %get3A_1891] {strides = array<i32>} : memref<50x32xf32, #tpu.memory_space<vmem>>, vector<1x16xf32>,
    %get3A_1893 = vector.shape_cast %get3A_1892 : vector<1x16xf32> to vector<16xf32>
    %swap3A_1894 = arith.constant 18 : i32
    %swap3A_1895 = arith.index_cast %swap3A_1894 : i32 to index
    %swap3A_1896 = arith.constant 16 : index
    %swap3A_1897 = tpu.vector_load %arg7[%swap3A_1895, %swap3A_1896] {strides = array<i32>} : memref<64x32xf32, #tpu.memory_space<vmem>>, vector<1x16xf32>,
    %swap3A_1898 = vector.shape_cast %swap3A_1897 : vector<1x16xf32> to vector<16xf32>
    %swap3A_1899 = vector.shape_cast %get3A_1893 : vector<16xf32> to vector<1x16xf32>
    tpu.vector_store %arg7[%swap3A_1895, %swap3A_1896], %swap3A_1899 {strides = array<i32>} : memref<64x32xf32, #tpu.memory_space<vmem>>, vector<1x16xf32>,
    %get3A_1900 = arith.constant 19 : i32
    %get3A_1901 = arith.index_cast %get3A_1900 : i32 to index
    %get3A_1902 = arith.constant 0 : index
    %get3A_1903 = tpu.vector_load %arg6[%get3A_1901, %get3A_1902] {strides = array<i32>} : memref<50x32xf32, #tpu.memory_space<vmem>>, vector<1x16xf32>,
    %get3A_1904 = vector.shape_cast %get3A_1903 : vector<1x16xf32> to vector<16xf32>
    %swap3A_1905 = arith.constant 19 : i32
    %swap3A_1906 = arith.index_cast %swap3A_1905 : i32 to index
    %swap3A_1907 = arith.constant 0 : index
    %swap3A_1908 = tpu.vector_load %arg7[%swap3A_1906, %swap3A_1907] {strides = array<i32>} : memref<64x32xf32, #tpu.memory_space<vmem>>, vector<1x16xf32>,
    %swap3A_1909 = vector.shape_cast %swap3A_1908 : vector<1x16xf32> to vector<16xf32>
    %swap3A_1910 = vector.shape_cast %get3A_1904 : vector<16xf32> to vector<1x16xf32>
    tpu.vector_store %arg7[%swap3A_1906, %swap3A_1907], %swap3A_1910 {strides = array<i32>} : memref<64x32xf32, #tpu.memory_space<vmem>>, vector<1x16xf32>,
    %get3A_1911 = arith.constant 19 : i32
    %get3A_1912 = arith.index_cast %get3A_1911 : i32 to index
    %get3A_1913 = arith.constant 16 : index
    %get3A_1914 = tpu.vector_load %arg6[%get3A_1912, %get3A_1913] {strides = array<i32>} : memref<50x32xf32, #tpu.memory_space<vmem>>, vector<1x16xf32>,
    %get3A_1915 = vector.shape_cast %get3A_1914 : vector<1x16xf32> to vector<16xf32>
    %swap3A_1916 = arith.constant 19 : i32
    %swap3A_1917 = arith.index_cast %swap3A_1916 : i32 to index
    %swap3A_1918 = arith.constant 16 : index
    %swap3A_1919 = tpu.vector_load %arg7[%swap3A_1917, %swap3A_1918] {strides = array<i32>} : memref<64x32xf32, #tpu.memory_space<vmem>>, vector<1x16xf32>,
    %swap3A_1920 = vector.shape_cast %swap3A_1919 : vector<1x16xf32> to vector<16xf32>
    %swap3A_1921 = vector.shape_cast %get3A_1915 : vector<16xf32> to vector<1x16xf32>
    tpu.vector_store %arg7[%swap3A_1917, %swap3A_1918], %swap3A_1921 {strides = array<i32>} : memref<64x32xf32, #tpu.memory_space<vmem>>, vector<1x16xf32>,
    %get3A_1922 = arith.constant 20 : i32
    %get3A_1923 = arith.index_cast %get3A_1922 : i32 to index
    %get3A_1924 = arith.constant 0 : index
    %get3A_1925 = tpu.vector_load %arg6[%get3A_1923, %get3A_1924] {strides = array<i32>} : memref<50x32xf32, #tpu.memory_space<vmem>>, vector<1x16xf32>,
    %get3A_1926 = vector.shape_cast %get3A_1925 : vector<1x16xf32> to vector<16xf32>
    %swap3A_1927 = arith.constant 20 : i32
    %swap3A_1928 = arith.index_cast %swap3A_1927 : i32 to index
    %swap3A_1929 = arith.constant 0 : index
    %swap3A_1930 = tpu.vector_load %arg7[%swap3A_1928, %swap3A_1929] {strides = array<i32>} : memref<64x32xf32, #tpu.memory_space<vmem>>, vector<1x16xf32>,
    %swap3A_1931 = vector.shape_cast %swap3A_1930 : vector<1x16xf32> to vector<16xf32>
    %swap3A_1932 = vector.shape_cast %get3A_1926 : vector<16xf32> to vector<1x16xf32>
    tpu.vector_store %arg7[%swap3A_1928, %swap3A_1929], %swap3A_1932 {strides = array<i32>} : memref<64x32xf32, #tpu.memory_space<vmem>>, vector<1x16xf32>,
    %get3A_1933 = arith.constant 20 : i32
    %get3A_1934 = arith.index_cast %get3A_1933 : i32 to index
    %get3A_1935 = arith.constant 16 : index
    %get3A_1936 = tpu.vector_load %arg6[%get3A_1934, %get3A_1935] {strides = array<i32>} : memref<50x32xf32, #tpu.memory_space<vmem>>, vector<1x16xf32>,
    %get3A_1937 = vector.shape_cast %get3A_1936 : vector<1x16xf32> to vector<16xf32>
    %swap3A_1938 = arith.constant 20 : i32
    %swap3A_1939 = arith.index_cast %swap3A_1938 : i32 to index
    %swap3A_1940 = arith.constant 16 : index
    %swap3A_1941 = tpu.vector_load %arg7[%swap3A_1939, %swap3A_1940] {strides = array<i32>} : memref<64x32xf32, #tpu.memory_space<vmem>>, vector<1x16xf32>,
    %swap3A_1942 = vector.shape_cast %swap3A_1941 : vector<1x16xf32> to vector<16xf32>
    %swap3A_1943 = vector.shape_cast %get3A_1937 : vector<16xf32> to vector<1x16xf32>
    tpu.vector_store %arg7[%swap3A_1939, %swap3A_1940], %swap3A_1943 {strides = array<i32>} : memref<64x32xf32, #tpu.memory_space<vmem>>, vector<1x16xf32>,
    %get3A_1944 = arith.constant 21 : i32
    %get3A_1945 = arith.index_cast %get3A_1944 : i32 to index
    %get3A_1946 = arith.constant 0 : index
    %get3A_1947 = tpu.vector_load %arg6[%get3A_1945, %get3A_1946] {strides = array<i32>} : memref<50x32xf32, #tpu.memory_space<vmem>>, vector<1x16xf32>,
    %get3A_1948 = vector.shape_cast %get3A_1947 : vector<1x16xf32> to vector<16xf32>
    %swap3A_1949 = arith.constant 21 : i32
    %swap3A_1950 = arith.index_cast %swap3A_1949 : i32 to index
    %swap3A_1951 = arith.constant 0 : index
    %swap3A_1952 = tpu.vector_load %arg7[%swap3A_1950, %swap3A_1951] {strides = array<i32>} : memref<64x32xf32, #tpu.memory_space<vmem>>, vector<1x16xf32>,
    %swap3A_1953 = vector.shape_cast %swap3A_1952 : vector<1x16xf32> to vector<16xf32>
    %swap3A_1954 = vector.shape_cast %get3A_1948 : vector<16xf32> to vector<1x16xf32>
    tpu.vector_store %arg7[%swap3A_1950, %swap3A_1951], %swap3A_1954 {strides = array<i32>} : memref<64x32xf32, #tpu.memory_space<vmem>>, vector<1x16xf32>,
    %get3A_1955 = arith.constant 21 : i32
    %get3A_1956 = arith.index_cast %get3A_1955 : i32 to index
    %get3A_1957 = arith.constant 16 : index
    %get3A_1958 = tpu.vector_load %arg6[%get3A_1956, %get3A_1957] {strides = array<i32>} : memref<50x32xf32, #tpu.memory_space<vmem>>, vector<1x16xf32>,
    %get3A_1959 = vector.shape_cast %get3A_1958 : vector<1x16xf32> to vector<16xf32>
    %swap3A_1960 = arith.constant 21 : i32
    %swap3A_1961 = arith.index_cast %swap3A_1960 : i32 to index
    %swap3A_1962 = arith.constant 16 : index
    %swap3A_1963 = tpu.vector_load %arg7[%swap3A_1961, %swap3A_1962] {strides = array<i32>} : memref<64x32xf32, #tpu.memory_space<vmem>>, vector<1x16xf32>,
    %swap3A_1964 = vector.shape_cast %swap3A_1963 : vector<1x16xf32> to vector<16xf32>
    %swap3A_1965 = vector.shape_cast %get3A_1959 : vector<16xf32> to vector<1x16xf32>
    tpu.vector_store %arg7[%swap3A_1961, %swap3A_1962], %swap3A_1965 {strides = array<i32>} : memref<64x32xf32, #tpu.memory_space<vmem>>, vector<1x16xf32>,
    %get3A_1966 = arith.constant 22 : i32
    %get3A_1967 = arith.index_cast %get3A_1966 : i32 to index
    %get3A_1968 = arith.constant 0 : index
    %get3A_1969 = tpu.vector_load %arg6[%get3A_1967, %get3A_1968] {strides = array<i32>} : memref<50x32xf32, #tpu.memory_space<vmem>>, vector<1x16xf32>,
    %get3A_1970 = vector.shape_cast %get3A_1969 : vector<1x16xf32> to vector<16xf32>
    %swap3A_1971 = arith.constant 22 : i32
    %swap3A_1972 = arith.index_cast %swap3A_1971 : i32 to index
    %swap3A_1973 = arith.constant 0 : index
    %swap3A_1974 = tpu.vector_load %arg7[%swap3A_1972, %swap3A_1973] {strides = array<i32>} : memref<64x32xf32, #tpu.memory_space<vmem>>, vector<1x16xf32>,
    %swap3A_1975 = vector.shape_cast %swap3A_1974 : vector<1x16xf32> to vector<16xf32>
    %swap3A_1976 = vector.shape_cast %get3A_1970 : vector<16xf32> to vector<1x16xf32>
    tpu.vector_store %arg7[%swap3A_1972, %swap3A_1973], %swap3A_1976 {strides = array<i32>} : memref<64x32xf32, #tpu.memory_space<vmem>>, vector<1x16xf32>,
    %get3A_1977 = arith.constant 22 : i32
    %get3A_1978 = arith.index_cast %get3A_1977 : i32 to index
    %get3A_1979 = arith.constant 16 : index
    %get3A_1980 = tpu.vector_load %arg6[%get3A_1978, %get3A_1979] {strides = array<i32>} : memref<50x32xf32, #tpu.memory_space<vmem>>, vector<1x16xf32>,
    %get3A_1981 = vector.shape_cast %get3A_1980 : vector<1x16xf32> to vector<16xf32>
    %swap3A_1982 = arith.constant 22 : i32
    %swap3A_1983 = arith.index_cast %swap3A_1982 : i32 to index
    %swap3A_1984 = arith.constant 16 : index
    %swap3A_1985 = tpu.vector_load %arg7[%swap3A_1983, %swap3A_1984] {strides = array<i32>} : memref<64x32xf32, #tpu.memory_space<vmem>>, vector<1x16xf32>,
    %swap3A_1986 = vector.shape_cast %swap3A_1985 : vector<1x16xf32> to vector<16xf32>
    %swap3A_1987 = vector.shape_cast %get3A_1981 : vector<16xf32> to vector<1x16xf32>
    tpu.vector_store %arg7[%swap3A_1983, %swap3A_1984], %swap3A_1987 {strides = array<i32>} : memref<64x32xf32, #tpu.memory_space<vmem>>, vector<1x16xf32>,
    %get3A_1988 = arith.constant 23 : i32
    %get3A_1989 = arith.index_cast %get3A_1988 : i32 to index
    %get3A_1990 = arith.constant 0 : index
    %get3A_1991 = tpu.vector_load %arg6[%get3A_1989, %get3A_1990] {strides = array<i32>} : memref<50x32xf32, #tpu.memory_space<vmem>>, vector<1x16xf32>,
    %get3A_1992 = vector.shape_cast %get3A_1991 : vector<1x16xf32> to vector<16xf32>
    %swap3A_1993 = arith.constant 23 : i32
    %swap3A_1994 = arith.index_cast %swap3A_1993 : i32 to index
    %swap3A_1995 = arith.constant 0 : index
    %swap3A_1996 = tpu.vector_load %arg7[%swap3A_1994, %swap3A_1995] {strides = array<i32>} : memref<64x32xf32, #tpu.memory_space<vmem>>, vector<1x16xf32>,
    %swap3A_1997 = vector.shape_cast %swap3A_1996 : vector<1x16xf32> to vector<16xf32>
    %swap3A_1998 = vector.shape_cast %get3A_1992 : vector<16xf32> to vector<1x16xf32>
    tpu.vector_store %arg7[%swap3A_1994, %swap3A_1995], %swap3A_1998 {strides = array<i32>} : memref<64x32xf32, #tpu.memory_space<vmem>>, vector<1x16xf32>,
    %get3A_1999 = arith.constant 23 : i32
    %get3A_2000 = arith.index_cast %get3A_1999 : i32 to index
    %get3A_2001 = arith.constant 16 : index
    %get3A_2002 = tpu.vector_load %arg6[%get3A_2000, %get3A_2001] {strides = array<i32>} : memref<50x32xf32, #tpu.memory_space<vmem>>, vector<1x16xf32>,
    %get3A_2003 = vector.shape_cast %get3A_2002 : vector<1x16xf32> to vector<16xf32>
    %swap3A_2004 = arith.constant 23 : i32
    %swap3A_2005 = arith.index_cast %swap3A_2004 : i32 to index
    %swap3A_2006 = arith.constant 16 : index
    %swap3A_2007 = tpu.vector_load %arg7[%swap3A_2005, %swap3A_2006] {strides = array<i32>} : memref<64x32xf32, #tpu.memory_space<vmem>>, vector<1x16xf32>,
    %swap3A_2008 = vector.shape_cast %swap3A_2007 : vector<1x16xf32> to vector<16xf32>
    %swap3A_2009 = vector.shape_cast %get3A_2003 : vector<16xf32> to vector<1x16xf32>
    tpu.vector_store %arg7[%swap3A_2005, %swap3A_2006], %swap3A_2009 {strides = array<i32>} : memref<64x32xf32, #tpu.memory_space<vmem>>, vector<1x16xf32>,
    %get3A_2010 = arith.constant 24 : i32
    %get3A_2011 = arith.index_cast %get3A_2010 : i32 to index
    %get3A_2012 = arith.constant 0 : index
    %get3A_2013 = tpu.vector_load %arg6[%get3A_2011, %get3A_2012] {strides = array<i32>} : memref<50x32xf32, #tpu.memory_space<vmem>>, vector<1x16xf32>,
    %get3A_2014 = vector.shape_cast %get3A_2013 : vector<1x16xf32> to vector<16xf32>
    %swap3A_2015 = arith.constant 24 : i32
    %swap3A_2016 = arith.index_cast %swap3A_2015 : i32 to index
    %swap3A_2017 = arith.constant 0 : index
    %swap3A_2018 = tpu.vector_load %arg7[%swap3A_2016, %swap3A_2017] {strides = array<i32>} : memref<64x32xf32, #tpu.memory_space<vmem>>, vector<1x16xf32>,
    %swap3A_2019 = vector.shape_cast %swap3A_2018 : vector<1x16xf32> to vector<16xf32>
    %swap3A_2020 = vector.shape_cast %get3A_2014 : vector<16xf32> to vector<1x16xf32>
    tpu.vector_store %arg7[%swap3A_2016, %swap3A_2017], %swap3A_2020 {strides = array<i32>} : memref<64x32xf32, #tpu.memory_space<vmem>>, vector<1x16xf32>,
    %get3A_2021 = arith.constant 24 : i32
    %get3A_2022 = arith.index_cast %get3A_2021 : i32 to index
    %get3A_2023 = arith.constant 16 : index
    %get3A_2024 = tpu.vector_load %arg6[%get3A_2022, %get3A_2023] {strides = array<i32>} : memref<50x32xf32, #tpu.memory_space<vmem>>, vector<1x16xf32>,
    %get3A_2025 = vector.shape_cast %get3A_2024 : vector<1x16xf32> to vector<16xf32>
    %swap3A_2026 = arith.constant 24 : i32
    %swap3A_2027 = arith.index_cast %swap3A_2026 : i32 to index
    %swap3A_2028 = arith.constant 16 : index
    %swap3A_2029 = tpu.vector_load %arg7[%swap3A_2027, %swap3A_2028] {strides = array<i32>} : memref<64x32xf32, #tpu.memory_space<vmem>>, vector<1x16xf32>,
    %swap3A_2030 = vector.shape_cast %swap3A_2029 : vector<1x16xf32> to vector<16xf32>
    %swap3A_2031 = vector.shape_cast %get3A_2025 : vector<16xf32> to vector<1x16xf32>
    tpu.vector_store %arg7[%swap3A_2027, %swap3A_2028], %swap3A_2031 {strides = array<i32>} : memref<64x32xf32, #tpu.memory_space<vmem>>, vector<1x16xf32>,
    %get3A_2032 = arith.constant 25 : i32
    %get3A_2033 = arith.index_cast %get3A_2032 : i32 to index
    %get3A_2034 = arith.constant 0 : index
    %get3A_2035 = tpu.vector_load %arg6[%get3A_2033, %get3A_2034] {strides = array<i32>} : memref<50x32xf32, #tpu.memory_space<vmem>>, vector<1x16xf32>,
    %get3A_2036 = vector.shape_cast %get3A_2035 : vector<1x16xf32> to vector<16xf32>
    %swap3A_2037 = arith.constant 25 : i32
    %swap3A_2038 = arith.index_cast %swap3A_2037 : i32 to index
    %swap3A_2039 = arith.constant 0 : index
    %swap3A_2040 = tpu.vector_load %arg7[%swap3A_2038, %swap3A_2039] {strides = array<i32>} : memref<64x32xf32, #tpu.memory_space<vmem>>, vector<1x16xf32>,
    %swap3A_2041 = vector.shape_cast %swap3A_2040 : vector<1x16xf32> to vector<16xf32>
    %swap3A_2042 = vector.shape_cast %get3A_2036 : vector<16xf32> to vector<1x16xf32>
    tpu.vector_store %arg7[%swap3A_2038, %swap3A_2039], %swap3A_2042 {strides = array<i32>} : memref<64x32xf32, #tpu.memory_space<vmem>>, vector<1x16xf32>,
    %get3A_2043 = arith.constant 25 : i32
    %get3A_2044 = arith.index_cast %get3A_2043 : i32 to index
    %get3A_2045 = arith.constant 16 : index
    %get3A_2046 = tpu.vector_load %arg6[%get3A_2044, %get3A_2045] {strides = array<i32>} : memref<50x32xf32, #tpu.memory_space<vmem>>, vector<1x16xf32>,
    %get3A_2047 = vector.shape_cast %get3A_2046 : vector<1x16xf32> to vector<16xf32>
    %swap3A_2048 = arith.constant 25 : i32
    %swap3A_2049 = arith.index_cast %swap3A_2048 : i32 to index
    %swap3A_2050 = arith.constant 16 : index
    %swap3A_2051 = tpu.vector_load %arg7[%swap3A_2049, %swap3A_2050] {strides = array<i32>} : memref<64x32xf32, #tpu.memory_space<vmem>>, vector<1x16xf32>,
    %swap3A_2052 = vector.shape_cast %swap3A_2051 : vector<1x16xf32> to vector<16xf32>
    %swap3A_2053 = vector.shape_cast %get3A_2047 : vector<16xf32> to vector<1x16xf32>
    tpu.vector_store %arg7[%swap3A_2049, %swap3A_2050], %swap3A_2053 {strides = array<i32>} : memref<64x32xf32, #tpu.memory_space<vmem>>, vector<1x16xf32>,
    %get3A_2054 = arith.constant 26 : i32
    %get3A_2055 = arith.index_cast %get3A_2054 : i32 to index
    %get3A_2056 = arith.constant 0 : index
    %get3A_2057 = tpu.vector_load %arg6[%get3A_2055, %get3A_2056] {strides = array<i32>} : memref<50x32xf32, #tpu.memory_space<vmem>>, vector<1x16xf32>,
    %get3A_2058 = vector.shape_cast %get3A_2057 : vector<1x16xf32> to vector<16xf32>
    %swap3A_2059 = arith.constant 26 : i32
    %swap3A_2060 = arith.index_cast %swap3A_2059 : i32 to index
    %swap3A_2061 = arith.constant 0 : index
    %swap3A_2062 = tpu.vector_load %arg7[%swap3A_2060, %swap3A_2061] {strides = array<i32>} : memref<64x32xf32, #tpu.memory_space<vmem>>, vector<1x16xf32>,
    %swap3A_2063 = vector.shape_cast %swap3A_2062 : vector<1x16xf32> to vector<16xf32>
    %swap3A_2064 = vector.shape_cast %get3A_2058 : vector<16xf32> to vector<1x16xf32>
    tpu.vector_store %arg7[%swap3A_2060, %swap3A_2061], %swap3A_2064 {strides = array<i32>} : memref<64x32xf32, #tpu.memory_space<vmem>>, vector<1x16xf32>,
    %get3A_2065 = arith.constant 26 : i32
    %get3A_2066 = arith.index_cast %get3A_2065 : i32 to index
    %get3A_2067 = arith.constant 16 : index
    %get3A_2068 = tpu.vector_load %arg6[%get3A_2066, %get3A_2067] {strides = array<i32>} : memref<50x32xf32, #tpu.memory_space<vmem>>, vector<1x16xf32>,
    %get3A_2069 = vector.shape_cast %get3A_2068 : vector<1x16xf32> to vector<16xf32>
    %swap3A_2070 = arith.constant 26 : i32
    %swap3A_2071 = arith.index_cast %swap3A_2070 : i32 to index
    %swap3A_2072 = arith.constant 16 : index
    %swap3A_2073 = tpu.vector_load %arg7[%swap3A_2071, %swap3A_2072] {strides = array<i32>} : memref<64x32xf32, #tpu.memory_space<vmem>>, vector<1x16xf32>,
    %swap3A_2074 = vector.shape_cast %swap3A_2073 : vector<1x16xf32> to vector<16xf32>
    %swap3A_2075 = vector.shape_cast %get3A_2069 : vector<16xf32> to vector<1x16xf32>
    tpu.vector_store %arg7[%swap3A_2071, %swap3A_2072], %swap3A_2075 {strides = array<i32>} : memref<64x32xf32, #tpu.memory_space<vmem>>, vector<1x16xf32>,
    %get3A_2076 = arith.constant 27 : i32
    %get3A_2077 = arith.index_cast %get3A_2076 : i32 to index
    %get3A_2078 = arith.constant 0 : index
    %get3A_2079 = tpu.vector_load %arg6[%get3A_2077, %get3A_2078] {strides = array<i32>} : memref<50x32xf32, #tpu.memory_space<vmem>>, vector<1x16xf32>,
    %get3A_2080 = vector.shape_cast %get3A_2079 : vector<1x16xf32> to vector<16xf32>
    %swap3A_2081 = arith.constant 27 : i32
    %swap3A_2082 = arith.index_cast %swap3A_2081 : i32 to index
    %swap3A_2083 = arith.constant 0 : index
    %swap3A_2084 = tpu.vector_load %arg7[%swap3A_2082, %swap3A_2083] {strides = array<i32>} : memref<64x32xf32, #tpu.memory_space<vmem>>, vector<1x16xf32>,
    %swap3A_2085 = vector.shape_cast %swap3A_2084 : vector<1x16xf32> to vector<16xf32>
    %swap3A_2086 = vector.shape_cast %get3A_2080 : vector<16xf32> to vector<1x16xf32>
    tpu.vector_store %arg7[%swap3A_2082, %swap3A_2083], %swap3A_2086 {strides = array<i32>} : memref<64x32xf32, #tpu.memory_space<vmem>>, vector<1x16xf32>,
    %get3A_2087 = arith.constant 27 : i32
    %get3A_2088 = arith.index_cast %get3A_2087 : i32 to index
    %get3A_2089 = arith.constant 16 : index
    %get3A_2090 = tpu.vector_load %arg6[%get3A_2088, %get3A_2089] {strides = array<i32>} : memref<50x32xf32, #tpu.memory_space<vmem>>, vector<1x16xf32>,
    %get3A_2091 = vector.shape_cast %get3A_2090 : vector<1x16xf32> to vector<16xf32>
    %swap3A_2092 = arith.constant 27 : i32
    %swap3A_2093 = arith.index_cast %swap3A_2092 : i32 to index
    %swap3A_2094 = arith.constant 16 : index
    %swap3A_2095 = tpu.vector_load %arg7[%swap3A_2093, %swap3A_2094] {strides = array<i32>} : memref<64x32xf32, #tpu.memory_space<vmem>>, vector<1x16xf32>,
    %swap3A_2096 = vector.shape_cast %swap3A_2095 : vector<1x16xf32> to vector<16xf32>
    %swap3A_2097 = vector.shape_cast %get3A_2091 : vector<16xf32> to vector<1x16xf32>
    tpu.vector_store %arg7[%swap3A_2093, %swap3A_2094], %swap3A_2097 {strides = array<i32>} : memref<64x32xf32, #tpu.memory_space<vmem>>, vector<1x16xf32>,
    %get3A_2098 = arith.constant 28 : i32
    %get3A_2099 = arith.index_cast %get3A_2098 : i32 to index
    %get3A_2100 = arith.constant 0 : index
    %get3A_2101 = tpu.vector_load %arg6[%get3A_2099, %get3A_2100] {strides = array<i32>} : memref<50x32xf32, #tpu.memory_space<vmem>>, vector<1x16xf32>,
    %get3A_2102 = vector.shape_cast %get3A_2101 : vector<1x16xf32> to vector<16xf32>
    %swap3A_2103 = arith.constant 28 : i32
    %swap3A_2104 = arith.index_cast %swap3A_2103 : i32 to index
    %swap3A_2105 = arith.constant 0 : index
    %swap3A_2106 = tpu.vector_load %arg7[%swap3A_2104, %swap3A_2105] {strides = array<i32>} : memref<64x32xf32, #tpu.memory_space<vmem>>, vector<1x16xf32>,
    %swap3A_2107 = vector.shape_cast %swap3A_2106 : vector<1x16xf32> to vector<16xf32>
    %swap3A_2108 = vector.shape_cast %get3A_2102 : vector<16xf32> to vector<1x16xf32>
    tpu.vector_store %arg7[%swap3A_2104, %swap3A_2105], %swap3A_2108 {strides = array<i32>} : memref<64x32xf32, #tpu.memory_space<vmem>>, vector<1x16xf32>,
    %get3A_2109 = arith.constant 28 : i32
    %get3A_2110 = arith.index_cast %get3A_2109 : i32 to index
    %get3A_2111 = arith.constant 16 : index
    %get3A_2112 = tpu.vector_load %arg6[%get3A_2110, %get3A_2111] {strides = array<i32>} : memref<50x32xf32, #tpu.memory_space<vmem>>, vector<1x16xf32>,
    %get3A_2113 = vector.shape_cast %get3A_2112 : vector<1x16xf32> to vector<16xf32>
    %swap3A_2114 = arith.constant 28 : i32
    %swap3A_2115 = arith.index_cast %swap3A_2114 : i32 to index
    %swap3A_2116 = arith.constant 16 : index
    %swap3A_2117 = tpu.vector_load %arg7[%swap3A_2115, %swap3A_2116] {strides = array<i32>} : memref<64x32xf32, #tpu.memory_space<vmem>>, vector<1x16xf32>,
    %swap3A_2118 = vector.shape_cast %swap3A_2117 : vector<1x16xf32> to vector<16xf32>
    %swap3A_2119 = vector.shape_cast %get3A_2113 : vector<16xf32> to vector<1x16xf32>
    tpu.vector_store %arg7[%swap3A_2115, %swap3A_2116], %swap3A_2119 {strides = array<i32>} : memref<64x32xf32, #tpu.memory_space<vmem>>, vector<1x16xf32>,
    %get3A_2120 = arith.constant 29 : i32
    %get3A_2121 = arith.index_cast %get3A_2120 : i32 to index
    %get3A_2122 = arith.constant 0 : index
    %get3A_2123 = tpu.vector_load %arg6[%get3A_2121, %get3A_2122] {strides = array<i32>} : memref<50x32xf32, #tpu.memory_space<vmem>>, vector<1x16xf32>,
    %get3A_2124 = vector.shape_cast %get3A_2123 : vector<1x16xf32> to vector<16xf32>
    %swap3A_2125 = arith.constant 29 : i32
    %swap3A_2126 = arith.index_cast %swap3A_2125 : i32 to index
    %swap3A_2127 = arith.constant 0 : index
    %swap3A_2128 = tpu.vector_load %arg7[%swap3A_2126, %swap3A_2127] {strides = array<i32>} : memref<64x32xf32, #tpu.memory_space<vmem>>, vector<1x16xf32>,
    %swap3A_2129 = vector.shape_cast %swap3A_2128 : vector<1x16xf32> to vector<16xf32>
    %swap3A_2130 = vector.shape_cast %get3A_2124 : vector<16xf32> to vector<1x16xf32>
    tpu.vector_store %arg7[%swap3A_2126, %swap3A_2127], %swap3A_2130 {strides = array<i32>} : memref<64x32xf32, #tpu.memory_space<vmem>>, vector<1x16xf32>,
    %get3A_2131 = arith.constant 29 : i32
    %get3A_2132 = arith.index_cast %get3A_2131 : i32 to index
    %get3A_2133 = arith.constant 16 : index
    %get3A_2134 = tpu.vector_load %arg6[%get3A_2132, %get3A_2133] {strides = array<i32>} : memref<50x32xf32, #tpu.memory_space<vmem>>, vector<1x16xf32>,
    %get3A_2135 = vector.shape_cast %get3A_2134 : vector<1x16xf32> to vector<16xf32>
    %swap3A_2136 = arith.constant 29 : i32
    %swap3A_2137 = arith.index_cast %swap3A_2136 : i32 to index
    %swap3A_2138 = arith.constant 16 : index
    %swap3A_2139 = tpu.vector_load %arg7[%swap3A_2137, %swap3A_2138] {strides = array<i32>} : memref<64x32xf32, #tpu.memory_space<vmem>>, vector<1x16xf32>,
    %swap3A_2140 = vector.shape_cast %swap3A_2139 : vector<1x16xf32> to vector<16xf32>
    %swap3A_2141 = vector.shape_cast %get3A_2135 : vector<16xf32> to vector<1x16xf32>
    tpu.vector_store %arg7[%swap3A_2137, %swap3A_2138], %swap3A_2141 {strides = array<i32>} : memref<64x32xf32, #tpu.memory_space<vmem>>, vector<1x16xf32>,
    %get3A_2142 = arith.constant 30 : i32
    %get3A_2143 = arith.index_cast %get3A_2142 : i32 to index
    %get3A_2144 = arith.constant 0 : index
    %get3A_2145 = tpu.vector_load %arg6[%get3A_2143, %get3A_2144] {strides = array<i32>} : memref<50x32xf32, #tpu.memory_space<vmem>>, vector<1x16xf32>,
    %get3A_2146 = vector.shape_cast %get3A_2145 : vector<1x16xf32> to vector<16xf32>
    %swap3A_2147 = arith.constant 30 : i32
    %swap3A_2148 = arith.index_cast %swap3A_2147 : i32 to index
    %swap3A_2149 = arith.constant 0 : index
    %swap3A_2150 = tpu.vector_load %arg7[%swap3A_2148, %swap3A_2149] {strides = array<i32>} : memref<64x32xf32, #tpu.memory_space<vmem>>, vector<1x16xf32>,
    %swap3A_2151 = vector.shape_cast %swap3A_2150 : vector<1x16xf32> to vector<16xf32>
    %swap3A_2152 = vector.shape_cast %get3A_2146 : vector<16xf32> to vector<1x16xf32>
    tpu.vector_store %arg7[%swap3A_2148, %swap3A_2149], %swap3A_2152 {strides = array<i32>} : memref<64x32xf32, #tpu.memory_space<vmem>>, vector<1x16xf32>,
    %get3A_2153 = arith.constant 30 : i32
    %get3A_2154 = arith.index_cast %get3A_2153 : i32 to index
    %get3A_2155 = arith.constant 16 : index
    %get3A_2156 = tpu.vector_load %arg6[%get3A_2154, %get3A_2155] {strides = array<i32>} : memref<50x32xf32, #tpu.memory_space<vmem>>, vector<1x16xf32>,
    %get3A_2157 = vector.shape_cast %get3A_2156 : vector<1x16xf32> to vector<16xf32>
    %swap3A_2158 = arith.constant 30 : i32
    %swap3A_2159 = arith.index_cast %swap3A_2158 : i32 to index
    %swap3A_2160 = arith.constant 16 : index
    %swap3A_2161 = tpu.vector_load %arg7[%swap3A_2159, %swap3A_2160] {strides = array<i32>} : memref<64x32xf32, #tpu.memory_space<vmem>>, vector<1x16xf32>,
    %swap3A_2162 = vector.shape_cast %swap3A_2161 : vector<1x16xf32> to vector<16xf32>
    %swap3A_2163 = vector.shape_cast %get3A_2157 : vector<16xf32> to vector<1x16xf32>
    tpu.vector_store %arg7[%swap3A_2159, %swap3A_2160], %swap3A_2163 {strides = array<i32>} : memref<64x32xf32, #tpu.memory_space<vmem>>, vector<1x16xf32>,
    %get3A_2164 = arith.constant 31 : i32
    %get3A_2165 = arith.index_cast %get3A_2164 : i32 to index
    %get3A_2166 = arith.constant 0 : index
    %get3A_2167 = tpu.vector_load %arg6[%get3A_2165, %get3A_2166] {strides = array<i32>} : memref<50x32xf32, #tpu.memory_space<vmem>>, vector<1x16xf32>,
    %get3A_2168 = vector.shape_cast %get3A_2167 : vector<1x16xf32> to vector<16xf32>
    %swap3A_2169 = arith.constant 31 : i32
    %swap3A_2170 = arith.index_cast %swap3A_2169 : i32 to index
    %swap3A_2171 = arith.constant 0 : index
    %swap3A_2172 = tpu.vector_load %arg7[%swap3A_2170, %swap3A_2171] {strides = array<i32>} : memref<64x32xf32, #tpu.memory_space<vmem>>, vector<1x16xf32>,
    %swap3A_2173 = vector.shape_cast %swap3A_2172 : vector<1x16xf32> to vector<16xf32>
    %swap3A_2174 = vector.shape_cast %get3A_2168 : vector<16xf32> to vector<1x16xf32>
    tpu.vector_store %arg7[%swap3A_2170, %swap3A_2171], %swap3A_2174 {strides = array<i32>} : memref<64x32xf32, #tpu.memory_space<vmem>>, vector<1x16xf32>,
    %get3A_2175 = arith.constant 31 : i32
    %get3A_2176 = arith.index_cast %get3A_2175 : i32 to index
    %get3A_2177 = arith.constant 16 : index
    %get3A_2178 = tpu.vector_load %arg6[%get3A_2176, %get3A_2177] {strides = array<i32>} : memref<50x32xf32, #tpu.memory_space<vmem>>, vector<1x16xf32>,
    %get3A_2179 = vector.shape_cast %get3A_2178 : vector<1x16xf32> to vector<16xf32>
    %swap3A_2180 = arith.constant 31 : i32
    %swap3A_2181 = arith.index_cast %swap3A_2180 : i32 to index
    %swap3A_2182 = arith.constant 16 : index
    %swap3A_2183 = tpu.vector_load %arg7[%swap3A_2181, %swap3A_2182] {strides = array<i32>} : memref<64x32xf32, #tpu.memory_space<vmem>>, vector<1x16xf32>,
    %swap3A_2184 = vector.shape_cast %swap3A_2183 : vector<1x16xf32> to vector<16xf32>
    %swap3A_2185 = vector.shape_cast %get3A_2179 : vector<16xf32> to vector<1x16xf32>
    tpu.vector_store %arg7[%swap3A_2181, %swap3A_2182], %swap3A_2185 {strides = array<i32>} : memref<64x32xf32, #tpu.memory_space<vmem>>, vector<1x16xf32>,
    %get3A_2186 = arith.constant 32 : i32
    %get3A_2187 = arith.index_cast %get3A_2186 : i32 to index
    %get3A_2188 = arith.constant 0 : index
    %get3A_2189 = tpu.vector_load %arg6[%get3A_2187, %get3A_2188] {strides = array<i32>} : memref<50x32xf32, #tpu.memory_space<vmem>>, vector<1x16xf32>,
    %get3A_2190 = vector.shape_cast %get3A_2189 : vector<1x16xf32> to vector<16xf32>
    %swap3A_2191 = arith.constant 32 : i32
    %swap3A_2192 = arith.index_cast %swap3A_2191 : i32 to index
    %swap3A_2193 = arith.constant 0 : index
    %swap3A_2194 = tpu.vector_load %arg7[%swap3A_2192, %swap3A_2193] {strides = array<i32>} : memref<64x32xf32, #tpu.memory_space<vmem>>, vector<1x16xf32>,
    %swap3A_2195 = vector.shape_cast %swap3A_2194 : vector<1x16xf32> to vector<16xf32>
    %swap3A_2196 = vector.shape_cast %get3A_2190 : vector<16xf32> to vector<1x16xf32>
    tpu.vector_store %arg7[%swap3A_2192, %swap3A_2193], %swap3A_2196 {strides = array<i32>} : memref<64x32xf32, #tpu.memory_space<vmem>>, vector<1x16xf32>,
    %get3A_2197 = arith.constant 32 : i32
    %get3A_2198 = arith.index_cast %get3A_2197 : i32 to index
    %get3A_2199 = arith.constant 16 : index
    %get3A_2200 = tpu.vector_load %arg6[%get3A_2198, %get3A_2199] {strides = array<i32>} : memref<50x32xf32, #tpu.memory_space<vmem>>, vector<1x16xf32>,
    %get3A_2201 = vector.shape_cast %get3A_2200 : vector<1x16xf32> to vector<16xf32>
    %swap3A_2202 = arith.constant 32 : i32
    %swap3A_2203 = arith.index_cast %swap3A_2202 : i32 to index
    %swap3A_2204 = arith.constant 16 : index
    %swap3A_2205 = tpu.vector_load %arg7[%swap3A_2203, %swap3A_2204] {strides = array<i32>} : memref<64x32xf32, #tpu.memory_space<vmem>>, vector<1x16xf32>,
    %swap3A_2206 = vector.shape_cast %swap3A_2205 : vector<1x16xf32> to vector<16xf32>
    %swap3A_2207 = vector.shape_cast %get3A_2201 : vector<16xf32> to vector<1x16xf32>
    tpu.vector_store %arg7[%swap3A_2203, %swap3A_2204], %swap3A_2207 {strides = array<i32>} : memref<64x32xf32, #tpu.memory_space<vmem>>, vector<1x16xf32>,
    %get3A_2208 = arith.constant 33 : i32
    %get3A_2209 = arith.index_cast %get3A_2208 : i32 to index
    %get3A_2210 = arith.constant 0 : index
    %get3A_2211 = tpu.vector_load %arg6[%get3A_2209, %get3A_2210] {strides = array<i32>} : memref<50x32xf32, #tpu.memory_space<vmem>>, vector<1x16xf32>,
    %get3A_2212 = vector.shape_cast %get3A_2211 : vector<1x16xf32> to vector<16xf32>
    %swap3A_2213 = arith.constant 33 : i32
    %swap3A_2214 = arith.index_cast %swap3A_2213 : i32 to index
    %swap3A_2215 = arith.constant 0 : index
    %swap3A_2216 = tpu.vector_load %arg7[%swap3A_2214, %swap3A_2215] {strides = array<i32>} : memref<64x32xf32, #tpu.memory_space<vmem>>, vector<1x16xf32>,
    %swap3A_2217 = vector.shape_cast %swap3A_2216 : vector<1x16xf32> to vector<16xf32>
    %swap3A_2218 = vector.shape_cast %get3A_2212 : vector<16xf32> to vector<1x16xf32>
    tpu.vector_store %arg7[%swap3A_2214, %swap3A_2215], %swap3A_2218 {strides = array<i32>} : memref<64x32xf32, #tpu.memory_space<vmem>>, vector<1x16xf32>,
    %get3A_2219 = arith.constant 33 : i32
    %get3A_2220 = arith.index_cast %get3A_2219 : i32 to index
    %get3A_2221 = arith.constant 16 : index
    %get3A_2222 = tpu.vector_load %arg6[%get3A_2220, %get3A_2221] {strides = array<i32>} : memref<50x32xf32, #tpu.memory_space<vmem>>, vector<1x16xf32>,
    %get3A_2223 = vector.shape_cast %get3A_2222 : vector<1x16xf32> to vector<16xf32>
    %swap3A_2224 = arith.constant 33 : i32
    %swap3A_2225 = arith.index_cast %swap3A_2224 : i32 to index
    %swap3A_2226 = arith.constant 16 : index
    %swap3A_2227 = tpu.vector_load %arg7[%swap3A_2225, %swap3A_2226] {strides = array<i32>} : memref<64x32xf32, #tpu.memory_space<vmem>>, vector<1x16xf32>,
    %swap3A_2228 = vector.shape_cast %swap3A_2227 : vector<1x16xf32> to vector<16xf32>
    %swap3A_2229 = vector.shape_cast %get3A_2223 : vector<16xf32> to vector<1x16xf32>
    tpu.vector_store %arg7[%swap3A_2225, %swap3A_2226], %swap3A_2229 {strides = array<i32>} : memref<64x32xf32, #tpu.memory_space<vmem>>, vector<1x16xf32>,
    %get3A_2230 = arith.constant 34 : i32
    %get3A_2231 = arith.index_cast %get3A_2230 : i32 to index
    %get3A_2232 = arith.constant 0 : index
    %get3A_2233 = tpu.vector_load %arg6[%get3A_2231, %get3A_2232] {strides = array<i32>} : memref<50x32xf32, #tpu.memory_space<vmem>>, vector<1x16xf32>,
    %get3A_2234 = vector.shape_cast %get3A_2233 : vector<1x16xf32> to vector<16xf32>
    %swap3A_2235 = arith.constant 34 : i32
    %swap3A_2236 = arith.index_cast %swap3A_2235 : i32 to index
    %swap3A_2237 = arith.constant 0 : index
    %swap3A_2238 = tpu.vector_load %arg7[%swap3A_2236, %swap3A_2237] {strides = array<i32>} : memref<64x32xf32, #tpu.memory_space<vmem>>, vector<1x16xf32>,
    %swap3A_2239 = vector.shape_cast %swap3A_2238 : vector<1x16xf32> to vector<16xf32>
    %swap3A_2240 = vector.shape_cast %get3A_2234 : vector<16xf32> to vector<1x16xf32>
    tpu.vector_store %arg7[%swap3A_2236, %swap3A_2237], %swap3A_2240 {strides = array<i32>} : memref<64x32xf32, #tpu.memory_space<vmem>>, vector<1x16xf32>,
    %get3A_2241 = arith.constant 34 : i32
    %get3A_2242 = arith.index_cast %get3A_2241 : i32 to index
    %get3A_2243 = arith.constant 16 : index
    %get3A_2244 = tpu.vector_load %arg6[%get3A_2242, %get3A_2243] {strides = array<i32>} : memref<50x32xf32, #tpu.memory_space<vmem>>, vector<1x16xf32>,
    %get3A_2245 = vector.shape_cast %get3A_2244 : vector<1x16xf32> to vector<16xf32>
    %swap3A_2246 = arith.constant 34 : i32
    %swap3A_2247 = arith.index_cast %swap3A_2246 : i32 to index
    %swap3A_2248 = arith.constant 16 : index
    %swap3A_2249 = tpu.vector_load %arg7[%swap3A_2247, %swap3A_2248] {strides = array<i32>} : memref<64x32xf32, #tpu.memory_space<vmem>>, vector<1x16xf32>,
    %swap3A_2250 = vector.shape_cast %swap3A_2249 : vector<1x16xf32> to vector<16xf32>
    %swap3A_2251 = vector.shape_cast %get3A_2245 : vector<16xf32> to vector<1x16xf32>
    tpu.vector_store %arg7[%swap3A_2247, %swap3A_2248], %swap3A_2251 {strides = array<i32>} : memref<64x32xf32, #tpu.memory_space<vmem>>, vector<1x16xf32>,
    %get3A_2252 = arith.constant 35 : i32
    %get3A_2253 = arith.index_cast %get3A_2252 : i32 to index
    %get3A_2254 = arith.constant 0 : index
    %get3A_2255 = tpu.vector_load %arg6[%get3A_2253, %get3A_2254] {strides = array<i32>} : memref<50x32xf32, #tpu.memory_space<vmem>>, vector<1x16xf32>,
    %get3A_2256 = vector.shape_cast %get3A_2255 : vector<1x16xf32> to vector<16xf32>
    %swap3A_2257 = arith.constant 35 : i32
    %swap3A_2258 = arith.index_cast %swap3A_2257 : i32 to index
    %swap3A_2259 = arith.constant 0 : index
    %swap3A_2260 = tpu.vector_load %arg7[%swap3A_2258, %swap3A_2259] {strides = array<i32>} : memref<64x32xf32, #tpu.memory_space<vmem>>, vector<1x16xf32>,
    %swap3A_2261 = vector.shape_cast %swap3A_2260 : vector<1x16xf32> to vector<16xf32>
    %swap3A_2262 = vector.shape_cast %get3A_2256 : vector<16xf32> to vector<1x16xf32>
    tpu.vector_store %arg7[%swap3A_2258, %swap3A_2259], %swap3A_2262 {strides = array<i32>} : memref<64x32xf32, #tpu.memory_space<vmem>>, vector<1x16xf32>,
    %get3A_2263 = arith.constant 35 : i32
    %get3A_2264 = arith.index_cast %get3A_2263 : i32 to index
    %get3A_2265 = arith.constant 16 : index
    %get3A_2266 = tpu.vector_load %arg6[%get3A_2264, %get3A_2265] {strides = array<i32>} : memref<50x32xf32, #tpu.memory_space<vmem>>, vector<1x16xf32>,
    %get3A_2267 = vector.shape_cast %get3A_2266 : vector<1x16xf32> to vector<16xf32>
    %swap3A_2268 = arith.constant 35 : i32
    %swap3A_2269 = arith.index_cast %swap3A_2268 : i32 to index
    %swap3A_2270 = arith.constant 16 : index
    %swap3A_2271 = tpu.vector_load %arg7[%swap3A_2269, %swap3A_2270] {strides = array<i32>} : memref<64x32xf32, #tpu.memory_space<vmem>>, vector<1x16xf32>,
    %swap3A_2272 = vector.shape_cast %swap3A_2271 : vector<1x16xf32> to vector<16xf32>
    %swap3A_2273 = vector.shape_cast %get3A_2267 : vector<16xf32> to vector<1x16xf32>
    tpu.vector_store %arg7[%swap3A_2269, %swap3A_2270], %swap3A_2273 {strides = array<i32>} : memref<64x32xf32, #tpu.memory_space<vmem>>, vector<1x16xf32>,
    %get3A_2274 = arith.constant 36 : i32
    %get3A_2275 = arith.index_cast %get3A_2274 : i32 to index
    %get3A_2276 = arith.constant 0 : index
    %get3A_2277 = tpu.vector_load %arg6[%get3A_2275, %get3A_2276] {strides = array<i32>} : memref<50x32xf32, #tpu.memory_space<vmem>>, vector<1x16xf32>,
    %get3A_2278 = vector.shape_cast %get3A_2277 : vector<1x16xf32> to vector<16xf32>
    %swap3A_2279 = arith.constant 36 : i32
    %swap3A_2280 = arith.index_cast %swap3A_2279 : i32 to index
    %swap3A_2281 = arith.constant 0 : index
    %swap3A_2282 = tpu.vector_load %arg7[%swap3A_2280, %swap3A_2281] {strides = array<i32>} : memref<64x32xf32, #tpu.memory_space<vmem>>, vector<1x16xf32>,
    %swap3A_2283 = vector.shape_cast %swap3A_2282 : vector<1x16xf32> to vector<16xf32>
    %swap3A_2284 = vector.shape_cast %get3A_2278 : vector<16xf32> to vector<1x16xf32>
    tpu.vector_store %arg7[%swap3A_2280, %swap3A_2281], %swap3A_2284 {strides = array<i32>} : memref<64x32xf32, #tpu.memory_space<vmem>>, vector<1x16xf32>,
    %get3A_2285 = arith.constant 36 : i32
    %get3A_2286 = arith.index_cast %get3A_2285 : i32 to index
    %get3A_2287 = arith.constant 16 : index
    %get3A_2288 = tpu.vector_load %arg6[%get3A_2286, %get3A_2287] {strides = array<i32>} : memref<50x32xf32, #tpu.memory_space<vmem>>, vector<1x16xf32>,
    %get3A_2289 = vector.shape_cast %get3A_2288 : vector<1x16xf32> to vector<16xf32>
    %swap3A_2290 = arith.constant 36 : i32
    %swap3A_2291 = arith.index_cast %swap3A_2290 : i32 to index
    %swap3A_2292 = arith.constant 16 : index
    %swap3A_2293 = tpu.vector_load %arg7[%swap3A_2291, %swap3A_2292] {strides = array<i32>} : memref<64x32xf32, #tpu.memory_space<vmem>>, vector<1x16xf32>,
    %swap3A_2294 = vector.shape_cast %swap3A_2293 : vector<1x16xf32> to vector<16xf32>
    %swap3A_2295 = vector.shape_cast %get3A_2289 : vector<16xf32> to vector<1x16xf32>
    tpu.vector_store %arg7[%swap3A_2291, %swap3A_2292], %swap3A_2295 {strides = array<i32>} : memref<64x32xf32, #tpu.memory_space<vmem>>, vector<1x16xf32>,
    %get3A_2296 = arith.constant 37 : i32
    %get3A_2297 = arith.index_cast %get3A_2296 : i32 to index
    %get3A_2298 = arith.constant 0 : index
    %get3A_2299 = tpu.vector_load %arg6[%get3A_2297, %get3A_2298] {strides = array<i32>} : memref<50x32xf32, #tpu.memory_space<vmem>>, vector<1x16xf32>,
    %get3A_2300 = vector.shape_cast %get3A_2299 : vector<1x16xf32> to vector<16xf32>
    %swap3A_2301 = arith.constant 37 : i32
    %swap3A_2302 = arith.index_cast %swap3A_2301 : i32 to index
    %swap3A_2303 = arith.constant 0 : index
    %swap3A_2304 = tpu.vector_load %arg7[%swap3A_2302, %swap3A_2303] {strides = array<i32>} : memref<64x32xf32, #tpu.memory_space<vmem>>, vector<1x16xf32>,
    %swap3A_2305 = vector.shape_cast %swap3A_2304 : vector<1x16xf32> to vector<16xf32>
    %swap3A_2306 = vector.shape_cast %get3A_2300 : vector<16xf32> to vector<1x16xf32>
    tpu.vector_store %arg7[%swap3A_2302, %swap3A_2303], %swap3A_2306 {strides = array<i32>} : memref<64x32xf32, #tpu.memory_space<vmem>>, vector<1x16xf32>,
    %get3A_2307 = arith.constant 37 : i32
    %get3A_2308 = arith.index_cast %get3A_2307 : i32 to index
    %get3A_2309 = arith.constant 16 : index
    %get3A_2310 = tpu.vector_load %arg6[%get3A_2308, %get3A_2309] {strides = array<i32>} : memref<50x32xf32, #tpu.memory_space<vmem>>, vector<1x16xf32>,
    %get3A_2311 = vector.shape_cast %get3A_2310 : vector<1x16xf32> to vector<16xf32>
    %swap3A_2312 = arith.constant 37 : i32
    %swap3A_2313 = arith.index_cast %swap3A_2312 : i32 to index
    %swap3A_2314 = arith.constant 16 : index
    %swap3A_2315 = tpu.vector_load %arg7[%swap3A_2313, %swap3A_2314] {strides = array<i32>} : memref<64x32xf32, #tpu.memory_space<vmem>>, vector<1x16xf32>,
    %swap3A_2316 = vector.shape_cast %swap3A_2315 : vector<1x16xf32> to vector<16xf32>
    %swap3A_2317 = vector.shape_cast %get3A_2311 : vector<16xf32> to vector<1x16xf32>
    tpu.vector_store %arg7[%swap3A_2313, %swap3A_2314], %swap3A_2317 {strides = array<i32>} : memref<64x32xf32, #tpu.memory_space<vmem>>, vector<1x16xf32>,
    %get3A_2318 = arith.constant 38 : i32
    %get3A_2319 = arith.index_cast %get3A_2318 : i32 to index
    %get3A_2320 = arith.constant 0 : index
    %get3A_2321 = tpu.vector_load %arg6[%get3A_2319, %get3A_2320] {strides = array<i32>} : memref<50x32xf32, #tpu.memory_space<vmem>>, vector<1x16xf32>,
    %get3A_2322 = vector.shape_cast %get3A_2321 : vector<1x16xf32> to vector<16xf32>
    %swap3A_2323 = arith.constant 38 : i32
    %swap3A_2324 = arith.index_cast %swap3A_2323 : i32 to index
    %swap3A_2325 = arith.constant 0 : index
    %swap3A_2326 = tpu.vector_load %arg7[%swap3A_2324, %swap3A_2325] {strides = array<i32>} : memref<64x32xf32, #tpu.memory_space<vmem>>, vector<1x16xf32>,
    %swap3A_2327 = vector.shape_cast %swap3A_2326 : vector<1x16xf32> to vector<16xf32>
    %swap3A_2328 = vector.shape_cast %get3A_2322 : vector<16xf32> to vector<1x16xf32>
    tpu.vector_store %arg7[%swap3A_2324, %swap3A_2325], %swap3A_2328 {strides = array<i32>} : memref<64x32xf32, #tpu.memory_space<vmem>>, vector<1x16xf32>,
    %get3A_2329 = arith.constant 38 : i32
    %get3A_2330 = arith.index_cast %get3A_2329 : i32 to index
    %get3A_2331 = arith.constant 16 : index
    %get3A_2332 = tpu.vector_load %arg6[%get3A_2330, %get3A_2331] {strides = array<i32>} : memref<50x32xf32, #tpu.memory_space<vmem>>, vector<1x16xf32>,
    %get3A_2333 = vector.shape_cast %get3A_2332 : vector<1x16xf32> to vector<16xf32>
    %swap3A_2334 = arith.constant 38 : i32
    %swap3A_2335 = arith.index_cast %swap3A_2334 : i32 to index
    %swap3A_2336 = arith.constant 16 : index
    %swap3A_2337 = tpu.vector_load %arg7[%swap3A_2335, %swap3A_2336] {strides = array<i32>} : memref<64x32xf32, #tpu.memory_space<vmem>>, vector<1x16xf32>,
    %swap3A_2338 = vector.shape_cast %swap3A_2337 : vector<1x16xf32> to vector<16xf32>
    %swap3A_2339 = vector.shape_cast %get3A_2333 : vector<16xf32> to vector<1x16xf32>
    tpu.vector_store %arg7[%swap3A_2335, %swap3A_2336], %swap3A_2339 {strides = array<i32>} : memref<64x32xf32, #tpu.memory_space<vmem>>, vector<1x16xf32>,
    %get3A_2340 = arith.constant 39 : i32
    %get3A_2341 = arith.index_cast %get3A_2340 : i32 to index
    %get3A_2342 = arith.constant 0 : index
    %get3A_2343 = tpu.vector_load %arg6[%get3A_2341, %get3A_2342] {strides = array<i32>} : memref<50x32xf32, #tpu.memory_space<vmem>>, vector<1x16xf32>,
    %get3A_2344 = vector.shape_cast %get3A_2343 : vector<1x16xf32> to vector<16xf32>
    %swap3A_2345 = arith.constant 39 : i32
    %swap3A_2346 = arith.index_cast %swap3A_2345 : i32 to index
    %swap3A_2347 = arith.constant 0 : index
    %swap3A_2348 = tpu.vector_load %arg7[%swap3A_2346, %swap3A_2347] {strides = array<i32>} : memref<64x32xf32, #tpu.memory_space<vmem>>, vector<1x16xf32>,
    %swap3A_2349 = vector.shape_cast %swap3A_2348 : vector<1x16xf32> to vector<16xf32>
    %swap3A_2350 = vector.shape_cast %get3A_2344 : vector<16xf32> to vector<1x16xf32>
    tpu.vector_store %arg7[%swap3A_2346, %swap3A_2347], %swap3A_2350 {strides = array<i32>} : memref<64x32xf32, #tpu.memory_space<vmem>>, vector<1x16xf32>,
    %get3A_2351 = arith.constant 39 : i32
    %get3A_2352 = arith.index_cast %get3A_2351 : i32 to index
    %get3A_2353 = arith.constant 16 : index
    %get3A_2354 = tpu.vector_load %arg6[%get3A_2352, %get3A_2353] {strides = array<i32>} : memref<50x32xf32, #tpu.memory_space<vmem>>, vector<1x16xf32>,
    %get3A_2355 = vector.shape_cast %get3A_2354 : vector<1x16xf32> to vector<16xf32>
    %swap3A_2356 = arith.constant 39 : i32
    %swap3A_2357 = arith.index_cast %swap3A_2356 : i32 to index
    %swap3A_2358 = arith.constant 16 : index
    %swap3A_2359 = tpu.vector_load %arg7[%swap3A_2357, %swap3A_2358] {strides = array<i32>} : memref<64x32xf32, #tpu.memory_space<vmem>>, vector<1x16xf32>,
    %swap3A_2360 = vector.shape_cast %swap3A_2359 : vector<1x16xf32> to vector<16xf32>
    %swap3A_2361 = vector.shape_cast %get3A_2355 : vector<16xf32> to vector<1x16xf32>
    tpu.vector_store %arg7[%swap3A_2357, %swap3A_2358], %swap3A_2361 {strides = array<i32>} : memref<64x32xf32, #tpu.memory_space<vmem>>, vector<1x16xf32>,
    %get3A_2362 = arith.constant 40 : i32
    %get3A_2363 = arith.index_cast %get3A_2362 : i32 to index
    %get3A_2364 = arith.constant 0 : index
    %get3A_2365 = tpu.vector_load %arg6[%get3A_2363, %get3A_2364] {strides = array<i32>} : memref<50x32xf32, #tpu.memory_space<vmem>>, vector<1x16xf32>,
    %get3A_2366 = vector.shape_cast %get3A_2365 : vector<1x16xf32> to vector<16xf32>
    %swap3A_2367 = arith.constant 40 : i32
    %swap3A_2368 = arith.index_cast %swap3A_2367 : i32 to index
    %swap3A_2369 = arith.constant 0 : index
    %swap3A_2370 = tpu.vector_load %arg7[%swap3A_2368, %swap3A_2369] {strides = array<i32>} : memref<64x32xf32, #tpu.memory_space<vmem>>, vector<1x16xf32>,
    %swap3A_2371 = vector.shape_cast %swap3A_2370 : vector<1x16xf32> to vector<16xf32>
    %swap3A_2372 = vector.shape_cast %get3A_2366 : vector<16xf32> to vector<1x16xf32>
    tpu.vector_store %arg7[%swap3A_2368, %swap3A_2369], %swap3A_2372 {strides = array<i32>} : memref<64x32xf32, #tpu.memory_space<vmem>>, vector<1x16xf32>,
    %get3A_2373 = arith.constant 40 : i32
    %get3A_2374 = arith.index_cast %get3A_2373 : i32 to index
    %get3A_2375 = arith.constant 16 : index
    %get3A_2376 = tpu.vector_load %arg6[%get3A_2374, %get3A_2375] {strides = array<i32>} : memref<50x32xf32, #tpu.memory_space<vmem>>, vector<1x16xf32>,
    %get3A_2377 = vector.shape_cast %get3A_2376 : vector<1x16xf32> to vector<16xf32>
    %swap3A_2378 = arith.constant 40 : i32
    %swap3A_2379 = arith.index_cast %swap3A_2378 : i32 to index
    %swap3A_2380 = arith.constant 16 : index
    %swap3A_2381 = tpu.vector_load %arg7[%swap3A_2379, %swap3A_2380] {strides = array<i32>} : memref<64x32xf32, #tpu.memory_space<vmem>>, vector<1x16xf32>,
    %swap3A_2382 = vector.shape_cast %swap3A_2381 : vector<1x16xf32> to vector<16xf32>
    %swap3A_2383 = vector.shape_cast %get3A_2377 : vector<16xf32> to vector<1x16xf32>
    tpu.vector_store %arg7[%swap3A_2379, %swap3A_2380], %swap3A_2383 {strides = array<i32>} : memref<64x32xf32, #tpu.memory_space<vmem>>, vector<1x16xf32>,
    %get3A_2384 = arith.constant 41 : i32
    %get3A_2385 = arith.index_cast %get3A_2384 : i32 to index
    %get3A_2386 = arith.constant 0 : index
    %get3A_2387 = tpu.vector_load %arg6[%get3A_2385, %get3A_2386] {strides = array<i32>} : memref<50x32xf32, #tpu.memory_space<vmem>>, vector<1x16xf32>,
    %get3A_2388 = vector.shape_cast %get3A_2387 : vector<1x16xf32> to vector<16xf32>
    %swap3A_2389 = arith.constant 41 : i32
    %swap3A_2390 = arith.index_cast %swap3A_2389 : i32 to index
    %swap3A_2391 = arith.constant 0 : index
    %swap3A_2392 = tpu.vector_load %arg7[%swap3A_2390, %swap3A_2391] {strides = array<i32>} : memref<64x32xf32, #tpu.memory_space<vmem>>, vector<1x16xf32>,
    %swap3A_2393 = vector.shape_cast %swap3A_2392 : vector<1x16xf32> to vector<16xf32>
    %swap3A_2394 = vector.shape_cast %get3A_2388 : vector<16xf32> to vector<1x16xf32>
    tpu.vector_store %arg7[%swap3A_2390, %swap3A_2391], %swap3A_2394 {strides = array<i32>} : memref<64x32xf32, #tpu.memory_space<vmem>>, vector<1x16xf32>,
    %get3A_2395 = arith.constant 41 : i32
    %get3A_2396 = arith.index_cast %get3A_2395 : i32 to index
    %get3A_2397 = arith.constant 16 : index
    %get3A_2398 = tpu.vector_load %arg6[%get3A_2396, %get3A_2397] {strides = array<i32>} : memref<50x32xf32, #tpu.memory_space<vmem>>, vector<1x16xf32>,
    %get3A_2399 = vector.shape_cast %get3A_2398 : vector<1x16xf32> to vector<16xf32>
    %swap3A_2400 = arith.constant 41 : i32
    %swap3A_2401 = arith.index_cast %swap3A_2400 : i32 to index
    %swap3A_2402 = arith.constant 16 : index
    %swap3A_2403 = tpu.vector_load %arg7[%swap3A_2401, %swap3A_2402] {strides = array<i32>} : memref<64x32xf32, #tpu.memory_space<vmem>>, vector<1x16xf32>,
    %swap3A_2404 = vector.shape_cast %swap3A_2403 : vector<1x16xf32> to vector<16xf32>
    %swap3A_2405 = vector.shape_cast %get3A_2399 : vector<16xf32> to vector<1x16xf32>
    tpu.vector_store %arg7[%swap3A_2401, %swap3A_2402], %swap3A_2405 {strides = array<i32>} : memref<64x32xf32, #tpu.memory_space<vmem>>, vector<1x16xf32>,
    %get3A_2406 = arith.constant 42 : i32
    %get3A_2407 = arith.index_cast %get3A_2406 : i32 to index
    %get3A_2408 = arith.constant 0 : index
    %get3A_2409 = tpu.vector_load %arg6[%get3A_2407, %get3A_2408] {strides = array<i32>} : memref<50x32xf32, #tpu.memory_space<vmem>>, vector<1x16xf32>,
    %get3A_2410 = vector.shape_cast %get3A_2409 : vector<1x16xf32> to vector<16xf32>
    %swap3A_2411 = arith.constant 42 : i32
    %swap3A_2412 = arith.index_cast %swap3A_2411 : i32 to index
    %swap3A_2413 = arith.constant 0 : index
    %swap3A_2414 = tpu.vector_load %arg7[%swap3A_2412, %swap3A_2413] {strides = array<i32>} : memref<64x32xf32, #tpu.memory_space<vmem>>, vector<1x16xf32>,
    %swap3A_2415 = vector.shape_cast %swap3A_2414 : vector<1x16xf32> to vector<16xf32>
    %swap3A_2416 = vector.shape_cast %get3A_2410 : vector<16xf32> to vector<1x16xf32>
    tpu.vector_store %arg7[%swap3A_2412, %swap3A_2413], %swap3A_2416 {strides = array<i32>} : memref<64x32xf32, #tpu.memory_space<vmem>>, vector<1x16xf32>,
    %get3A_2417 = arith.constant 42 : i32
    %get3A_2418 = arith.index_cast %get3A_2417 : i32 to index
    %get3A_2419 = arith.constant 16 : index
    %get3A_2420 = tpu.vector_load %arg6[%get3A_2418, %get3A_2419] {strides = array<i32>} : memref<50x32xf32, #tpu.memory_space<vmem>>, vector<1x16xf32>,
    %get3A_2421 = vector.shape_cast %get3A_2420 : vector<1x16xf32> to vector<16xf32>
    %swap3A_2422 = arith.constant 42 : i32
    %swap3A_2423 = arith.index_cast %swap3A_2422 : i32 to index
    %swap3A_2424 = arith.constant 16 : index
    %swap3A_2425 = tpu.vector_load %arg7[%swap3A_2423, %swap3A_2424] {strides = array<i32>} : memref<64x32xf32, #tpu.memory_space<vmem>>, vector<1x16xf32>,
    %swap3A_2426 = vector.shape_cast %swap3A_2425 : vector<1x16xf32> to vector<16xf32>
    %swap3A_2427 = vector.shape_cast %get3A_2421 : vector<16xf32> to vector<1x16xf32>
    tpu.vector_store %arg7[%swap3A_2423, %swap3A_2424], %swap3A_2427 {strides = array<i32>} : memref<64x32xf32, #tpu.memory_space<vmem>>, vector<1x16xf32>,
    %get3A_2428 = arith.constant 43 : i32
    %get3A_2429 = arith.index_cast %get3A_2428 : i32 to index
    %get3A_2430 = arith.constant 0 : index
    %get3A_2431 = tpu.vector_load %arg6[%get3A_2429, %get3A_2430] {strides = array<i32>} : memref<50x32xf32, #tpu.memory_space<vmem>>, vector<1x16xf32>,
    %get3A_2432 = vector.shape_cast %get3A_2431 : vector<1x16xf32> to vector<16xf32>
    %swap3A_2433 = arith.constant 43 : i32
    %swap3A_2434 = arith.index_cast %swap3A_2433 : i32 to index
    %swap3A_2435 = arith.constant 0 : index
    %swap3A_2436 = tpu.vector_load %arg7[%swap3A_2434, %swap3A_2435] {strides = array<i32>} : memref<64x32xf32, #tpu.memory_space<vmem>>, vector<1x16xf32>,
    %swap3A_2437 = vector.shape_cast %swap3A_2436 : vector<1x16xf32> to vector<16xf32>
    %swap3A_2438 = vector.shape_cast %get3A_2432 : vector<16xf32> to vector<1x16xf32>
    tpu.vector_store %arg7[%swap3A_2434, %swap3A_2435], %swap3A_2438 {strides = array<i32>} : memref<64x32xf32, #tpu.memory_space<vmem>>, vector<1x16xf32>,
    %get3A_2439 = arith.constant 43 : i32
    %get3A_2440 = arith.index_cast %get3A_2439 : i32 to index
    %get3A_2441 = arith.constant 16 : index
    %get3A_2442 = tpu.vector_load %arg6[%get3A_2440, %get3A_2441] {strides = array<i32>} : memref<50x32xf32, #tpu.memory_space<vmem>>, vector<1x16xf32>,
    %get3A_2443 = vector.shape_cast %get3A_2442 : vector<1x16xf32> to vector<16xf32>
    %swap3A_2444 = arith.constant 43 : i32
    %swap3A_2445 = arith.index_cast %swap3A_2444 : i32 to index
    %swap3A_2446 = arith.constant 16 : index
    %swap3A_2447 = tpu.vector_load %arg7[%swap3A_2445, %swap3A_2446] {strides = array<i32>} : memref<64x32xf32, #tpu.memory_space<vmem>>, vector<1x16xf32>,
    %swap3A_2448 = vector.shape_cast %swap3A_2447 : vector<1x16xf32> to vector<16xf32>
    %swap3A_2449 = vector.shape_cast %get3A_2443 : vector<16xf32> to vector<1x16xf32>
    tpu.vector_store %arg7[%swap3A_2445, %swap3A_2446], %swap3A_2449 {strides = array<i32>} : memref<64x32xf32, #tpu.memory_space<vmem>>, vector<1x16xf32>,
    %get3A_2450 = arith.constant 44 : i32
    %get3A_2451 = arith.index_cast %get3A_2450 : i32 to index
    %get3A_2452 = arith.constant 0 : index
    %get3A_2453 = tpu.vector_load %arg6[%get3A_2451, %get3A_2452] {strides = array<i32>} : memref<50x32xf32, #tpu.memory_space<vmem>>, vector<1x16xf32>,
    %get3A_2454 = vector.shape_cast %get3A_2453 : vector<1x16xf32> to vector<16xf32>
    %swap3A_2455 = arith.constant 44 : i32
    %swap3A_2456 = arith.index_cast %swap3A_2455 : i32 to index
    %swap3A_2457 = arith.constant 0 : index
    %swap3A_2458 = tpu.vector_load %arg7[%swap3A_2456, %swap3A_2457] {strides = array<i32>} : memref<64x32xf32, #tpu.memory_space<vmem>>, vector<1x16xf32>,
    %swap3A_2459 = vector.shape_cast %swap3A_2458 : vector<1x16xf32> to vector<16xf32>
    %swap3A_2460 = vector.shape_cast %get3A_2454 : vector<16xf32> to vector<1x16xf32>
    tpu.vector_store %arg7[%swap3A_2456, %swap3A_2457], %swap3A_2460 {strides = array<i32>} : memref<64x32xf32, #tpu.memory_space<vmem>>, vector<1x16xf32>,
    %get3A_2461 = arith.constant 44 : i32
    %get3A_2462 = arith.index_cast %get3A_2461 : i32 to index
    %get3A_2463 = arith.constant 16 : index
    %get3A_2464 = tpu.vector_load %arg6[%get3A_2462, %get3A_2463] {strides = array<i32>} : memref<50x32xf32, #tpu.memory_space<vmem>>, vector<1x16xf32>,
    %get3A_2465 = vector.shape_cast %get3A_2464 : vector<1x16xf32> to vector<16xf32>
    %swap3A_2466 = arith.constant 44 : i32
    %swap3A_2467 = arith.index_cast %swap3A_2466 : i32 to index
    %swap3A_2468 = arith.constant 16 : index
    %swap3A_2469 = tpu.vector_load %arg7[%swap3A_2467, %swap3A_2468] {strides = array<i32>} : memref<64x32xf32, #tpu.memory_space<vmem>>, vector<1x16xf32>,
    %swap3A_2470 = vector.shape_cast %swap3A_2469 : vector<1x16xf32> to vector<16xf32>
    %swap3A_2471 = vector.shape_cast %get3A_2465 : vector<16xf32> to vector<1x16xf32>
    tpu.vector_store %arg7[%swap3A_2467, %swap3A_2468], %swap3A_2471 {strides = array<i32>} : memref<64x32xf32, #tpu.memory_space<vmem>>, vector<1x16xf32>,
    %get3A_2472 = arith.constant 45 : i32
    %get3A_2473 = arith.index_cast %get3A_2472 : i32 to index
    %get3A_2474 = arith.constant 0 : index
    %get3A_2475 = tpu.vector_load %arg6[%get3A_2473, %get3A_2474] {strides = array<i32>} : memref<50x32xf32, #tpu.memory_space<vmem>>, vector<1x16xf32>,
    %get3A_2476 = vector.shape_cast %get3A_2475 : vector<1x16xf32> to vector<16xf32>
    %swap3A_2477 = arith.constant 45 : i32
    %swap3A_2478 = arith.index_cast %swap3A_2477 : i32 to index
    %swap3A_2479 = arith.constant 0 : index
    %swap3A_2480 = tpu.vector_load %arg7[%swap3A_2478, %swap3A_2479] {strides = array<i32>} : memref<64x32xf32, #tpu.memory_space<vmem>>, vector<1x16xf32>,
    %swap3A_2481 = vector.shape_cast %swap3A_2480 : vector<1x16xf32> to vector<16xf32>
    %swap3A_2482 = vector.shape_cast %get3A_2476 : vector<16xf32> to vector<1x16xf32>
    tpu.vector_store %arg7[%swap3A_2478, %swap3A_2479], %swap3A_2482 {strides = array<i32>} : memref<64x32xf32, #tpu.memory_space<vmem>>, vector<1x16xf32>,
    %get3A_2483 = arith.constant 45 : i32
    %get3A_2484 = arith.index_cast %get3A_2483 : i32 to index
    %get3A_2485 = arith.constant 16 : index
    %get3A_2486 = tpu.vector_load %arg6[%get3A_2484, %get3A_2485] {strides = array<i32>} : memref<50x32xf32, #tpu.memory_space<vmem>>, vector<1x16xf32>,
    %get3A_2487 = vector.shape_cast %get3A_2486 : vector<1x16xf32> to vector<16xf32>
    %swap3A_2488 = arith.constant 45 : i32
    %swap3A_2489 = arith.index_cast %swap3A_2488 : i32 to index
    %swap3A_2490 = arith.constant 16 : index
    %swap3A_2491 = tpu.vector_load %arg7[%swap3A_2489, %swap3A_2490] {strides = array<i32>} : memref<64x32xf32, #tpu.memory_space<vmem>>, vector<1x16xf32>,
    %swap3A_2492 = vector.shape_cast %swap3A_2491 : vector<1x16xf32> to vector<16xf32>
    %swap3A_2493 = vector.shape_cast %get3A_2487 : vector<16xf32> to vector<1x16xf32>
    tpu.vector_store %arg7[%swap3A_2489, %swap3A_2490], %swap3A_2493 {strides = array<i32>} : memref<64x32xf32, #tpu.memory_space<vmem>>, vector<1x16xf32>,
    %get3A_2494 = arith.constant 46 : i32
    %get3A_2495 = arith.index_cast %get3A_2494 : i32 to index
    %get3A_2496 = arith.constant 0 : index
    %get3A_2497 = tpu.vector_load %arg6[%get3A_2495, %get3A_2496] {strides = array<i32>} : memref<50x32xf32, #tpu.memory_space<vmem>>, vector<1x16xf32>,
    %get3A_2498 = vector.shape_cast %get3A_2497 : vector<1x16xf32> to vector<16xf32>
    %swap3A_2499 = arith.constant 46 : i32
    %swap3A_2500 = arith.index_cast %swap3A_2499 : i32 to index
    %swap3A_2501 = arith.constant 0 : index
    %swap3A_2502 = tpu.vector_load %arg7[%swap3A_2500, %swap3A_2501] {strides = array<i32>} : memref<64x32xf32, #tpu.memory_space<vmem>>, vector<1x16xf32>,
    %swap3A_2503 = vector.shape_cast %swap3A_2502 : vector<1x16xf32> to vector<16xf32>
    %swap3A_2504 = vector.shape_cast %get3A_2498 : vector<16xf32> to vector<1x16xf32>
    tpu.vector_store %arg7[%swap3A_2500, %swap3A_2501], %swap3A_2504 {strides = array<i32>} : memref<64x32xf32, #tpu.memory_space<vmem>>, vector<1x16xf32>,
    %get3A_2505 = arith.constant 46 : i32
    %get3A_2506 = arith.index_cast %get3A_2505 : i32 to index
    %get3A_2507 = arith.constant 16 : index
    %get3A_2508 = tpu.vector_load %arg6[%get3A_2506, %get3A_2507] {strides = array<i32>} : memref<50x32xf32, #tpu.memory_space<vmem>>, vector<1x16xf32>,
    %get3A_2509 = vector.shape_cast %get3A_2508 : vector<1x16xf32> to vector<16xf32>
    %swap3A_2510 = arith.constant 46 : i32
    %swap3A_2511 = arith.index_cast %swap3A_2510 : i32 to index
    %swap3A_2512 = arith.constant 16 : index
    %swap3A_2513 = tpu.vector_load %arg7[%swap3A_2511, %swap3A_2512] {strides = array<i32>} : memref<64x32xf32, #tpu.memory_space<vmem>>, vector<1x16xf32>,
    %swap3A_2514 = vector.shape_cast %swap3A_2513 : vector<1x16xf32> to vector<16xf32>
    %swap3A_2515 = vector.shape_cast %get3A_2509 : vector<16xf32> to vector<1x16xf32>
    tpu.vector_store %arg7[%swap3A_2511, %swap3A_2512], %swap3A_2515 {strides = array<i32>} : memref<64x32xf32, #tpu.memory_space<vmem>>, vector<1x16xf32>,
    %get3A_2516 = arith.constant 47 : i32
    %get3A_2517 = arith.index_cast %get3A_2516 : i32 to index
    %get3A_2518 = arith.constant 0 : index
    %get3A_2519 = tpu.vector_load %arg6[%get3A_2517, %get3A_2518] {strides = array<i32>} : memref<50x32xf32, #tpu.memory_space<vmem>>, vector<1x16xf32>,
    %get3A_2520 = vector.shape_cast %get3A_2519 : vector<1x16xf32> to vector<16xf32>
    %swap3A_2521 = arith.constant 47 : i32
    %swap3A_2522 = arith.index_cast %swap3A_2521 : i32 to index
    %swap3A_2523 = arith.constant 0 : index
    %swap3A_2524 = tpu.vector_load %arg7[%swap3A_2522, %swap3A_2523] {strides = array<i32>} : memref<64x32xf32, #tpu.memory_space<vmem>>, vector<1x16xf32>,
    %swap3A_2525 = vector.shape_cast %swap3A_2524 : vector<1x16xf32> to vector<16xf32>
    %swap3A_2526 = vector.shape_cast %get3A_2520 : vector<16xf32> to vector<1x16xf32>
    tpu.vector_store %arg7[%swap3A_2522, %swap3A_2523], %swap3A_2526 {strides = array<i32>} : memref<64x32xf32, #tpu.memory_space<vmem>>, vector<1x16xf32>,
    %get3A_2527 = arith.constant 47 : i32
    %get3A_2528 = arith.index_cast %get3A_2527 : i32 to index
    %get3A_2529 = arith.constant 16 : index
    %get3A_2530 = tpu.vector_load %arg6[%get3A_2528, %get3A_2529] {strides = array<i32>} : memref<50x32xf32, #tpu.memory_space<vmem>>, vector<1x16xf32>,
    %get3A_2531 = vector.shape_cast %get3A_2530 : vector<1x16xf32> to vector<16xf32>
    %swap3A_2532 = arith.constant 47 : i32
    %swap3A_2533 = arith.index_cast %swap3A_2532 : i32 to index
    %swap3A_2534 = arith.constant 16 : index
    %swap3A_2535 = tpu.vector_load %arg7[%swap3A_2533, %swap3A_2534] {strides = array<i32>} : memref<64x32xf32, #tpu.memory_space<vmem>>, vector<1x16xf32>,
    %swap3A_2536 = vector.shape_cast %swap3A_2535 : vector<1x16xf32> to vector<16xf32>
    %swap3A_2537 = vector.shape_cast %get3A_2531 : vector<16xf32> to vector<1x16xf32>
    tpu.vector_store %arg7[%swap3A_2533, %swap3A_2534], %swap3A_2537 {strides = array<i32>} : memref<64x32xf32, #tpu.memory_space<vmem>>, vector<1x16xf32>,
    %get3A_2538 = arith.constant 48 : i32
    %get3A_2539 = arith.index_cast %get3A_2538 : i32 to index
    %get3A_2540 = arith.constant 0 : index
    %get3A_2541 = tpu.vector_load %arg6[%get3A_2539, %get3A_2540] {strides = array<i32>} : memref<50x32xf32, #tpu.memory_space<vmem>>, vector<1x16xf32>,
    %get3A_2542 = vector.shape_cast %get3A_2541 : vector<1x16xf32> to vector<16xf32>
    %swap3A_2543 = arith.constant 48 : i32
    %swap3A_2544 = arith.index_cast %swap3A_2543 : i32 to index
    %swap3A_2545 = arith.constant 0 : index
    %swap3A_2546 = tpu.vector_load %arg7[%swap3A_2544, %swap3A_2545] {strides = array<i32>} : memref<64x32xf32, #tpu.memory_space<vmem>>, vector<1x16xf32>,
    %swap3A_2547 = vector.shape_cast %swap3A_2546 : vector<1x16xf32> to vector<16xf32>
    %swap3A_2548 = vector.shape_cast %get3A_2542 : vector<16xf32> to vector<1x16xf32>
    tpu.vector_store %arg7[%swap3A_2544, %swap3A_2545], %swap3A_2548 {strides = array<i32>} : memref<64x32xf32, #tpu.memory_space<vmem>>, vector<1x16xf32>,
    %get3A_2549 = arith.constant 48 : i32
    %get3A_2550 = arith.index_cast %get3A_2549 : i32 to index
    %get3A_2551 = arith.constant 16 : index
    %get3A_2552 = tpu.vector_load %arg6[%get3A_2550, %get3A_2551] {strides = array<i32>} : memref<50x32xf32, #tpu.memory_space<vmem>>, vector<1x16xf32>,
    %get3A_2553 = vector.shape_cast %get3A_2552 : vector<1x16xf32> to vector<16xf32>
    %swap3A_2554 = arith.constant 48 : i32
    %swap3A_2555 = arith.index_cast %swap3A_2554 : i32 to index
    %swap3A_2556 = arith.constant 16 : index
    %swap3A_2557 = tpu.vector_load %arg7[%swap3A_2555, %swap3A_2556] {strides = array<i32>} : memref<64x32xf32, #tpu.memory_space<vmem>>, vector<1x16xf32>,
    %swap3A_2558 = vector.shape_cast %swap3A_2557 : vector<1x16xf32> to vector<16xf32>
    %swap3A_2559 = vector.shape_cast %get3A_2553 : vector<16xf32> to vector<1x16xf32>
    tpu.vector_store %arg7[%swap3A_2555, %swap3A_2556], %swap3A_2559 {strides = array<i32>} : memref<64x32xf32, #tpu.memory_space<vmem>>, vector<1x16xf32>,
    %get3A_2560 = arith.constant 49 : i32
    %get3A_2561 = arith.index_cast %get3A_2560 : i32 to index
    %get3A_2562 = arith.constant 0 : index
    %get3A_2563 = tpu.vector_load %arg6[%get3A_2561, %get3A_2562] {strides = array<i32>} : memref<50x32xf32, #tpu.memory_space<vmem>>, vector<1x16xf32>,
    %get3A_2564 = vector.shape_cast %get3A_2563 : vector<1x16xf32> to vector<16xf32>
    %swap3A_2565 = arith.constant 49 : i32
    %swap3A_2566 = arith.index_cast %swap3A_2565 : i32 to index
    %swap3A_2567 = arith.constant 0 : index
    %swap3A_2568 = tpu.vector_load %arg7[%swap3A_2566, %swap3A_2567] {strides = array<i32>} : memref<64x32xf32, #tpu.memory_space<vmem>>, vector<1x16xf32>,
    %swap3A_2569 = vector.shape_cast %swap3A_2568 : vector<1x16xf32> to vector<16xf32>
    %swap3A_2570 = vector.shape_cast %get3A_2564 : vector<16xf32> to vector<1x16xf32>
    tpu.vector_store %arg7[%swap3A_2566, %swap3A_2567], %swap3A_2570 {strides = array<i32>} : memref<64x32xf32, #tpu.memory_space<vmem>>, vector<1x16xf32>,
    %get3A_2571 = arith.constant 49 : i32
    %get3A_2572 = arith.index_cast %get3A_2571 : i32 to index
    %get3A_2573 = arith.constant 16 : index
    %get3A_2574 = tpu.vector_load %arg6[%get3A_2572, %get3A_2573] {strides = array<i32>} : memref<50x32xf32, #tpu.memory_space<vmem>>, vector<1x16xf32>,
    %get3A_2575 = vector.shape_cast %get3A_2574 : vector<1x16xf32> to vector<16xf32>
    %swap3A_2576 = arith.constant 49 : i32
    %swap3A_2577 = arith.index_cast %swap3A_2576 : i32 to index
    %swap3A_2578 = arith.constant 16 : index
    %swap3A_2579 = tpu.vector_load %arg7[%swap3A_2577, %swap3A_2578] {strides = array<i32>} : memref<64x32xf32, #tpu.memory_space<vmem>>, vector<1x16xf32>,
    %swap3A_2580 = vector.shape_cast %swap3A_2579 : vector<1x16xf32> to vector<16xf32>
    %swap3A_2581 = vector.shape_cast %get3A_2575 : vector<16xf32> to vector<1x16xf32>
    tpu.vector_store %arg7[%swap3A_2577, %swap3A_2578], %swap3A_2581 {strides = array<i32>} : memref<64x32xf32, #tpu.memory_space<vmem>>, vector<1x16xf32>,
    "tpu.region"() ({
      %run_scoped3A = tpu.sem_alloc : memref<!tpu.dma_semaphore, #tpu.memory_space<semaphore_mem>>
      %dma_start3A = arith.constant 0 : i32
      %dma_start3A_2588 = arith.constant 0 : i32
      %dma_start3A_2589 = tpu.memref_slice %arg10[%dma_start3A, %dma_start3A_2588] : memref<51x32xf32, #tpu.memory_space<vmem_shared>> -> memref<51x32xf32, #tpu.memory_space<vmem_shared>>
      tpu.enqueue_indirect_dma source(%arg7 : memref<64x32xf32, #tpu.memory_space<vmem>>) target(%dma_start3A_2589 : memref<51x32xf32, #tpu.memory_space<vmem_shared>>) offsets(%arg8 : memref<64xi32, #tpu.memory_space<vmem>>) semaphore(%run_scoped3A : memref<!tpu.dma_semaphore, #tpu.memory_space<semaphore_mem>>) {add = true}
      %dma_wait3A_2590 = arith.constant 0 : i32
      %dma_wait3A_2591 = arith.constant 0 : i32
      %dma_wait3A_2592 = tpu.memref_slice %arg10[%dma_wait3A_2590, %dma_wait3A_2591] : memref<51x32xf32, #tpu.memory_space<vmem_shared>> -> memref<51x32xf32, #tpu.memory_space<vmem_shared>>
      tpu.wait_indirect_dma semaphore(%run_scoped3A : memref<!tpu.dma_semaphore, #tpu.memory_space<semaphore_mem>>) src(%arg7 : memref<64x32xf32, #tpu.memory_space<vmem>>) dst(%dma_wait3A_2592 : memref<51x32xf32, #tpu.memory_space<vmem_shared>>)
      tpu.yield
    }) : () -> ()
    %barrier3A_2582 = arith.constant 0 : index
    tpu.barrier barrier_id(%barrier3A_2582)
    %eq3A_2583 = arith.constant 0 : i32
    %eq3A_2584 = arith.cmpi eq, %arg1, %eq3A_2583 : i32
    %convert_element_type3A_2585 = arith.extui %eq3A_2584 : i1 to i32
    %cond3A_2586 = arith.constant 0 : i32
    %cond3A_2587 = arith.cmpi ne, %convert_element_type3A_2585, %cond3A_2586 : i32
    scf.if %cond3A_2587 {
      "tpu.region"() ({
        %run_scoped3A = tpu.sem_alloc : memref<!tpu.dma_semaphore, #tpu.memory_space<semaphore_mem>>
        %dma_start3A = arith.constant 0 : i32
        %dma_start3A_3790 = arith.constant 0 : i32
        %dma_start3A_3791 = tpu.memref_slice %arg10[%dma_start3A, %dma_start3A_3790] : memref<51x32xf32, #tpu.memory_space<vmem_shared>> -> memref<50x32xf32, #tpu.memory_space<vmem_shared>>
        %dma_start3A_3792 = arith.constant 0 : i32
        %dma_start3A_3793 = arith.constant 0 : i32
        %dma_start3A_3794 = tpu.memref_slice %arg10[%dma_start3A_3792, %dma_start3A_3793] : memref<51x32xf32, #tpu.memory_space<vmem_shared>> -> memref<50x32xf32, #tpu.memory_space<vmem_shared>>
        tpu.enqueue_dma source(%dma_start3A_3794 : memref<50x32xf32, #tpu.memory_space<vmem_shared>>) target(%arg6 : memref<50x32xf32, #tpu.memory_space<vmem>>) target_semaphore(%run_scoped3A : memref<!tpu.dma_semaphore, #tpu.memory_space<semaphore_mem>>)
        %dma_wait3A_3795 = arith.constant 0 : i32
        %dma_wait3A_3796 = arith.constant 0 : i32
        %dma_wait3A_3797 = tpu.memref_slice %arg10[%dma_wait3A_3795, %dma_wait3A_3796] : memref<51x32xf32, #tpu.memory_space<vmem_shared>> -> memref<50x32xf32, #tpu.memory_space<vmem_shared>>
        %dma_wait3A_3798 = arith.constant 0 : i32
        %dma_wait3A_3799 = arith.constant 0 : i32
        %dma_wait3A_3800 = tpu.memref_slice %arg10[%dma_wait3A_3798, %dma_wait3A_3799] : memref<51x32xf32, #tpu.memory_space<vmem_shared>> -> memref<50x32xf32, #tpu.memory_space<vmem_shared>>
        tpu.wait_dma2 semaphore(%run_scoped3A : memref<!tpu.dma_semaphore, #tpu.memory_space<semaphore_mem>>) src(%dma_wait3A_3800 : memref<50x32xf32, #tpu.memory_space<vmem_shared>>) dst(%arg6 : memref<50x32xf32, #tpu.memory_space<vmem>>)
        tpu.yield
      }) : () -> ()
      %broadcast_in_dim3A_2588 = arith.constant 6.10351563E-5 : f32
      %broadcast_in_dim3A_2589 = vector.broadcast %broadcast_in_dim3A_2588 : f32 to vector<16xf32>
      %get3A_2590 = arith.constant 0 : i32
      %get3A_2591 = arith.index_cast %get3A_2590 : i32 to index
      %get3A_2592 = arith.constant 0 : index
      %get3A_2593 = tpu.vector_load %arg6[%get3A_2591, %get3A_2592] {strides = array<i32>} : memref<50x32xf32, #tpu.memory_space<vmem>>, vector<1x16xf32>,
      %get3A_2594 = vector.shape_cast %get3A_2593 : vector<1x16xf32> to vector<16xf32>
      %mul3A_2595 = arith.mulf %get3A_2594, %broadcast_in_dim3A_2589 : vector<16xf32>
      %swap3A_2596 = arith.constant 0 : i32
      %swap3A_2597 = arith.index_cast %swap3A_2596 : i32 to index
      %swap3A_2598 = arith.constant 0 : index
      %swap3A_2599 = tpu.vector_load %arg6[%swap3A_2597, %swap3A_2598] {strides = array<i32>} : memref<50x32xf32, #tpu.memory_space<vmem>>, vector<1x16xf32>,
      %swap3A_2600 = vector.shape_cast %swap3A_2599 : vector<1x16xf32> to vector<16xf32>
      %swap3A_2601 = vector.shape_cast %mul3A_2595 : vector<16xf32> to vector<1x16xf32>
      tpu.vector_store %arg6[%swap3A_2597, %swap3A_2598], %swap3A_2601 {strides = array<i32>} : memref<50x32xf32, #tpu.memory_space<vmem>>, vector<1x16xf32>,
      %get3A_2602 = arith.constant 0 : i32
      %get3A_2603 = arith.index_cast %get3A_2602 : i32 to index
      %get3A_2604 = arith.constant 16 : index
      %get3A_2605 = tpu.vector_load %arg6[%get3A_2603, %get3A_2604] {strides = array<i32>} : memref<50x32xf32, #tpu.memory_space<vmem>>, vector<1x16xf32>,
      %get3A_2606 = vector.shape_cast %get3A_2605 : vector<1x16xf32> to vector<16xf32>
      %mul3A_2607 = arith.mulf %get3A_2606, %broadcast_in_dim3A_2589 : vector<16xf32>
      %swap3A_2608 = arith.constant 0 : i32
      %swap3A_2609 = arith.index_cast %swap3A_2608 : i32 to index
      %swap3A_2610 = arith.constant 16 : index
      %swap3A_2611 = tpu.vector_load %arg6[%swap3A_2609, %swap3A_2610] {strides = array<i32>} : memref<50x32xf32, #tpu.memory_space<vmem>>, vector<1x16xf32>,
      %swap3A_2612 = vector.shape_cast %swap3A_2611 : vector<1x16xf32> to vector<16xf32>
      %swap3A_2613 = vector.shape_cast %mul3A_2607 : vector<16xf32> to vector<1x16xf32>
      tpu.vector_store %arg6[%swap3A_2609, %swap3A_2610], %swap3A_2613 {strides = array<i32>} : memref<50x32xf32, #tpu.memory_space<vmem>>, vector<1x16xf32>,
      %get3A_2614 = arith.constant 1 : i32
      %get3A_2615 = arith.index_cast %get3A_2614 : i32 to index
      %get3A_2616 = arith.constant 0 : index
      %get3A_2617 = tpu.vector_load %arg6[%get3A_2615, %get3A_2616] {strides = array<i32>} : memref<50x32xf32, #tpu.memory_space<vmem>>, vector<1x16xf32>,
      %get3A_2618 = vector.shape_cast %get3A_2617 : vector<1x16xf32> to vector<16xf32>
      %mul3A_2619 = arith.mulf %get3A_2618, %broadcast_in_dim3A_2589 : vector<16xf32>
      %swap3A_2620 = arith.constant 1 : i32
      %swap3A_2621 = arith.index_cast %swap3A_2620 : i32 to index
      %swap3A_2622 = arith.constant 0 : index
      %swap3A_2623 = tpu.vector_load %arg6[%swap3A_2621, %swap3A_2622] {strides = array<i32>} : memref<50x32xf32, #tpu.memory_space<vmem>>, vector<1x16xf32>,
      %swap3A_2624 = vector.shape_cast %swap3A_2623 : vector<1x16xf32> to vector<16xf32>
      %swap3A_2625 = vector.shape_cast %mul3A_2619 : vector<16xf32> to vector<1x16xf32>
      tpu.vector_store %arg6[%swap3A_2621, %swap3A_2622], %swap3A_2625 {strides = array<i32>} : memref<50x32xf32, #tpu.memory_space<vmem>>, vector<1x16xf32>,
      %get3A_2626 = arith.constant 1 : i32
      %get3A_2627 = arith.index_cast %get3A_2626 : i32 to index
      %get3A_2628 = arith.constant 16 : index
      %get3A_2629 = tpu.vector_load %arg6[%get3A_2627, %get3A_2628] {strides = array<i32>} : memref<50x32xf32, #tpu.memory_space<vmem>>, vector<1x16xf32>,
      %get3A_2630 = vector.shape_cast %get3A_2629 : vector<1x16xf32> to vector<16xf32>
      %mul3A_2631 = arith.mulf %get3A_2630, %broadcast_in_dim3A_2589 : vector<16xf32>
      %swap3A_2632 = arith.constant 1 : i32
      %swap3A_2633 = arith.index_cast %swap3A_2632 : i32 to index
      %swap3A_2634 = arith.constant 16 : index
      %swap3A_2635 = tpu.vector_load %arg6[%swap3A_2633, %swap3A_2634] {strides = array<i32>} : memref<50x32xf32, #tpu.memory_space<vmem>>, vector<1x16xf32>,
      %swap3A_2636 = vector.shape_cast %swap3A_2635 : vector<1x16xf32> to vector<16xf32>
      %swap3A_2637 = vector.shape_cast %mul3A_2631 : vector<16xf32> to vector<1x16xf32>
      tpu.vector_store %arg6[%swap3A_2633, %swap3A_2634], %swap3A_2637 {strides = array<i32>} : memref<50x32xf32, #tpu.memory_space<vmem>>, vector<1x16xf32>,
      %get3A_2638 = arith.constant 2 : i32
      %get3A_2639 = arith.index_cast %get3A_2638 : i32 to index
      %get3A_2640 = arith.constant 0 : index
      %get3A_2641 = tpu.vector_load %arg6[%get3A_2639, %get3A_2640] {strides = array<i32>} : memref<50x32xf32, #tpu.memory_space<vmem>>, vector<1x16xf32>,
      %get3A_2642 = vector.shape_cast %get3A_2641 : vector<1x16xf32> to vector<16xf32>
      %mul3A_2643 = arith.mulf %get3A_2642, %broadcast_in_dim3A_2589 : vector<16xf32>
      %swap3A_2644 = arith.constant 2 : i32
      %swap3A_2645 = arith.index_cast %swap3A_2644 : i32 to index
      %swap3A_2646 = arith.constant 0 : index
      %swap3A_2647 = tpu.vector_load %arg6[%swap3A_2645, %swap3A_2646] {strides = array<i32>} : memref<50x32xf32, #tpu.memory_space<vmem>>, vector<1x16xf32>,
      %swap3A_2648 = vector.shape_cast %swap3A_2647 : vector<1x16xf32> to vector<16xf32>
      %swap3A_2649 = vector.shape_cast %mul3A_2643 : vector<16xf32> to vector<1x16xf32>
      tpu.vector_store %arg6[%swap3A_2645, %swap3A_2646], %swap3A_2649 {strides = array<i32>} : memref<50x32xf32, #tpu.memory_space<vmem>>, vector<1x16xf32>,
      %get3A_2650 = arith.constant 2 : i32
      %get3A_2651 = arith.index_cast %get3A_2650 : i32 to index
      %get3A_2652 = arith.constant 16 : index
      %get3A_2653 = tpu.vector_load %arg6[%get3A_2651, %get3A_2652] {strides = array<i32>} : memref<50x32xf32, #tpu.memory_space<vmem>>, vector<1x16xf32>,
      %get3A_2654 = vector.shape_cast %get3A_2653 : vector<1x16xf32> to vector<16xf32>
      %mul3A_2655 = arith.mulf %get3A_2654, %broadcast_in_dim3A_2589 : vector<16xf32>
      %swap3A_2656 = arith.constant 2 : i32
      %swap3A_2657 = arith.index_cast %swap3A_2656 : i32 to index
      %swap3A_2658 = arith.constant 16 : index
      %swap3A_2659 = tpu.vector_load %arg6[%swap3A_2657, %swap3A_2658] {strides = array<i32>} : memref<50x32xf32, #tpu.memory_space<vmem>>, vector<1x16xf32>,
      %swap3A_2660 = vector.shape_cast %swap3A_2659 : vector<1x16xf32> to vector<16xf32>
      %swap3A_2661 = vector.shape_cast %mul3A_2655 : vector<16xf32> to vector<1x16xf32>
      tpu.vector_store %arg6[%swap3A_2657, %swap3A_2658], %swap3A_2661 {strides = array<i32>} : memref<50x32xf32, #tpu.memory_space<vmem>>, vector<1x16xf32>,
      %get3A_2662 = arith.constant 3 : i32
      %get3A_2663 = arith.index_cast %get3A_2662 : i32 to index
      %get3A_2664 = arith.constant 0 : index
      %get3A_2665 = tpu.vector_load %arg6[%get3A_2663, %get3A_2664] {strides = array<i32>} : memref<50x32xf32, #tpu.memory_space<vmem>>, vector<1x16xf32>,
      %get3A_2666 = vector.shape_cast %get3A_2665 : vector<1x16xf32> to vector<16xf32>
      %mul3A_2667 = arith.mulf %get3A_2666, %broadcast_in_dim3A_2589 : vector<16xf32>
      %swap3A_2668 = arith.constant 3 : i32
      %swap3A_2669 = arith.index_cast %swap3A_2668 : i32 to index
      %swap3A_2670 = arith.constant 0 : index
      %swap3A_2671 = tpu.vector_load %arg6[%swap3A_2669, %swap3A_2670] {strides = array<i32>} : memref<50x32xf32, #tpu.memory_space<vmem>>, vector<1x16xf32>,
      %swap3A_2672 = vector.shape_cast %swap3A_2671 : vector<1x16xf32> to vector<16xf32>
      %swap3A_2673 = vector.shape_cast %mul3A_2667 : vector<16xf32> to vector<1x16xf32>
      tpu.vector_store %arg6[%swap3A_2669, %swap3A_2670], %swap3A_2673 {strides = array<i32>} : memref<50x32xf32, #tpu.memory_space<vmem>>, vector<1x16xf32>,
      %get3A_2674 = arith.constant 3 : i32
      %get3A_2675 = arith.index_cast %get3A_2674 : i32 to index
      %get3A_2676 = arith.constant 16 : index
      %get3A_2677 = tpu.vector_load %arg6[%get3A_2675, %get3A_2676] {strides = array<i32>} : memref<50x32xf32, #tpu.memory_space<vmem>>, vector<1x16xf32>,
      %get3A_2678 = vector.shape_cast %get3A_2677 : vector<1x16xf32> to vector<16xf32>
      %mul3A_2679 = arith.mulf %get3A_2678, %broadcast_in_dim3A_2589 : vector<16xf32>
      %swap3A_2680 = arith.constant 3 : i32
      %swap3A_2681 = arith.index_cast %swap3A_2680 : i32 to index
      %swap3A_2682 = arith.constant 16 : index
      %swap3A_2683 = tpu.vector_load %arg6[%swap3A_2681, %swap3A_2682] {strides = array<i32>} : memref<50x32xf32, #tpu.memory_space<vmem>>, vector<1x16xf32>,
      %swap3A_2684 = vector.shape_cast %swap3A_2683 : vector<1x16xf32> to vector<16xf32>
      %swap3A_2685 = vector.shape_cast %mul3A_2679 : vector<16xf32> to vector<1x16xf32>
      tpu.vector_store %arg6[%swap3A_2681, %swap3A_2682], %swap3A_2685 {strides = array<i32>} : memref<50x32xf32, #tpu.memory_space<vmem>>, vector<1x16xf32>,
      %get3A_2686 = arith.constant 4 : i32
      %get3A_2687 = arith.index_cast %get3A_2686 : i32 to index
      %get3A_2688 = arith.constant 0 : index
      %get3A_2689 = tpu.vector_load %arg6[%get3A_2687, %get3A_2688] {strides = array<i32>} : memref<50x32xf32, #tpu.memory_space<vmem>>, vector<1x16xf32>,
      %get3A_2690 = vector.shape_cast %get3A_2689 : vector<1x16xf32> to vector<16xf32>
      %mul3A_2691 = arith.mulf %get3A_2690, %broadcast_in_dim3A_2589 : vector<16xf32>
      %swap3A_2692 = arith.constant 4 : i32
      %swap3A_2693 = arith.index_cast %swap3A_2692 : i32 to index
      %swap3A_2694 = arith.constant 0 : index
      %swap3A_2695 = tpu.vector_load %arg6[%swap3A_2693, %swap3A_2694] {strides = array<i32>} : memref<50x32xf32, #tpu.memory_space<vmem>>, vector<1x16xf32>,
      %swap3A_2696 = vector.shape_cast %swap3A_2695 : vector<1x16xf32> to vector<16xf32>
      %swap3A_2697 = vector.shape_cast %mul3A_2691 : vector<16xf32> to vector<1x16xf32>
      tpu.vector_store %arg6[%swap3A_2693, %swap3A_2694], %swap3A_2697 {strides = array<i32>} : memref<50x32xf32, #tpu.memory_space<vmem>>, vector<1x16xf32>,
      %get3A_2698 = arith.constant 4 : i32
      %get3A_2699 = arith.index_cast %get3A_2698 : i32 to index
      %get3A_2700 = arith.constant 16 : index
      %get3A_2701 = tpu.vector_load %arg6[%get3A_2699, %get3A_2700] {strides = array<i32>} : memref<50x32xf32, #tpu.memory_space<vmem>>, vector<1x16xf32>,
      %get3A_2702 = vector.shape_cast %get3A_2701 : vector<1x16xf32> to vector<16xf32>
      %mul3A_2703 = arith.mulf %get3A_2702, %broadcast_in_dim3A_2589 : vector<16xf32>
      %swap3A_2704 = arith.constant 4 : i32
      %swap3A_2705 = arith.index_cast %swap3A_2704 : i32 to index
      %swap3A_2706 = arith.constant 16 : index
      %swap3A_2707 = tpu.vector_load %arg6[%swap3A_2705, %swap3A_2706] {strides = array<i32>} : memref<50x32xf32, #tpu.memory_space<vmem>>, vector<1x16xf32>,
      %swap3A_2708 = vector.shape_cast %swap3A_2707 : vector<1x16xf32> to vector<16xf32>
      %swap3A_2709 = vector.shape_cast %mul3A_2703 : vector<16xf32> to vector<1x16xf32>
      tpu.vector_store %arg6[%swap3A_2705, %swap3A_2706], %swap3A_2709 {strides = array<i32>} : memref<50x32xf32, #tpu.memory_space<vmem>>, vector<1x16xf32>,
      %get3A_2710 = arith.constant 5 : i32
      %get3A_2711 = arith.index_cast %get3A_2710 : i32 to index
      %get3A_2712 = arith.constant 0 : index
      %get3A_2713 = tpu.vector_load %arg6[%get3A_2711, %get3A_2712] {strides = array<i32>} : memref<50x32xf32, #tpu.memory_space<vmem>>, vector<1x16xf32>,
      %get3A_2714 = vector.shape_cast %get3A_2713 : vector<1x16xf32> to vector<16xf32>
      %mul3A_2715 = arith.mulf %get3A_2714, %broadcast_in_dim3A_2589 : vector<16xf32>
      %swap3A_2716 = arith.constant 5 : i32
      %swap3A_2717 = arith.index_cast %swap3A_2716 : i32 to index
      %swap3A_2718 = arith.constant 0 : index
      %swap3A_2719 = tpu.vector_load %arg6[%swap3A_2717, %swap3A_2718] {strides = array<i32>} : memref<50x32xf32, #tpu.memory_space<vmem>>, vector<1x16xf32>,
      %swap3A_2720 = vector.shape_cast %swap3A_2719 : vector<1x16xf32> to vector<16xf32>
      %swap3A_2721 = vector.shape_cast %mul3A_2715 : vector<16xf32> to vector<1x16xf32>
      tpu.vector_store %arg6[%swap3A_2717, %swap3A_2718], %swap3A_2721 {strides = array<i32>} : memref<50x32xf32, #tpu.memory_space<vmem>>, vector<1x16xf32>,
      %get3A_2722 = arith.constant 5 : i32
      %get3A_2723 = arith.index_cast %get3A_2722 : i32 to index
      %get3A_2724 = arith.constant 16 : index
      %get3A_2725 = tpu.vector_load %arg6[%get3A_2723, %get3A_2724] {strides = array<i32>} : memref<50x32xf32, #tpu.memory_space<vmem>>, vector<1x16xf32>,
      %get3A_2726 = vector.shape_cast %get3A_2725 : vector<1x16xf32> to vector<16xf32>
      %mul3A_2727 = arith.mulf %get3A_2726, %broadcast_in_dim3A_2589 : vector<16xf32>
      %swap3A_2728 = arith.constant 5 : i32
      %swap3A_2729 = arith.index_cast %swap3A_2728 : i32 to index
      %swap3A_2730 = arith.constant 16 : index
      %swap3A_2731 = tpu.vector_load %arg6[%swap3A_2729, %swap3A_2730] {strides = array<i32>} : memref<50x32xf32, #tpu.memory_space<vmem>>, vector<1x16xf32>,
      %swap3A_2732 = vector.shape_cast %swap3A_2731 : vector<1x16xf32> to vector<16xf32>
      %swap3A_2733 = vector.shape_cast %mul3A_2727 : vector<16xf32> to vector<1x16xf32>
      tpu.vector_store %arg6[%swap3A_2729, %swap3A_2730], %swap3A_2733 {strides = array<i32>} : memref<50x32xf32, #tpu.memory_space<vmem>>, vector<1x16xf32>,
      %get3A_2734 = arith.constant 6 : i32
      %get3A_2735 = arith.index_cast %get3A_2734 : i32 to index
      %get3A_2736 = arith.constant 0 : index
      %get3A_2737 = tpu.vector_load %arg6[%get3A_2735, %get3A_2736] {strides = array<i32>} : memref<50x32xf32, #tpu.memory_space<vmem>>, vector<1x16xf32>,
      %get3A_2738 = vector.shape_cast %get3A_2737 : vector<1x16xf32> to vector<16xf32>
      %mul3A_2739 = arith.mulf %get3A_2738, %broadcast_in_dim3A_2589 : vector<16xf32>
      %swap3A_2740 = arith.constant 6 : i32
      %swap3A_2741 = arith.index_cast %swap3A_2740 : i32 to index
      %swap3A_2742 = arith.constant 0 : index
      %swap3A_2743 = tpu.vector_load %arg6[%swap3A_2741, %swap3A_2742] {strides = array<i32>} : memref<50x32xf32, #tpu.memory_space<vmem>>, vector<1x16xf32>,
      %swap3A_2744 = vector.shape_cast %swap3A_2743 : vector<1x16xf32> to vector<16xf32>
      %swap3A_2745 = vector.shape_cast %mul3A_2739 : vector<16xf32> to vector<1x16xf32>
      tpu.vector_store %arg6[%swap3A_2741, %swap3A_2742], %swap3A_2745 {strides = array<i32>} : memref<50x32xf32, #tpu.memory_space<vmem>>, vector<1x16xf32>,
      %get3A_2746 = arith.constant 6 : i32
      %get3A_2747 = arith.index_cast %get3A_2746 : i32 to index
      %get3A_2748 = arith.constant 16 : index
      %get3A_2749 = tpu.vector_load %arg6[%get3A_2747, %get3A_2748] {strides = array<i32>} : memref<50x32xf32, #tpu.memory_space<vmem>>, vector<1x16xf32>,
      %get3A_2750 = vector.shape_cast %get3A_2749 : vector<1x16xf32> to vector<16xf32>
      %mul3A_2751 = arith.mulf %get3A_2750, %broadcast_in_dim3A_2589 : vector<16xf32>
      %swap3A_2752 = arith.constant 6 : i32
      %swap3A_2753 = arith.index_cast %swap3A_2752 : i32 to index
      %swap3A_2754 = arith.constant 16 : index
      %swap3A_2755 = tpu.vector_load %arg6[%swap3A_2753, %swap3A_2754] {strides = array<i32>} : memref<50x32xf32, #tpu.memory_space<vmem>>, vector<1x16xf32>,
      %swap3A_2756 = vector.shape_cast %swap3A_2755 : vector<1x16xf32> to vector<16xf32>
      %swap3A_2757 = vector.shape_cast %mul3A_2751 : vector<16xf32> to vector<1x16xf32>
      tpu.vector_store %arg6[%swap3A_2753, %swap3A_2754], %swap3A_2757 {strides = array<i32>} : memref<50x32xf32, #tpu.memory_space<vmem>>, vector<1x16xf32>,
      %get3A_2758 = arith.constant 7 : i32
      %get3A_2759 = arith.index_cast %get3A_2758 : i32 to index
      %get3A_2760 = arith.constant 0 : index
      %get3A_2761 = tpu.vector_load %arg6[%get3A_2759, %get3A_2760] {strides = array<i32>} : memref<50x32xf32, #tpu.memory_space<vmem>>, vector<1x16xf32>,
      %get3A_2762 = vector.shape_cast %get3A_2761 : vector<1x16xf32> to vector<16xf32>
      %mul3A_2763 = arith.mulf %get3A_2762, %broadcast_in_dim3A_2589 : vector<16xf32>
      %swap3A_2764 = arith.constant 7 : i32
      %swap3A_2765 = arith.index_cast %swap3A_2764 : i32 to index
      %swap3A_2766 = arith.constant 0 : index
      %swap3A_2767 = tpu.vector_load %arg6[%swap3A_2765, %swap3A_2766] {strides = array<i32>} : memref<50x32xf32, #tpu.memory_space<vmem>>, vector<1x16xf32>,
      %swap3A_2768 = vector.shape_cast %swap3A_2767 : vector<1x16xf32> to vector<16xf32>
      %swap3A_2769 = vector.shape_cast %mul3A_2763 : vector<16xf32> to vector<1x16xf32>
      tpu.vector_store %arg6[%swap3A_2765, %swap3A_2766], %swap3A_2769 {strides = array<i32>} : memref<50x32xf32, #tpu.memory_space<vmem>>, vector<1x16xf32>,
      %get3A_2770 = arith.constant 7 : i32
      %get3A_2771 = arith.index_cast %get3A_2770 : i32 to index
      %get3A_2772 = arith.constant 16 : index
      %get3A_2773 = tpu.vector_load %arg6[%get3A_2771, %get3A_2772] {strides = array<i32>} : memref<50x32xf32, #tpu.memory_space<vmem>>, vector<1x16xf32>,
      %get3A_2774 = vector.shape_cast %get3A_2773 : vector<1x16xf32> to vector<16xf32>
      %mul3A_2775 = arith.mulf %get3A_2774, %broadcast_in_dim3A_2589 : vector<16xf32>
      %swap3A_2776 = arith.constant 7 : i32
      %swap3A_2777 = arith.index_cast %swap3A_2776 : i32 to index
      %swap3A_2778 = arith.constant 16 : index
      %swap3A_2779 = tpu.vector_load %arg6[%swap3A_2777, %swap3A_2778] {strides = array<i32>} : memref<50x32xf32, #tpu.memory_space<vmem>>, vector<1x16xf32>,
      %swap3A_2780 = vector.shape_cast %swap3A_2779 : vector<1x16xf32> to vector<16xf32>
      %swap3A_2781 = vector.shape_cast %mul3A_2775 : vector<16xf32> to vector<1x16xf32>
      tpu.vector_store %arg6[%swap3A_2777, %swap3A_2778], %swap3A_2781 {strides = array<i32>} : memref<50x32xf32, #tpu.memory_space<vmem>>, vector<1x16xf32>,
      %get3A_2782 = arith.constant 8 : i32
      %get3A_2783 = arith.index_cast %get3A_2782 : i32 to index
      %get3A_2784 = arith.constant 0 : index
      %get3A_2785 = tpu.vector_load %arg6[%get3A_2783, %get3A_2784] {strides = array<i32>} : memref<50x32xf32, #tpu.memory_space<vmem>>, vector<1x16xf32>,
      %get3A_2786 = vector.shape_cast %get3A_2785 : vector<1x16xf32> to vector<16xf32>
      %mul3A_2787 = arith.mulf %get3A_2786, %broadcast_in_dim3A_2589 : vector<16xf32>
      %swap3A_2788 = arith.constant 8 : i32
      %swap3A_2789 = arith.index_cast %swap3A_2788 : i32 to index
      %swap3A_2790 = arith.constant 0 : index
      %swap3A_2791 = tpu.vector_load %arg6[%swap3A_2789, %swap3A_2790] {strides = array<i32>} : memref<50x32xf32, #tpu.memory_space<vmem>>, vector<1x16xf32>,
      %swap3A_2792 = vector.shape_cast %swap3A_2791 : vector<1x16xf32> to vector<16xf32>
      %swap3A_2793 = vector.shape_cast %mul3A_2787 : vector<16xf32> to vector<1x16xf32>
      tpu.vector_store %arg6[%swap3A_2789, %swap3A_2790], %swap3A_2793 {strides = array<i32>} : memref<50x32xf32, #tpu.memory_space<vmem>>, vector<1x16xf32>,
      %get3A_2794 = arith.constant 8 : i32
      %get3A_2795 = arith.index_cast %get3A_2794 : i32 to index
      %get3A_2796 = arith.constant 16 : index
      %get3A_2797 = tpu.vector_load %arg6[%get3A_2795, %get3A_2796] {strides = array<i32>} : memref<50x32xf32, #tpu.memory_space<vmem>>, vector<1x16xf32>,
      %get3A_2798 = vector.shape_cast %get3A_2797 : vector<1x16xf32> to vector<16xf32>
      %mul3A_2799 = arith.mulf %get3A_2798, %broadcast_in_dim3A_2589 : vector<16xf32>
      %swap3A_2800 = arith.constant 8 : i32
      %swap3A_2801 = arith.index_cast %swap3A_2800 : i32 to index
      %swap3A_2802 = arith.constant 16 : index
      %swap3A_2803 = tpu.vector_load %arg6[%swap3A_2801, %swap3A_2802] {strides = array<i32>} : memref<50x32xf32, #tpu.memory_space<vmem>>, vector<1x16xf32>,
      %swap3A_2804 = vector.shape_cast %swap3A_2803 : vector<1x16xf32> to vector<16xf32>
      %swap3A_2805 = vector.shape_cast %mul3A_2799 : vector<16xf32> to vector<1x16xf32>
      tpu.vector_store %arg6[%swap3A_2801, %swap3A_2802], %swap3A_2805 {strides = array<i32>} : memref<50x32xf32, #tpu.memory_space<vmem>>, vector<1x16xf32>,
      %get3A_2806 = arith.constant 9 : i32
      %get3A_2807 = arith.index_cast %get3A_2806 : i32 to index
      %get3A_2808 = arith.constant 0 : index
      %get3A_2809 = tpu.vector_load %arg6[%get3A_2807, %get3A_2808] {strides = array<i32>} : memref<50x32xf32, #tpu.memory_space<vmem>>, vector<1x16xf32>,
      %get3A_2810 = vector.shape_cast %get3A_2809 : vector<1x16xf32> to vector<16xf32>
      %mul3A_2811 = arith.mulf %get3A_2810, %broadcast_in_dim3A_2589 : vector<16xf32>
      %swap3A_2812 = arith.constant 9 : i32
      %swap3A_2813 = arith.index_cast %swap3A_2812 : i32 to index
      %swap3A_2814 = arith.constant 0 : index
      %swap3A_2815 = tpu.vector_load %arg6[%swap3A_2813, %swap3A_2814] {strides = array<i32>} : memref<50x32xf32, #tpu.memory_space<vmem>>, vector<1x16xf32>,
      %swap3A_2816 = vector.shape_cast %swap3A_2815 : vector<1x16xf32> to vector<16xf32>
      %swap3A_2817 = vector.shape_cast %mul3A_2811 : vector<16xf32> to vector<1x16xf32>
      tpu.vector_store %arg6[%swap3A_2813, %swap3A_2814], %swap3A_2817 {strides = array<i32>} : memref<50x32xf32, #tpu.memory_space<vmem>>, vector<1x16xf32>,
      %get3A_2818 = arith.constant 9 : i32
      %get3A_2819 = arith.index_cast %get3A_2818 : i32 to index
      %get3A_2820 = arith.constant 16 : index
      %get3A_2821 = tpu.vector_load %arg6[%get3A_2819, %get3A_2820] {strides = array<i32>} : memref<50x32xf32, #tpu.memory_space<vmem>>, vector<1x16xf32>,
      %get3A_2822 = vector.shape_cast %get3A_2821 : vector<1x16xf32> to vector<16xf32>
      %mul3A_2823 = arith.mulf %get3A_2822, %broadcast_in_dim3A_2589 : vector<16xf32>
      %swap3A_2824 = arith.constant 9 : i32
      %swap3A_2825 = arith.index_cast %swap3A_2824 : i32 to index
      %swap3A_2826 = arith.constant 16 : index
      %swap3A_2827 = tpu.vector_load %arg6[%swap3A_2825, %swap3A_2826] {strides = array<i32>} : memref<50x32xf32, #tpu.memory_space<vmem>>, vector<1x16xf32>,
      %swap3A_2828 = vector.shape_cast %swap3A_2827 : vector<1x16xf32> to vector<16xf32>
      %swap3A_2829 = vector.shape_cast %mul3A_2823 : vector<16xf32> to vector<1x16xf32>
      tpu.vector_store %arg6[%swap3A_2825, %swap3A_2826], %swap3A_2829 {strides = array<i32>} : memref<50x32xf32, #tpu.memory_space<vmem>>, vector<1x16xf32>,
      %get3A_2830 = arith.constant 10 : i32
      %get3A_2831 = arith.index_cast %get3A_2830 : i32 to index
      %get3A_2832 = arith.constant 0 : index
      %get3A_2833 = tpu.vector_load %arg6[%get3A_2831, %get3A_2832] {strides = array<i32>} : memref<50x32xf32, #tpu.memory_space<vmem>>, vector<1x16xf32>,
      %get3A_2834 = vector.shape_cast %get3A_2833 : vector<1x16xf32> to vector<16xf32>
      %mul3A_2835 = arith.mulf %get3A_2834, %broadcast_in_dim3A_2589 : vector<16xf32>
      %swap3A_2836 = arith.constant 10 : i32
      %swap3A_2837 = arith.index_cast %swap3A_2836 : i32 to index
      %swap3A_2838 = arith.constant 0 : index
      %swap3A_2839 = tpu.vector_load %arg6[%swap3A_2837, %swap3A_2838] {strides = array<i32>} : memref<50x32xf32, #tpu.memory_space<vmem>>, vector<1x16xf32>,
      %swap3A_2840 = vector.shape_cast %swap3A_2839 : vector<1x16xf32> to vector<16xf32>
      %swap3A_2841 = vector.shape_cast %mul3A_2835 : vector<16xf32> to vector<1x16xf32>
      tpu.vector_store %arg6[%swap3A_2837, %swap3A_2838], %swap3A_2841 {strides = array<i32>} : memref<50x32xf32, #tpu.memory_space<vmem>>, vector<1x16xf32>,
      %get3A_2842 = arith.constant 10 : i32
      %get3A_2843 = arith.index_cast %get3A_2842 : i32 to index
      %get3A_2844 = arith.constant 16 : index
      %get3A_2845 = tpu.vector_load %arg6[%get3A_2843, %get3A_2844] {strides = array<i32>} : memref<50x32xf32, #tpu.memory_space<vmem>>, vector<1x16xf32>,
      %get3A_2846 = vector.shape_cast %get3A_2845 : vector<1x16xf32> to vector<16xf32>
      %mul3A_2847 = arith.mulf %get3A_2846, %broadcast_in_dim3A_2589 : vector<16xf32>
      %swap3A_2848 = arith.constant 10 : i32
      %swap3A_2849 = arith.index_cast %swap3A_2848 : i32 to index
      %swap3A_2850 = arith.constant 16 : index
      %swap3A_2851 = tpu.vector_load %arg6[%swap3A_2849, %swap3A_2850] {strides = array<i32>} : memref<50x32xf32, #tpu.memory_space<vmem>>, vector<1x16xf32>,
      %swap3A_2852 = vector.shape_cast %swap3A_2851 : vector<1x16xf32> to vector<16xf32>
      %swap3A_2853 = vector.shape_cast %mul3A_2847 : vector<16xf32> to vector<1x16xf32>
      tpu.vector_store %arg6[%swap3A_2849, %swap3A_2850], %swap3A_2853 {strides = array<i32>} : memref<50x32xf32, #tpu.memory_space<vmem>>, vector<1x16xf32>,
      %get3A_2854 = arith.constant 11 : i32
      %get3A_2855 = arith.index_cast %get3A_2854 : i32 to index
      %get3A_2856 = arith.constant 0 : index
      %get3A_2857 = tpu.vector_load %arg6[%get3A_2855, %get3A_2856] {strides = array<i32>} : memref<50x32xf32, #tpu.memory_space<vmem>>, vector<1x16xf32>,
      %get3A_2858 = vector.shape_cast %get3A_2857 : vector<1x16xf32> to vector<16xf32>
      %mul3A_2859 = arith.mulf %get3A_2858, %broadcast_in_dim3A_2589 : vector<16xf32>
      %swap3A_2860 = arith.constant 11 : i32
      %swap3A_2861 = arith.index_cast %swap3A_2860 : i32 to index
      %swap3A_2862 = arith.constant 0 : index
      %swap3A_2863 = tpu.vector_load %arg6[%swap3A_2861, %swap3A_2862] {strides = array<i32>} : memref<50x32xf32, #tpu.memory_space<vmem>>, vector<1x16xf32>,
      %swap3A_2864 = vector.shape_cast %swap3A_2863 : vector<1x16xf32> to vector<16xf32>
      %swap3A_2865 = vector.shape_cast %mul3A_2859 : vector<16xf32> to vector<1x16xf32>
      tpu.vector_store %arg6[%swap3A_2861, %swap3A_2862], %swap3A_2865 {strides = array<i32>} : memref<50x32xf32, #tpu.memory_space<vmem>>, vector<1x16xf32>,
      %get3A_2866 = arith.constant 11 : i32
      %get3A_2867 = arith.index_cast %get3A_2866 : i32 to index
      %get3A_2868 = arith.constant 16 : index
      %get3A_2869 = tpu.vector_load %arg6[%get3A_2867, %get3A_2868] {strides = array<i32>} : memref<50x32xf32, #tpu.memory_space<vmem>>, vector<1x16xf32>,
      %get3A_2870 = vector.shape_cast %get3A_2869 : vector<1x16xf32> to vector<16xf32>
      %mul3A_2871 = arith.mulf %get3A_2870, %broadcast_in_dim3A_2589 : vector<16xf32>
      %swap3A_2872 = arith.constant 11 : i32
      %swap3A_2873 = arith.index_cast %swap3A_2872 : i32 to index
      %swap3A_2874 = arith.constant 16 : index
      %swap3A_2875 = tpu.vector_load %arg6[%swap3A_2873, %swap3A_2874] {strides = array<i32>} : memref<50x32xf32, #tpu.memory_space<vmem>>, vector<1x16xf32>,
      %swap3A_2876 = vector.shape_cast %swap3A_2875 : vector<1x16xf32> to vector<16xf32>
      %swap3A_2877 = vector.shape_cast %mul3A_2871 : vector<16xf32> to vector<1x16xf32>
      tpu.vector_store %arg6[%swap3A_2873, %swap3A_2874], %swap3A_2877 {strides = array<i32>} : memref<50x32xf32, #tpu.memory_space<vmem>>, vector<1x16xf32>,
      %get3A_2878 = arith.constant 12 : i32
      %get3A_2879 = arith.index_cast %get3A_2878 : i32 to index
      %get3A_2880 = arith.constant 0 : index
      %get3A_2881 = tpu.vector_load %arg6[%get3A_2879, %get3A_2880] {strides = array<i32>} : memref<50x32xf32, #tpu.memory_space<vmem>>, vector<1x16xf32>,
      %get3A_2882 = vector.shape_cast %get3A_2881 : vector<1x16xf32> to vector<16xf32>
      %mul3A_2883 = arith.mulf %get3A_2882, %broadcast_in_dim3A_2589 : vector<16xf32>
      %swap3A_2884 = arith.constant 12 : i32
      %swap3A_2885 = arith.index_cast %swap3A_2884 : i32 to index
      %swap3A_2886 = arith.constant 0 : index
      %swap3A_2887 = tpu.vector_load %arg6[%swap3A_2885, %swap3A_2886] {strides = array<i32>} : memref<50x32xf32, #tpu.memory_space<vmem>>, vector<1x16xf32>,
      %swap3A_2888 = vector.shape_cast %swap3A_2887 : vector<1x16xf32> to vector<16xf32>
      %swap3A_2889 = vector.shape_cast %mul3A_2883 : vector<16xf32> to vector<1x16xf32>
      tpu.vector_store %arg6[%swap3A_2885, %swap3A_2886], %swap3A_2889 {strides = array<i32>} : memref<50x32xf32, #tpu.memory_space<vmem>>, vector<1x16xf32>,
      %get3A_2890 = arith.constant 12 : i32
      %get3A_2891 = arith.index_cast %get3A_2890 : i32 to index
      %get3A_2892 = arith.constant 16 : index
      %get3A_2893 = tpu.vector_load %arg6[%get3A_2891, %get3A_2892] {strides = array<i32>} : memref<50x32xf32, #tpu.memory_space<vmem>>, vector<1x16xf32>,
      %get3A_2894 = vector.shape_cast %get3A_2893 : vector<1x16xf32> to vector<16xf32>
      %mul3A_2895 = arith.mulf %get3A_2894, %broadcast_in_dim3A_2589 : vector<16xf32>
      %swap3A_2896 = arith.constant 12 : i32
      %swap3A_2897 = arith.index_cast %swap3A_2896 : i32 to index
      %swap3A_2898 = arith.constant 16 : index
      %swap3A_2899 = tpu.vector_load %arg6[%swap3A_2897, %swap3A_2898] {strides = array<i32>} : memref<50x32xf32, #tpu.memory_space<vmem>>, vector<1x16xf32>,
      %swap3A_2900 = vector.shape_cast %swap3A_2899 : vector<1x16xf32> to vector<16xf32>
      %swap3A_2901 = vector.shape_cast %mul3A_2895 : vector<16xf32> to vector<1x16xf32>
      tpu.vector_store %arg6[%swap3A_2897, %swap3A_2898], %swap3A_2901 {strides = array<i32>} : memref<50x32xf32, #tpu.memory_space<vmem>>, vector<1x16xf32>,
      %get3A_2902 = arith.constant 13 : i32
      %get3A_2903 = arith.index_cast %get3A_2902 : i32 to index
      %get3A_2904 = arith.constant 0 : index
      %get3A_2905 = tpu.vector_load %arg6[%get3A_2903, %get3A_2904] {strides = array<i32>} : memref<50x32xf32, #tpu.memory_space<vmem>>, vector<1x16xf32>,
      %get3A_2906 = vector.shape_cast %get3A_2905 : vector<1x16xf32> to vector<16xf32>
      %mul3A_2907 = arith.mulf %get3A_2906, %broadcast_in_dim3A_2589 : vector<16xf32>
      %swap3A_2908 = arith.constant 13 : i32
      %swap3A_2909 = arith.index_cast %swap3A_2908 : i32 to index
      %swap3A_2910 = arith.constant 0 : index
      %swap3A_2911 = tpu.vector_load %arg6[%swap3A_2909, %swap3A_2910] {strides = array<i32>} : memref<50x32xf32, #tpu.memory_space<vmem>>, vector<1x16xf32>,
      %swap3A_2912 = vector.shape_cast %swap3A_2911 : vector<1x16xf32> to vector<16xf32>
      %swap3A_2913 = vector.shape_cast %mul3A_2907 : vector<16xf32> to vector<1x16xf32>
      tpu.vector_store %arg6[%swap3A_2909, %swap3A_2910], %swap3A_2913 {strides = array<i32>} : memref<50x32xf32, #tpu.memory_space<vmem>>, vector<1x16xf32>,
      %get3A_2914 = arith.constant 13 : i32
      %get3A_2915 = arith.index_cast %get3A_2914 : i32 to index
      %get3A_2916 = arith.constant 16 : index
      %get3A_2917 = tpu.vector_load %arg6[%get3A_2915, %get3A_2916] {strides = array<i32>} : memref<50x32xf32, #tpu.memory_space<vmem>>, vector<1x16xf32>,
      %get3A_2918 = vector.shape_cast %get3A_2917 : vector<1x16xf32> to vector<16xf32>
      %mul3A_2919 = arith.mulf %get3A_2918, %broadcast_in_dim3A_2589 : vector<16xf32>
      %swap3A_2920 = arith.constant 13 : i32
      %swap3A_2921 = arith.index_cast %swap3A_2920 : i32 to index
      %swap3A_2922 = arith.constant 16 : index
      %swap3A_2923 = tpu.vector_load %arg6[%swap3A_2921, %swap3A_2922] {strides = array<i32>} : memref<50x32xf32, #tpu.memory_space<vmem>>, vector<1x16xf32>,
      %swap3A_2924 = vector.shape_cast %swap3A_2923 : vector<1x16xf32> to vector<16xf32>
      %swap3A_2925 = vector.shape_cast %mul3A_2919 : vector<16xf32> to vector<1x16xf32>
      tpu.vector_store %arg6[%swap3A_2921, %swap3A_2922], %swap3A_2925 {strides = array<i32>} : memref<50x32xf32, #tpu.memory_space<vmem>>, vector<1x16xf32>,
      %get3A_2926 = arith.constant 14 : i32
      %get3A_2927 = arith.index_cast %get3A_2926 : i32 to index
      %get3A_2928 = arith.constant 0 : index
      %get3A_2929 = tpu.vector_load %arg6[%get3A_2927, %get3A_2928] {strides = array<i32>} : memref<50x32xf32, #tpu.memory_space<vmem>>, vector<1x16xf32>,
      %get3A_2930 = vector.shape_cast %get3A_2929 : vector<1x16xf32> to vector<16xf32>
      %mul3A_2931 = arith.mulf %get3A_2930, %broadcast_in_dim3A_2589 : vector<16xf32>
      %swap3A_2932 = arith.constant 14 : i32
      %swap3A_2933 = arith.index_cast %swap3A_2932 : i32 to index
      %swap3A_2934 = arith.constant 0 : index
      %swap3A_2935 = tpu.vector_load %arg6[%swap3A_2933, %swap3A_2934] {strides = array<i32>} : memref<50x32xf32, #tpu.memory_space<vmem>>, vector<1x16xf32>,
      %swap3A_2936 = vector.shape_cast %swap3A_2935 : vector<1x16xf32> to vector<16xf32>
      %swap3A_2937 = vector.shape_cast %mul3A_2931 : vector<16xf32> to vector<1x16xf32>
      tpu.vector_store %arg6[%swap3A_2933, %swap3A_2934], %swap3A_2937 {strides = array<i32>} : memref<50x32xf32, #tpu.memory_space<vmem>>, vector<1x16xf32>,
      %get3A_2938 = arith.constant 14 : i32
      %get3A_2939 = arith.index_cast %get3A_2938 : i32 to index
      %get3A_2940 = arith.constant 16 : index
      %get3A_2941 = tpu.vector_load %arg6[%get3A_2939, %get3A_2940] {strides = array<i32>} : memref<50x32xf32, #tpu.memory_space<vmem>>, vector<1x16xf32>,
      %get3A_2942 = vector.shape_cast %get3A_2941 : vector<1x16xf32> to vector<16xf32>
      %mul3A_2943 = arith.mulf %get3A_2942, %broadcast_in_dim3A_2589 : vector<16xf32>
      %swap3A_2944 = arith.constant 14 : i32
      %swap3A_2945 = arith.index_cast %swap3A_2944 : i32 to index
      %swap3A_2946 = arith.constant 16 : index
      %swap3A_2947 = tpu.vector_load %arg6[%swap3A_2945, %swap3A_2946] {strides = array<i32>} : memref<50x32xf32, #tpu.memory_space<vmem>>, vector<1x16xf32>,
      %swap3A_2948 = vector.shape_cast %swap3A_2947 : vector<1x16xf32> to vector<16xf32>
      %swap3A_2949 = vector.shape_cast %mul3A_2943 : vector<16xf32> to vector<1x16xf32>
      tpu.vector_store %arg6[%swap3A_2945, %swap3A_2946], %swap3A_2949 {strides = array<i32>} : memref<50x32xf32, #tpu.memory_space<vmem>>, vector<1x16xf32>,
      %get3A_2950 = arith.constant 15 : i32
      %get3A_2951 = arith.index_cast %get3A_2950 : i32 to index
      %get3A_2952 = arith.constant 0 : index
      %get3A_2953 = tpu.vector_load %arg6[%get3A_2951, %get3A_2952] {strides = array<i32>} : memref<50x32xf32, #tpu.memory_space<vmem>>, vector<1x16xf32>,
      %get3A_2954 = vector.shape_cast %get3A_2953 : vector<1x16xf32> to vector<16xf32>
      %mul3A_2955 = arith.mulf %get3A_2954, %broadcast_in_dim3A_2589 : vector<16xf32>
      %swap3A_2956 = arith.constant 15 : i32
      %swap3A_2957 = arith.index_cast %swap3A_2956 : i32 to index
      %swap3A_2958 = arith.constant 0 : index
      %swap3A_2959 = tpu.vector_load %arg6[%swap3A_2957, %swap3A_2958] {strides = array<i32>} : memref<50x32xf32, #tpu.memory_space<vmem>>, vector<1x16xf32>,
      %swap3A_2960 = vector.shape_cast %swap3A_2959 : vector<1x16xf32> to vector<16xf32>
      %swap3A_2961 = vector.shape_cast %mul3A_2955 : vector<16xf32> to vector<1x16xf32>
      tpu.vector_store %arg6[%swap3A_2957, %swap3A_2958], %swap3A_2961 {strides = array<i32>} : memref<50x32xf32, #tpu.memory_space<vmem>>, vector<1x16xf32>,
      %get3A_2962 = arith.constant 15 : i32
      %get3A_2963 = arith.index_cast %get3A_2962 : i32 to index
      %get3A_2964 = arith.constant 16 : index
      %get3A_2965 = tpu.vector_load %arg6[%get3A_2963, %get3A_2964] {strides = array<i32>} : memref<50x32xf32, #tpu.memory_space<vmem>>, vector<1x16xf32>,
      %get3A_2966 = vector.shape_cast %get3A_2965 : vector<1x16xf32> to vector<16xf32>
      %mul3A_2967 = arith.mulf %get3A_2966, %broadcast_in_dim3A_2589 : vector<16xf32>
      %swap3A_2968 = arith.constant 15 : i32
      %swap3A_2969 = arith.index_cast %swap3A_2968 : i32 to index
      %swap3A_2970 = arith.constant 16 : index
      %swap3A_2971 = tpu.vector_load %arg6[%swap3A_2969, %swap3A_2970] {strides = array<i32>} : memref<50x32xf32, #tpu.memory_space<vmem>>, vector<1x16xf32>,
      %swap3A_2972 = vector.shape_cast %swap3A_2971 : vector<1x16xf32> to vector<16xf32>
      %swap3A_2973 = vector.shape_cast %mul3A_2967 : vector<16xf32> to vector<1x16xf32>
      tpu.vector_store %arg6[%swap3A_2969, %swap3A_2970], %swap3A_2973 {strides = array<i32>} : memref<50x32xf32, #tpu.memory_space<vmem>>, vector<1x16xf32>,
      %get3A_2974 = arith.constant 16 : i32
      %get3A_2975 = arith.index_cast %get3A_2974 : i32 to index
      %get3A_2976 = arith.constant 0 : index
      %get3A_2977 = tpu.vector_load %arg6[%get3A_2975, %get3A_2976] {strides = array<i32>} : memref<50x32xf32, #tpu.memory_space<vmem>>, vector<1x16xf32>,
      %get3A_2978 = vector.shape_cast %get3A_2977 : vector<1x16xf32> to vector<16xf32>
      %mul3A_2979 = arith.mulf %get3A_2978, %broadcast_in_dim3A_2589 : vector<16xf32>
      %swap3A_2980 = arith.constant 16 : i32
      %swap3A_2981 = arith.index_cast %swap3A_2980 : i32 to index
      %swap3A_2982 = arith.constant 0 : index
      %swap3A_2983 = tpu.vector_load %arg6[%swap3A_2981, %swap3A_2982] {strides = array<i32>} : memref<50x32xf32, #tpu.memory_space<vmem>>, vector<1x16xf32>,
      %swap3A_2984 = vector.shape_cast %swap3A_2983 : vector<1x16xf32> to vector<16xf32>
      %swap3A_2985 = vector.shape_cast %mul3A_2979 : vector<16xf32> to vector<1x16xf32>
      tpu.vector_store %arg6[%swap3A_2981, %swap3A_2982], %swap3A_2985 {strides = array<i32>} : memref<50x32xf32, #tpu.memory_space<vmem>>, vector<1x16xf32>,
      %get3A_2986 = arith.constant 16 : i32
      %get3A_2987 = arith.index_cast %get3A_2986 : i32 to index
      %get3A_2988 = arith.constant 16 : index
      %get3A_2989 = tpu.vector_load %arg6[%get3A_2987, %get3A_2988] {strides = array<i32>} : memref<50x32xf32, #tpu.memory_space<vmem>>, vector<1x16xf32>,
      %get3A_2990 = vector.shape_cast %get3A_2989 : vector<1x16xf32> to vector<16xf32>
      %mul3A_2991 = arith.mulf %get3A_2990, %broadcast_in_dim3A_2589 : vector<16xf32>
      %swap3A_2992 = arith.constant 16 : i32
      %swap3A_2993 = arith.index_cast %swap3A_2992 : i32 to index
      %swap3A_2994 = arith.constant 16 : index
      %swap3A_2995 = tpu.vector_load %arg6[%swap3A_2993, %swap3A_2994] {strides = array<i32>} : memref<50x32xf32, #tpu.memory_space<vmem>>, vector<1x16xf32>,
      %swap3A_2996 = vector.shape_cast %swap3A_2995 : vector<1x16xf32> to vector<16xf32>
      %swap3A_2997 = vector.shape_cast %mul3A_2991 : vector<16xf32> to vector<1x16xf32>
      tpu.vector_store %arg6[%swap3A_2993, %swap3A_2994], %swap3A_2997 {strides = array<i32>} : memref<50x32xf32, #tpu.memory_space<vmem>>, vector<1x16xf32>,
      %get3A_2998 = arith.constant 17 : i32
      %get3A_2999 = arith.index_cast %get3A_2998 : i32 to index
      %get3A_3000 = arith.constant 0 : index
      %get3A_3001 = tpu.vector_load %arg6[%get3A_2999, %get3A_3000] {strides = array<i32>} : memref<50x32xf32, #tpu.memory_space<vmem>>, vector<1x16xf32>,
      %get3A_3002 = vector.shape_cast %get3A_3001 : vector<1x16xf32> to vector<16xf32>
      %mul3A_3003 = arith.mulf %get3A_3002, %broadcast_in_dim3A_2589 : vector<16xf32>
      %swap3A_3004 = arith.constant 17 : i32
      %swap3A_3005 = arith.index_cast %swap3A_3004 : i32 to index
      %swap3A_3006 = arith.constant 0 : index
      %swap3A_3007 = tpu.vector_load %arg6[%swap3A_3005, %swap3A_3006] {strides = array<i32>} : memref<50x32xf32, #tpu.memory_space<vmem>>, vector<1x16xf32>,
      %swap3A_3008 = vector.shape_cast %swap3A_3007 : vector<1x16xf32> to vector<16xf32>
      %swap3A_3009 = vector.shape_cast %mul3A_3003 : vector<16xf32> to vector<1x16xf32>
      tpu.vector_store %arg6[%swap3A_3005, %swap3A_3006], %swap3A_3009 {strides = array<i32>} : memref<50x32xf32, #tpu.memory_space<vmem>>, vector<1x16xf32>,
      %get3A_3010 = arith.constant 17 : i32
      %get3A_3011 = arith.index_cast %get3A_3010 : i32 to index
      %get3A_3012 = arith.constant 16 : index
      %get3A_3013 = tpu.vector_load %arg6[%get3A_3011, %get3A_3012] {strides = array<i32>} : memref<50x32xf32, #tpu.memory_space<vmem>>, vector<1x16xf32>,
      %get3A_3014 = vector.shape_cast %get3A_3013 : vector<1x16xf32> to vector<16xf32>
      %mul3A_3015 = arith.mulf %get3A_3014, %broadcast_in_dim3A_2589 : vector<16xf32>
      %swap3A_3016 = arith.constant 17 : i32
      %swap3A_3017 = arith.index_cast %swap3A_3016 : i32 to index
      %swap3A_3018 = arith.constant 16 : index
      %swap3A_3019 = tpu.vector_load %arg6[%swap3A_3017, %swap3A_3018] {strides = array<i32>} : memref<50x32xf32, #tpu.memory_space<vmem>>, vector<1x16xf32>,
      %swap3A_3020 = vector.shape_cast %swap3A_3019 : vector<1x16xf32> to vector<16xf32>
      %swap3A_3021 = vector.shape_cast %mul3A_3015 : vector<16xf32> to vector<1x16xf32>
      tpu.vector_store %arg6[%swap3A_3017, %swap3A_3018], %swap3A_3021 {strides = array<i32>} : memref<50x32xf32, #tpu.memory_space<vmem>>, vector<1x16xf32>,
      %get3A_3022 = arith.constant 18 : i32
      %get3A_3023 = arith.index_cast %get3A_3022 : i32 to index
      %get3A_3024 = arith.constant 0 : index
      %get3A_3025 = tpu.vector_load %arg6[%get3A_3023, %get3A_3024] {strides = array<i32>} : memref<50x32xf32, #tpu.memory_space<vmem>>, vector<1x16xf32>,
      %get3A_3026 = vector.shape_cast %get3A_3025 : vector<1x16xf32> to vector<16xf32>
      %mul3A_3027 = arith.mulf %get3A_3026, %broadcast_in_dim3A_2589 : vector<16xf32>
      %swap3A_3028 = arith.constant 18 : i32
      %swap3A_3029 = arith.index_cast %swap3A_3028 : i32 to index
      %swap3A_3030 = arith.constant 0 : index
      %swap3A_3031 = tpu.vector_load %arg6[%swap3A_3029, %swap3A_3030] {strides = array<i32>} : memref<50x32xf32, #tpu.memory_space<vmem>>, vector<1x16xf32>,
      %swap3A_3032 = vector.shape_cast %swap3A_3031 : vector<1x16xf32> to vector<16xf32>
      %swap3A_3033 = vector.shape_cast %mul3A_3027 : vector<16xf32> to vector<1x16xf32>
      tpu.vector_store %arg6[%swap3A_3029, %swap3A_3030], %swap3A_3033 {strides = array<i32>} : memref<50x32xf32, #tpu.memory_space<vmem>>, vector<1x16xf32>,
      %get3A_3034 = arith.constant 18 : i32
      %get3A_3035 = arith.index_cast %get3A_3034 : i32 to index
      %get3A_3036 = arith.constant 16 : index
      %get3A_3037 = tpu.vector_load %arg6[%get3A_3035, %get3A_3036] {strides = array<i32>} : memref<50x32xf32, #tpu.memory_space<vmem>>, vector<1x16xf32>,
      %get3A_3038 = vector.shape_cast %get3A_3037 : vector<1x16xf32> to vector<16xf32>
      %mul3A_3039 = arith.mulf %get3A_3038, %broadcast_in_dim3A_2589 : vector<16xf32>
      %swap3A_3040 = arith.constant 18 : i32
      %swap3A_3041 = arith.index_cast %swap3A_3040 : i32 to index
      %swap3A_3042 = arith.constant 16 : index
      %swap3A_3043 = tpu.vector_load %arg6[%swap3A_3041, %swap3A_3042] {strides = array<i32>} : memref<50x32xf32, #tpu.memory_space<vmem>>, vector<1x16xf32>,
      %swap3A_3044 = vector.shape_cast %swap3A_3043 : vector<1x16xf32> to vector<16xf32>
      %swap3A_3045 = vector.shape_cast %mul3A_3039 : vector<16xf32> to vector<1x16xf32>
      tpu.vector_store %arg6[%swap3A_3041, %swap3A_3042], %swap3A_3045 {strides = array<i32>} : memref<50x32xf32, #tpu.memory_space<vmem>>, vector<1x16xf32>,
      %get3A_3046 = arith.constant 19 : i32
      %get3A_3047 = arith.index_cast %get3A_3046 : i32 to index
      %get3A_3048 = arith.constant 0 : index
      %get3A_3049 = tpu.vector_load %arg6[%get3A_3047, %get3A_3048] {strides = array<i32>} : memref<50x32xf32, #tpu.memory_space<vmem>>, vector<1x16xf32>,
      %get3A_3050 = vector.shape_cast %get3A_3049 : vector<1x16xf32> to vector<16xf32>
      %mul3A_3051 = arith.mulf %get3A_3050, %broadcast_in_dim3A_2589 : vector<16xf32>
      %swap3A_3052 = arith.constant 19 : i32
      %swap3A_3053 = arith.index_cast %swap3A_3052 : i32 to index
      %swap3A_3054 = arith.constant 0 : index
      %swap3A_3055 = tpu.vector_load %arg6[%swap3A_3053, %swap3A_3054] {strides = array<i32>} : memref<50x32xf32, #tpu.memory_space<vmem>>, vector<1x16xf32>,
      %swap3A_3056 = vector.shape_cast %swap3A_3055 : vector<1x16xf32> to vector<16xf32>
      %swap3A_3057 = vector.shape_cast %mul3A_3051 : vector<16xf32> to vector<1x16xf32>
      tpu.vector_store %arg6[%swap3A_3053, %swap3A_3054], %swap3A_3057 {strides = array<i32>} : memref<50x32xf32, #tpu.memory_space<vmem>>, vector<1x16xf32>,
      %get3A_3058 = arith.constant 19 : i32
      %get3A_3059 = arith.index_cast %get3A_3058 : i32 to index
      %get3A_3060 = arith.constant 16 : index
      %get3A_3061 = tpu.vector_load %arg6[%get3A_3059, %get3A_3060] {strides = array<i32>} : memref<50x32xf32, #tpu.memory_space<vmem>>, vector<1x16xf32>,
      %get3A_3062 = vector.shape_cast %get3A_3061 : vector<1x16xf32> to vector<16xf32>
      %mul3A_3063 = arith.mulf %get3A_3062, %broadcast_in_dim3A_2589 : vector<16xf32>
      %swap3A_3064 = arith.constant 19 : i32
      %swap3A_3065 = arith.index_cast %swap3A_3064 : i32 to index
      %swap3A_3066 = arith.constant 16 : index
      %swap3A_3067 = tpu.vector_load %arg6[%swap3A_3065, %swap3A_3066] {strides = array<i32>} : memref<50x32xf32, #tpu.memory_space<vmem>>, vector<1x16xf32>,
      %swap3A_3068 = vector.shape_cast %swap3A_3067 : vector<1x16xf32> to vector<16xf32>
      %swap3A_3069 = vector.shape_cast %mul3A_3063 : vector<16xf32> to vector<1x16xf32>
      tpu.vector_store %arg6[%swap3A_3065, %swap3A_3066], %swap3A_3069 {strides = array<i32>} : memref<50x32xf32, #tpu.memory_space<vmem>>, vector<1x16xf32>,
      %get3A_3070 = arith.constant 20 : i32
      %get3A_3071 = arith.index_cast %get3A_3070 : i32 to index
      %get3A_3072 = arith.constant 0 : index
      %get3A_3073 = tpu.vector_load %arg6[%get3A_3071, %get3A_3072] {strides = array<i32>} : memref<50x32xf32, #tpu.memory_space<vmem>>, vector<1x16xf32>,
      %get3A_3074 = vector.shape_cast %get3A_3073 : vector<1x16xf32> to vector<16xf32>
      %mul3A_3075 = arith.mulf %get3A_3074, %broadcast_in_dim3A_2589 : vector<16xf32>
      %swap3A_3076 = arith.constant 20 : i32
      %swap3A_3077 = arith.index_cast %swap3A_3076 : i32 to index
      %swap3A_3078 = arith.constant 0 : index
      %swap3A_3079 = tpu.vector_load %arg6[%swap3A_3077, %swap3A_3078] {strides = array<i32>} : memref<50x32xf32, #tpu.memory_space<vmem>>, vector<1x16xf32>,
      %swap3A_3080 = vector.shape_cast %swap3A_3079 : vector<1x16xf32> to vector<16xf32>
      %swap3A_3081 = vector.shape_cast %mul3A_3075 : vector<16xf32> to vector<1x16xf32>
      tpu.vector_store %arg6[%swap3A_3077, %swap3A_3078], %swap3A_3081 {strides = array<i32>} : memref<50x32xf32, #tpu.memory_space<vmem>>, vector<1x16xf32>,
      %get3A_3082 = arith.constant 20 : i32
      %get3A_3083 = arith.index_cast %get3A_3082 : i32 to index
      %get3A_3084 = arith.constant 16 : index
      %get3A_3085 = tpu.vector_load %arg6[%get3A_3083, %get3A_3084] {strides = array<i32>} : memref<50x32xf32, #tpu.memory_space<vmem>>, vector<1x16xf32>,
      %get3A_3086 = vector.shape_cast %get3A_3085 : vector<1x16xf32> to vector<16xf32>
      %mul3A_3087 = arith.mulf %get3A_3086, %broadcast_in_dim3A_2589 : vector<16xf32>
      %swap3A_3088 = arith.constant 20 : i32
      %swap3A_3089 = arith.index_cast %swap3A_3088 : i32 to index
      %swap3A_3090 = arith.constant 16 : index
      %swap3A_3091 = tpu.vector_load %arg6[%swap3A_3089, %swap3A_3090] {strides = array<i32>} : memref<50x32xf32, #tpu.memory_space<vmem>>, vector<1x16xf32>,
      %swap3A_3092 = vector.shape_cast %swap3A_3091 : vector<1x16xf32> to vector<16xf32>
      %swap3A_3093 = vector.shape_cast %mul3A_3087 : vector<16xf32> to vector<1x16xf32>
      tpu.vector_store %arg6[%swap3A_3089, %swap3A_3090], %swap3A_3093 {strides = array<i32>} : memref<50x32xf32, #tpu.memory_space<vmem>>, vector<1x16xf32>,
      %get3A_3094 = arith.constant 21 : i32
      %get3A_3095 = arith.index_cast %get3A_3094 : i32 to index
      %get3A_3096 = arith.constant 0 : index
      %get3A_3097 = tpu.vector_load %arg6[%get3A_3095, %get3A_3096] {strides = array<i32>} : memref<50x32xf32, #tpu.memory_space<vmem>>, vector<1x16xf32>,
      %get3A_3098 = vector.shape_cast %get3A_3097 : vector<1x16xf32> to vector<16xf32>
      %mul3A_3099 = arith.mulf %get3A_3098, %broadcast_in_dim3A_2589 : vector<16xf32>
      %swap3A_3100 = arith.constant 21 : i32
      %swap3A_3101 = arith.index_cast %swap3A_3100 : i32 to index
      %swap3A_3102 = arith.constant 0 : index
      %swap3A_3103 = tpu.vector_load %arg6[%swap3A_3101, %swap3A_3102] {strides = array<i32>} : memref<50x32xf32, #tpu.memory_space<vmem>>, vector<1x16xf32>,
      %swap3A_3104 = vector.shape_cast %swap3A_3103 : vector<1x16xf32> to vector<16xf32>
      %swap3A_3105 = vector.shape_cast %mul3A_3099 : vector<16xf32> to vector<1x16xf32>
      tpu.vector_store %arg6[%swap3A_3101, %swap3A_3102], %swap3A_3105 {strides = array<i32>} : memref<50x32xf32, #tpu.memory_space<vmem>>, vector<1x16xf32>,
      %get3A_3106 = arith.constant 21 : i32
      %get3A_3107 = arith.index_cast %get3A_3106 : i32 to index
      %get3A_3108 = arith.constant 16 : index
      %get3A_3109 = tpu.vector_load %arg6[%get3A_3107, %get3A_3108] {strides = array<i32>} : memref<50x32xf32, #tpu.memory_space<vmem>>, vector<1x16xf32>,
      %get3A_3110 = vector.shape_cast %get3A_3109 : vector<1x16xf32> to vector<16xf32>
      %mul3A_3111 = arith.mulf %get3A_3110, %broadcast_in_dim3A_2589 : vector<16xf32>
      %swap3A_3112 = arith.constant 21 : i32
      %swap3A_3113 = arith.index_cast %swap3A_3112 : i32 to index
      %swap3A_3114 = arith.constant 16 : index
      %swap3A_3115 = tpu.vector_load %arg6[%swap3A_3113, %swap3A_3114] {strides = array<i32>} : memref<50x32xf32, #tpu.memory_space<vmem>>, vector<1x16xf32>,
      %swap3A_3116 = vector.shape_cast %swap3A_3115 : vector<1x16xf32> to vector<16xf32>
      %swap3A_3117 = vector.shape_cast %mul3A_3111 : vector<16xf32> to vector<1x16xf32>
      tpu.vector_store %arg6[%swap3A_3113, %swap3A_3114], %swap3A_3117 {strides = array<i32>} : memref<50x32xf32, #tpu.memory_space<vmem>>, vector<1x16xf32>,
      %get3A_3118 = arith.constant 22 : i32
      %get3A_3119 = arith.index_cast %get3A_3118 : i32 to index
      %get3A_3120 = arith.constant 0 : index
      %get3A_3121 = tpu.vector_load %arg6[%get3A_3119, %get3A_3120] {strides = array<i32>} : memref<50x32xf32, #tpu.memory_space<vmem>>, vector<1x16xf32>,
      %get3A_3122 = vector.shape_cast %get3A_3121 : vector<1x16xf32> to vector<16xf32>
      %mul3A_3123 = arith.mulf %get3A_3122, %broadcast_in_dim3A_2589 : vector<16xf32>
      %swap3A_3124 = arith.constant 22 : i32
      %swap3A_3125 = arith.index_cast %swap3A_3124 : i32 to index
      %swap3A_3126 = arith.constant 0 : index
      %swap3A_3127 = tpu.vector_load %arg6[%swap3A_3125, %swap3A_3126] {strides = array<i32>} : memref<50x32xf32, #tpu.memory_space<vmem>>, vector<1x16xf32>,
      %swap3A_3128 = vector.shape_cast %swap3A_3127 : vector<1x16xf32> to vector<16xf32>
      %swap3A_3129 = vector.shape_cast %mul3A_3123 : vector<16xf32> to vector<1x16xf32>
      tpu.vector_store %arg6[%swap3A_3125, %swap3A_3126], %swap3A_3129 {strides = array<i32>} : memref<50x32xf32, #tpu.memory_space<vmem>>, vector<1x16xf32>,
      %get3A_3130 = arith.constant 22 : i32
      %get3A_3131 = arith.index_cast %get3A_3130 : i32 to index
      %get3A_3132 = arith.constant 16 : index
      %get3A_3133 = tpu.vector_load %arg6[%get3A_3131, %get3A_3132] {strides = array<i32>} : memref<50x32xf32, #tpu.memory_space<vmem>>, vector<1x16xf32>,
      %get3A_3134 = vector.shape_cast %get3A_3133 : vector<1x16xf32> to vector<16xf32>
      %mul3A_3135 = arith.mulf %get3A_3134, %broadcast_in_dim3A_2589 : vector<16xf32>
      %swap3A_3136 = arith.constant 22 : i32
      %swap3A_3137 = arith.index_cast %swap3A_3136 : i32 to index
      %swap3A_3138 = arith.constant 16 : index
      %swap3A_3139 = tpu.vector_load %arg6[%swap3A_3137, %swap3A_3138] {strides = array<i32>} : memref<50x32xf32, #tpu.memory_space<vmem>>, vector<1x16xf32>,
      %swap3A_3140 = vector.shape_cast %swap3A_3139 : vector<1x16xf32> to vector<16xf32>
      %swap3A_3141 = vector.shape_cast %mul3A_3135 : vector<16xf32> to vector<1x16xf32>
      tpu.vector_store %arg6[%swap3A_3137, %swap3A_3138], %swap3A_3141 {strides = array<i32>} : memref<50x32xf32, #tpu.memory_space<vmem>>, vector<1x16xf32>,
      %get3A_3142 = arith.constant 23 : i32
      %get3A_3143 = arith.index_cast %get3A_3142 : i32 to index
      %get3A_3144 = arith.constant 0 : index
      %get3A_3145 = tpu.vector_load %arg6[%get3A_3143, %get3A_3144] {strides = array<i32>} : memref<50x32xf32, #tpu.memory_space<vmem>>, vector<1x16xf32>,
      %get3A_3146 = vector.shape_cast %get3A_3145 : vector<1x16xf32> to vector<16xf32>
      %mul3A_3147 = arith.mulf %get3A_3146, %broadcast_in_dim3A_2589 : vector<16xf32>
      %swap3A_3148 = arith.constant 23 : i32
      %swap3A_3149 = arith.index_cast %swap3A_3148 : i32 to index
      %swap3A_3150 = arith.constant 0 : index
      %swap3A_3151 = tpu.vector_load %arg6[%swap3A_3149, %swap3A_3150] {strides = array<i32>} : memref<50x32xf32, #tpu.memory_space<vmem>>, vector<1x16xf32>,
      %swap3A_3152 = vector.shape_cast %swap3A_3151 : vector<1x16xf32> to vector<16xf32>
      %swap3A_3153 = vector.shape_cast %mul3A_3147 : vector<16xf32> to vector<1x16xf32>
      tpu.vector_store %arg6[%swap3A_3149, %swap3A_3150], %swap3A_3153 {strides = array<i32>} : memref<50x32xf32, #tpu.memory_space<vmem>>, vector<1x16xf32>,
      %get3A_3154 = arith.constant 23 : i32
      %get3A_3155 = arith.index_cast %get3A_3154 : i32 to index
      %get3A_3156 = arith.constant 16 : index
      %get3A_3157 = tpu.vector_load %arg6[%get3A_3155, %get3A_3156] {strides = array<i32>} : memref<50x32xf32, #tpu.memory_space<vmem>>, vector<1x16xf32>,
      %get3A_3158 = vector.shape_cast %get3A_3157 : vector<1x16xf32> to vector<16xf32>
      %mul3A_3159 = arith.mulf %get3A_3158, %broadcast_in_dim3A_2589 : vector<16xf32>
      %swap3A_3160 = arith.constant 23 : i32
      %swap3A_3161 = arith.index_cast %swap3A_3160 : i32 to index
      %swap3A_3162 = arith.constant 16 : index
      %swap3A_3163 = tpu.vector_load %arg6[%swap3A_3161, %swap3A_3162] {strides = array<i32>} : memref<50x32xf32, #tpu.memory_space<vmem>>, vector<1x16xf32>,
      %swap3A_3164 = vector.shape_cast %swap3A_3163 : vector<1x16xf32> to vector<16xf32>
      %swap3A_3165 = vector.shape_cast %mul3A_3159 : vector<16xf32> to vector<1x16xf32>
      tpu.vector_store %arg6[%swap3A_3161, %swap3A_3162], %swap3A_3165 {strides = array<i32>} : memref<50x32xf32, #tpu.memory_space<vmem>>, vector<1x16xf32>,
      %get3A_3166 = arith.constant 24 : i32
      %get3A_3167 = arith.index_cast %get3A_3166 : i32 to index
      %get3A_3168 = arith.constant 0 : index
      %get3A_3169 = tpu.vector_load %arg6[%get3A_3167, %get3A_3168] {strides = array<i32>} : memref<50x32xf32, #tpu.memory_space<vmem>>, vector<1x16xf32>,
      %get3A_3170 = vector.shape_cast %get3A_3169 : vector<1x16xf32> to vector<16xf32>
      %mul3A_3171 = arith.mulf %get3A_3170, %broadcast_in_dim3A_2589 : vector<16xf32>
      %swap3A_3172 = arith.constant 24 : i32
      %swap3A_3173 = arith.index_cast %swap3A_3172 : i32 to index
      %swap3A_3174 = arith.constant 0 : index
      %swap3A_3175 = tpu.vector_load %arg6[%swap3A_3173, %swap3A_3174] {strides = array<i32>} : memref<50x32xf32, #tpu.memory_space<vmem>>, vector<1x16xf32>,
      %swap3A_3176 = vector.shape_cast %swap3A_3175 : vector<1x16xf32> to vector<16xf32>
      %swap3A_3177 = vector.shape_cast %mul3A_3171 : vector<16xf32> to vector<1x16xf32>
      tpu.vector_store %arg6[%swap3A_3173, %swap3A_3174], %swap3A_3177 {strides = array<i32>} : memref<50x32xf32, #tpu.memory_space<vmem>>, vector<1x16xf32>,
      %get3A_3178 = arith.constant 24 : i32
      %get3A_3179 = arith.index_cast %get3A_3178 : i32 to index
      %get3A_3180 = arith.constant 16 : index
      %get3A_3181 = tpu.vector_load %arg6[%get3A_3179, %get3A_3180] {strides = array<i32>} : memref<50x32xf32, #tpu.memory_space<vmem>>, vector<1x16xf32>,
      %get3A_3182 = vector.shape_cast %get3A_3181 : vector<1x16xf32> to vector<16xf32>
      %mul3A_3183 = arith.mulf %get3A_3182, %broadcast_in_dim3A_2589 : vector<16xf32>
      %swap3A_3184 = arith.constant 24 : i32
      %swap3A_3185 = arith.index_cast %swap3A_3184 : i32 to index
      %swap3A_3186 = arith.constant 16 : index
      %swap3A_3187 = tpu.vector_load %arg6[%swap3A_3185, %swap3A_3186] {strides = array<i32>} : memref<50x32xf32, #tpu.memory_space<vmem>>, vector<1x16xf32>,
      %swap3A_3188 = vector.shape_cast %swap3A_3187 : vector<1x16xf32> to vector<16xf32>
      %swap3A_3189 = vector.shape_cast %mul3A_3183 : vector<16xf32> to vector<1x16xf32>
      tpu.vector_store %arg6[%swap3A_3185, %swap3A_3186], %swap3A_3189 {strides = array<i32>} : memref<50x32xf32, #tpu.memory_space<vmem>>, vector<1x16xf32>,
      %get3A_3190 = arith.constant 25 : i32
      %get3A_3191 = arith.index_cast %get3A_3190 : i32 to index
      %get3A_3192 = arith.constant 0 : index
      %get3A_3193 = tpu.vector_load %arg6[%get3A_3191, %get3A_3192] {strides = array<i32>} : memref<50x32xf32, #tpu.memory_space<vmem>>, vector<1x16xf32>,
      %get3A_3194 = vector.shape_cast %get3A_3193 : vector<1x16xf32> to vector<16xf32>
      %mul3A_3195 = arith.mulf %get3A_3194, %broadcast_in_dim3A_2589 : vector<16xf32>
      %swap3A_3196 = arith.constant 25 : i32
      %swap3A_3197 = arith.index_cast %swap3A_3196 : i32 to index
      %swap3A_3198 = arith.constant 0 : index
      %swap3A_3199 = tpu.vector_load %arg6[%swap3A_3197, %swap3A_3198] {strides = array<i32>} : memref<50x32xf32, #tpu.memory_space<vmem>>, vector<1x16xf32>,
      %swap3A_3200 = vector.shape_cast %swap3A_3199 : vector<1x16xf32> to vector<16xf32>
      %swap3A_3201 = vector.shape_cast %mul3A_3195 : vector<16xf32> to vector<1x16xf32>
      tpu.vector_store %arg6[%swap3A_3197, %swap3A_3198], %swap3A_3201 {strides = array<i32>} : memref<50x32xf32, #tpu.memory_space<vmem>>, vector<1x16xf32>,
      %get3A_3202 = arith.constant 25 : i32
      %get3A_3203 = arith.index_cast %get3A_3202 : i32 to index
      %get3A_3204 = arith.constant 16 : index
      %get3A_3205 = tpu.vector_load %arg6[%get3A_3203, %get3A_3204] {strides = array<i32>} : memref<50x32xf32, #tpu.memory_space<vmem>>, vector<1x16xf32>,
      %get3A_3206 = vector.shape_cast %get3A_3205 : vector<1x16xf32> to vector<16xf32>
      %mul3A_3207 = arith.mulf %get3A_3206, %broadcast_in_dim3A_2589 : vector<16xf32>
      %swap3A_3208 = arith.constant 25 : i32
      %swap3A_3209 = arith.index_cast %swap3A_3208 : i32 to index
      %swap3A_3210 = arith.constant 16 : index
      %swap3A_3211 = tpu.vector_load %arg6[%swap3A_3209, %swap3A_3210] {strides = array<i32>} : memref<50x32xf32, #tpu.memory_space<vmem>>, vector<1x16xf32>,
      %swap3A_3212 = vector.shape_cast %swap3A_3211 : vector<1x16xf32> to vector<16xf32>
      %swap3A_3213 = vector.shape_cast %mul3A_3207 : vector<16xf32> to vector<1x16xf32>
      tpu.vector_store %arg6[%swap3A_3209, %swap3A_3210], %swap3A_3213 {strides = array<i32>} : memref<50x32xf32, #tpu.memory_space<vmem>>, vector<1x16xf32>,
      %get3A_3214 = arith.constant 26 : i32
      %get3A_3215 = arith.index_cast %get3A_3214 : i32 to index
      %get3A_3216 = arith.constant 0 : index
      %get3A_3217 = tpu.vector_load %arg6[%get3A_3215, %get3A_3216] {strides = array<i32>} : memref<50x32xf32, #tpu.memory_space<vmem>>, vector<1x16xf32>,
      %get3A_3218 = vector.shape_cast %get3A_3217 : vector<1x16xf32> to vector<16xf32>
      %mul3A_3219 = arith.mulf %get3A_3218, %broadcast_in_dim3A_2589 : vector<16xf32>
      %swap3A_3220 = arith.constant 26 : i32
      %swap3A_3221 = arith.index_cast %swap3A_3220 : i32 to index
      %swap3A_3222 = arith.constant 0 : index
      %swap3A_3223 = tpu.vector_load %arg6[%swap3A_3221, %swap3A_3222] {strides = array<i32>} : memref<50x32xf32, #tpu.memory_space<vmem>>, vector<1x16xf32>,
      %swap3A_3224 = vector.shape_cast %swap3A_3223 : vector<1x16xf32> to vector<16xf32>
      %swap3A_3225 = vector.shape_cast %mul3A_3219 : vector<16xf32> to vector<1x16xf32>
      tpu.vector_store %arg6[%swap3A_3221, %swap3A_3222], %swap3A_3225 {strides = array<i32>} : memref<50x32xf32, #tpu.memory_space<vmem>>, vector<1x16xf32>,
      %get3A_3226 = arith.constant 26 : i32
      %get3A_3227 = arith.index_cast %get3A_3226 : i32 to index
      %get3A_3228 = arith.constant 16 : index
      %get3A_3229 = tpu.vector_load %arg6[%get3A_3227, %get3A_3228] {strides = array<i32>} : memref<50x32xf32, #tpu.memory_space<vmem>>, vector<1x16xf32>,
      %get3A_3230 = vector.shape_cast %get3A_3229 : vector<1x16xf32> to vector<16xf32>
      %mul3A_3231 = arith.mulf %get3A_3230, %broadcast_in_dim3A_2589 : vector<16xf32>
      %swap3A_3232 = arith.constant 26 : i32
      %swap3A_3233 = arith.index_cast %swap3A_3232 : i32 to index
      %swap3A_3234 = arith.constant 16 : index
      %swap3A_3235 = tpu.vector_load %arg6[%swap3A_3233, %swap3A_3234] {strides = array<i32>} : memref<50x32xf32, #tpu.memory_space<vmem>>, vector<1x16xf32>,
      %swap3A_3236 = vector.shape_cast %swap3A_3235 : vector<1x16xf32> to vector<16xf32>
      %swap3A_3237 = vector.shape_cast %mul3A_3231 : vector<16xf32> to vector<1x16xf32>
      tpu.vector_store %arg6[%swap3A_3233, %swap3A_3234], %swap3A_3237 {strides = array<i32>} : memref<50x32xf32, #tpu.memory_space<vmem>>, vector<1x16xf32>,
      %get3A_3238 = arith.constant 27 : i32
      %get3A_3239 = arith.index_cast %get3A_3238 : i32 to index
      %get3A_3240 = arith.constant 0 : index
      %get3A_3241 = tpu.vector_load %arg6[%get3A_3239, %get3A_3240] {strides = array<i32>} : memref<50x32xf32, #tpu.memory_space<vmem>>, vector<1x16xf32>,
      %get3A_3242 = vector.shape_cast %get3A_3241 : vector<1x16xf32> to vector<16xf32>
      %mul3A_3243 = arith.mulf %get3A_3242, %broadcast_in_dim3A_2589 : vector<16xf32>
      %swap3A_3244 = arith.constant 27 : i32
      %swap3A_3245 = arith.index_cast %swap3A_3244 : i32 to index
      %swap3A_3246 = arith.constant 0 : index
      %swap3A_3247 = tpu.vector_load %arg6[%swap3A_3245, %swap3A_3246] {strides = array<i32>} : memref<50x32xf32, #tpu.memory_space<vmem>>, vector<1x16xf32>,
      %swap3A_3248 = vector.shape_cast %swap3A_3247 : vector<1x16xf32> to vector<16xf32>
      %swap3A_3249 = vector.shape_cast %mul3A_3243 : vector<16xf32> to vector<1x16xf32>
      tpu.vector_store %arg6[%swap3A_3245, %swap3A_3246], %swap3A_3249 {strides = array<i32>} : memref<50x32xf32, #tpu.memory_space<vmem>>, vector<1x16xf32>,
      %get3A_3250 = arith.constant 27 : i32
      %get3A_3251 = arith.index_cast %get3A_3250 : i32 to index
      %get3A_3252 = arith.constant 16 : index
      %get3A_3253 = tpu.vector_load %arg6[%get3A_3251, %get3A_3252] {strides = array<i32>} : memref<50x32xf32, #tpu.memory_space<vmem>>, vector<1x16xf32>,
      %get3A_3254 = vector.shape_cast %get3A_3253 : vector<1x16xf32> to vector<16xf32>
      %mul3A_3255 = arith.mulf %get3A_3254, %broadcast_in_dim3A_2589 : vector<16xf32>
      %swap3A_3256 = arith.constant 27 : i32
      %swap3A_3257 = arith.index_cast %swap3A_3256 : i32 to index
      %swap3A_3258 = arith.constant 16 : index
      %swap3A_3259 = tpu.vector_load %arg6[%swap3A_3257, %swap3A_3258] {strides = array<i32>} : memref<50x32xf32, #tpu.memory_space<vmem>>, vector<1x16xf32>,
      %swap3A_3260 = vector.shape_cast %swap3A_3259 : vector<1x16xf32> to vector<16xf32>
      %swap3A_3261 = vector.shape_cast %mul3A_3255 : vector<16xf32> to vector<1x16xf32>
      tpu.vector_store %arg6[%swap3A_3257, %swap3A_3258], %swap3A_3261 {strides = array<i32>} : memref<50x32xf32, #tpu.memory_space<vmem>>, vector<1x16xf32>,
      %get3A_3262 = arith.constant 28 : i32
      %get3A_3263 = arith.index_cast %get3A_3262 : i32 to index
      %get3A_3264 = arith.constant 0 : index
      %get3A_3265 = tpu.vector_load %arg6[%get3A_3263, %get3A_3264] {strides = array<i32>} : memref<50x32xf32, #tpu.memory_space<vmem>>, vector<1x16xf32>,
      %get3A_3266 = vector.shape_cast %get3A_3265 : vector<1x16xf32> to vector<16xf32>
      %mul3A_3267 = arith.mulf %get3A_3266, %broadcast_in_dim3A_2589 : vector<16xf32>
      %swap3A_3268 = arith.constant 28 : i32
      %swap3A_3269 = arith.index_cast %swap3A_3268 : i32 to index
      %swap3A_3270 = arith.constant 0 : index
      %swap3A_3271 = tpu.vector_load %arg6[%swap3A_3269, %swap3A_3270] {strides = array<i32>} : memref<50x32xf32, #tpu.memory_space<vmem>>, vector<1x16xf32>,
      %swap3A_3272 = vector.shape_cast %swap3A_3271 : vector<1x16xf32> to vector<16xf32>
      %swap3A_3273 = vector.shape_cast %mul3A_3267 : vector<16xf32> to vector<1x16xf32>
      tpu.vector_store %arg6[%swap3A_3269, %swap3A_3270], %swap3A_3273 {strides = array<i32>} : memref<50x32xf32, #tpu.memory_space<vmem>>, vector<1x16xf32>,
      %get3A_3274 = arith.constant 28 : i32
      %get3A_3275 = arith.index_cast %get3A_3274 : i32 to index
      %get3A_3276 = arith.constant 16 : index
      %get3A_3277 = tpu.vector_load %arg6[%get3A_3275, %get3A_3276] {strides = array<i32>} : memref<50x32xf32, #tpu.memory_space<vmem>>, vector<1x16xf32>,
      %get3A_3278 = vector.shape_cast %get3A_3277 : vector<1x16xf32> to vector<16xf32>
      %mul3A_3279 = arith.mulf %get3A_3278, %broadcast_in_dim3A_2589 : vector<16xf32>
      %swap3A_3280 = arith.constant 28 : i32
      %swap3A_3281 = arith.index_cast %swap3A_3280 : i32 to index
      %swap3A_3282 = arith.constant 16 : index
      %swap3A_3283 = tpu.vector_load %arg6[%swap3A_3281, %swap3A_3282] {strides = array<i32>} : memref<50x32xf32, #tpu.memory_space<vmem>>, vector<1x16xf32>,
      %swap3A_3284 = vector.shape_cast %swap3A_3283 : vector<1x16xf32> to vector<16xf32>
      %swap3A_3285 = vector.shape_cast %mul3A_3279 : vector<16xf32> to vector<1x16xf32>
      tpu.vector_store %arg6[%swap3A_3281, %swap3A_3282], %swap3A_3285 {strides = array<i32>} : memref<50x32xf32, #tpu.memory_space<vmem>>, vector<1x16xf32>,
      %get3A_3286 = arith.constant 29 : i32
      %get3A_3287 = arith.index_cast %get3A_3286 : i32 to index
      %get3A_3288 = arith.constant 0 : index
      %get3A_3289 = tpu.vector_load %arg6[%get3A_3287, %get3A_3288] {strides = array<i32>} : memref<50x32xf32, #tpu.memory_space<vmem>>, vector<1x16xf32>,
      %get3A_3290 = vector.shape_cast %get3A_3289 : vector<1x16xf32> to vector<16xf32>
      %mul3A_3291 = arith.mulf %get3A_3290, %broadcast_in_dim3A_2589 : vector<16xf32>
      %swap3A_3292 = arith.constant 29 : i32
      %swap3A_3293 = arith.index_cast %swap3A_3292 : i32 to index
      %swap3A_3294 = arith.constant 0 : index
      %swap3A_3295 = tpu.vector_load %arg6[%swap3A_3293, %swap3A_3294] {strides = array<i32>} : memref<50x32xf32, #tpu.memory_space<vmem>>, vector<1x16xf32>,
      %swap3A_3296 = vector.shape_cast %swap3A_3295 : vector<1x16xf32> to vector<16xf32>
      %swap3A_3297 = vector.shape_cast %mul3A_3291 : vector<16xf32> to vector<1x16xf32>
      tpu.vector_store %arg6[%swap3A_3293, %swap3A_3294], %swap3A_3297 {strides = array<i32>} : memref<50x32xf32, #tpu.memory_space<vmem>>, vector<1x16xf32>,
      %get3A_3298 = arith.constant 29 : i32
      %get3A_3299 = arith.index_cast %get3A_3298 : i32 to index
      %get3A_3300 = arith.constant 16 : index
      %get3A_3301 = tpu.vector_load %arg6[%get3A_3299, %get3A_3300] {strides = array<i32>} : memref<50x32xf32, #tpu.memory_space<vmem>>, vector<1x16xf32>,
      %get3A_3302 = vector.shape_cast %get3A_3301 : vector<1x16xf32> to vector<16xf32>
      %mul3A_3303 = arith.mulf %get3A_3302, %broadcast_in_dim3A_2589 : vector<16xf32>
      %swap3A_3304 = arith.constant 29 : i32
      %swap3A_3305 = arith.index_cast %swap3A_3304 : i32 to index
      %swap3A_3306 = arith.constant 16 : index
      %swap3A_3307 = tpu.vector_load %arg6[%swap3A_3305, %swap3A_3306] {strides = array<i32>} : memref<50x32xf32, #tpu.memory_space<vmem>>, vector<1x16xf32>,
      %swap3A_3308 = vector.shape_cast %swap3A_3307 : vector<1x16xf32> to vector<16xf32>
      %swap3A_3309 = vector.shape_cast %mul3A_3303 : vector<16xf32> to vector<1x16xf32>
      tpu.vector_store %arg6[%swap3A_3305, %swap3A_3306], %swap3A_3309 {strides = array<i32>} : memref<50x32xf32, #tpu.memory_space<vmem>>, vector<1x16xf32>,
      %get3A_3310 = arith.constant 30 : i32
      %get3A_3311 = arith.index_cast %get3A_3310 : i32 to index
      %get3A_3312 = arith.constant 0 : index
      %get3A_3313 = tpu.vector_load %arg6[%get3A_3311, %get3A_3312] {strides = array<i32>} : memref<50x32xf32, #tpu.memory_space<vmem>>, vector<1x16xf32>,
      %get3A_3314 = vector.shape_cast %get3A_3313 : vector<1x16xf32> to vector<16xf32>
      %mul3A_3315 = arith.mulf %get3A_3314, %broadcast_in_dim3A_2589 : vector<16xf32>
      %swap3A_3316 = arith.constant 30 : i32
      %swap3A_3317 = arith.index_cast %swap3A_3316 : i32 to index
      %swap3A_3318 = arith.constant 0 : index
      %swap3A_3319 = tpu.vector_load %arg6[%swap3A_3317, %swap3A_3318] {strides = array<i32>} : memref<50x32xf32, #tpu.memory_space<vmem>>, vector<1x16xf32>,
      %swap3A_3320 = vector.shape_cast %swap3A_3319 : vector<1x16xf32> to vector<16xf32>
      %swap3A_3321 = vector.shape_cast %mul3A_3315 : vector<16xf32> to vector<1x16xf32>
      tpu.vector_store %arg6[%swap3A_3317, %swap3A_3318], %swap3A_3321 {strides = array<i32>} : memref<50x32xf32, #tpu.memory_space<vmem>>, vector<1x16xf32>,
      %get3A_3322 = arith.constant 30 : i32
      %get3A_3323 = arith.index_cast %get3A_3322 : i32 to index
      %get3A_3324 = arith.constant 16 : index
      %get3A_3325 = tpu.vector_load %arg6[%get3A_3323, %get3A_3324] {strides = array<i32>} : memref<50x32xf32, #tpu.memory_space<vmem>>, vector<1x16xf32>,
      %get3A_3326 = vector.shape_cast %get3A_3325 : vector<1x16xf32> to vector<16xf32>
      %mul3A_3327 = arith.mulf %get3A_3326, %broadcast_in_dim3A_2589 : vector<16xf32>
      %swap3A_3328 = arith.constant 30 : i32
      %swap3A_3329 = arith.index_cast %swap3A_3328 : i32 to index
      %swap3A_3330 = arith.constant 16 : index
      %swap3A_3331 = tpu.vector_load %arg6[%swap3A_3329, %swap3A_3330] {strides = array<i32>} : memref<50x32xf32, #tpu.memory_space<vmem>>, vector<1x16xf32>,
      %swap3A_3332 = vector.shape_cast %swap3A_3331 : vector<1x16xf32> to vector<16xf32>
      %swap3A_3333 = vector.shape_cast %mul3A_3327 : vector<16xf32> to vector<1x16xf32>
      tpu.vector_store %arg6[%swap3A_3329, %swap3A_3330], %swap3A_3333 {strides = array<i32>} : memref<50x32xf32, #tpu.memory_space<vmem>>, vector<1x16xf32>,
      %get3A_3334 = arith.constant 31 : i32
      %get3A_3335 = arith.index_cast %get3A_3334 : i32 to index
      %get3A_3336 = arith.constant 0 : index
      %get3A_3337 = tpu.vector_load %arg6[%get3A_3335, %get3A_3336] {strides = array<i32>} : memref<50x32xf32, #tpu.memory_space<vmem>>, vector<1x16xf32>,
      %get3A_3338 = vector.shape_cast %get3A_3337 : vector<1x16xf32> to vector<16xf32>
      %mul3A_3339 = arith.mulf %get3A_3338, %broadcast_in_dim3A_2589 : vector<16xf32>
      %swap3A_3340 = arith.constant 31 : i32
      %swap3A_3341 = arith.index_cast %swap3A_3340 : i32 to index
      %swap3A_3342 = arith.constant 0 : index
      %swap3A_3343 = tpu.vector_load %arg6[%swap3A_3341, %swap3A_3342] {strides = array<i32>} : memref<50x32xf32, #tpu.memory_space<vmem>>, vector<1x16xf32>,
      %swap3A_3344 = vector.shape_cast %swap3A_3343 : vector<1x16xf32> to vector<16xf32>
      %swap3A_3345 = vector.shape_cast %mul3A_3339 : vector<16xf32> to vector<1x16xf32>
      tpu.vector_store %arg6[%swap3A_3341, %swap3A_3342], %swap3A_3345 {strides = array<i32>} : memref<50x32xf32, #tpu.memory_space<vmem>>, vector<1x16xf32>,
      %get3A_3346 = arith.constant 31 : i32
      %get3A_3347 = arith.index_cast %get3A_3346 : i32 to index
      %get3A_3348 = arith.constant 16 : index
      %get3A_3349 = tpu.vector_load %arg6[%get3A_3347, %get3A_3348] {strides = array<i32>} : memref<50x32xf32, #tpu.memory_space<vmem>>, vector<1x16xf32>,
      %get3A_3350 = vector.shape_cast %get3A_3349 : vector<1x16xf32> to vector<16xf32>
      %mul3A_3351 = arith.mulf %get3A_3350, %broadcast_in_dim3A_2589 : vector<16xf32>
      %swap3A_3352 = arith.constant 31 : i32
      %swap3A_3353 = arith.index_cast %swap3A_3352 : i32 to index
      %swap3A_3354 = arith.constant 16 : index
      %swap3A_3355 = tpu.vector_load %arg6[%swap3A_3353, %swap3A_3354] {strides = array<i32>} : memref<50x32xf32, #tpu.memory_space<vmem>>, vector<1x16xf32>,
      %swap3A_3356 = vector.shape_cast %swap3A_3355 : vector<1x16xf32> to vector<16xf32>
      %swap3A_3357 = vector.shape_cast %mul3A_3351 : vector<16xf32> to vector<1x16xf32>
      tpu.vector_store %arg6[%swap3A_3353, %swap3A_3354], %swap3A_3357 {strides = array<i32>} : memref<50x32xf32, #tpu.memory_space<vmem>>, vector<1x16xf32>,
      %get3A_3358 = arith.constant 32 : i32
      %get3A_3359 = arith.index_cast %get3A_3358 : i32 to index
      %get3A_3360 = arith.constant 0 : index
      %get3A_3361 = tpu.vector_load %arg6[%get3A_3359, %get3A_3360] {strides = array<i32>} : memref<50x32xf32, #tpu.memory_space<vmem>>, vector<1x16xf32>,
      %get3A_3362 = vector.shape_cast %get3A_3361 : vector<1x16xf32> to vector<16xf32>
      %mul3A_3363 = arith.mulf %get3A_3362, %broadcast_in_dim3A_2589 : vector<16xf32>
      %swap3A_3364 = arith.constant 32 : i32
      %swap3A_3365 = arith.index_cast %swap3A_3364 : i32 to index
      %swap3A_3366 = arith.constant 0 : index
      %swap3A_3367 = tpu.vector_load %arg6[%swap3A_3365, %swap3A_3366] {strides = array<i32>} : memref<50x32xf32, #tpu.memory_space<vmem>>, vector<1x16xf32>,
      %swap3A_3368 = vector.shape_cast %swap3A_3367 : vector<1x16xf32> to vector<16xf32>
      %swap3A_3369 = vector.shape_cast %mul3A_3363 : vector<16xf32> to vector<1x16xf32>
      tpu.vector_store %arg6[%swap3A_3365, %swap3A_3366], %swap3A_3369 {strides = array<i32>} : memref<50x32xf32, #tpu.memory_space<vmem>>, vector<1x16xf32>,
      %get3A_3370 = arith.constant 32 : i32
      %get3A_3371 = arith.index_cast %get3A_3370 : i32 to index
      %get3A_3372 = arith.constant 16 : index
      %get3A_3373 = tpu.vector_load %arg6[%get3A_3371, %get3A_3372] {strides = array<i32>} : memref<50x32xf32, #tpu.memory_space<vmem>>, vector<1x16xf32>,
      %get3A_3374 = vector.shape_cast %get3A_3373 : vector<1x16xf32> to vector<16xf32>
      %mul3A_3375 = arith.mulf %get3A_3374, %broadcast_in_dim3A_2589 : vector<16xf32>
      %swap3A_3376 = arith.constant 32 : i32
      %swap3A_3377 = arith.index_cast %swap3A_3376 : i32 to index
      %swap3A_3378 = arith.constant 16 : index
      %swap3A_3379 = tpu.vector_load %arg6[%swap3A_3377, %swap3A_3378] {strides = array<i32>} : memref<50x32xf32, #tpu.memory_space<vmem>>, vector<1x16xf32>,
      %swap3A_3380 = vector.shape_cast %swap3A_3379 : vector<1x16xf32> to vector<16xf32>
      %swap3A_3381 = vector.shape_cast %mul3A_3375 : vector<16xf32> to vector<1x16xf32>
      tpu.vector_store %arg6[%swap3A_3377, %swap3A_3378], %swap3A_3381 {strides = array<i32>} : memref<50x32xf32, #tpu.memory_space<vmem>>, vector<1x16xf32>,
      %get3A_3382 = arith.constant 33 : i32
      %get3A_3383 = arith.index_cast %get3A_3382 : i32 to index
      %get3A_3384 = arith.constant 0 : index
      %get3A_3385 = tpu.vector_load %arg6[%get3A_3383, %get3A_3384] {strides = array<i32>} : memref<50x32xf32, #tpu.memory_space<vmem>>, vector<1x16xf32>,
      %get3A_3386 = vector.shape_cast %get3A_3385 : vector<1x16xf32> to vector<16xf32>
      %mul3A_3387 = arith.mulf %get3A_3386, %broadcast_in_dim3A_2589 : vector<16xf32>
      %swap3A_3388 = arith.constant 33 : i32
      %swap3A_3389 = arith.index_cast %swap3A_3388 : i32 to index
      %swap3A_3390 = arith.constant 0 : index
      %swap3A_3391 = tpu.vector_load %arg6[%swap3A_3389, %swap3A_3390] {strides = array<i32>} : memref<50x32xf32, #tpu.memory_space<vmem>>, vector<1x16xf32>,
      %swap3A_3392 = vector.shape_cast %swap3A_3391 : vector<1x16xf32> to vector<16xf32>
      %swap3A_3393 = vector.shape_cast %mul3A_3387 : vector<16xf32> to vector<1x16xf32>
      tpu.vector_store %arg6[%swap3A_3389, %swap3A_3390], %swap3A_3393 {strides = array<i32>} : memref<50x32xf32, #tpu.memory_space<vmem>>, vector<1x16xf32>,
      %get3A_3394 = arith.constant 33 : i32
      %get3A_3395 = arith.index_cast %get3A_3394 : i32 to index
      %get3A_3396 = arith.constant 16 : index
      %get3A_3397 = tpu.vector_load %arg6[%get3A_3395, %get3A_3396] {strides = array<i32>} : memref<50x32xf32, #tpu.memory_space<vmem>>, vector<1x16xf32>,
      %get3A_3398 = vector.shape_cast %get3A_3397 : vector<1x16xf32> to vector<16xf32>
      %mul3A_3399 = arith.mulf %get3A_3398, %broadcast_in_dim3A_2589 : vector<16xf32>
      %swap3A_3400 = arith.constant 33 : i32
      %swap3A_3401 = arith.index_cast %swap3A_3400 : i32 to index
      %swap3A_3402 = arith.constant 16 : index
      %swap3A_3403 = tpu.vector_load %arg6[%swap3A_3401, %swap3A_3402] {strides = array<i32>} : memref<50x32xf32, #tpu.memory_space<vmem>>, vector<1x16xf32>,
      %swap3A_3404 = vector.shape_cast %swap3A_3403 : vector<1x16xf32> to vector<16xf32>
      %swap3A_3405 = vector.shape_cast %mul3A_3399 : vector<16xf32> to vector<1x16xf32>
      tpu.vector_store %arg6[%swap3A_3401, %swap3A_3402], %swap3A_3405 {strides = array<i32>} : memref<50x32xf32, #tpu.memory_space<vmem>>, vector<1x16xf32>,
      %get3A_3406 = arith.constant 34 : i32
      %get3A_3407 = arith.index_cast %get3A_3406 : i32 to index
      %get3A_3408 = arith.constant 0 : index
      %get3A_3409 = tpu.vector_load %arg6[%get3A_3407, %get3A_3408] {strides = array<i32>} : memref<50x32xf32, #tpu.memory_space<vmem>>, vector<1x16xf32>,
      %get3A_3410 = vector.shape_cast %get3A_3409 : vector<1x16xf32> to vector<16xf32>
      %mul3A_3411 = arith.mulf %get3A_3410, %broadcast_in_dim3A_2589 : vector<16xf32>
      %swap3A_3412 = arith.constant 34 : i32
      %swap3A_3413 = arith.index_cast %swap3A_3412 : i32 to index
      %swap3A_3414 = arith.constant 0 : index
      %swap3A_3415 = tpu.vector_load %arg6[%swap3A_3413, %swap3A_3414] {strides = array<i32>} : memref<50x32xf32, #tpu.memory_space<vmem>>, vector<1x16xf32>,
      %swap3A_3416 = vector.shape_cast %swap3A_3415 : vector<1x16xf32> to vector<16xf32>
      %swap3A_3417 = vector.shape_cast %mul3A_3411 : vector<16xf32> to vector<1x16xf32>
      tpu.vector_store %arg6[%swap3A_3413, %swap3A_3414], %swap3A_3417 {strides = array<i32>} : memref<50x32xf32, #tpu.memory_space<vmem>>, vector<1x16xf32>,
      %get3A_3418 = arith.constant 34 : i32
      %get3A_3419 = arith.index_cast %get3A_3418 : i32 to index
      %get3A_3420 = arith.constant 16 : index
      %get3A_3421 = tpu.vector_load %arg6[%get3A_3419, %get3A_3420] {strides = array<i32>} : memref<50x32xf32, #tpu.memory_space<vmem>>, vector<1x16xf32>,
      %get3A_3422 = vector.shape_cast %get3A_3421 : vector<1x16xf32> to vector<16xf32>
      %mul3A_3423 = arith.mulf %get3A_3422, %broadcast_in_dim3A_2589 : vector<16xf32>
      %swap3A_3424 = arith.constant 34 : i32
      %swap3A_3425 = arith.index_cast %swap3A_3424 : i32 to index
      %swap3A_3426 = arith.constant 16 : index
      %swap3A_3427 = tpu.vector_load %arg6[%swap3A_3425, %swap3A_3426] {strides = array<i32>} : memref<50x32xf32, #tpu.memory_space<vmem>>, vector<1x16xf32>,
      %swap3A_3428 = vector.shape_cast %swap3A_3427 : vector<1x16xf32> to vector<16xf32>
      %swap3A_3429 = vector.shape_cast %mul3A_3423 : vector<16xf32> to vector<1x16xf32>
      tpu.vector_store %arg6[%swap3A_3425, %swap3A_3426], %swap3A_3429 {strides = array<i32>} : memref<50x32xf32, #tpu.memory_space<vmem>>, vector<1x16xf32>,
      %get3A_3430 = arith.constant 35 : i32
      %get3A_3431 = arith.index_cast %get3A_3430 : i32 to index
      %get3A_3432 = arith.constant 0 : index
      %get3A_3433 = tpu.vector_load %arg6[%get3A_3431, %get3A_3432] {strides = array<i32>} : memref<50x32xf32, #tpu.memory_space<vmem>>, vector<1x16xf32>,
      %get3A_3434 = vector.shape_cast %get3A_3433 : vector<1x16xf32> to vector<16xf32>
      %mul3A_3435 = arith.mulf %get3A_3434, %broadcast_in_dim3A_2589 : vector<16xf32>
      %swap3A_3436 = arith.constant 35 : i32
      %swap3A_3437 = arith.index_cast %swap3A_3436 : i32 to index
      %swap3A_3438 = arith.constant 0 : index
      %swap3A_3439 = tpu.vector_load %arg6[%swap3A_3437, %swap3A_3438] {strides = array<i32>} : memref<50x32xf32, #tpu.memory_space<vmem>>, vector<1x16xf32>,
      %swap3A_3440 = vector.shape_cast %swap3A_3439 : vector<1x16xf32> to vector<16xf32>
      %swap3A_3441 = vector.shape_cast %mul3A_3435 : vector<16xf32> to vector<1x16xf32>
      tpu.vector_store %arg6[%swap3A_3437, %swap3A_3438], %swap3A_3441 {strides = array<i32>} : memref<50x32xf32, #tpu.memory_space<vmem>>, vector<1x16xf32>,
      %get3A_3442 = arith.constant 35 : i32
      %get3A_3443 = arith.index_cast %get3A_3442 : i32 to index
      %get3A_3444 = arith.constant 16 : index
      %get3A_3445 = tpu.vector_load %arg6[%get3A_3443, %get3A_3444] {strides = array<i32>} : memref<50x32xf32, #tpu.memory_space<vmem>>, vector<1x16xf32>,
      %get3A_3446 = vector.shape_cast %get3A_3445 : vector<1x16xf32> to vector<16xf32>
      %mul3A_3447 = arith.mulf %get3A_3446, %broadcast_in_dim3A_2589 : vector<16xf32>
      %swap3A_3448 = arith.constant 35 : i32
      %swap3A_3449 = arith.index_cast %swap3A_3448 : i32 to index
      %swap3A_3450 = arith.constant 16 : index
      %swap3A_3451 = tpu.vector_load %arg6[%swap3A_3449, %swap3A_3450] {strides = array<i32>} : memref<50x32xf32, #tpu.memory_space<vmem>>, vector<1x16xf32>,
      %swap3A_3452 = vector.shape_cast %swap3A_3451 : vector<1x16xf32> to vector<16xf32>
      %swap3A_3453 = vector.shape_cast %mul3A_3447 : vector<16xf32> to vector<1x16xf32>
      tpu.vector_store %arg6[%swap3A_3449, %swap3A_3450], %swap3A_3453 {strides = array<i32>} : memref<50x32xf32, #tpu.memory_space<vmem>>, vector<1x16xf32>,
      %get3A_3454 = arith.constant 36 : i32
      %get3A_3455 = arith.index_cast %get3A_3454 : i32 to index
      %get3A_3456 = arith.constant 0 : index
      %get3A_3457 = tpu.vector_load %arg6[%get3A_3455, %get3A_3456] {strides = array<i32>} : memref<50x32xf32, #tpu.memory_space<vmem>>, vector<1x16xf32>,
      %get3A_3458 = vector.shape_cast %get3A_3457 : vector<1x16xf32> to vector<16xf32>
      %mul3A_3459 = arith.mulf %get3A_3458, %broadcast_in_dim3A_2589 : vector<16xf32>
      %swap3A_3460 = arith.constant 36 : i32
      %swap3A_3461 = arith.index_cast %swap3A_3460 : i32 to index
      %swap3A_3462 = arith.constant 0 : index
      %swap3A_3463 = tpu.vector_load %arg6[%swap3A_3461, %swap3A_3462] {strides = array<i32>} : memref<50x32xf32, #tpu.memory_space<vmem>>, vector<1x16xf32>,
      %swap3A_3464 = vector.shape_cast %swap3A_3463 : vector<1x16xf32> to vector<16xf32>
      %swap3A_3465 = vector.shape_cast %mul3A_3459 : vector<16xf32> to vector<1x16xf32>
      tpu.vector_store %arg6[%swap3A_3461, %swap3A_3462], %swap3A_3465 {strides = array<i32>} : memref<50x32xf32, #tpu.memory_space<vmem>>, vector<1x16xf32>,
      %get3A_3466 = arith.constant 36 : i32
      %get3A_3467 = arith.index_cast %get3A_3466 : i32 to index
      %get3A_3468 = arith.constant 16 : index
      %get3A_3469 = tpu.vector_load %arg6[%get3A_3467, %get3A_3468] {strides = array<i32>} : memref<50x32xf32, #tpu.memory_space<vmem>>, vector<1x16xf32>,
      %get3A_3470 = vector.shape_cast %get3A_3469 : vector<1x16xf32> to vector<16xf32>
      %mul3A_3471 = arith.mulf %get3A_3470, %broadcast_in_dim3A_2589 : vector<16xf32>
      %swap3A_3472 = arith.constant 36 : i32
      %swap3A_3473 = arith.index_cast %swap3A_3472 : i32 to index
      %swap3A_3474 = arith.constant 16 : index
      %swap3A_3475 = tpu.vector_load %arg6[%swap3A_3473, %swap3A_3474] {strides = array<i32>} : memref<50x32xf32, #tpu.memory_space<vmem>>, vector<1x16xf32>,
      %swap3A_3476 = vector.shape_cast %swap3A_3475 : vector<1x16xf32> to vector<16xf32>
      %swap3A_3477 = vector.shape_cast %mul3A_3471 : vector<16xf32> to vector<1x16xf32>
      tpu.vector_store %arg6[%swap3A_3473, %swap3A_3474], %swap3A_3477 {strides = array<i32>} : memref<50x32xf32, #tpu.memory_space<vmem>>, vector<1x16xf32>,
      %get3A_3478 = arith.constant 37 : i32
      %get3A_3479 = arith.index_cast %get3A_3478 : i32 to index
      %get3A_3480 = arith.constant 0 : index
      %get3A_3481 = tpu.vector_load %arg6[%get3A_3479, %get3A_3480] {strides = array<i32>} : memref<50x32xf32, #tpu.memory_space<vmem>>, vector<1x16xf32>,
      %get3A_3482 = vector.shape_cast %get3A_3481 : vector<1x16xf32> to vector<16xf32>
      %mul3A_3483 = arith.mulf %get3A_3482, %broadcast_in_dim3A_2589 : vector<16xf32>
      %swap3A_3484 = arith.constant 37 : i32
      %swap3A_3485 = arith.index_cast %swap3A_3484 : i32 to index
      %swap3A_3486 = arith.constant 0 : index
      %swap3A_3487 = tpu.vector_load %arg6[%swap3A_3485, %swap3A_3486] {strides = array<i32>} : memref<50x32xf32, #tpu.memory_space<vmem>>, vector<1x16xf32>,
      %swap3A_3488 = vector.shape_cast %swap3A_3487 : vector<1x16xf32> to vector<16xf32>
      %swap3A_3489 = vector.shape_cast %mul3A_3483 : vector<16xf32> to vector<1x16xf32>
      tpu.vector_store %arg6[%swap3A_3485, %swap3A_3486], %swap3A_3489 {strides = array<i32>} : memref<50x32xf32, #tpu.memory_space<vmem>>, vector<1x16xf32>,
      %get3A_3490 = arith.constant 37 : i32
      %get3A_3491 = arith.index_cast %get3A_3490 : i32 to index
      %get3A_3492 = arith.constant 16 : index
      %get3A_3493 = tpu.vector_load %arg6[%get3A_3491, %get3A_3492] {strides = array<i32>} : memref<50x32xf32, #tpu.memory_space<vmem>>, vector<1x16xf32>,
      %get3A_3494 = vector.shape_cast %get3A_3493 : vector<1x16xf32> to vector<16xf32>
      %mul3A_3495 = arith.mulf %get3A_3494, %broadcast_in_dim3A_2589 : vector<16xf32>
      %swap3A_3496 = arith.constant 37 : i32
      %swap3A_3497 = arith.index_cast %swap3A_3496 : i32 to index
      %swap3A_3498 = arith.constant 16 : index
      %swap3A_3499 = tpu.vector_load %arg6[%swap3A_3497, %swap3A_3498] {strides = array<i32>} : memref<50x32xf32, #tpu.memory_space<vmem>>, vector<1x16xf32>,
      %swap3A_3500 = vector.shape_cast %swap3A_3499 : vector<1x16xf32> to vector<16xf32>
      %swap3A_3501 = vector.shape_cast %mul3A_3495 : vector<16xf32> to vector<1x16xf32>
      tpu.vector_store %arg6[%swap3A_3497, %swap3A_3498], %swap3A_3501 {strides = array<i32>} : memref<50x32xf32, #tpu.memory_space<vmem>>, vector<1x16xf32>,
      %get3A_3502 = arith.constant 38 : i32
      %get3A_3503 = arith.index_cast %get3A_3502 : i32 to index
      %get3A_3504 = arith.constant 0 : index
      %get3A_3505 = tpu.vector_load %arg6[%get3A_3503, %get3A_3504] {strides = array<i32>} : memref<50x32xf32, #tpu.memory_space<vmem>>, vector<1x16xf32>,
      %get3A_3506 = vector.shape_cast %get3A_3505 : vector<1x16xf32> to vector<16xf32>
      %mul3A_3507 = arith.mulf %get3A_3506, %broadcast_in_dim3A_2589 : vector<16xf32>
      %swap3A_3508 = arith.constant 38 : i32
      %swap3A_3509 = arith.index_cast %swap3A_3508 : i32 to index
      %swap3A_3510 = arith.constant 0 : index
      %swap3A_3511 = tpu.vector_load %arg6[%swap3A_3509, %swap3A_3510] {strides = array<i32>} : memref<50x32xf32, #tpu.memory_space<vmem>>, vector<1x16xf32>,
      %swap3A_3512 = vector.shape_cast %swap3A_3511 : vector<1x16xf32> to vector<16xf32>
      %swap3A_3513 = vector.shape_cast %mul3A_3507 : vector<16xf32> to vector<1x16xf32>
      tpu.vector_store %arg6[%swap3A_3509, %swap3A_3510], %swap3A_3513 {strides = array<i32>} : memref<50x32xf32, #tpu.memory_space<vmem>>, vector<1x16xf32>,
      %get3A_3514 = arith.constant 38 : i32
      %get3A_3515 = arith.index_cast %get3A_3514 : i32 to index
      %get3A_3516 = arith.constant 16 : index
      %get3A_3517 = tpu.vector_load %arg6[%get3A_3515, %get3A_3516] {strides = array<i32>} : memref<50x32xf32, #tpu.memory_space<vmem>>, vector<1x16xf32>,
      %get3A_3518 = vector.shape_cast %get3A_3517 : vector<1x16xf32> to vector<16xf32>
      %mul3A_3519 = arith.mulf %get3A_3518, %broadcast_in_dim3A_2589 : vector<16xf32>
      %swap3A_3520 = arith.constant 38 : i32
      %swap3A_3521 = arith.index_cast %swap3A_3520 : i32 to index
      %swap3A_3522 = arith.constant 16 : index
      %swap3A_3523 = tpu.vector_load %arg6[%swap3A_3521, %swap3A_3522] {strides = array<i32>} : memref<50x32xf32, #tpu.memory_space<vmem>>, vector<1x16xf32>,
      %swap3A_3524 = vector.shape_cast %swap3A_3523 : vector<1x16xf32> to vector<16xf32>
      %swap3A_3525 = vector.shape_cast %mul3A_3519 : vector<16xf32> to vector<1x16xf32>
      tpu.vector_store %arg6[%swap3A_3521, %swap3A_3522], %swap3A_3525 {strides = array<i32>} : memref<50x32xf32, #tpu.memory_space<vmem>>, vector<1x16xf32>,
      %get3A_3526 = arith.constant 39 : i32
      %get3A_3527 = arith.index_cast %get3A_3526 : i32 to index
      %get3A_3528 = arith.constant 0 : index
      %get3A_3529 = tpu.vector_load %arg6[%get3A_3527, %get3A_3528] {strides = array<i32>} : memref<50x32xf32, #tpu.memory_space<vmem>>, vector<1x16xf32>,
      %get3A_3530 = vector.shape_cast %get3A_3529 : vector<1x16xf32> to vector<16xf32>
      %mul3A_3531 = arith.mulf %get3A_3530, %broadcast_in_dim3A_2589 : vector<16xf32>
      %swap3A_3532 = arith.constant 39 : i32
      %swap3A_3533 = arith.index_cast %swap3A_3532 : i32 to index
      %swap3A_3534 = arith.constant 0 : index
      %swap3A_3535 = tpu.vector_load %arg6[%swap3A_3533, %swap3A_3534] {strides = array<i32>} : memref<50x32xf32, #tpu.memory_space<vmem>>, vector<1x16xf32>,
      %swap3A_3536 = vector.shape_cast %swap3A_3535 : vector<1x16xf32> to vector<16xf32>
      %swap3A_3537 = vector.shape_cast %mul3A_3531 : vector<16xf32> to vector<1x16xf32>
      tpu.vector_store %arg6[%swap3A_3533, %swap3A_3534], %swap3A_3537 {strides = array<i32>} : memref<50x32xf32, #tpu.memory_space<vmem>>, vector<1x16xf32>,
      %get3A_3538 = arith.constant 39 : i32
      %get3A_3539 = arith.index_cast %get3A_3538 : i32 to index
      %get3A_3540 = arith.constant 16 : index
      %get3A_3541 = tpu.vector_load %arg6[%get3A_3539, %get3A_3540] {strides = array<i32>} : memref<50x32xf32, #tpu.memory_space<vmem>>, vector<1x16xf32>,
      %get3A_3542 = vector.shape_cast %get3A_3541 : vector<1x16xf32> to vector<16xf32>
      %mul3A_3543 = arith.mulf %get3A_3542, %broadcast_in_dim3A_2589 : vector<16xf32>
      %swap3A_3544 = arith.constant 39 : i32
      %swap3A_3545 = arith.index_cast %swap3A_3544 : i32 to index
      %swap3A_3546 = arith.constant 16 : index
      %swap3A_3547 = tpu.vector_load %arg6[%swap3A_3545, %swap3A_3546] {strides = array<i32>} : memref<50x32xf32, #tpu.memory_space<vmem>>, vector<1x16xf32>,
      %swap3A_3548 = vector.shape_cast %swap3A_3547 : vector<1x16xf32> to vector<16xf32>
      %swap3A_3549 = vector.shape_cast %mul3A_3543 : vector<16xf32> to vector<1x16xf32>
      tpu.vector_store %arg6[%swap3A_3545, %swap3A_3546], %swap3A_3549 {strides = array<i32>} : memref<50x32xf32, #tpu.memory_space<vmem>>, vector<1x16xf32>,
      %get3A_3550 = arith.constant 40 : i32
      %get3A_3551 = arith.index_cast %get3A_3550 : i32 to index
      %get3A_3552 = arith.constant 0 : index
      %get3A_3553 = tpu.vector_load %arg6[%get3A_3551, %get3A_3552] {strides = array<i32>} : memref<50x32xf32, #tpu.memory_space<vmem>>, vector<1x16xf32>,
      %get3A_3554 = vector.shape_cast %get3A_3553 : vector<1x16xf32> to vector<16xf32>
      %mul3A_3555 = arith.mulf %get3A_3554, %broadcast_in_dim3A_2589 : vector<16xf32>
      %swap3A_3556 = arith.constant 40 : i32
      %swap3A_3557 = arith.index_cast %swap3A_3556 : i32 to index
      %swap3A_3558 = arith.constant 0 : index
      %swap3A_3559 = tpu.vector_load %arg6[%swap3A_3557, %swap3A_3558] {strides = array<i32>} : memref<50x32xf32, #tpu.memory_space<vmem>>, vector<1x16xf32>,
      %swap3A_3560 = vector.shape_cast %swap3A_3559 : vector<1x16xf32> to vector<16xf32>
      %swap3A_3561 = vector.shape_cast %mul3A_3555 : vector<16xf32> to vector<1x16xf32>
      tpu.vector_store %arg6[%swap3A_3557, %swap3A_3558], %swap3A_3561 {strides = array<i32>} : memref<50x32xf32, #tpu.memory_space<vmem>>, vector<1x16xf32>,
      %get3A_3562 = arith.constant 40 : i32
      %get3A_3563 = arith.index_cast %get3A_3562 : i32 to index
      %get3A_3564 = arith.constant 16 : index
      %get3A_3565 = tpu.vector_load %arg6[%get3A_3563, %get3A_3564] {strides = array<i32>} : memref<50x32xf32, #tpu.memory_space<vmem>>, vector<1x16xf32>,
      %get3A_3566 = vector.shape_cast %get3A_3565 : vector<1x16xf32> to vector<16xf32>
      %mul3A_3567 = arith.mulf %get3A_3566, %broadcast_in_dim3A_2589 : vector<16xf32>
      %swap3A_3568 = arith.constant 40 : i32
      %swap3A_3569 = arith.index_cast %swap3A_3568 : i32 to index
      %swap3A_3570 = arith.constant 16 : index
      %swap3A_3571 = tpu.vector_load %arg6[%swap3A_3569, %swap3A_3570] {strides = array<i32>} : memref<50x32xf32, #tpu.memory_space<vmem>>, vector<1x16xf32>,
      %swap3A_3572 = vector.shape_cast %swap3A_3571 : vector<1x16xf32> to vector<16xf32>
      %swap3A_3573 = vector.shape_cast %mul3A_3567 : vector<16xf32> to vector<1x16xf32>
      tpu.vector_store %arg6[%swap3A_3569, %swap3A_3570], %swap3A_3573 {strides = array<i32>} : memref<50x32xf32, #tpu.memory_space<vmem>>, vector<1x16xf32>,
      %get3A_3574 = arith.constant 41 : i32
      %get3A_3575 = arith.index_cast %get3A_3574 : i32 to index
      %get3A_3576 = arith.constant 0 : index
      %get3A_3577 = tpu.vector_load %arg6[%get3A_3575, %get3A_3576] {strides = array<i32>} : memref<50x32xf32, #tpu.memory_space<vmem>>, vector<1x16xf32>,
      %get3A_3578 = vector.shape_cast %get3A_3577 : vector<1x16xf32> to vector<16xf32>
      %mul3A_3579 = arith.mulf %get3A_3578, %broadcast_in_dim3A_2589 : vector<16xf32>
      %swap3A_3580 = arith.constant 41 : i32
      %swap3A_3581 = arith.index_cast %swap3A_3580 : i32 to index
      %swap3A_3582 = arith.constant 0 : index
      %swap3A_3583 = tpu.vector_load %arg6[%swap3A_3581, %swap3A_3582] {strides = array<i32>} : memref<50x32xf32, #tpu.memory_space<vmem>>, vector<1x16xf32>,
      %swap3A_3584 = vector.shape_cast %swap3A_3583 : vector<1x16xf32> to vector<16xf32>
      %swap3A_3585 = vector.shape_cast %mul3A_3579 : vector<16xf32> to vector<1x16xf32>
      tpu.vector_store %arg6[%swap3A_3581, %swap3A_3582], %swap3A_3585 {strides = array<i32>} : memref<50x32xf32, #tpu.memory_space<vmem>>, vector<1x16xf32>,
      %get3A_3586 = arith.constant 41 : i32
      %get3A_3587 = arith.index_cast %get3A_3586 : i32 to index
      %get3A_3588 = arith.constant 16 : index
      %get3A_3589 = tpu.vector_load %arg6[%get3A_3587, %get3A_3588] {strides = array<i32>} : memref<50x32xf32, #tpu.memory_space<vmem>>, vector<1x16xf32>,
      %get3A_3590 = vector.shape_cast %get3A_3589 : vector<1x16xf32> to vector<16xf32>
      %mul3A_3591 = arith.mulf %get3A_3590, %broadcast_in_dim3A_2589 : vector<16xf32>
      %swap3A_3592 = arith.constant 41 : i32
      %swap3A_3593 = arith.index_cast %swap3A_3592 : i32 to index
      %swap3A_3594 = arith.constant 16 : index
      %swap3A_3595 = tpu.vector_load %arg6[%swap3A_3593, %swap3A_3594] {strides = array<i32>} : memref<50x32xf32, #tpu.memory_space<vmem>>, vector<1x16xf32>,
      %swap3A_3596 = vector.shape_cast %swap3A_3595 : vector<1x16xf32> to vector<16xf32>
      %swap3A_3597 = vector.shape_cast %mul3A_3591 : vector<16xf32> to vector<1x16xf32>
      tpu.vector_store %arg6[%swap3A_3593, %swap3A_3594], %swap3A_3597 {strides = array<i32>} : memref<50x32xf32, #tpu.memory_space<vmem>>, vector<1x16xf32>,
      %get3A_3598 = arith.constant 42 : i32
      %get3A_3599 = arith.index_cast %get3A_3598 : i32 to index
      %get3A_3600 = arith.constant 0 : index
      %get3A_3601 = tpu.vector_load %arg6[%get3A_3599, %get3A_3600] {strides = array<i32>} : memref<50x32xf32, #tpu.memory_space<vmem>>, vector<1x16xf32>,
      %get3A_3602 = vector.shape_cast %get3A_3601 : vector<1x16xf32> to vector<16xf32>
      %mul3A_3603 = arith.mulf %get3A_3602, %broadcast_in_dim3A_2589 : vector<16xf32>
      %swap3A_3604 = arith.constant 42 : i32
      %swap3A_3605 = arith.index_cast %swap3A_3604 : i32 to index
      %swap3A_3606 = arith.constant 0 : index
      %swap3A_3607 = tpu.vector_load %arg6[%swap3A_3605, %swap3A_3606] {strides = array<i32>} : memref<50x32xf32, #tpu.memory_space<vmem>>, vector<1x16xf32>,
      %swap3A_3608 = vector.shape_cast %swap3A_3607 : vector<1x16xf32> to vector<16xf32>
      %swap3A_3609 = vector.shape_cast %mul3A_3603 : vector<16xf32> to vector<1x16xf32>
      tpu.vector_store %arg6[%swap3A_3605, %swap3A_3606], %swap3A_3609 {strides = array<i32>} : memref<50x32xf32, #tpu.memory_space<vmem>>, vector<1x16xf32>,
      %get3A_3610 = arith.constant 42 : i32
      %get3A_3611 = arith.index_cast %get3A_3610 : i32 to index
      %get3A_3612 = arith.constant 16 : index
      %get3A_3613 = tpu.vector_load %arg6[%get3A_3611, %get3A_3612] {strides = array<i32>} : memref<50x32xf32, #tpu.memory_space<vmem>>, vector<1x16xf32>,
      %get3A_3614 = vector.shape_cast %get3A_3613 : vector<1x16xf32> to vector<16xf32>
      %mul3A_3615 = arith.mulf %get3A_3614, %broadcast_in_dim3A_2589 : vector<16xf32>
      %swap3A_3616 = arith.constant 42 : i32
      %swap3A_3617 = arith.index_cast %swap3A_3616 : i32 to index
      %swap3A_3618 = arith.constant 16 : index
      %swap3A_3619 = tpu.vector_load %arg6[%swap3A_3617, %swap3A_3618] {strides = array<i32>} : memref<50x32xf32, #tpu.memory_space<vmem>>, vector<1x16xf32>,
      %swap3A_3620 = vector.shape_cast %swap3A_3619 : vector<1x16xf32> to vector<16xf32>
      %swap3A_3621 = vector.shape_cast %mul3A_3615 : vector<16xf32> to vector<1x16xf32>
      tpu.vector_store %arg6[%swap3A_3617, %swap3A_3618], %swap3A_3621 {strides = array<i32>} : memref<50x32xf32, #tpu.memory_space<vmem>>, vector<1x16xf32>,
      %get3A_3622 = arith.constant 43 : i32
      %get3A_3623 = arith.index_cast %get3A_3622 : i32 to index
      %get3A_3624 = arith.constant 0 : index
      %get3A_3625 = tpu.vector_load %arg6[%get3A_3623, %get3A_3624] {strides = array<i32>} : memref<50x32xf32, #tpu.memory_space<vmem>>, vector<1x16xf32>,
      %get3A_3626 = vector.shape_cast %get3A_3625 : vector<1x16xf32> to vector<16xf32>
      %mul3A_3627 = arith.mulf %get3A_3626, %broadcast_in_dim3A_2589 : vector<16xf32>
      %swap3A_3628 = arith.constant 43 : i32
      %swap3A_3629 = arith.index_cast %swap3A_3628 : i32 to index
      %swap3A_3630 = arith.constant 0 : index
      %swap3A_3631 = tpu.vector_load %arg6[%swap3A_3629, %swap3A_3630] {strides = array<i32>} : memref<50x32xf32, #tpu.memory_space<vmem>>, vector<1x16xf32>,
      %swap3A_3632 = vector.shape_cast %swap3A_3631 : vector<1x16xf32> to vector<16xf32>
      %swap3A_3633 = vector.shape_cast %mul3A_3627 : vector<16xf32> to vector<1x16xf32>
      tpu.vector_store %arg6[%swap3A_3629, %swap3A_3630], %swap3A_3633 {strides = array<i32>} : memref<50x32xf32, #tpu.memory_space<vmem>>, vector<1x16xf32>,
      %get3A_3634 = arith.constant 43 : i32
      %get3A_3635 = arith.index_cast %get3A_3634 : i32 to index
      %get3A_3636 = arith.constant 16 : index
      %get3A_3637 = tpu.vector_load %arg6[%get3A_3635, %get3A_3636] {strides = array<i32>} : memref<50x32xf32, #tpu.memory_space<vmem>>, vector<1x16xf32>,
      %get3A_3638 = vector.shape_cast %get3A_3637 : vector<1x16xf32> to vector<16xf32>
      %mul3A_3639 = arith.mulf %get3A_3638, %broadcast_in_dim3A_2589 : vector<16xf32>
      %swap3A_3640 = arith.constant 43 : i32
      %swap3A_3641 = arith.index_cast %swap3A_3640 : i32 to index
      %swap3A_3642 = arith.constant 16 : index
      %swap3A_3643 = tpu.vector_load %arg6[%swap3A_3641, %swap3A_3642] {strides = array<i32>} : memref<50x32xf32, #tpu.memory_space<vmem>>, vector<1x16xf32>,
      %swap3A_3644 = vector.shape_cast %swap3A_3643 : vector<1x16xf32> to vector<16xf32>
      %swap3A_3645 = vector.shape_cast %mul3A_3639 : vector<16xf32> to vector<1x16xf32>
      tpu.vector_store %arg6[%swap3A_3641, %swap3A_3642], %swap3A_3645 {strides = array<i32>} : memref<50x32xf32, #tpu.memory_space<vmem>>, vector<1x16xf32>,
      %get3A_3646 = arith.constant 44 : i32
      %get3A_3647 = arith.index_cast %get3A_3646 : i32 to index
      %get3A_3648 = arith.constant 0 : index
      %get3A_3649 = tpu.vector_load %arg6[%get3A_3647, %get3A_3648] {strides = array<i32>} : memref<50x32xf32, #tpu.memory_space<vmem>>, vector<1x16xf32>,
      %get3A_3650 = vector.shape_cast %get3A_3649 : vector<1x16xf32> to vector<16xf32>
      %mul3A_3651 = arith.mulf %get3A_3650, %broadcast_in_dim3A_2589 : vector<16xf32>
      %swap3A_3652 = arith.constant 44 : i32
      %swap3A_3653 = arith.index_cast %swap3A_3652 : i32 to index
      %swap3A_3654 = arith.constant 0 : index
      %swap3A_3655 = tpu.vector_load %arg6[%swap3A_3653, %swap3A_3654] {strides = array<i32>} : memref<50x32xf32, #tpu.memory_space<vmem>>, vector<1x16xf32>,
      %swap3A_3656 = vector.shape_cast %swap3A_3655 : vector<1x16xf32> to vector<16xf32>
      %swap3A_3657 = vector.shape_cast %mul3A_3651 : vector<16xf32> to vector<1x16xf32>
      tpu.vector_store %arg6[%swap3A_3653, %swap3A_3654], %swap3A_3657 {strides = array<i32>} : memref<50x32xf32, #tpu.memory_space<vmem>>, vector<1x16xf32>,
      %get3A_3658 = arith.constant 44 : i32
      %get3A_3659 = arith.index_cast %get3A_3658 : i32 to index
      %get3A_3660 = arith.constant 16 : index
      %get3A_3661 = tpu.vector_load %arg6[%get3A_3659, %get3A_3660] {strides = array<i32>} : memref<50x32xf32, #tpu.memory_space<vmem>>, vector<1x16xf32>,
      %get3A_3662 = vector.shape_cast %get3A_3661 : vector<1x16xf32> to vector<16xf32>
      %mul3A_3663 = arith.mulf %get3A_3662, %broadcast_in_dim3A_2589 : vector<16xf32>
      %swap3A_3664 = arith.constant 44 : i32
      %swap3A_3665 = arith.index_cast %swap3A_3664 : i32 to index
      %swap3A_3666 = arith.constant 16 : index
      %swap3A_3667 = tpu.vector_load %arg6[%swap3A_3665, %swap3A_3666] {strides = array<i32>} : memref<50x32xf32, #tpu.memory_space<vmem>>, vector<1x16xf32>,
      %swap3A_3668 = vector.shape_cast %swap3A_3667 : vector<1x16xf32> to vector<16xf32>
      %swap3A_3669 = vector.shape_cast %mul3A_3663 : vector<16xf32> to vector<1x16xf32>
      tpu.vector_store %arg6[%swap3A_3665, %swap3A_3666], %swap3A_3669 {strides = array<i32>} : memref<50x32xf32, #tpu.memory_space<vmem>>, vector<1x16xf32>,
      %get3A_3670 = arith.constant 45 : i32
      %get3A_3671 = arith.index_cast %get3A_3670 : i32 to index
      %get3A_3672 = arith.constant 0 : index
      %get3A_3673 = tpu.vector_load %arg6[%get3A_3671, %get3A_3672] {strides = array<i32>} : memref<50x32xf32, #tpu.memory_space<vmem>>, vector<1x16xf32>,
      %get3A_3674 = vector.shape_cast %get3A_3673 : vector<1x16xf32> to vector<16xf32>
      %mul3A_3675 = arith.mulf %get3A_3674, %broadcast_in_dim3A_2589 : vector<16xf32>
      %swap3A_3676 = arith.constant 45 : i32
      %swap3A_3677 = arith.index_cast %swap3A_3676 : i32 to index
      %swap3A_3678 = arith.constant 0 : index
      %swap3A_3679 = tpu.vector_load %arg6[%swap3A_3677, %swap3A_3678] {strides = array<i32>} : memref<50x32xf32, #tpu.memory_space<vmem>>, vector<1x16xf32>,
      %swap3A_3680 = vector.shape_cast %swap3A_3679 : vector<1x16xf32> to vector<16xf32>
      %swap3A_3681 = vector.shape_cast %mul3A_3675 : vector<16xf32> to vector<1x16xf32>
      tpu.vector_store %arg6[%swap3A_3677, %swap3A_3678], %swap3A_3681 {strides = array<i32>} : memref<50x32xf32, #tpu.memory_space<vmem>>, vector<1x16xf32>,
      %get3A_3682 = arith.constant 45 : i32
      %get3A_3683 = arith.index_cast %get3A_3682 : i32 to index
      %get3A_3684 = arith.constant 16 : index
      %get3A_3685 = tpu.vector_load %arg6[%get3A_3683, %get3A_3684] {strides = array<i32>} : memref<50x32xf32, #tpu.memory_space<vmem>>, vector<1x16xf32>,
      %get3A_3686 = vector.shape_cast %get3A_3685 : vector<1x16xf32> to vector<16xf32>
      %mul3A_3687 = arith.mulf %get3A_3686, %broadcast_in_dim3A_2589 : vector<16xf32>
      %swap3A_3688 = arith.constant 45 : i32
      %swap3A_3689 = arith.index_cast %swap3A_3688 : i32 to index
      %swap3A_3690 = arith.constant 16 : index
      %swap3A_3691 = tpu.vector_load %arg6[%swap3A_3689, %swap3A_3690] {strides = array<i32>} : memref<50x32xf32, #tpu.memory_space<vmem>>, vector<1x16xf32>,
      %swap3A_3692 = vector.shape_cast %swap3A_3691 : vector<1x16xf32> to vector<16xf32>
      %swap3A_3693 = vector.shape_cast %mul3A_3687 : vector<16xf32> to vector<1x16xf32>
      tpu.vector_store %arg6[%swap3A_3689, %swap3A_3690], %swap3A_3693 {strides = array<i32>} : memref<50x32xf32, #tpu.memory_space<vmem>>, vector<1x16xf32>,
      %get3A_3694 = arith.constant 46 : i32
      %get3A_3695 = arith.index_cast %get3A_3694 : i32 to index
      %get3A_3696 = arith.constant 0 : index
      %get3A_3697 = tpu.vector_load %arg6[%get3A_3695, %get3A_3696] {strides = array<i32>} : memref<50x32xf32, #tpu.memory_space<vmem>>, vector<1x16xf32>,
      %get3A_3698 = vector.shape_cast %get3A_3697 : vector<1x16xf32> to vector<16xf32>
      %mul3A_3699 = arith.mulf %get3A_3698, %broadcast_in_dim3A_2589 : vector<16xf32>
      %swap3A_3700 = arith.constant 46 : i32
      %swap3A_3701 = arith.index_cast %swap3A_3700 : i32 to index
      %swap3A_3702 = arith.constant 0 : index
      %swap3A_3703 = tpu.vector_load %arg6[%swap3A_3701, %swap3A_3702] {strides = array<i32>} : memref<50x32xf32, #tpu.memory_space<vmem>>, vector<1x16xf32>,
      %swap3A_3704 = vector.shape_cast %swap3A_3703 : vector<1x16xf32> to vector<16xf32>
      %swap3A_3705 = vector.shape_cast %mul3A_3699 : vector<16xf32> to vector<1x16xf32>
      tpu.vector_store %arg6[%swap3A_3701, %swap3A_3702], %swap3A_3705 {strides = array<i32>} : memref<50x32xf32, #tpu.memory_space<vmem>>, vector<1x16xf32>,
      %get3A_3706 = arith.constant 46 : i32
      %get3A_3707 = arith.index_cast %get3A_3706 : i32 to index
      %get3A_3708 = arith.constant 16 : index
      %get3A_3709 = tpu.vector_load %arg6[%get3A_3707, %get3A_3708] {strides = array<i32>} : memref<50x32xf32, #tpu.memory_space<vmem>>, vector<1x16xf32>,
      %get3A_3710 = vector.shape_cast %get3A_3709 : vector<1x16xf32> to vector<16xf32>
      %mul3A_3711 = arith.mulf %get3A_3710, %broadcast_in_dim3A_2589 : vector<16xf32>
      %swap3A_3712 = arith.constant 46 : i32
      %swap3A_3713 = arith.index_cast %swap3A_3712 : i32 to index
      %swap3A_3714 = arith.constant 16 : index
      %swap3A_3715 = tpu.vector_load %arg6[%swap3A_3713, %swap3A_3714] {strides = array<i32>} : memref<50x32xf32, #tpu.memory_space<vmem>>, vector<1x16xf32>,
      %swap3A_3716 = vector.shape_cast %swap3A_3715 : vector<1x16xf32> to vector<16xf32>
      %swap3A_3717 = vector.shape_cast %mul3A_3711 : vector<16xf32> to vector<1x16xf32>
      tpu.vector_store %arg6[%swap3A_3713, %swap3A_3714], %swap3A_3717 {strides = array<i32>} : memref<50x32xf32, #tpu.memory_space<vmem>>, vector<1x16xf32>,
      %get3A_3718 = arith.constant 47 : i32
      %get3A_3719 = arith.index_cast %get3A_3718 : i32 to index
      %get3A_3720 = arith.constant 0 : index
      %get3A_3721 = tpu.vector_load %arg6[%get3A_3719, %get3A_3720] {strides = array<i32>} : memref<50x32xf32, #tpu.memory_space<vmem>>, vector<1x16xf32>,
      %get3A_3722 = vector.shape_cast %get3A_3721 : vector<1x16xf32> to vector<16xf32>
      %mul3A_3723 = arith.mulf %get3A_3722, %broadcast_in_dim3A_2589 : vector<16xf32>
      %swap3A_3724 = arith.constant 47 : i32
      %swap3A_3725 = arith.index_cast %swap3A_3724 : i32 to index
      %swap3A_3726 = arith.constant 0 : index
      %swap3A_3727 = tpu.vector_load %arg6[%swap3A_3725, %swap3A_3726] {strides = array<i32>} : memref<50x32xf32, #tpu.memory_space<vmem>>, vector<1x16xf32>,
      %swap3A_3728 = vector.shape_cast %swap3A_3727 : vector<1x16xf32> to vector<16xf32>
      %swap3A_3729 = vector.shape_cast %mul3A_3723 : vector<16xf32> to vector<1x16xf32>
      tpu.vector_store %arg6[%swap3A_3725, %swap3A_3726], %swap3A_3729 {strides = array<i32>} : memref<50x32xf32, #tpu.memory_space<vmem>>, vector<1x16xf32>,
      %get3A_3730 = arith.constant 47 : i32
      %get3A_3731 = arith.index_cast %get3A_3730 : i32 to index
      %get3A_3732 = arith.constant 16 : index
      %get3A_3733 = tpu.vector_load %arg6[%get3A_3731, %get3A_3732] {strides = array<i32>} : memref<50x32xf32, #tpu.memory_space<vmem>>, vector<1x16xf32>,
      %get3A_3734 = vector.shape_cast %get3A_3733 : vector<1x16xf32> to vector<16xf32>
      %mul3A_3735 = arith.mulf %get3A_3734, %broadcast_in_dim3A_2589 : vector<16xf32>
      %swap3A_3736 = arith.constant 47 : i32
      %swap3A_3737 = arith.index_cast %swap3A_3736 : i32 to index
      %swap3A_3738 = arith.constant 16 : index
      %swap3A_3739 = tpu.vector_load %arg6[%swap3A_3737, %swap3A_3738] {strides = array<i32>} : memref<50x32xf32, #tpu.memory_space<vmem>>, vector<1x16xf32>,
      %swap3A_3740 = vector.shape_cast %swap3A_3739 : vector<1x16xf32> to vector<16xf32>
      %swap3A_3741 = vector.shape_cast %mul3A_3735 : vector<16xf32> to vector<1x16xf32>
      tpu.vector_store %arg6[%swap3A_3737, %swap3A_3738], %swap3A_3741 {strides = array<i32>} : memref<50x32xf32, #tpu.memory_space<vmem>>, vector<1x16xf32>,
      %get3A_3742 = arith.constant 48 : i32
      %get3A_3743 = arith.index_cast %get3A_3742 : i32 to index
      %get3A_3744 = arith.constant 0 : index
      %get3A_3745 = tpu.vector_load %arg6[%get3A_3743, %get3A_3744] {strides = array<i32>} : memref<50x32xf32, #tpu.memory_space<vmem>>, vector<1x16xf32>,
      %get3A_3746 = vector.shape_cast %get3A_3745 : vector<1x16xf32> to vector<16xf32>
      %mul3A_3747 = arith.mulf %get3A_3746, %broadcast_in_dim3A_2589 : vector<16xf32>
      %swap3A_3748 = arith.constant 48 : i32
      %swap3A_3749 = arith.index_cast %swap3A_3748 : i32 to index
      %swap3A_3750 = arith.constant 0 : index
      %swap3A_3751 = tpu.vector_load %arg6[%swap3A_3749, %swap3A_3750] {strides = array<i32>} : memref<50x32xf32, #tpu.memory_space<vmem>>, vector<1x16xf32>,
      %swap3A_3752 = vector.shape_cast %swap3A_3751 : vector<1x16xf32> to vector<16xf32>
      %swap3A_3753 = vector.shape_cast %mul3A_3747 : vector<16xf32> to vector<1x16xf32>
      tpu.vector_store %arg6[%swap3A_3749, %swap3A_3750], %swap3A_3753 {strides = array<i32>} : memref<50x32xf32, #tpu.memory_space<vmem>>, vector<1x16xf32>,
      %get3A_3754 = arith.constant 48 : i32
      %get3A_3755 = arith.index_cast %get3A_3754 : i32 to index
      %get3A_3756 = arith.constant 16 : index
      %get3A_3757 = tpu.vector_load %arg6[%get3A_3755, %get3A_3756] {strides = array<i32>} : memref<50x32xf32, #tpu.memory_space<vmem>>, vector<1x16xf32>,
      %get3A_3758 = vector.shape_cast %get3A_3757 : vector<1x16xf32> to vector<16xf32>
      %mul3A_3759 = arith.mulf %get3A_3758, %broadcast_in_dim3A_2589 : vector<16xf32>
      %swap3A_3760 = arith.constant 48 : i32
      %swap3A_3761 = arith.index_cast %swap3A_3760 : i32 to index
      %swap3A_3762 = arith.constant 16 : index
      %swap3A_3763 = tpu.vector_load %arg6[%swap3A_3761, %swap3A_3762] {strides = array<i32>} : memref<50x32xf32, #tpu.memory_space<vmem>>, vector<1x16xf32>,
      %swap3A_3764 = vector.shape_cast %swap3A_3763 : vector<1x16xf32> to vector<16xf32>
      %swap3A_3765 = vector.shape_cast %mul3A_3759 : vector<16xf32> to vector<1x16xf32>
      tpu.vector_store %arg6[%swap3A_3761, %swap3A_3762], %swap3A_3765 {strides = array<i32>} : memref<50x32xf32, #tpu.memory_space<vmem>>, vector<1x16xf32>,
      %get3A_3766 = arith.constant 49 : i32
      %get3A_3767 = arith.index_cast %get3A_3766 : i32 to index
      %get3A_3768 = arith.constant 0 : index
      %get3A_3769 = tpu.vector_load %arg6[%get3A_3767, %get3A_3768] {strides = array<i32>} : memref<50x32xf32, #tpu.memory_space<vmem>>, vector<1x16xf32>,
      %get3A_3770 = vector.shape_cast %get3A_3769 : vector<1x16xf32> to vector<16xf32>
      %mul3A_3771 = arith.mulf %get3A_3770, %broadcast_in_dim3A_2589 : vector<16xf32>
      %swap3A_3772 = arith.constant 49 : i32
      %swap3A_3773 = arith.index_cast %swap3A_3772 : i32 to index
      %swap3A_3774 = arith.constant 0 : index
      %swap3A_3775 = tpu.vector_load %arg6[%swap3A_3773, %swap3A_3774] {strides = array<i32>} : memref<50x32xf32, #tpu.memory_space<vmem>>, vector<1x16xf32>,
      %swap3A_3776 = vector.shape_cast %swap3A_3775 : vector<1x16xf32> to vector<16xf32>
      %swap3A_3777 = vector.shape_cast %mul3A_3771 : vector<16xf32> to vector<1x16xf32>
      tpu.vector_store %arg6[%swap3A_3773, %swap3A_3774], %swap3A_3777 {strides = array<i32>} : memref<50x32xf32, #tpu.memory_space<vmem>>, vector<1x16xf32>,
      %get3A_3778 = arith.constant 49 : i32
      %get3A_3779 = arith.index_cast %get3A_3778 : i32 to index
      %get3A_3780 = arith.constant 16 : index
      %get3A_3781 = tpu.vector_load %arg6[%get3A_3779, %get3A_3780] {strides = array<i32>} : memref<50x32xf32, #tpu.memory_space<vmem>>, vector<1x16xf32>,
      %get3A_3782 = vector.shape_cast %get3A_3781 : vector<1x16xf32> to vector<16xf32>
      %mul3A_3783 = arith.mulf %get3A_3782, %broadcast_in_dim3A_2589 : vector<16xf32>
      %swap3A_3784 = arith.constant 49 : i32
      %swap3A_3785 = arith.index_cast %swap3A_3784 : i32 to index
      %swap3A_3786 = arith.constant 16 : index
      %swap3A_3787 = tpu.vector_load %arg6[%swap3A_3785, %swap3A_3786] {strides = array<i32>} : memref<50x32xf32, #tpu.memory_space<vmem>>, vector<1x16xf32>,
      %swap3A_3788 = vector.shape_cast %swap3A_3787 : vector<1x16xf32> to vector<16xf32>
      %swap3A_3789 = vector.shape_cast %mul3A_3783 : vector<16xf32> to vector<1x16xf32>
      tpu.vector_store %arg6[%swap3A_3785, %swap3A_3786], %swap3A_3789 {strides = array<i32>} : memref<50x32xf32, #tpu.memory_space<vmem>>, vector<1x16xf32>,
      "tpu.region"() ({
        %run_scoped3A = tpu.sem_alloc : memref<!tpu.dma_semaphore, #tpu.memory_space<semaphore_mem>>
        %dma_start3A = arith.constant 0 : i32
        %dma_start3A_3790 = arith.constant 0 : i32
        %dma_start3A_3791 = tpu.memref_slice %arg4[%arg0, %dma_start3A, %dma_start3A_3790] : memref<2x50x32xf32, #tpu.memory_space<hbm>> -> memref<1x50x32xf32, #tpu.memory_space<hbm>>
        %dma_start3A_3792 = tpu.memref_squeeze %dma_start3A_3791 : memref<1x50x32xf32, #tpu.memory_space<hbm>> -> memref<50x32xf32, #tpu.memory_space<hbm>>
        %dma_start3A_3793 = arith.constant 0 : i32
        %dma_start3A_3794 = arith.constant 0 : i32
        %dma_start3A_3795 = tpu.memref_slice %arg4[%arg0, %dma_start3A_3793, %dma_start3A_3794] : memref<2x50x32xf32, #tpu.memory_space<hbm>> -> memref<1x50x32xf32, #tpu.memory_space<hbm>>
        %dma_start3A_3796 = tpu.memref_squeeze %dma_start3A_3795 : memref<1x50x32xf32, #tpu.memory_space<hbm>> -> memref<50x32xf32, #tpu.memory_space<hbm>>
        tpu.enqueue_dma source(%arg6 : memref<50x32xf32, #tpu.memory_space<vmem>>) target(%dma_start3A_3796 : memref<50x32xf32, #tpu.memory_space<hbm>>) target_semaphore(%run_scoped3A : memref<!tpu.dma_semaphore, #tpu.memory_space<semaphore_mem>>)
        %dma_wait3A_3797 = arith.constant 0 : i32
        %dma_wait3A_3798 = arith.constant 0 : i32
        %dma_wait3A_3799 = tpu.memref_slice %arg4[%arg0, %dma_wait3A_3797, %dma_wait3A_3798] : memref<2x50x32xf32, #tpu.memory_space<hbm>> -> memref<1x50x32xf32, #tpu.memory_space<hbm>>
        %dma_wait3A_3800 = tpu.memref_squeeze %dma_wait3A_3799 : memref<1x50x32xf32, #tpu.memory_space<hbm>> -> memref<50x32xf32, #tpu.memory_space<hbm>>
        %dma_wait3A_3801 = arith.constant 0 : i32
        %dma_wait3A_3802 = arith.constant 0 : i32
        %dma_wait3A_3803 = tpu.memref_slice %arg4[%arg0, %dma_wait3A_3801, %dma_wait3A_3802] : memref<2x50x32xf32, #tpu.memory_space<hbm>> -> memref<1x50x32xf32, #tpu.memory_space<hbm>>
        %dma_wait3A_3804 = tpu.memref_squeeze %dma_wait3A_3803 : memref<1x50x32xf32, #tpu.memory_space<hbm>> -> memref<50x32xf32, #tpu.memory_space<hbm>>
        tpu.wait_dma2 semaphore(%run_scoped3A : memref<!tpu.dma_semaphore, #tpu.memory_space<semaphore_mem>>) src(%arg6 : memref<50x32xf32, #tpu.memory_space<vmem>>) dst(%dma_wait3A_3804 : memref<50x32xf32, #tpu.memory_space<hbm>>)
        tpu.yield
      }) : () -> ()
    } else {
    }
    return
  }
}

</mosaic_0001>

<sc_bundles>
// kernel: kernel.3.cloned.1.call-start
scs
__scs_entry_jumppad:
0x0: {  	(pc) =	sbr.rel $0x88, $3  }
0x1: {  	(tag) =	ssettag $0x0;
	lr =	simm.s32 $0x1  }
0x2: {  	[smem:$0x3F9F] =	sst lr;
	_ =	strace $0xD0000000  }
0x3: {  	_ = 	snop  }
0x4: {  	_ = 	snop  }
0x5: {  	_ = 	snop  }
0x6: {  	_ = 	snop  }
0x7: {  	_ = 	snop  }
__scs_overlays_trampoline_lowered:
0x8: {  	[smem:$0x3FAE] =	sst s0  }
0x9: {  	[smem:$0x3FAF] =	sst s1  }
0xa: {  	[smem:$0x3FB0] =	sst s2  }
0xb: {  	[smem:$0x3FB1] =	sst s3  }
0xc: {  	[smem:$0x3FB2] =	sst s4  }
0xd: {  	[smem:$0x3FB3] =	sst s5  }
0xe: {  	[smem:$0x3FB4] =	sst s6  }
0xf: {  	[smem:$0x3FB5] =	sst s7  }
0x10: {  	[smem:$0x3FB6] =	sst s8  }
0x11: {  	[smem:$0x3FB7] =	sst s9;
	s0 =	simm.s32 @!p0 $0x0  }
0x12: {  	s1 =	sld [smem:$0x3F9D];
	s0 =	simm.s32 @p0 $0x1  }
0x13: {  	[smem:$0x3FB8] =	sst s0;
	s0 =	simm.s32 @!p1 $0x0  }
0x14: {  	s2 =	sld [smem:$0x3F9C];
	s0 =	simm.s32 @p1 $0x1  }
0x15: {  	[smem:$0x3FB9] =	sst s0;
	s0 =	simm.s32 @!p2 $0x0  }
0x16: {  	s3 =	sld [smem:$0x3FDB];
	s0 =	simm.s32 @p2 $0x1  }
0x17: {  	s4 =	simm.s32 $0x1BF5;
	[smem:$0x3FBB] =	sst s0  }
0x18: {  	s0 =	sld [smem:$0x3F9E];
	_ =	swait.ge [sflag:s4], $0x0  }
0x19: {  	s7 =	sld [smem:$0x3F9F]  }
0x1a: {  	s8 =	sadd.s32 $0xFFFFE003, lr  }
0x1b: {  	s9 =	sadd.s32 $0xFFFFFEF7, lr;
	s5 =	simm.s32 $0xFFFFFFFF;
	p2 =	slt.u32 s8, $0xFFFFF086  }
0x1c: {  	p1 =	slt.u32 s9, $0xF7A;
	s5 =	simm.s32 @!p2 $0x0  }
0x1d: {  	s5 =	simm.s32 @p1 $0x1;
	p0 =	seq.s32 s7, s2  }
0x1e: {  	s7 =	smul.u32 @!p0 $0xF7A, s2;
	p2 =	seq.s32 @!p0 s5, $0x0  }
0x1f: {  	s9 =	smul.u32 $0xF7A, s1;
	s8 =	simm.s32 @!p0 $0x1BF5;
	p2 =	por !p2, p0  }
0x20: {  	[sflag:s8] =	ssyncset.s32 @!p0 $0xFFFFF086;
	s6 =	sadd.s32 @!p0 s3, s7;
	s7 =	simm.s32 @!p0 $0x108  }
0x21: {  	s3 =	sadd.s32 s3, s9;
	s6 =	sadd.s32 @!p0 $0x88, s6;
	s7 =	simm.s32 @p2 $0x1082  }
0x22: {  	[simem:s7], [sflag:s8] =	dma.local @!p0 [hbm:s6], $0xF7A  }
0x23: {  	s9 =	sor.u32 $0xD0000000, s2;
	s6 =	simm.s32 $0x108;
	_ =	swait.ge @!p0 [sflag:s8], $0x0  }
0x24: {  	s3 =	sadd.s32 $0x88, s3;
	s6 =	simm.s32 @!p1 $0x1082;
	[sflag:s4] =	ssyncset.s32 $0xFFFFF086  }
0x25: {  	[simem:s6], [sflag:s4] =	dma.local [hbm:s3], $0xF7A  }
0x26: {  	[smem:$0x3F9F] =	sst s1;
	(tag) =	ssettag s2;
	_ =	strace s9  }
0x27: {  	s1 =	sld [smem:$0x3FAF]  }
0x28: {  	s2 =	sld [smem:$0x3FB0]  }
0x29: {  	s4 =	sld [smem:$0x3FB2]  }
0x2a: {  	p0 =	seq.s32 s5, $0x0;
	s5 =	sld [smem:$0x3FB3]  }
0x2b: {  	s6 =	sld [smem:$0x3FB4]  }
0x2c: {  	s7 =	sld [smem:$0x3FB5]  }
0x2d: {  	s3 =	simm.s32 $0x108;
	s8 =	sld [smem:$0x3FB6]  }
0x2e: {  	s3 =	simm.s32 @!p0 $0x1082;
	s9 =	sld [smem:$0x3FB7]  }
0x2f: {  	lr =	sadd.s32 s0, s3;
	s0 =	sld [smem:$0x3FAE]  }
0x30: {  	s3 =	sld [smem:$0x3FB1]  }
0x31: {  	[smem:$0x3FBA] =	sst s10  }
0x32: {  	s10 =	sld [smem:$0x3FB8];
	_ =	sdelay $0x3  }
0x33: {  	p0 =	seq.s32 s10, $0x1;
	s10 =	sld [smem:$0x3FBA];
	_ =	sdelay $0x3  }
0x34: {  	[smem:$0x3FBA] =	sst s10  }
0x35: {  	s10 =	sld [smem:$0x3FB9];
	_ =	sdelay $0x3  }
0x36: {  	p1 =	seq.s32 s10, $0x1;
	s10 =	sld [smem:$0x3FBA];
	_ =	sdelay $0x3  }
0x37: {  	[smem:$0x3FBA] =	sst s10  }
0x38: {  	s10 =	sld [smem:$0x3FBB]  }
0x39: {  	_ = 	snop;
	(pc) =	sbr.ind lr, $3  }
0x3a: {  	_ = 	snop  }
0x3b: {  	_ = 	snop  }
0x3c: {  	p2 =	seq.s32 s10, $0x1;
	s10 =	sld [smem:$0x3FBA]  }
0x3d: {  	_ =	shalt  }
0x3e: {  	_ =	shalt  }
0x3f: {  	_ =	shalt  }
0x40: {  	_ =	shalt  }
0x41: {  	_ =	shalt  }
0x42: {  	_ =	shalt  }
0x43: {  	_ =	shalt  }
0x44: {  	_ =	shalt  }
0x45: {  	_ =	shalt  }
0x46: {  	_ =	shalt  }
0x47: {  	_ =	shalt  }
0x48: {  	_ =	shalt  }
0x49: {  	_ =	shalt  }
0x4a: {  	_ =	shalt  }
0x4b: {  	_ =	shalt  }
0x4c: {  	_ =	shalt  }
0x4d: {  	_ =	shalt  }
0x4e: {  	_ =	shalt  }
0x4f: {  	_ =	shalt  }
0x50: {  	_ =	shalt  }
0x51: {  	_ =	shalt  }
0x52: {  	_ =	shalt  }
0x53: {  	_ =	shalt  }
0x54: {  	_ =	shalt  }
0x55: {  	_ =	shalt  }
0x56: {  	_ =	shalt  }
0x57: {  	_ =	shalt  }
0x58: {  	_ =	shalt  }
0x59: {  	_ =	shalt  }
0x5a: {  	_ =	shalt  }
0x5b: {  	_ =	shalt  }
0x5c: {  	_ =	shalt  }
0x5d: {  	_ =	shalt  }
0x5e: {  	_ =	shalt  }
0x5f: {  	_ =	shalt  }
0x60: {  	_ =	shalt  }
0x61: {  	_ =	shalt  }
0x62: {  	_ =	shalt  }
0x63: {  	_ =	shalt  }
0x64: {  	_ =	shalt  }
0x65: {  	_ =	shalt  }
0x66: {  	_ =	shalt  }
0x67: {  	_ =	shalt  }
0x68: {  	_ =	shalt  }
0x69: {  	_ =	shalt  }
0x6a: {  	_ =	shalt  }
0x6b: {  	_ =	shalt  }
0x6c: {  	_ =	shalt  }
0x6d: {  	_ =	shalt  }
0x6e: {  	_ =	shalt  }
0x6f: {  	_ =	shalt  }
0x70: {  	_ =	shalt  }
0x71: {  	_ =	shalt  }
0x72: {  	_ =	shalt  }
0x73: {  	_ =	shalt  }
0x74: {  	_ =	shalt  }
0x75: {  	_ =	shalt  }
0x76: {  	_ =	shalt  }
0x77: {  	_ =	shalt  }
0x78: {  	_ =	shalt  }
0x79: {  	_ =	shalt  }
0x7a: {  	_ =	shalt  }
0x7b: {  	_ =	shalt  }
0x7c: {  	_ =	shalt  }
0x7d: {  	_ =	shalt  }
0x7e: {  	_ =	shalt  }
0x7f: {  	_ =	shalt  }
0x80: {  	_ =	shalt  }
0x81: {  	_ =	shalt  }
0x82: {  	_ =	shalt  }
0x83: {  	_ =	shalt  }
0x84: {  	_ =	shalt  }
0x85: {  	_ =	shalt  }
0x86: {  	_ =	shalt  }
0x87: {  	_ =	shalt  }
.Lfunc_end0:
.L_simem_size_0:
called_computation_lowered:
.L_overlay_start_0:
0x88: {  	s2 =	sld [smem:$0x3FD9]  }
0x89: {  	s3 =	sld [smem:$0x3FFE];
	_ =	sdelay $0x1  }
0x8a: {  	s1 =	srdreg.scid  }
0x8b: {  	s0 =	sand.u32 $0x1, s1  }
0x8c: {  	s17 =	sshll.u32 s0, $0xA;
	s2 =	sadd.s32 s3, s2  }
0x8d: {  	s2 =	sadd.s32 s2, s17  }
0x8e: {  	[smem:$0x3FC6] =	sst s2  }
0x8f: {  	_ = 	snop  }
0x90: {  	s2 =	sld [smem:$0x3FD0];
	(tm) =	ssettm $0x1  }
0x91: {  	s18 =	sld [smem:$0x3FFB];
	_ =	sdelay $0x3  }
0x92: {  	_ =	strace s18  }
0x93: {  	s3 =	sld [smem:$0x3FFC];
	_ =	sdelay $0x3  }
0x94: {  	_ =	strace s3  }
0x95: {  	s3 =	sld [smem:$0x3FFD];
	_ =	sdelay $0x3  }
0x96: {  	_ =	strace s3  }
0x97: {  	_ =	strace $0x8FFFFFFF  }
0x98: {  	s19 =	sld [smem:$0x3FDB];
	_ =	sdelay $0x1  }
0x99: {  	s4 =	simm.s32 $_scs_section_size  }
0x9a: {  	s5 =	simm.s32 $_size__tile_overlayer_lowered;
	s6 =	simm.s32 $_tile_overlayer_lowered  }
0x9b: {  	s22 =	simm.s32 $0x1BFF;
	s21 =	sshll.u32 s6, $0x1;
	s3 =	sadd.s32 s4, s19  }
0x9c: {  	s7 =	simm.s32 $0x0;
	s20 =	sshll.u32 s5, $0x1;
	s5 =	sadd.s32 s21, s3  }
0x9d: {  	[timem:s7], [sflag:s22] =	dma.local [hbm:s5], s20  }
0x9e: {  	_ =	swait.ge [sflag:s22], s20  }
0x9f: {  	s4 =	ssub.s32 $0x0, s20;
	[sflag:s22] =	ssyncset.done $0x0  }
0xa0: {  	[sflag:s22] =	ssyncadd.s32 s4;
	_ =	sdelay $0x1  }
0xa1: {  	s23 =	simm.s32 $0x1B8B  }
0xa2: {  	_ =	swait.ge [sflag:s23], $0x1  }
0xa3: {  	[sflag:s23] =	ssyncset.done $0x0  }
0xa4: {  	s25 =	simm.s32 $0x1B8E;
	s24 =	sld [smem:$0x3FFE];
	[sflag:s23] =	ssyncadd.s32 $0xFFFFFFFF  }
0xa5: {  	s26 =	simm.s32 $execute0_lowered;
	[smem:$0x3FD2] =	sst s25  }
0xa6: {  	s5 =	sshll.u32 s26, $0x1;
	_ =	strace $0x80000046;
	[dreg:$0x1] =	wrdreg $0xFFFFFFFF  }
0xa7: {  	s28 =	simm.s32 $_size_execute0_lowered;
	s3 =	sadd.s32 s3, s5;
	[dreg:$0x0] =	wrdreg $0x0  }
0xa8: {  	s5 =	sshll.u32 s28, $0x1;
	[dreg:$0x2] =	wrdreg s3  }
0xa9: {  	[dreg:$0x3] =	wrdreg s5  }
0xaa: {  	[dreg:$0x4] =	wrdreg $0xC0  }
0xab: {  	_ =	task [dreg:s7], $0x5FFFF  }
0xac: {  	[dreg:$0x1] =	wrdreg $0xFFFFFFFF  }
0xad: {  	[dreg:$0x0] =	wrdreg $0x60  }
0xae: {  	[dreg:$0x2] =	wrdreg s24  }
0xaf: {  	[dreg:$0x3] =	wrdreg s2  }
0xb0: {  	[dreg:$0x4] =	wrdreg $0x7E800  }
0xb1: {  	[dreg:$0x5] =	wrdreg $0x9  }
0xb2: {  	_ =	task.clear_ibuf [dreg:s7], $0x6FFFF;
	_ =	strace $0x90000046  }
0xb3: {  	s29 =	simm.s32 $0x9;
	_ =	strace $0x80000048  }
0xb4: {  	_ =	swait.ge [sflag:s29], $0x1  }
0xb5: {  	[sflag:s29] =	ssyncadd.s32 $0xFFFFFFFF  }
0xb6: {  	_ =	strace $0x90000048  }
0xb7: {  	_ =	sfence  }
0xb8: {  	s30 =	sld [smem:$0x0];
	_ =	sdelay $0x2  }
0xb9: {  	s31 =	sshll.u32 s1, $0xD;
	s1 =	sshrl.u32 s1, $0x2  }
0xba: {  	s3 =	sand.u32 $0x4000, s31;
	s1 =	sadd.s32 s1, s30  }
0xbb: {  	s0 =	sor.u32 s3, s0;
	s1 =	sshll.u32 s1, $0x11  }
0xbc: {  	s0 =	sor.u32 s1, s0  }
0xbd: {  	s0 =	sadd.s32 $0x8F2B, s0  }
0xbe: {  	[sflag:s0] =	ssyncadd.remote.s32 $0x1  }
0xbf: {  	_ =	sfence.sel $0xFFFF  }
0xc0: {  	[dreg:$0x0] =	wrdreg $0xFFFFFFFF;
	(pc) =	sbr.abs _section_cstart, $3  }
0xc1: {  	[dreg:$0x1] =	wrdreg $0xFFFFFFFF  }
0xc2: {  	_ =	task.clear_ibuf [dreg:s7], $0x2FFFF;
	_ =	strace $0x9FFFFFFF  }
0xc3: {  	(tm) =	ssettm $0x7FFFFFFF  }
tec
execute0_lowered:
.L_overlay_start_1:
0x0: {  	(tag) =	ssettag $0x1  }
0x1: {  	s3 =	rddreg [dreg:$0x0]  }
0x2: {  	s0 =	srdreg.scid;
	s5 =	rddreg [dreg:$0x1]  }
0x3: {  	s7 =	stileid.u32;
	s1 =	rddreg [dreg:$0x2];
	s2 =	simm.s32 $0x0  }
0x4: {  	s11 =	simm.s32 $0x40;
	s12 =	simm.s32 $0x7E40;
	s13 =	simm.s32 $0x7640  }
0x5: {  	s14 =	simm.s32 $0x0;
	s4 =	sand.u32 $0x1, s0;
	s0 =	rddreg [dreg:$0x3]  }
0x6: {  	s6 =	sshll.u32 s7, $0xA;
	[smem:$0x7FF] =	sst s2;
	p0 =	sne.s32 s7, $0x0  }
0x7: {  	s7 =	simm.s32 $0x2;
	s8 =	sshll.u32 s4, $0x9;
	s10 =	smul.u32 $0xC8, s4  }
.Ltmp0:
0x8: {  	s29 =	ssub.s32 $0x2, s4;
	s6 =	sor.u32 s8, s6;
	(pc) =	sbr.rel .LBB2_1-.Ltmp0, $4  }
0x9: {  	v0 =	vimm.s32 $0x3130;
	_ =	strace $0x80000047;
	s9 =	sshrl.u32 s29, $0x1;
	s6 =	smul.u32 $0x7, s6  }
0xa: {  	v4 =	vunpack.c.0.s8.s32 v0;
	s8 =	simm.s32 $0x32;
	s31 =	ssub.s32 s29, s9;
	s5 =	sadd.s32 s5, s10  }
0xb: {  	v1 =	vlaneseq.u32;
	vm0 =	vcmask $0xF00;
	v0 =	vimm.f32 $0.0e+00;
	s9 =	simm.s32 $0x7000;
	s10 =	simm.s32 $0x1;
	s30 =	sadd.s32 s6, s3  }
0xc: {  	v2 =	vor.u32 $0x10, v1;
	v3 =	vor.u32 $0x20, v1;
	v4 =	vnsel vm0, $0x0, v4;
	s3 =	sadd.s32 $0xF42A00, s3;
	s6 =	smax.u32 s31, $0x1;
	s4 =	sadd.s32 $0x600, s30  }
.LBB2_5:
0xd: {  	s14 =	sadd.s32 $0x1, s14  }
0xe: {  	p1 =	sne.s32 s14, s6  }
.Ltmp1:
0xf: {  	_ = 	snop;
	(pc) =	sbr.rel @!p1 .LBB2_6-.Ltmp1, $1  }
0x10: {  	_ =	sdelay $0x3  }
.LBB2_1:
0x11: {  	[tilespmem:s2], [sflag:$0x2] =	stream.linear.gather [hbm4b:s4+s2], $0x7000, $0x38;
	[tilespmem:$0x7EE8] =	vst v63  }
0x12: {  	_ =	swait.ge [sflag:s7], $0x7000  }
0x13: {  	[sflag:s7] =	ssyncset.done $0x0  }
0x14: {  	[sflag:s7] =	ssyncadd.s32 $0xFFFF9000  }
0x15: {  	[tilespmem:$0x7000] =	vst v0  }
0x16: {  	[tilespmem:$0x7010] =	vst v0  }
0x17: {  	[tilespmem:$0x7020] =	vst v0  }
0x18: {  	[tilespmem:$0x7030] =	vst v0  }
0x19: {  	[tilespmem:$0x7040] =	vst v0  }
0x1a: {  	[tilespmem:$0x7050] =	vst v0  }
0x1b: {  	[tilespmem:$0x7060] =	vst v0  }
0x1c: {  	[tilespmem:$0x7070] =	vst v0  }
0x1d: {  	[tilespmem:$0x7080] =	vst v0  }
0x1e: {  	[tilespmem:$0x7090] =	vst v0  }
0x1f: {  	[tilespmem:$0x70A0] =	vst v0  }
0x20: {  	[tilespmem:$0x70B0] =	vst v0  }
0x21: {  	[tilespmem:$0x70C0] =	vst v0  }
0x22: {  	[tilespmem:$0x70D0] =	vst v0  }
0x23: {  	[tilespmem:$0x70E0] =	vst v0  }
0x24: {  	[tilespmem:$0x70F0] =	vst v0  }
0x25: {  	[tilespmem:$0x7100] =	vst v0  }
0x26: {  	[tilespmem:$0x7110] =	vst v0  }
0x27: {  	[tilespmem:$0x7120] =	vst v0  }
0x28: {  	[tilespmem:$0x7130] =	vst v0  }
0x29: {  	[tilespmem:$0x7140] =	vst v0  }
0x2a: {  	[tilespmem:$0x7150] =	vst v0  }
0x2b: {  	[tilespmem:$0x7160] =	vst v0  }
0x2c: {  	[tilespmem:$0x7170] =	vst v0  }
0x2d: {  	[tilespmem:$0x7180] =	vst v0  }
0x2e: {  	[tilespmem:$0x7190] =	vst v0  }
0x2f: {  	[tilespmem:$0x71A0] =	vst v0  }
0x30: {  	[tilespmem:$0x71B0] =	vst v0  }
0x31: {  	[tilespmem:$0x71C0] =	vst v0  }
0x32: {  	[tilespmem:$0x71D0] =	vst v0  }
0x33: {  	[tilespmem:$0x71E0] =	vst v0  }
0x34: {  	[tilespmem:$0x71F0] =	vst v0  }
0x35: {  	[tilespmem:$0x7200] =	vst v0  }
0x36: {  	[tilespmem:$0x7210] =	vst v0  }
0x37: {  	[tilespmem:$0x7220] =	vst v0  }
0x38: {  	[tilespmem:$0x7230] =	vst v0  }
0x39: {  	[tilespmem:$0x7240] =	vst v0  }
0x3a: {  	[tilespmem:$0x7250] =	vst v0  }
0x3b: {  	[tilespmem:$0x7260] =	vst v0  }
0x3c: {  	[tilespmem:$0x7270] =	vst v0  }
0x3d: {  	[tilespmem:$0x7280] =	vst v0  }
0x3e: {  	[tilespmem:$0x7290] =	vst v0  }
0x3f: {  	[tilespmem:$0x72A0] =	vst v0  }
0x40: {  	[tilespmem:$0x72B0] =	vst v0  }
0x41: {  	[tilespmem:$0x72C0] =	vst v0  }
0x42: {  	[tilespmem:$0x72D0] =	vst v0  }
0x43: {  	[tilespmem:$0x72E0] =	vst v0  }
0x44: {  	[tilespmem:$0x72F0] =	vst v0  }
0x45: {  	[tilespmem:$0x7300] =	vst v0  }
0x46: {  	[tilespmem:$0x7310] =	vst v0  }
0x47: {  	[tilespmem:$0x7320] =	vst v0  }
0x48: {  	[tilespmem:$0x7330] =	vst v0  }
0x49: {  	[tilespmem:$0x7340] =	vst v0  }
0x4a: {  	[tilespmem:$0x7350] =	vst v0  }
0x4b: {  	[tilespmem:$0x7360] =	vst v0  }
0x4c: {  	[tilespmem:$0x7370] =	vst v0  }
0x4d: {  	[tilespmem:$0x7380] =	vst v0  }
0x4e: {  	[tilespmem:$0x7390] =	vst v0  }
0x4f: {  	[tilespmem:$0x73A0] =	vst v0  }
0x50: {  	[tilespmem:$0x73B0] =	vst v0  }
0x51: {  	[tilespmem:$0x73C0] =	vst v0  }
0x52: {  	[tilespmem:$0x73D0] =	vst v0  }
0x53: {  	[tilespmem:$0x73E0] =	vst v0  }
0x54: {  	[tilespmem:$0x73F0] =	vst v0  }
0x55: {  	[tilespmem:$0x7400] =	vst v0  }
0x56: {  	[tilespmem:$0x7410] =	vst v0  }
0x57: {  	[tilespmem:$0x7420] =	vst v0  }
0x58: {  	[tilespmem:$0x7430] =	vst v0  }
0x59: {  	[tilespmem:$0x7440] =	vst v0  }
0x5a: {  	[tilespmem:$0x7450] =	vst v0  }
0x5b: {  	[tilespmem:$0x7460] =	vst v0  }
0x5c: {  	[tilespmem:$0x7470] =	vst v0  }
0x5d: {  	[tilespmem:$0x7480] =	vst v0  }
0x5e: {  	[tilespmem:$0x7490] =	vst v0  }
0x5f: {  	[tilespmem:$0x74A0] =	vst v0  }
0x60: {  	[tilespmem:$0x74B0] =	vst v0  }
0x61: {  	[tilespmem:$0x74C0] =	vst v0  }
0x62: {  	[tilespmem:$0x74D0] =	vst v0  }
0x63: {  	[tilespmem:$0x74E0] =	vst v0  }
0x64: {  	[tilespmem:$0x74F0] =	vst v0  }
0x65: {  	[tilespmem:$0x7500] =	vst v0  }
0x66: {  	[tilespmem:$0x7510] =	vst v0  }
0x67: {  	[tilespmem:$0x7520] =	vst v0  }
0x68: {  	[tilespmem:$0x7530] =	vst v0  }
0x69: {  	[tilespmem:$0x7540] =	vst v0  }
0x6a: {  	[tilespmem:$0x7550] =	vst v0  }
0x6b: {  	[tilespmem:$0x7560] =	vst v0  }
0x6c: {  	[tilespmem:$0x7570] =	vst v0  }
0x6d: {  	[tilespmem:$0x7580] =	vst v0  }
0x6e: {  	[tilespmem:$0x7590] =	vst v0  }
0x6f: {  	[tilespmem:$0x75A0] =	vst v0  }
0x70: {  	[tilespmem:$0x75B0] =	vst v0  }
0x71: {  	[tilespmem:$0x75C0] =	vst v0  }
0x72: {  	[tilespmem:$0x75D0] =	vst v0  }
0x73: {  	[tilespmem:$0x75E0] =	vst v0  }
0x74: {  	[tilespmem:$0x75F0] =	vst v0  }
0x75: {  	[tilespmem:$0x7600] =	vst v0  }
0x76: {  	[tilespmem:$0x7610] =	vst v0  }
0x77: {  	[tilespmem:$0x7620] =	vst v0  }
0x78: {  	[tilespmem:$0x7630] =	vst v0  }
0x79: {  	[tilespmem:$0x7640] =	vst v0  }
0x7a: {  	[tilespmem:$0x7650] =	vst v0  }
0x7b: {  	[tilespmem:$0x7660] =	vst v0  }
0x7c: {  	[tilespmem:$0x7670] =	vst v0  }
0x7d: {  	[tilespmem:$0x7680] =	vst v0  }
0x7e: {  	[tilespmem:$0x7690] =	vst v0  }
0x7f: {  	[tilespmem:$0x76A0] =	vst v0  }
0x80: {  	[tilespmem:$0x76B0] =	vst v0  }
0x81: {  	[tilespmem:$0x76C0] =	vst v0  }
0x82: {  	[tilespmem:$0x76D0] =	vst v0  }
0x83: {  	[tilespmem:$0x76E0] =	vst v0  }
0x84: {  	[tilespmem:$0x76F0] =	vst v0  }
0x85: {  	[tilespmem:$0x7700] =	vst v0  }
0x86: {  	[tilespmem:$0x7710] =	vst v0  }
0x87: {  	[tilespmem:$0x7720] =	vst v0  }
0x88: {  	[tilespmem:$0x7730] =	vst v0  }
0x89: {  	[tilespmem:$0x7740] =	vst v0  }
0x8a: {  	[tilespmem:$0x7750] =	vst v0  }
0x8b: {  	[tilespmem:$0x7760] =	vst v0  }
0x8c: {  	[tilespmem:$0x7770] =	vst v0  }
0x8d: {  	[tilespmem:$0x7780] =	vst v0  }
0x8e: {  	[tilespmem:$0x7790] =	vst v0  }
0x8f: {  	[tilespmem:$0x77A0] =	vst v0  }
0x90: {  	[tilespmem:$0x77B0] =	vst v0  }
0x91: {  	[tilespmem:$0x77C0] =	vst v0  }
0x92: {  	[tilespmem:$0x77D0] =	vst v0  }
0x93: {  	[tilespmem:$0x77E0] =	vst v0  }
0x94: {  	[tilespmem:$0x77F0] =	vst v0  }
0x95: {  	[tilespmem:$0x7800] =	vst v0  }
0x96: {  	[tilespmem:$0x7810] =	vst v0  }
0x97: {  	[tilespmem:$0x7820] =	vst v0  }
0x98: {  	[tilespmem:$0x7830] =	vst v0  }
0x99: {  	[tilespmem:$0x7840] =	vst v0  }
0x9a: {  	[tilespmem:$0x7850] =	vst v0  }
0x9b: {  	[tilespmem:$0x7860] =	vst v0  }
0x9c: {  	[tilespmem:$0x7870] =	vst v0  }
0x9d: {  	[tilespmem:$0x7880] =	vst v0  }
0x9e: {  	[tilespmem:$0x7890] =	vst v0  }
0x9f: {  	[tilespmem:$0x78A0] =	vst v0  }
0xa0: {  	[tilespmem:$0x78B0] =	vst v0  }
0xa1: {  	[tilespmem:$0x78C0] =	vst v0  }
0xa2: {  	[tilespmem:$0x78D0] =	vst v0  }
0xa3: {  	[tilespmem:$0x78E0] =	vst v0  }
0xa4: {  	[tilespmem:$0x78F0] =	vst v0  }
0xa5: {  	[tilespmem:$0x7900] =	vst v0  }
0xa6: {  	[tilespmem:$0x7910] =	vst v0  }
0xa7: {  	[tilespmem:$0x7920] =	vst v0  }
0xa8: {  	[tilespmem:$0x7930] =	vst v0  }
0xa9: {  	[tilespmem:$0x7940] =	vst v0  }
0xaa: {  	[tilespmem:$0x7950] =	vst v0  }
0xab: {  	[tilespmem:$0x7960] =	vst v0  }
0xac: {  	[tilespmem:$0x7970] =	vst v0  }
0xad: {  	[tilespmem:$0x7980] =	vst v0  }
0xae: {  	[tilespmem:$0x7990] =	vst v0  }
0xaf: {  	[tilespmem:$0x79A0] =	vst v0  }
0xb0: {  	[tilespmem:$0x79B0] =	vst v0  }
0xb1: {  	[tilespmem:$0x79C0] =	vst v0  }
0xb2: {  	[tilespmem:$0x79D0] =	vst v0  }
0xb3: {  	[tilespmem:$0x79E0] =	vst v0  }
0xb4: {  	[tilespmem:$0x79F0] =	vst v0  }
0xb5: {  	[tilespmem:$0x7A00] =	vst v0  }
0xb6: {  	[tilespmem:$0x7A10] =	vst v0  }
0xb7: {  	[tilespmem:$0x7A20] =	vst v0  }
0xb8: {  	[tilespmem:$0x7A30] =	vst v0  }
0xb9: {  	[tilespmem:$0x7A40] =	vst v0  }
0xba: {  	[tilespmem:$0x7A50] =	vst v0  }
0xbb: {  	[tilespmem:$0x7A60] =	vst v0  }
0xbc: {  	[tilespmem:$0x7A70] =	vst v0  }
0xbd: {  	[tilespmem:$0x7A80] =	vst v0  }
0xbe: {  	[tilespmem:$0x7A90] =	vst v0  }
0xbf: {  	[tilespmem:$0x7AA0] =	vst v0  }
0xc0: {  	[tilespmem:$0x7AB0] =	vst v0  }
0xc1: {  	[tilespmem:$0x7AC0] =	vst v0  }
0xc2: {  	[tilespmem:$0x7AD0] =	vst v0  }
0xc3: {  	[tilespmem:$0x7AE0] =	vst v0  }
0xc4: {  	[tilespmem:$0x7AF0] =	vst v0  }
0xc5: {  	[tilespmem:$0x7B00] =	vst v0  }
0xc6: {  	[tilespmem:$0x7B10] =	vst v0  }
0xc7: {  	[tilespmem:$0x7B20] =	vst v0  }
0xc8: {  	[tilespmem:$0x7B30] =	vst v0  }
0xc9: {  	[tilespmem:$0x7B40] =	vst v0  }
0xca: {  	[tilespmem:$0x7B50] =	vst v0  }
0xcb: {  	[tilespmem:$0x7B60] =	vst v0  }
0xcc: {  	[tilespmem:$0x7B70] =	vst v0  }
0xcd: {  	[tilespmem:$0x7B80] =	vst v0  }
0xce: {  	[tilespmem:$0x7B90] =	vst v0  }
0xcf: {  	[tilespmem:$0x7BA0] =	vst v0  }
0xd0: {  	[tilespmem:$0x7BB0] =	vst v0  }
0xd1: {  	[tilespmem:$0x7BC0] =	vst v0  }
0xd2: {  	[tilespmem:$0x7BD0] =	vst v0  }
0xd3: {  	[tilespmem:$0x7BE0] =	vst v0  }
0xd4: {  	[tilespmem:$0x7BF0] =	vst v0  }
0xd5: {  	[tilespmem:$0x7C00] =	vst v0  }
0xd6: {  	[tilespmem:$0x7C10] =	vst v0  }
0xd7: {  	[tilespmem:$0x7C20] =	vst v0  }
0xd8: {  	[tilespmem:$0x7C30] =	vst v0  }
0xd9: {  	[tilespmem:$0x7C40] =	vst v0  }
0xda: {  	[tilespmem:$0x7C50] =	vst v0  }
0xdb: {  	[tilespmem:$0x7C60] =	vst v0  }
0xdc: {  	[tilespmem:$0x7C70] =	vst v0  }
0xdd: {  	[tilespmem:$0x7C80] =	vst v0  }
0xde: {  	[tilespmem:$0x7C90] =	vst v0  }
0xdf: {  	[tilespmem:$0x7CA0] =	vst v0  }
0xe0: {  	[tilespmem:$0x7CB0] =	vst v0  }
0xe1: {  	[tilespmem:$0x7CC0] =	vst v0  }
0xe2: {  	[tilespmem:$0x7CD0] =	vst v0  }
0xe3: {  	[tilespmem:$0x7CE0] =	vst v0  }
0xe4: {  	[tilespmem:$0x7CF0] =	vst v0  }
0xe5: {  	[tilespmem:$0x7D00] =	vst v0  }
0xe6: {  	[tilespmem:$0x7D10] =	vst v0  }
0xe7: {  	[tilespmem:$0x7D20] =	vst v0  }
0xe8: {  	[tilespmem:$0x7D30] =	vst v0  }
0xe9: {  	[tilespmem:$0x7D40] =	vst v0  }
0xea: {  	[tilespmem:$0x7D50] =	vst v0  }
0xeb: {  	[tilespmem:$0x7D60] =	vst v0  }
0xec: {  	[tilespmem:$0x7D70] =	vst v0  }
0xed: {  	[tilespmem:$0x7D80] =	vst v0  }
0xee: {  	[tilespmem:$0x7D90] =	vst v0  }
0xef: {  	[tilespmem:$0x7DA0] =	vst v0  }
0xf0: {  	[tilespmem:$0x7DB0] =	vst v0  }
0xf1: {  	[tilespmem:$0x7DC0] =	vst v0  }
0xf2: {  	[tilespmem:$0x7DD0] =	vst v0  }
0xf3: {  	[tilespmem:$0x7DE0] =	vst v0  }
0xf4: {  	[tilespmem:$0x7DF0] =	vst v0  }
0xf5: {  	[tilespmem:$0x7E00] =	vst v0  }
0xf6: {  	[tilespmem:$0x7E10] =	vst v0  }
0xf7: {  	[tilespmem:$0x7E20] =	vst v0  }
0xf8: {  	[tilespmem:$0x7E30] =	vst v0  }
0xf9: {  	[tilespmem:$0x7E40] =	vst v1  }
0xfa: {  	[tilespmem:$0x7E50] =	vst v2  }
0xfb: {  	[tilespmem:$0x7E60] =	vst v3  }
0xfc: {  	s15 =	simm.s32 @!p0 $0x7640;
	[tilespmem:$0x7E70] =	vst v4  }
0xfd: {  	[spmem:s1] =	stream.linear.scatter @!p0 [tilespmem:s15], [sflag:$0x2], $0x660, $0x38;
	[tilespmem:$0x7EE8] =	vst v63  }
0xfe: {  	s15 =	simm.s32 @!p0 $0x2  }
0xff: {  	_ =	swait.ge @!p0 [sflag:s15], $0x660  }
0x100: {  	[sflag:s15] =	ssyncset.done @!p0 $0x0  }
0x101: {  	p1 =	por $0x1, $0x1;
	[sflag:s15] =	ssyncadd.s32 @!p0 $0xFFFFF9A0  }
0x102: {  	s17 =	simm.s32 @!p1 $0x1;
	[bflag:$0x0] =	sbarrier.arrive $0xFFFF  }
0x103: {  	[tilespmem:s9], [sflag:$0x1] =	stream.indirect.gather.add.f32 [hbm:s3], $0x20, s2, s8, $0xb8;
	[tilespmem:$0x7EE8] =	vst v63  }
0x104: {  	_ =	swait.ge @!p1 [sflag:s17], $0x640  }
0x105: {  	s16 =	simm.s32 $0x0;
	s15 =	simm.s32 $0x1;
	[sflag:s17] =	ssyncset.done @!p1 $0x0  }
.LBB2_2:
0x106: {  	[sflag:s17] =	ssyncadd.s32 @!p1 $0xFFFFF9C0  }
0x107: {  	s16 =	sadd.s32 $0x38, s16;
	s17 =	smov.u32 s15;
	s15 =	sadd.s32 $0x1, s15  }
0x108: {  	p2 =	sne.s32 s15, $0x200  }
0x109: {  	[tilespmem:s9], [sflag:$0x1] =	stream.indirect.gather.add.f32 [hbm:s3], $0x20, s16, s8, $0xb8;
	[tilespmem:$0x7EE8] =	vst v63  }
.Ltmp2:
0x10a: {  	_ = 	snop;
	(pc) =	sbr.rel @p2 .LBB2_2-.Ltmp2, $4  }
0x10b: {  	p1 =	slt.u32 s17, $0x8  }
0x10c: {  	s17 =	simm.s32 @!p1 $0x1  }
0x10d: {  	_ =	swait.ge @!p1 [sflag:s17], $0x640  }
0x10e: {  	[sflag:s17] =	ssyncset.done @!p1 $0x0  }
0x10f: {  	[sflag:s17] =	ssyncadd.s32 @!p1 $0xFFFFF9C0  }
0x110: {  	_ =	swait.ge [sflag:s10], $0x640  }
0x111: {  	[sflag:s10] =	ssyncset.done $0x0  }
0x112: {  	[sflag:s10] =	ssyncadd.s32 $0xFFFFF9C0  }
0x113: {  	_ =	swait.ge [sflag:s10], $0x640  }
0x114: {  	[sflag:s10] =	ssyncset.done $0x0  }
0x115: {  	[sflag:s10] =	ssyncadd.s32 $0xFFFFF9C0  }
0x116: {  	_ =	swait.ge [sflag:s10], $0x640  }
0x117: {  	[sflag:s10] =	ssyncset.done $0x0  }
0x118: {  	[sflag:s10] =	ssyncadd.s32 $0xFFFFF9C0  }
0x119: {  	_ =	swait.ge [sflag:s10], $0x640  }
0x11a: {  	[sflag:s10] =	ssyncset.done $0x0  }
0x11b: {  	[sflag:s10] =	ssyncadd.s32 $0xFFFFF9C0  }
0x11c: {  	_ =	swait.ge [sflag:s10], $0x640  }
0x11d: {  	[sflag:s10] =	ssyncset.done $0x0  }
0x11e: {  	[sflag:s10] =	ssyncadd.s32 $0xFFFFF9C0  }
0x11f: {  	_ =	swait.ge [sflag:s10], $0x640  }
0x120: {  	[sflag:s10] =	ssyncset.done $0x0  }
0x121: {  	[sflag:s10] =	ssyncadd.s32 $0xFFFFF9C0  }
0x122: {  	_ =	swait.ge [sflag:s10], $0x640  }
0x123: {  	[sflag:s10] =	ssyncset.done $0x0  }
0x124: {  	[sflag:s10] =	ssyncadd.s32 $0xFFFFF9C0  }
0x125: {  	_ =	swait.ge [sflag:s10], $0x640  }
0x126: {  	[sflag:s10] =	ssyncset.done $0x0  }
0x127: {  	[sflag:s10] =	ssyncadd.s32 $0xFFFFF9C0  }
0x128: {  	v5 =	vld [tilespmem:$0x7000]  }
0x129: {  	v6 =	vld [tilespmem:$0x7010]  }
0x12a: {  	v7 =	vld [tilespmem:$0x7020]  }
0x12b: {  	v8 =	vld [tilespmem:$0x7030]  }
0x12c: {  	v9 =	vld [tilespmem:$0x7040]  }
0x12d: {  	v26 =	vld [tilespmem:$0x7080];
	[tilespmem:$0x7640] =	vst v5  }
0x12e: {  	v27 =	vld [tilespmem:$0x7090];
	[tilespmem:$0x7650] =	vst v6  }
0x12f: {  	v5 =	vld [tilespmem:$0x7050];
	[tilespmem:$0x7660] =	vst v7  }
0x130: {  	v6 =	vld [tilespmem:$0x7060];
	[tilespmem:$0x7670] =	vst v8  }
0x131: {  	v7 =	vld [tilespmem:$0x7070];
	[tilespmem:$0x7680] =	vst v9  }
0x132: {  	v28 =	vld [tilespmem:$0x70D0];
	[tilespmem:$0x76C0] =	vst v26  }
0x133: {  	v29 =	vld [tilespmem:$0x70E0];
	[tilespmem:$0x76D0] =	vst v27  }
0x134: {  	[tilespmem:$0x7690] =	vst v5;
	v5 =	vld [tilespmem:$0x70A0]  }
0x135: {  	[tilespmem:$0x76A0] =	vst v6;
	v6 =	vld [tilespmem:$0x70B0]  }
0x136: {  	[tilespmem:$0x76B0] =	vst v7;
	v7 =	vld [tilespmem:$0x70C0]  }
0x137: {  	v30 =	vld [tilespmem:$0x7120];
	[tilespmem:$0x7710] =	vst v28  }
0x138: {  	v31 =	vld [tilespmem:$0x7130];
	[tilespmem:$0x7720] =	vst v29  }
0x139: {  	[tilespmem:$0x76E0] =	vst v5;
	v5 =	vld [tilespmem:$0x70F0]  }
0x13a: {  	[tilespmem:$0x76F0] =	vst v6;
	v6 =	vld [tilespmem:$0x7100]  }
0x13b: {  	[tilespmem:$0x7700] =	vst v7;
	v7 =	vld [tilespmem:$0x7110]  }
0x13c: {  	v32 =	vld [tilespmem:$0x7170];
	[tilespmem:$0x7760] =	vst v30  }
0x13d: {  	v33 =	vld [tilespmem:$0x7180];
	[tilespmem:$0x7770] =	vst v31  }
0x13e: {  	[tilespmem:$0x7730] =	vst v5;
	v5 =	vld [tilespmem:$0x7140]  }
0x13f: {  	[tilespmem:$0x7740] =	vst v6;
	v6 =	vld [tilespmem:$0x7150]  }
0x140: {  	[tilespmem:$0x7750] =	vst v7;
	v7 =	vld [tilespmem:$0x7160]  }
0x141: {  	v34 =	vld [tilespmem:$0x71C0];
	[tilespmem:$0x77B0] =	vst v32  }
0x142: {  	v35 =	vld [tilespmem:$0x71D0];
	[tilespmem:$0x77C0] =	vst v33  }
0x143: {  	[tilespmem:$0x7780] =	vst v5;
	v5 =	vld [tilespmem:$0x7190]  }
0x144: {  	[tilespmem:$0x7790] =	vst v6;
	v6 =	vld [tilespmem:$0x71A0]  }
0x145: {  	[tilespmem:$0x77A0] =	vst v7;
	v7 =	vld [tilespmem:$0x71B0]  }
0x146: {  	v36 =	vld [tilespmem:$0x7210];
	[tilespmem:$0x7800] =	vst v34  }
0x147: {  	v37 =	vld [tilespmem:$0x7220];
	[tilespmem:$0x7810] =	vst v35  }
0x148: {  	[tilespmem:$0x77D0] =	vst v5;
	v5 =	vld [tilespmem:$0x71E0]  }
0x149: {  	[tilespmem:$0x77E0] =	vst v6;
	v6 =	vld [tilespmem:$0x71F0]  }
0x14a: {  	[tilespmem:$0x77F0] =	vst v7;
	v7 =	vld [tilespmem:$0x7200]  }
0x14b: {  	v38 =	vld [tilespmem:$0x7260];
	[tilespmem:$0x7850] =	vst v36  }
0x14c: {  	v39 =	vld [tilespmem:$0x7270];
	[tilespmem:$0x7860] =	vst v37  }
0x14d: {  	[tilespmem:$0x7820] =	vst v5;
	v5 =	vld [tilespmem:$0x7230]  }
0x14e: {  	[tilespmem:$0x7830] =	vst v6;
	v6 =	vld [tilespmem:$0x7240]  }
0x14f: {  	[tilespmem:$0x7840] =	vst v7;
	v7 =	vld [tilespmem:$0x7250]  }
0x150: {  	v40 =	vld [tilespmem:$0x72B0];
	[tilespmem:$0x78A0] =	vst v38  }
0x151: {  	v41 =	vld [tilespmem:$0x72C0];
	[tilespmem:$0x78B0] =	vst v39  }
0x152: {  	[tilespmem:$0x7870] =	vst v5;
	v5 =	vld [tilespmem:$0x7280]  }
0x153: {  	[tilespmem:$0x7880] =	vst v6;
	v6 =	vld [tilespmem:$0x7290]  }
0x154: {  	[tilespmem:$0x7890] =	vst v7;
	v7 =	vld [tilespmem:$0x72A0]  }
0x155: {  	v42 =	vld [tilespmem:$0x7300];
	[tilespmem:$0x78F0] =	vst v40  }
0x156: {  	v43 =	vld [tilespmem:$0x7310];
	[tilespmem:$0x7900] =	vst v41  }
0x157: {  	[tilespmem:$0x78C0] =	vst v5;
	v5 =	vld [tilespmem:$0x72D0]  }
0x158: {  	[tilespmem:$0x78D0] =	vst v6;
	v6 =	vld [tilespmem:$0x72E0]  }
0x159: {  	[tilespmem:$0x78E0] =	vst v7;
	v7 =	vld [tilespmem:$0x72F0]  }
0x15a: {  	v44 =	vld [tilespmem:$0x7350];
	[tilespmem:$0x7940] =	vst v42  }
0x15b: {  	v45 =	vld [tilespmem:$0x7360];
	[tilespmem:$0x7950] =	vst v43  }
0x15c: {  	[tilespmem:$0x7910] =	vst v5;
	v5 =	vld [tilespmem:$0x7320]  }
0x15d: {  	[tilespmem:$0x7920] =	vst v6;
	v6 =	vld [tilespmem:$0x7330]  }
0x15e: {  	[tilespmem:$0x7930] =	vst v7;
	v7 =	vld [tilespmem:$0x7340]  }
0x15f: {  	v46 =	vld [tilespmem:$0x73A0];
	[tilespmem:$0x7990] =	vst v44  }
0x160: {  	v47 =	vld [tilespmem:$0x73B0];
	[tilespmem:$0x79A0] =	vst v45  }
0x161: {  	[tilespmem:$0x7960] =	vst v5;
	v5 =	vld [tilespmem:$0x7370]  }
0x162: {  	[tilespmem:$0x7970] =	vst v6;
	v6 =	vld [tilespmem:$0x7380]  }
0x163: {  	[tilespmem:$0x7980] =	vst v7;
	v7 =	vld [tilespmem:$0x7390]  }
0x164: {  	v48 =	vld [tilespmem:$0x73F0];
	[tilespmem:$0x79E0] =	vst v46  }
0x165: {  	v49 =	vld [tilespmem:$0x7400];
	[tilespmem:$0x79F0] =	vst v47  }
0x166: {  	[tilespmem:$0x79B0] =	vst v5;
	v5 =	vld [tilespmem:$0x73C0]  }
0x167: {  	[tilespmem:$0x79C0] =	vst v6;
	v6 =	vld [tilespmem:$0x73D0]  }
0x168: {  	[tilespmem:$0x79D0] =	vst v7;
	v7 =	vld [tilespmem:$0x73E0]  }
0x169: {  	v50 =	vld [tilespmem:$0x7440];
	[tilespmem:$0x7A30] =	vst v48  }
0x16a: {  	v51 =	vld [tilespmem:$0x7450];
	[tilespmem:$0x7A40] =	vst v49  }
0x16b: {  	[tilespmem:$0x7A00] =	vst v5;
	v5 =	vld [tilespmem:$0x7410]  }
0x16c: {  	[tilespmem:$0x7A10] =	vst v6;
	v6 =	vld [tilespmem:$0x7420]  }
0x16d: {  	[tilespmem:$0x7A20] =	vst v7;
	v7 =	vld [tilespmem:$0x7430]  }
0x16e: {  	v52 =	vld [tilespmem:$0x7490];
	[tilespmem:$0x7A80] =	vst v50  }
0x16f: {  	v53 =	vld [tilespmem:$0x74A0];
	[tilespmem:$0x7A90] =	vst v51  }
0x170: {  	[tilespmem:$0x7A50] =	vst v5;
	v5 =	vld [tilespmem:$0x7460]  }
0x171: {  	[tilespmem:$0x7A60] =	vst v6;
	v6 =	vld [tilespmem:$0x7470]  }
0x172: {  	[tilespmem:$0x7A70] =	vst v7;
	v7 =	vld [tilespmem:$0x7480]  }
0x173: {  	v54 =	vld [tilespmem:$0x74E0];
	[tilespmem:$0x7AD0] =	vst v52  }
0x174: {  	v55 =	vld [tilespmem:$0x74F0];
	[tilespmem:$0x7AE0] =	vst v53  }
0x175: {  	[tilespmem:$0x7AA0] =	vst v5;
	v5 =	vld [tilespmem:$0x74B0]  }
0x176: {  	[tilespmem:$0x7AB0] =	vst v6;
	v6 =	vld [tilespmem:$0x74C0]  }
0x177: {  	[tilespmem:$0x7AC0] =	vst v7;
	v7 =	vld [tilespmem:$0x74D0]  }
0x178: {  	v56 =	vld [tilespmem:$0x7530];
	[tilespmem:$0x7B20] =	vst v54  }
0x179: {  	v57 =	vld [tilespmem:$0x7540];
	[tilespmem:$0x7B30] =	vst v55  }
0x17a: {  	[tilespmem:$0x7AF0] =	vst v5;
	v5 =	vld [tilespmem:$0x7500]  }
0x17b: {  	[tilespmem:$0x7B00] =	vst v6;
	v6 =	vld [tilespmem:$0x7510]  }
0x17c: {  	[tilespmem:$0x7B10] =	vst v7;
	v7 =	vld [tilespmem:$0x7520]  }
0x17d: {  	v58 =	vld [tilespmem:$0x7580];
	[tilespmem:$0x7B70] =	vst v56  }
0x17e: {  	v59 =	vld [tilespmem:$0x7590];
	[tilespmem:$0x7B80] =	vst v57  }
0x17f: {  	[tilespmem:$0x7B40] =	vst v5;
	v5 =	vld [tilespmem:$0x7550]  }
0x180: {  	[tilespmem:$0x7B50] =	vst v6;
	v6 =	vld [tilespmem:$0x7560]  }
0x181: {  	[tilespmem:$0x7B60] =	vst v7;
	v7 =	vld [tilespmem:$0x7570]  }
0x182: {  	v60 =	vld [tilespmem:$0x75D0];
	[tilespmem:$0x7BC0] =	vst v58  }
0x183: {  	v61 =	vld [tilespmem:$0x75E0];
	[tilespmem:$0x7BD0] =	vst v59  }
0x184: {  	[tilespmem:$0x7B90] =	vst v5;
	v5 =	vld [tilespmem:$0x75A0]  }
0x185: {  	[tilespmem:$0x7BA0] =	vst v6;
	v6 =	vld [tilespmem:$0x75B0]  }
0x186: {  	[tilespmem:$0x7BB0] =	vst v7;
	v7 =	vld [tilespmem:$0x75C0]  }
0x187: {  	v62 =	vld [tilespmem:$0x7620];
	[tilespmem:$0x7C10] =	vst v60  }
0x188: {  	v63 =	vld [tilespmem:$0x7630];
	[tilespmem:$0x7C20] =	vst v61  }
0x189: {  	[tilespmem:$0x7BE0] =	vst v5;
	v5 =	vld [tilespmem:$0x75F0]  }
0x18a: {  	[tilespmem:$0x7BF0] =	vst v6;
	v6 =	vld [tilespmem:$0x7600]  }
0x18b: {  	[tilespmem:$0x7C00] =	vst v7;
	v7 =	vld [tilespmem:$0x7610]  }
0x18c: {  	[tilespmem:$0x7C60] =	vst v62  }
0x18d: {  	[tilespmem:$0x7C70] =	vst v63  }
0x18e: {  	[tilespmem:$0x7C30] =	vst v5  }
0x18f: {  	[tilespmem:$0x7C40] =	vst v6  }
0x190: {  	[tilespmem:$0x7C50] =	vst v7  }
0x191: {  	[spmem:s1] =	stream.indirect.scatter.add.f32 [tilespmem:s13], [sflag:$0x2], $0x20, s12, s11, $0xb8;
	[tilespmem:$0x7EE8] =	vst v63  }
.Ltmp3:
0x192: {  	_ =	swait.ge [sflag:s7], $0x800;
	(pc) =	sbr.rel @p0 .LBB2_5-.Ltmp3, $3  }
0x193: {  	[sflag:s7] =	ssyncset.done $0x0  }
0x194: {  	[sflag:s7] =	ssyncadd.s32 $0xFFFFF800  }
0x195: {  	[bflag:$0x0] =	sbarrier.arrive $0xFFFF;
	_ =	sdelay $0x1  }
0x196: {  	[tilespmem:s9], [sflag:$0x2] =	stream.linear.gather [spmem:s1], $0x640, $0x38;
	[tilespmem:$0x7EE8] =	vst v63  }
0x197: {  	_ =	swait.ge [sflag:s7], $0x640  }
0x198: {  	[sflag:s7] =	ssyncset.done $0x0  }
0x199: {  	[sflag:s7] =	ssyncadd.s32 $0xFFFFF9C0  }
0x19a: {  	v5 =	vld [tilespmem:$0x7000]  }
0x19b: {  	v6 =	vld [tilespmem:$0x7010]  }
0x19c: {  	v7 =	vld [tilespmem:$0x7020]  }
0x19d: {  	v8 =	vld [tilespmem:$0x7030]  }
0x19e: {  	v9 =	vld [tilespmem:$0x7040]  }
0x19f: {  	v10 =	vld [tilespmem:$0x7050];
	v5 =	vmul.f32 $6.103515630e-05, v5  }
0x1a0: {  	v11 =	vld [tilespmem:$0x7060];
	v6 =	vmul.f32 $6.103515630e-05, v6  }
0x1a1: {  	[tilespmem:$0x7000] =	vst v5;
	v5 =	vmul.f32 $6.103515630e-05, v7;
	v7 =	vld [tilespmem:$0x7070]  }
0x1a2: {  	v42 =	vld [tilespmem:$0x7080];
	[tilespmem:$0x7010] =	vst v6;
	v6 =	vmul.f32 $6.103515630e-05, v8  }
0x1a3: {  	v43 =	vld [tilespmem:$0x7090];
	[tilespmem:$0x7020] =	vst v5;
	v5 =	vmul.f32 $6.103515630e-05, v9  }
0x1a4: {  	v44 =	vld [tilespmem:$0x70A0];
	[tilespmem:$0x7030] =	vst v6;
	v6 =	vmul.f32 $6.103515630e-05, v10  }
0x1a5: {  	v45 =	vld [tilespmem:$0x70B0];
	[tilespmem:$0x7040] =	vst v5;
	v5 =	vmul.f32 $6.103515630e-05, v11  }
0x1a6: {  	[tilespmem:$0x7050] =	vst v6;
	v6 =	vmul.f32 $6.103515630e-05, v7;
	v7 =	vld [tilespmem:$0x70C0]  }
0x1a7: {  	v46 =	vld [tilespmem:$0x70D0];
	[tilespmem:$0x7060] =	vst v5;
	v5 =	vmul.f32 $6.103515630e-05, v42  }
0x1a8: {  	v47 =	vld [tilespmem:$0x70E0];
	[tilespmem:$0x7070] =	vst v6;
	v6 =	vmul.f32 $6.103515630e-05, v43  }
0x1a9: {  	v48 =	vld [tilespmem:$0x70F0];
	[tilespmem:$0x7080] =	vst v5;
	v5 =	vmul.f32 $6.103515630e-05, v44  }
0x1aa: {  	v49 =	vld [tilespmem:$0x7100];
	[tilespmem:$0x7090] =	vst v6;
	v6 =	vmul.f32 $6.103515630e-05, v45  }
0x1ab: {  	[tilespmem:$0x70A0] =	vst v5;
	v5 =	vmul.f32 $6.103515630e-05, v7;
	v7 =	vld [tilespmem:$0x7110]  }
0x1ac: {  	v50 =	vld [tilespmem:$0x7120];
	[tilespmem:$0x70B0] =	vst v6;
	v6 =	vmul.f32 $6.103515630e-05, v46  }
0x1ad: {  	v51 =	vld [tilespmem:$0x7130];
	[tilespmem:$0x70C0] =	vst v5;
	v5 =	vmul.f32 $6.103515630e-05, v47  }
0x1ae: {  	v52 =	vld [tilespmem:$0x7140];
	[tilespmem:$0x70D0] =	vst v6;
	v6 =	vmul.f32 $6.103515630e-05, v48  }
0x1af: {  	v53 =	vld [tilespmem:$0x7150];
	[tilespmem:$0x70E0] =	vst v5;
	v5 =	vmul.f32 $6.103515630e-05, v49  }
0x1b0: {  	[tilespmem:$0x70F0] =	vst v6;
	v6 =	vmul.f32 $6.103515630e-05, v7;
	v7 =	vld [tilespmem:$0x7160]  }
0x1b1: {  	v54 =	vld [tilespmem:$0x7170];
	[tilespmem:$0x7100] =	vst v5;
	v5 =	vmul.f32 $6.103515630e-05, v50  }
0x1b2: {  	v55 =	vld [tilespmem:$0x7180];
	[tilespmem:$0x7110] =	vst v6;
	v6 =	vmul.f32 $6.103515630e-05, v51  }
0x1b3: {  	v56 =	vld [tilespmem:$0x7190];
	[tilespmem:$0x7120] =	vst v5;
	v5 =	vmul.f32 $6.103515630e-05, v52  }
0x1b4: {  	v57 =	vld [tilespmem:$0x71A0];
	[tilespmem:$0x7130] =	vst v6;
	v6 =	vmul.f32 $6.103515630e-05, v53  }
0x1b5: {  	[tilespmem:$0x7140] =	vst v5;
	v5 =	vmul.f32 $6.103515630e-05, v7;
	v7 =	vld [tilespmem:$0x71B0]  }
0x1b6: {  	v58 =	vld [tilespmem:$0x71C0];
	[tilespmem:$0x7150] =	vst v6;
	v6 =	vmul.f32 $6.103515630e-05, v54  }
0x1b7: {  	v59 =	vld [tilespmem:$0x71D0];
	[tilespmem:$0x7160] =	vst v5;
	v5 =	vmul.f32 $6.103515630e-05, v55  }
0x1b8: {  	v60 =	vld [tilespmem:$0x71E0];
	[tilespmem:$0x7170] =	vst v6;
	v6 =	vmul.f32 $6.103515630e-05, v56  }
0x1b9: {  	v61 =	vld [tilespmem:$0x71F0];
	[tilespmem:$0x7180] =	vst v5;
	v5 =	vmul.f32 $6.103515630e-05, v57  }
0x1ba: {  	[tilespmem:$0x7190] =	vst v6;
	v6 =	vmul.f32 $6.103515630e-05, v7;
	v7 =	vld [tilespmem:$0x7200]  }
0x1bb: {  	v62 =	vld [tilespmem:$0x7210];
	[tilespmem:$0x71A0] =	vst v5;
	v5 =	vmul.f32 $6.103515630e-05, v58  }
0x1bc: {  	v63 =	vld [tilespmem:$0x7220];
	[tilespmem:$0x71B0] =	vst v6;
	v6 =	vmul.f32 $6.103515630e-05, v59  }
0x1bd: {  	v12 =	vld [tilespmem:$0x7230];
	[tilespmem:$0x71C0] =	vst v5;
	v5 =	vmul.f32 $6.103515630e-05, v60  }
0x1be: {  	v13 =	vld [tilespmem:$0x7240];
	[tilespmem:$0x71D0] =	vst v6;
	v6 =	vmul.f32 $6.103515630e-05, v61  }
0x1bf: {  	[tilespmem:$0x71E0] =	vst v5;
	v5 =	vmul.f32 $6.103515630e-05, v7;
	v7 =	vld [tilespmem:$0x7250]  }
0x1c0: {  	v14 =	vld [tilespmem:$0x7260];
	[tilespmem:$0x71F0] =	vst v6;
	v6 =	vmul.f32 $6.103515630e-05, v62  }
0x1c1: {  	v15 =	vld [tilespmem:$0x7270];
	[tilespmem:$0x7200] =	vst v5;
	v5 =	vmul.f32 $6.103515630e-05, v63  }
0x1c2: {  	v16 =	vld [tilespmem:$0x7280];
	[tilespmem:$0x7210] =	vst v6;
	v6 =	vmul.f32 $6.103515630e-05, v12  }
0x1c3: {  	v17 =	vld [tilespmem:$0x7290];
	[tilespmem:$0x7220] =	vst v5;
	v5 =	vmul.f32 $6.103515630e-05, v13  }
0x1c4: {  	[tilespmem:$0x7230] =	vst v6;
	v6 =	vmul.f32 $6.103515630e-05, v7;
	v7 =	vld [tilespmem:$0x72A0]  }
0x1c5: {  	v18 =	vld [tilespmem:$0x72B0];
	[tilespmem:$0x7240] =	vst v5;
	v5 =	vmul.f32 $6.103515630e-05, v14  }
0x1c6: {  	v19 =	vld [tilespmem:$0x72C0];
	[tilespmem:$0x7250] =	vst v6;
	v6 =	vmul.f32 $6.103515630e-05, v15  }
0x1c7: {  	v20 =	vld [tilespmem:$0x72D0];
	[tilespmem:$0x7260] =	vst v5;
	v5 =	vmul.f32 $6.103515630e-05, v16  }
0x1c8: {  	v21 =	vld [tilespmem:$0x72E0];
	[tilespmem:$0x7270] =	vst v6;
	v6 =	vmul.f32 $6.103515630e-05, v17  }
0x1c9: {  	[tilespmem:$0x7280] =	vst v5;
	v5 =	vmul.f32 $6.103515630e-05, v7;
	v7 =	vld [tilespmem:$0x72F0]  }
0x1ca: {  	v22 =	vld [tilespmem:$0x7300];
	[tilespmem:$0x7290] =	vst v6;
	v6 =	vmul.f32 $6.103515630e-05, v18  }
0x1cb: {  	v23 =	vld [tilespmem:$0x7310];
	[tilespmem:$0x72A0] =	vst v5;
	v5 =	vmul.f32 $6.103515630e-05, v19  }
0x1cc: {  	v24 =	vld [tilespmem:$0x7320];
	[tilespmem:$0x72B0] =	vst v6;
	v6 =	vmul.f32 $6.103515630e-05, v20  }
0x1cd: {  	v25 =	vld [tilespmem:$0x7330];
	[tilespmem:$0x72C0] =	vst v5;
	v5 =	vmul.f32 $6.103515630e-05, v21  }
0x1ce: {  	[tilespmem:$0x72D0] =	vst v6;
	v6 =	vmul.f32 $6.103515630e-05, v7;
	v7 =	vld [tilespmem:$0x7340]  }
0x1cf: {  	v26 =	vld [tilespmem:$0x7350];
	[tilespmem:$0x72E0] =	vst v5;
	v5 =	vmul.f32 $6.103515630e-05, v22  }
0x1d0: {  	v27 =	vld [tilespmem:$0x7360];
	[tilespmem:$0x72F0] =	vst v6;
	v6 =	vmul.f32 $6.103515630e-05, v23  }
0x1d1: {  	v28 =	vld [tilespmem:$0x7370];
	[tilespmem:$0x7300] =	vst v5;
	v5 =	vmul.f32 $6.103515630e-05, v24  }
0x1d2: {  	v29 =	vld [tilespmem:$0x7380];
	[tilespmem:$0x7310] =	vst v6;
	v6 =	vmul.f32 $6.103515630e-05, v25  }
0x1d3: {  	[tilespmem:$0x7320] =	vst v5;
	v5 =	vmul.f32 $6.103515630e-05, v7;
	v7 =	vld [tilespmem:$0x7390]  }
0x1d4: {  	v30 =	vld [tilespmem:$0x73A0];
	[tilespmem:$0x7330] =	vst v6;
	v6 =	vmul.f32 $6.103515630e-05, v26  }
0x1d5: {  	v31 =	vld [tilespmem:$0x73B0];
	[tilespmem:$0x7340] =	vst v5;
	v5 =	vmul.f32 $6.103515630e-05, v27  }
0x1d6: {  	v32 =	vld [tilespmem:$0x73C0];
	[tilespmem:$0x7350] =	vst v6;
	v6 =	vmul.f32 $6.103515630e-05, v28  }
0x1d7: {  	v33 =	vld [tilespmem:$0x73D0];
	[tilespmem:$0x7360] =	vst v5;
	v5 =	vmul.f32 $6.103515630e-05, v29  }
0x1d8: {  	[tilespmem:$0x7370] =	vst v6;
	v6 =	vmul.f32 $6.103515630e-05, v7;
	v7 =	vld [tilespmem:$0x73E0]  }
0x1d9: {  	v34 =	vld [tilespmem:$0x73F0];
	[tilespmem:$0x7380] =	vst v5;
	v5 =	vmul.f32 $6.103515630e-05, v30  }
0x1da: {  	v35 =	vld [tilespmem:$0x7400];
	[tilespmem:$0x7390] =	vst v6;
	v6 =	vmul.f32 $6.103515630e-05, v31  }
0x1db: {  	v36 =	vld [tilespmem:$0x7410];
	[tilespmem:$0x73A0] =	vst v5;
	v5 =	vmul.f32 $6.103515630e-05, v32  }
0x1dc: {  	v37 =	vld [tilespmem:$0x7420];
	[tilespmem:$0x73B0] =	vst v6;
	v6 =	vmul.f32 $6.103515630e-05, v33  }
0x1dd: {  	[tilespmem:$0x73C0] =	vst v5;
	v5 =	vmul.f32 $6.103515630e-05, v7;
	v7 =	vld [tilespmem:$0x7430]  }
0x1de: {  	v38 =	vld [tilespmem:$0x7440];
	[tilespmem:$0x73D0] =	vst v6;
	v6 =	vmul.f32 $6.103515630e-05, v34  }
0x1df: {  	v39 =	vld [tilespmem:$0x7450];
	[tilespmem:$0x73E0] =	vst v5;
	v5 =	vmul.f32 $6.103515630e-05, v35  }
0x1e0: {  	v40 =	vld [tilespmem:$0x7460];
	[tilespmem:$0x73F0] =	vst v6;
	v6 =	vmul.f32 $6.103515630e-05, v36  }
0x1e1: {  	v41 =	vld [tilespmem:$0x7470];
	[tilespmem:$0x7400] =	vst v5;
	v5 =	vmul.f32 $6.103515630e-05, v37  }
0x1e2: {  	[tilespmem:$0x7410] =	vst v6;
	v6 =	vmul.f32 $6.103515630e-05, v7;
	v7 =	vld [tilespmem:$0x7480]  }
0x1e3: {  	v42 =	vld [tilespmem:$0x7490];
	[tilespmem:$0x7420] =	vst v5;
	v5 =	vmul.f32 $6.103515630e-05, v38  }
0x1e4: {  	v43 =	vld [tilespmem:$0x74A0];
	[tilespmem:$0x7430] =	vst v6;
	v6 =	vmul.f32 $6.103515630e-05, v39  }
0x1e5: {  	v44 =	vld [tilespmem:$0x74B0];
	[tilespmem:$0x7440] =	vst v5;
	v5 =	vmul.f32 $6.103515630e-05, v40  }
0x1e6: {  	v45 =	vld [tilespmem:$0x74C0];
	[tilespmem:$0x7450] =	vst v6;
	v6 =	vmul.f32 $6.103515630e-05, v41  }
0x1e7: {  	[tilespmem:$0x7460] =	vst v5;
	v5 =	vmul.f32 $6.103515630e-05, v7;
	v7 =	vld [tilespmem:$0x74D0]  }
0x1e8: {  	v46 =	vld [tilespmem:$0x74E0];
	[tilespmem:$0x7470] =	vst v6;
	v6 =	vmul.f32 $6.103515630e-05, v42  }
0x1e9: {  	v47 =	vld [tilespmem:$0x74F0];
	[tilespmem:$0x7480] =	vst v5;
	v5 =	vmul.f32 $6.103515630e-05, v43  }
0x1ea: {  	v48 =	vld [tilespmem:$0x7500];
	[tilespmem:$0x7490] =	vst v6;
	v6 =	vmul.f32 $6.103515630e-05, v44  }
0x1eb: {  	v49 =	vld [tilespmem:$0x7510];
	[tilespmem:$0x74A0] =	vst v5;
	v5 =	vmul.f32 $6.103515630e-05, v45  }
0x1ec: {  	[tilespmem:$0x74B0] =	vst v6;
	v6 =	vmul.f32 $6.103515630e-05, v7;
	v7 =	vld [tilespmem:$0x7520]  }
0x1ed: {  	v50 =	vld [tilespmem:$0x7530];
	[tilespmem:$0x74C0] =	vst v5;
	v5 =	vmul.f32 $6.103515630e-05, v46  }
0x1ee: {  	v51 =	vld [tilespmem:$0x7540];
	[tilespmem:$0x74D0] =	vst v6;
	v6 =	vmul.f32 $6.103515630e-05, v47  }
0x1ef: {  	v52 =	vld [tilespmem:$0x7550];
	[tilespmem:$0x74E0] =	vst v5;
	v5 =	vmul.f32 $6.103515630e-05, v48  }
0x1f0: {  	v53 =	vld [tilespmem:$0x7560];
	[tilespmem:$0x74F0] =	vst v6;
	v6 =	vmul.f32 $6.103515630e-05, v49  }
0x1f1: {  	[tilespmem:$0x7500] =	vst v5;
	v5 =	vmul.f32 $6.103515630e-05, v7;
	v7 =	vld [tilespmem:$0x7570]  }
0x1f2: {  	v54 =	vld [tilespmem:$0x7580];
	[tilespmem:$0x7510] =	vst v6;
	v6 =	vmul.f32 $6.103515630e-05, v50  }
0x1f3: {  	v55 =	vld [tilespmem:$0x7590];
	[tilespmem:$0x7520] =	vst v5;
	v5 =	vmul.f32 $6.103515630e-05, v51  }
0x1f4: {  	v56 =	vld [tilespmem:$0x75A0];
	[tilespmem:$0x7530] =	vst v6;
	v6 =	vmul.f32 $6.103515630e-05, v52  }
0x1f5: {  	v57 =	vld [tilespmem:$0x75B0];
	[tilespmem:$0x7540] =	vst v5;
	v5 =	vmul.f32 $6.103515630e-05, v53  }
0x1f6: {  	[tilespmem:$0x7550] =	vst v6;
	v6 =	vmul.f32 $6.103515630e-05, v7;
	v7 =	vld [tilespmem:$0x75C0]  }
0x1f7: {  	v58 =	vld [tilespmem:$0x75D0];
	[tilespmem:$0x7560] =	vst v5;
	v5 =	vmul.f32 $6.103515630e-05, v54  }
0x1f8: {  	v59 =	vld [tilespmem:$0x75E0];
	[tilespmem:$0x7570] =	vst v6;
	v6 =	vmul.f32 $6.103515630e-05, v55  }
0x1f9: {  	v60 =	vld [tilespmem:$0x75F0];
	[tilespmem:$0x7580] =	vst v5;
	v5 =	vmul.f32 $6.103515630e-05, v56  }
0x1fa: {  	v61 =	vld [tilespmem:$0x7600];
	[tilespmem:$0x7590] =	vst v6;
	v6 =	vmul.f32 $6.103515630e-05, v57  }
0x1fb: {  	[tilespmem:$0x75A0] =	vst v5;
	v5 =	vmul.f32 $6.103515630e-05, v7;
	v7 =	vld [tilespmem:$0x7610]  }
0x1fc: {  	v62 =	vld [tilespmem:$0x7620];
	[tilespmem:$0x75B0] =	vst v6;
	v6 =	vmul.f32 $6.103515630e-05, v58  }
0x1fd: {  	v63 =	vld [tilespmem:$0x7630];
	[tilespmem:$0x75C0] =	vst v5;
	v5 =	vmul.f32 $6.103515630e-05, v59  }
0x1fe: {  	[tilespmem:$0x75D0] =	vst v6;
	v6 =	vmul.f32 $6.103515630e-05, v60  }
0x1ff: {  	[tilespmem:$0x75E0] =	vst v5;
	v5 =	vmul.f32 $6.103515630e-05, v61  }
0x200: {  	[tilespmem:$0x75F0] =	vst v6;
	v6 =	vmul.f32 $6.103515630e-05, v7  }
0x201: {  	[tilespmem:$0x7600] =	vst v5;
	v5 =	vmul.f32 $6.103515630e-05, v62  }
0x202: {  	[tilespmem:$0x7610] =	vst v6;
	v6 =	vmul.f32 $6.103515630e-05, v63  }
0x203: {  	[tilespmem:$0x7620] =	vst v5  }
.Ltmp4:
0x204: {  	[tilespmem:$0x7630] =	vst v6;
	(pc) =	sbr.rel .LBB2_5-.Ltmp4, $4  }
0x205: {  	[hbm4b:s5+s2] =	stream.linear.scatter [tilespmem:s9], [sflag:$0x2], $0x640, $0x38;
	[tilespmem:$0x7EE8] =	vst v63  }
0x206: {  	_ =	swait.ge [sflag:s7], $0x640  }
0x207: {  	[sflag:s7] =	ssyncset.done $0x0  }
0x208: {  	[sflag:s7] =	ssyncadd.s32 $0xFFFFF9C0  }
.LBB2_6:
0x209: {  	_ =	sfence.sel $0x180000  }
0x20a: {  	[bflag:$0x0] =	sbarrier.arrive $0xFFFF  }
0x20b: {  	_ =	strace $0x90000047  }
0x20c: {  	s0 =	sadd.s32 @!p0 $0x100000, s0;
	[bflag:$0x2] =	sbarrier.arrive $0xFFFF  }
0x20d: {  	[sflag:s0] =	ssyncadd.tile.s32 @!p0 $0x1;
	_ =	shalt  }
.Lfunc_end2:
_tile_overlayer_lowered:
.L_overlay_start_2:
0x20e: {  	(tag) =	ssettag $0x2  }
0x20f: {  	s0 =	rddreg [dreg:$0x0];
	s2 =	stileid.u32  }
0x210: {  	s1 =	rddreg [dreg:$0x1];
	p0 =	sne.s32 s2, $0x0  }
0x211: {  	s3 =	rddreg [dreg:$0x2];
	[bflag:$0x3] =	sbarrier.arrive $0xFFFF;
	s2 =	simm.s32 @!p0 $0x1C02  }
0x212: {  	[timem:s3], [sflag:s2] =	dma.local @!p0 [hbm:s0], s1  }
0x213: {  	s0 =	simm.s32 @!p0 $0x2  }
0x214: {  	_ =	swait.ge @!p0 [sflag:s0], s1  }
0x215: {  	s1 =	ssub.s32 @!p0 $0x0, s1;
	[sflag:s0] =	ssyncset.done @!p0 $0x0  }
0x216: {  	[sflag:s0] =	ssyncadd.s32 @!p0 s1  }
0x217: {  	[bflag:$0x3] =	sbarrier.arrive $0xFFFF  }
0x218: {  	_ =	shalt  }

</sc_bundles>
